<compile_context>
chip_gen: v7x
topology: tpu7x:2x2x1
jax: 0.10.2.dev20260603
libtpu: 0.0.44.dev20260713+nightly
codegen_flags: <defaults>
</compile_context>

<pallas_src>
import functools

import jax
import jax.numpy as jnp
from jax import lax
from jax.experimental import pallas as pl
from jax.experimental.pallas import tpu as pltpu
from jax.experimental.pallas import tpu_sc as plsc

N = 10000
E = 320000
D_IN = 128
D_OUT = 4

NC = 2
DC = 2
NS = 16
UNROLL = 5
EPT = E // NS
NBLK = EPT // (16 * UNROLL)
N_PAD = 10240
RPB = N_PAD // NS
FPB = RPB * DC
VE = FPB // 16
FW = N_PAD * DC

_mesh = plsc.VectorSubcoreMesh(
    core_axis_name="c", subcore_axis_name="s", num_cores=NC, num_subcores=NS
)


@functools.partial(
    pl.kernel,
    out_type=[jax.ShapeDtypeStruct((NC, FW), jnp.float32),
              jax.ShapeDtypeStruct((NC, FW), jnp.float32)],
    mesh=_mesh,
    scratch_types=[
        pltpu.VMEM((EPT,), jnp.int32),
        pltpu.VMEM((EPT,), jnp.int32),
        pltpu.VMEM((FW,), jnp.float32),
        pltpu.VMEM((FW,), jnp.float32),
        pltpu.VMEM((FPB,), jnp.float32),
        pltpu.VMEM((FPB,), jnp.float32),
        pltpu.VMEM((FPB,), jnp.float32),
        pltpu.VMEM((FPB,), jnp.float32),
        pltpu.VMEM((NS, FPB), jnp.float32),
        pltpu.VMEM_SHARED((NS, FW), jnp.float32),
        pltpu.VMEM_SHARED((FW,), jnp.float32),
        pltpu.SemaphoreType.DMA,
        pltpu.SemaphoreType.DMA,
    ],
    compiler_params=pltpu.CompilerParams(
        use_tc_tiling_on_sc=False, needs_layout_passes=False),
)
def _sgconv_sc(z_hbm, rows_hbm, cols_hbm, out_hbm, tscr_hbm,
               rowv, colv, tbl, acct, zb, disb, dinvb, tmpb, tmp16,
               psh, tsh, zsem, rsem):
    c = lax.axis_index("c")
    s = lax.axis_index("s")
    fsl = pl.ds(s * FPB, FPB)

    zcp = pltpu.async_copy(z_hbm.at[c, fsl], zb, zsem)
    pltpu.sync_copy(rows_hbm.at[s], rowv)
    pltpu.sync_copy(cols_hbm.at[s], colv)

    half = jnp.full((16,), 0.5, jnp.float32)
    three_half = jnp.full((16,), 1.5, jnp.float32)
    magic = jnp.full((16,), 0x5F3759DF, jnp.int32)
    ones16 = jnp.full((16,), 1.0, jnp.float32)

    def zero_acct():
        def z4(j, carry):
            for u in range(UNROLL):
                acct[pl.ds((j * UNROLL + u) * 16, 16)] = jnp.zeros(
                    (16,), jnp.float32)
            return carry
        lax.fori_loop(0, FW // (16 * UNROLL), z4, 0)

    def exchange_and_gather_partials():
        pltpu.sync_copy(acct, psh.at[s])
        plsc.subcore_barrier()
        cps = [pltpu.async_copy(psh.at[t, fsl], tmp16.at[t], rsem)
               for t in range(NS)]
        for cp in cps:
            cp.wait()
        plsc.subcore_barrier()

    def reduce_into_tmpb(base_buf):
        def red(i, carry):
            ix = pl.ds(i * 16, 16)
            acc = base_buf[ix]
            for t in range(NS):
                acc = acc + tmp16[t, ix]
            tmpb[ix] = acc
            return carry
        lax.fori_loop(0, VE, red, 0)

    zero_acct()

    def deg_blk(j, carry):
        for u in range(UNROLL):
            ix = pl.ds((j * UNROLL + u) * 16, 16)
            cx = colv[ix]
            plsc.addupdate_scatter(acct, [cx], ones16)
            plsc.addupdate_scatter(acct, [cx + 1], ones16)
        return carry

    lax.fori_loop(0, NBLK, deg_blk, 0)
    exchange_and_gather_partials()
    zcp.wait()

    def newton(i, carry):
        ix = pl.ds(i * 16, 16)
        d16 = tmp16[0, ix] + 1.0
        for t in range(1, NS):
            d16 = d16 + tmp16[t, ix]
        h = d16 * half
        yi = magic - lax.shift_right_logical(plsc.bitcast(d16, jnp.int32), 1)
        y = plsc.bitcast(yi, jnp.float32)
        y = y * (three_half - h * y * y)
        y = y * (three_half - h * y * y)
        y = y * (three_half - h * y * y)
        disb[ix] = y
        dinvb[ix] = y * y
        zb[ix] = y * zb[ix]
        return carry

    lax.fori_loop(0, VE, newton, 0)
    pltpu.sync_copy(zb, tscr_hbm.at[c, fsl])
    plsc.subcore_barrier()
    pltpu.sync_copy(tscr_hbm.at[c], tbl)

    def hop():
        zero_acct()

        def blk(j, carry):
            for u in range(UNROLL):
                ix = pl.ds((j * UNROLL + u) * 16, 16)
                rx = rowv[ix]
                cx = colv[ix]
                v0 = plsc.load_gather(tbl, [rx])
                plsc.addupdate_scatter(acct, [cx], v0)
                v1 = plsc.load_gather(tbl, [rx + 1])
                plsc.addupdate_scatter(acct, [cx + 1], v1)
            return carry

        lax.fori_loop(0, NBLK, blk, 0)
        exchange_and_gather_partials()

    hop()
    reduce_into_tmpb(zb)

    def scale_w(i, carry):
        ix = pl.ds(i * 16, 16)
        w16 = tmpb[ix] * dinvb[ix]
        tmpb[ix] = w16
        zb[ix] = w16
        return carry

    lax.fori_loop(0, VE, scale_w, 0)
    pltpu.sync_copy(tmpb, tscr_hbm.at[c, fsl])
    plsc.subcore_barrier()
    pltpu.sync_copy(tscr_hbm.at[c], tbl)

    hop()
    reduce_into_tmpb(zb)

    def scale_out(i, carry):
        ix = pl.ds(i * 16, 16)
        tmpb[ix] = tmpb[ix] * disb[ix]
        return carry

    lax.fori_loop(0, VE, scale_out, 0)
    pltpu.sync_copy(tmpb, out_hbm.at[c, fsl])


def _tc_z(x_ref, w_ref, z_ref):
    z_ref[:N, :] = jnp.dot(x_ref[...], w_ref[...],
                           preferred_element_type=jnp.float32)
    z_ref[N:, :] = jnp.zeros((N_PAD - N, D_OUT), jnp.float32)


def _tc_final(h_ref, b_ref, out_ref):
    o = h_ref[...] + b_ref[...]
    m = jnp.max(o, axis=1, keepdims=True)
    e = jnp.exp(o - m)
    lse = jnp.log(jnp.sum(e, axis=1, keepdims=True))
    out_ref[...] = o - m - lse


def kernel(x, edge_index, W, b):
    f32 = jnp.float32
    rows2 = (edge_index[0] * 2).reshape(NS, EPT)
    cols2 = (edge_index[1] * 2).reshape(NS, EPT)

    z4 = pl.pallas_call(
        _tc_z,
        out_shape=jax.ShapeDtypeStruct((N_PAD, D_OUT), f32),
    )(x, W)
    zs = jnp.transpose(z4.reshape(N_PAD, NC, DC), (1, 0, 2)).reshape(NC, FW)

    h, _ = _sgconv_sc(zs, rows2, cols2)
    h4 = jnp.transpose(h.reshape(NC, N_PAD, DC), (1, 0, 2)).reshape(
        N_PAD, D_OUT)

    out = pl.pallas_call(
        _tc_final,
        out_shape=jax.ShapeDtypeStruct((N_PAD, D_OUT), f32),
    )(h4, b)
    return out[:N]

# --- scband reference (transcript-rebuilt; emitter-appended) ---
"""Pipeline reference for scband-net-78546361909501 (READ-ONLY COPY).

The authoritative reference and input builder live on the scoring server;
editing this copy changes nothing except your own understanding.
"""

import jax, jax.numpy as jnp
import numpy as np

N = 10000
E = 320000
K = 2
D_IN = 128
D_OUT = 4


def setup_inputs(seed: int = 0) -> dict:
    key = jax.random.key(seed)
    k1, k2, k3, k4 = jax.random.split(key, 4)
    x = jax.random.normal(k1, (N, D_IN), dtype=jnp.float32)
    edge_index = jax.random.randint(k2, (2, E), 0, N, dtype=jnp.int32)
    # learned params of SGConv's internal Linear(128 -> 4)
    W = jax.random.normal(k3, (D_IN, D_OUT), dtype=jnp.float32) * (1.0 / np.sqrt(D_IN))
    b = jnp.zeros((D_OUT,), dtype=jnp.float32)
    return {"x": x, "edge_index": edge_index, "W": W, "b": b}


def _sgconv(x, edge_index, W, b):
    row = edge_index[0]
    col = edge_index[1]
    # gcn_norm with add_self_loops=True, fill_value=1
    loop = jnp.arange(N, dtype=edge_index.dtype)
    row = jnp.concatenate([row, loop])
    col = jnp.concatenate([col, loop])
    ew = jnp.ones((row.shape[0],), dtype=x.dtype)
    deg = jnp.zeros((N,), dtype=x.dtype).at[col].add(ew)
    deg_inv_sqrt = jnp.where(deg > 0, jax.lax.rsqrt(jnp.maximum(deg, 1e-12)), 0.0)
    norm = deg_inv_sqrt[row] * ew * deg_inv_sqrt[col]
    # K-hop propagation: x <- D^-1/2 (A+I) D^-1/2 x, K times
    h = x
    for _ in range(K):
        msgs = norm[:, None] * jnp.take(h, row, axis=0)
        h = jnp.zeros((N, h.shape[1]), dtype=h.dtype).at[col].add(msgs)
    out = h @ W + b
    return jax.nn.log_softmax(out, axis=1)


def reference(x, edge_index, W, b):
    return _sgconv(x, edge_index, W, b)

if __name__ == "__main__":
    import jax
    _d = setup_inputs()
    print(jax.jit(kernel)(*tuple(_d.values())))

</pallas_src>

<mosaic_0001>
#map = affine_map<(d0, d1) -> (0, 0)>
module attributes {stable_mosaic.version = 14 : i64} {
  func.func @_sgconv_sc(%arg0: i32, %arg1: i32, %arg2: memref<2x20480xf32, #tpu.memory_space<hbm>>, %arg3: memref<16x20000xi32, #tpu.memory_space<hbm>>, %arg4: memref<16x20000xi32, #tpu.memory_space<hbm>>, %arg5: memref<2x20480xf32, #tpu.memory_space<hbm>>, %arg6: memref<2x20480xf32, #tpu.memory_space<hbm>>, %arg7: memref<20000xi32, #tpu.memory_space<vmem>>, %arg8: memref<20000xi32, #tpu.memory_space<vmem>>, %arg9: memref<20480xf32, #tpu.memory_space<vmem>>, %arg10: memref<20480xf32, #tpu.memory_space<vmem>>, %arg11: memref<1280xf32, #tpu.memory_space<vmem>>, %arg12: memref<1280xf32, #tpu.memory_space<vmem>>, %arg13: memref<1280xf32, #tpu.memory_space<vmem>>, %arg14: memref<1280xf32, #tpu.memory_space<vmem>>, %arg15: memref<16x1280xf32, #tpu.memory_space<vmem>>, %arg16: memref<16x20480xf32, #tpu.memory_space<vmem_shared>>, %arg17: memref<20480xf32, #tpu.memory_space<vmem_shared>>, %arg18: memref<!tpu.dma_semaphore, #tpu.memory_space<semaphore_mem>>, %arg19: memref<!tpu.dma_semaphore, #tpu.memory_space<semaphore_mem>>) attributes {dimension_semantics = [#tpu.dimension_semantics<core_parallel>, #tpu.dimension_semantics<subcore_parallel>], iteration_bounds = array<i64: 2, 16>, scalar_prefetch = 0 : i64, scratch_operands = 13 : i64, tpu.core_type = #tpu.core_type<sc_vector_subcore>, window_params = [{transform_indices = #map}, {transform_indices = #map}, {transform_indices = #map}, {transform_indices = #map}, {transform_indices = #map}]} {
    %mul3A = arith.constant 1280 : i32
    %mul3A_0 = arith.muli %arg1, %mul3A : i32
    %dma_start3A = tpu.memref_slice %arg2[%arg0, %mul3A_0] : memref<2x20480xf32, #tpu.memory_space<hbm>> -> memref<1x1280xf32, #tpu.memory_space<hbm>>
    %dma_start3A_1 = tpu.memref_squeeze %dma_start3A : memref<1x1280xf32, #tpu.memory_space<hbm>> -> memref<1280xf32, #tpu.memory_space<hbm>>
    %dma_start3A_2 = tpu.memref_slice %arg2[%arg0, %mul3A_0] : memref<2x20480xf32, #tpu.memory_space<hbm>> -> memref<1x1280xf32, #tpu.memory_space<hbm>>
    %dma_start3A_3 = tpu.memref_squeeze %dma_start3A_2 : memref<1x1280xf32, #tpu.memory_space<hbm>> -> memref<1280xf32, #tpu.memory_space<hbm>>
    tpu.enqueue_dma source(%dma_start3A_3 : memref<1280xf32, #tpu.memory_space<hbm>>) target(%arg11 : memref<1280xf32, #tpu.memory_space<vmem>>) target_semaphore(%arg18 : memref<!tpu.dma_semaphore, #tpu.memory_space<semaphore_mem>>)
    "tpu.region"() ({
      %run_scoped3A = tpu.sem_alloc : memref<!tpu.dma_semaphore, #tpu.memory_space<semaphore_mem>>
      %dma_start3A_1238 = arith.constant 0 : i32
      %dma_start3A_1239 = tpu.memref_slice %arg3[%arg1, %dma_start3A_1238] : memref<16x20000xi32, #tpu.memory_space<hbm>> -> memref<1x20000xi32, #tpu.memory_space<hbm>>
      %dma_start3A_1240 = tpu.memref_squeeze %dma_start3A_1239 : memref<1x20000xi32, #tpu.memory_space<hbm>> -> memref<20000xi32, #tpu.memory_space<hbm>>
      %dma_start3A_1241 = arith.constant 0 : i32
      %dma_start3A_1242 = tpu.memref_slice %arg3[%arg1, %dma_start3A_1241] : memref<16x20000xi32, #tpu.memory_space<hbm>> -> memref<1x20000xi32, #tpu.memory_space<hbm>>
      %dma_start3A_1243 = tpu.memref_squeeze %dma_start3A_1242 : memref<1x20000xi32, #tpu.memory_space<hbm>> -> memref<20000xi32, #tpu.memory_space<hbm>>
      tpu.enqueue_dma source(%dma_start3A_1243 : memref<20000xi32, #tpu.memory_space<hbm>>) target(%arg7 : memref<20000xi32, #tpu.memory_space<vmem>>) target_semaphore(%run_scoped3A : memref<!tpu.dma_semaphore, #tpu.memory_space<semaphore_mem>>)
      %dma_wait3A_1244 = arith.constant 0 : i32
      %dma_wait3A_1245 = tpu.memref_slice %arg3[%arg1, %dma_wait3A_1244] : memref<16x20000xi32, #tpu.memory_space<hbm>> -> memref<1x20000xi32, #tpu.memory_space<hbm>>
      %dma_wait3A_1246 = tpu.memref_squeeze %dma_wait3A_1245 : memref<1x20000xi32, #tpu.memory_space<hbm>> -> memref<20000xi32, #tpu.memory_space<hbm>>
      %dma_wait3A_1247 = arith.constant 0 : i32
      %dma_wait3A_1248 = tpu.memref_slice %arg3[%arg1, %dma_wait3A_1247] : memref<16x20000xi32, #tpu.memory_space<hbm>> -> memref<1x20000xi32, #tpu.memory_space<hbm>>
      %dma_wait3A_1249 = tpu.memref_squeeze %dma_wait3A_1248 : memref<1x20000xi32, #tpu.memory_space<hbm>> -> memref<20000xi32, #tpu.memory_space<hbm>>
      tpu.wait_dma2 semaphore(%run_scoped3A : memref<!tpu.dma_semaphore, #tpu.memory_space<semaphore_mem>>) src(%dma_wait3A_1249 : memref<20000xi32, #tpu.memory_space<hbm>>) dst(%arg7 : memref<20000xi32, #tpu.memory_space<vmem>>)
      tpu.yield
    }) : () -> ()
    "tpu.region"() ({
      %run_scoped3A = tpu.sem_alloc : memref<!tpu.dma_semaphore, #tpu.memory_space<semaphore_mem>>
      %dma_start3A_1238 = arith.constant 0 : i32
      %dma_start3A_1239 = tpu.memref_slice %arg4[%arg1, %dma_start3A_1238] : memref<16x20000xi32, #tpu.memory_space<hbm>> -> memref<1x20000xi32, #tpu.memory_space<hbm>>
      %dma_start3A_1240 = tpu.memref_squeeze %dma_start3A_1239 : memref<1x20000xi32, #tpu.memory_space<hbm>> -> memref<20000xi32, #tpu.memory_space<hbm>>
      %dma_start3A_1241 = arith.constant 0 : i32
      %dma_start3A_1242 = tpu.memref_slice %arg4[%arg1, %dma_start3A_1241] : memref<16x20000xi32, #tpu.memory_space<hbm>> -> memref<1x20000xi32, #tpu.memory_space<hbm>>
      %dma_start3A_1243 = tpu.memref_squeeze %dma_start3A_1242 : memref<1x20000xi32, #tpu.memory_space<hbm>> -> memref<20000xi32, #tpu.memory_space<hbm>>
      tpu.enqueue_dma source(%dma_start3A_1243 : memref<20000xi32, #tpu.memory_space<hbm>>) target(%arg8 : memref<20000xi32, #tpu.memory_space<vmem>>) target_semaphore(%run_scoped3A : memref<!tpu.dma_semaphore, #tpu.memory_space<semaphore_mem>>)
      %dma_wait3A_1244 = arith.constant 0 : i32
      %dma_wait3A_1245 = tpu.memref_slice %arg4[%arg1, %dma_wait3A_1244] : memref<16x20000xi32, #tpu.memory_space<hbm>> -> memref<1x20000xi32, #tpu.memory_space<hbm>>
      %dma_wait3A_1246 = tpu.memref_squeeze %dma_wait3A_1245 : memref<1x20000xi32, #tpu.memory_space<hbm>> -> memref<20000xi32, #tpu.memory_space<hbm>>
      %dma_wait3A_1247 = arith.constant 0 : i32
      %dma_wait3A_1248 = tpu.memref_slice %arg4[%arg1, %dma_wait3A_1247] : memref<16x20000xi32, #tpu.memory_space<hbm>> -> memref<1x20000xi32, #tpu.memory_space<hbm>>
      %dma_wait3A_1249 = tpu.memref_squeeze %dma_wait3A_1248 : memref<1x20000xi32, #tpu.memory_space<hbm>> -> memref<20000xi32, #tpu.memory_space<hbm>>
      tpu.wait_dma2 semaphore(%run_scoped3A : memref<!tpu.dma_semaphore, #tpu.memory_space<semaphore_mem>>) src(%dma_wait3A_1249 : memref<20000xi32, #tpu.memory_space<hbm>>) dst(%arg8 : memref<20000xi32, #tpu.memory_space<vmem>>)
      tpu.yield
    }) : () -> ()
    %broadcast_in_dim3A = arith.constant 5.000000e-01 : f32
    %broadcast_in_dim3A_4 = vector.broadcast %broadcast_in_dim3A : f32 to vector<16xf32>
    %broadcast_in_dim3A_5 = arith.constant 1.500000e+00 : f32
    %broadcast_in_dim3A_6 = vector.broadcast %broadcast_in_dim3A_5 : f32 to vector<16xf32>
    %broadcast_in_dim3A_7 = arith.constant 1597463007 : i32
    %broadcast_in_dim3A_8 = vector.broadcast %broadcast_in_dim3A_7 : i32 to vector<16xi32>
    %broadcast_in_dim3A_9 = arith.constant 1.000000e+00 : f32
    %broadcast_in_dim3A_10 = vector.broadcast %broadcast_in_dim3A_9 : f32 to vector<16xf32>
    %scan3A = arith.constant 0 : i32
    %scan3A_11 = arith.constant 0 : i32
    %scan3A_12 = arith.constant 256 : i32
    %scan3A_13 = arith.addi %scan3A_11, %scan3A_12 : i32
    %scan3A_14 = arith.constant 1 : i32
    scf.for %scan3A_1238 = %scan3A_11 to %scan3A_13 step %scan3A_14  : i32 {
      %broadcast_in_dim3A_1239 = arith.constant 0.000000e+00 : f32
      %broadcast_in_dim3A_1240 = vector.broadcast %broadcast_in_dim3A_1239 : f32 to vector<16xf32>
      %mul3A_1241 = arith.constant 5 : i32
      %mul3A_1242 = arith.muli %scan3A_1238, %mul3A_1241 : i32
      %add3A = arith.constant 0 : i32
      %add3A_1243 = arith.addi %mul3A_1242, %add3A : i32
      %mul3A_1244 = arith.constant 16 : i32
      %mul3A_1245 = arith.muli %add3A_1243, %mul3A_1244 : i32
      %swap3A = arith.index_cast %mul3A_1245 : i32 to index
      %swap3A_1246 = tpu.vector_load %arg10[%swap3A] {strides = array<i32>} : memref<20480xf32, #tpu.memory_space<vmem>>, vector<16xf32>,
      tpu.vector_store %arg10[%swap3A], %broadcast_in_dim3A_1240 {strides = array<i32>} : memref<20480xf32, #tpu.memory_space<vmem>>, vector<16xf32>,
      %broadcast_in_dim3A_1247 = arith.constant 0.000000e+00 : f32
      %broadcast_in_dim3A_1248 = vector.broadcast %broadcast_in_dim3A_1247 : f32 to vector<16xf32>
      %mul3A_1249 = arith.constant 5 : i32
      %mul3A_1250 = arith.muli %scan3A_1238, %mul3A_1249 : i32
      %add3A_1251 = arith.constant 1 : i32
      %add3A_1252 = arith.addi %mul3A_1250, %add3A_1251 : i32
      %mul3A_1253 = arith.constant 16 : i32
      %mul3A_1254 = arith.muli %add3A_1252, %mul3A_1253 : i32
      %swap3A_1255 = arith.index_cast %mul3A_1254 : i32 to index
      %swap3A_1256 = tpu.vector_load %arg10[%swap3A_1255] {strides = array<i32>} : memref<20480xf32, #tpu.memory_space<vmem>>, vector<16xf32>,
      tpu.vector_store %arg10[%swap3A_1255], %broadcast_in_dim3A_1248 {strides = array<i32>} : memref<20480xf32, #tpu.memory_space<vmem>>, vector<16xf32>,
      %broadcast_in_dim3A_1257 = arith.constant 0.000000e+00 : f32
      %broadcast_in_dim3A_1258 = vector.broadcast %broadcast_in_dim3A_1257 : f32 to vector<16xf32>
      %mul3A_1259 = arith.constant 5 : i32
      %mul3A_1260 = arith.muli %scan3A_1238, %mul3A_1259 : i32
      %add3A_1261 = arith.constant 2 : i32
      %add3A_1262 = arith.addi %mul3A_1260, %add3A_1261 : i32
      %mul3A_1263 = arith.constant 16 : i32
      %mul3A_1264 = arith.muli %add3A_1262, %mul3A_1263 : i32
      %swap3A_1265 = arith.index_cast %mul3A_1264 : i32 to index
      %swap3A_1266 = tpu.vector_load %arg10[%swap3A_1265] {strides = array<i32>} : memref<20480xf32, #tpu.memory_space<vmem>>, vector<16xf32>,
      tpu.vector_store %arg10[%swap3A_1265], %broadcast_in_dim3A_1258 {strides = array<i32>} : memref<20480xf32, #tpu.memory_space<vmem>>, vector<16xf32>,
      %broadcast_in_dim3A_1267 = arith.constant 0.000000e+00 : f32
      %broadcast_in_dim3A_1268 = vector.broadcast %broadcast_in_dim3A_1267 : f32 to vector<16xf32>
      %mul3A_1269 = arith.constant 5 : i32
      %mul3A_1270 = arith.muli %scan3A_1238, %mul3A_1269 : i32
      %add3A_1271 = arith.constant 3 : i32
      %add3A_1272 = arith.addi %mul3A_1270, %add3A_1271 : i32
      %mul3A_1273 = arith.constant 16 : i32
      %mul3A_1274 = arith.muli %add3A_1272, %mul3A_1273 : i32
      %swap3A_1275 = arith.index_cast %mul3A_1274 : i32 to index
      %swap3A_1276 = tpu.vector_load %arg10[%swap3A_1275] {strides = array<i32>} : memref<20480xf32, #tpu.memory_space<vmem>>, vector<16xf32>,
      tpu.vector_store %arg10[%swap3A_1275], %broadcast_in_dim3A_1268 {strides = array<i32>} : memref<20480xf32, #tpu.memory_space<vmem>>, vector<16xf32>,
      %broadcast_in_dim3A_1277 = arith.constant 0.000000e+00 : f32
      %broadcast_in_dim3A_1278 = vector.broadcast %broadcast_in_dim3A_1277 : f32 to vector<16xf32>
      %mul3A_1279 = arith.constant 5 : i32
      %mul3A_1280 = arith.muli %scan3A_1238, %mul3A_1279 : i32
      %add3A_1281 = arith.constant 4 : i32
      %add3A_1282 = arith.addi %mul3A_1280, %add3A_1281 : i32
      %mul3A_1283 = arith.constant 16 : i32
      %mul3A_1284 = arith.muli %add3A_1282, %mul3A_1283 : i32
      %swap3A_1285 = arith.index_cast %mul3A_1284 : i32 to index
      %swap3A_1286 = tpu.vector_load %arg10[%swap3A_1285] {strides = array<i32>} : memref<20480xf32, #tpu.memory_space<vmem>>, vector<16xf32>,
      tpu.vector_store %arg10[%swap3A_1285], %broadcast_in_dim3A_1278 {strides = array<i32>} : memref<20480xf32, #tpu.memory_space<vmem>>, vector<16xf32>,
    }
    %scan3A_15 = arith.constant 256 : i32
    %scan3A_16 = arith.constant 0 : i32
    %scan3A_17 = arith.constant 0 : i32
    %scan3A_18 = arith.constant 250 : i32
    %scan3A_19 = arith.addi %scan3A_17, %scan3A_18 : i32
    %scan3A_20 = arith.constant 1 : i32
    scf.for %scan3A_1238 = %scan3A_17 to %scan3A_19 step %scan3A_20  : i32 {
      %mul3A_1239 = arith.constant 5 : i32
      %mul3A_1240 = arith.muli %scan3A_1238, %mul3A_1239 : i32
      %add3A = arith.constant 0 : i32
      %add3A_1241 = arith.addi %mul3A_1240, %add3A : i32
      %mul3A_1242 = arith.constant 16 : i32
      %mul3A_1243 = arith.muli %add3A_1241, %mul3A_1242 : i32
      %get3A = arith.index_cast %mul3A_1243 : i32 to index
      %get3A_1244 = tpu.vector_load %arg8[%get3A] {strides = array<i32>} : memref<20000xi32, #tpu.memory_space<vmem>>, vector<16xi32>,
      tpu.vector_store_idx %arg10[%get3A_1244], %broadcast_in_dim3A_10 {add = true} : memref<20480xf32, #tpu.memory_space<vmem>>[vector<16xi32>], vector<16xf32>,
      %add3A_1245 = arith.constant 1 : i32
      %add3A_1246 = vector.broadcast %add3A_1245 : i32 to vector<16xi32>
      %add3A_1247 = arith.addi %get3A_1244, %add3A_1246 : vector<16xi32>
      tpu.vector_store_idx %arg10[%add3A_1247], %broadcast_in_dim3A_10 {add = true} : memref<20480xf32, #tpu.memory_space<vmem>>[vector<16xi32>], vector<16xf32>,
      %mul3A_1248 = arith.constant 5 : i32
      %mul3A_1249 = arith.muli %scan3A_1238, %mul3A_1248 : i32
      %add3A_1250 = arith.constant 1 : i32
      %add3A_1251 = arith.addi %mul3A_1249, %add3A_1250 : i32
      %mul3A_1252 = arith.constant 16 : i32
      %mul3A_1253 = arith.muli %add3A_1251, %mul3A_1252 : i32
      %get3A_1254 = arith.index_cast %mul3A_1253 : i32 to index
      %get3A_1255 = tpu.vector_load %arg8[%get3A_1254] {strides = array<i32>} : memref<20000xi32, #tpu.memory_space<vmem>>, vector<16xi32>,
      tpu.vector_store_idx %arg10[%get3A_1255], %broadcast_in_dim3A_10 {add = true} : memref<20480xf32, #tpu.memory_space<vmem>>[vector<16xi32>], vector<16xf32>,
      %add3A_1256 = arith.constant 1 : i32
      %add3A_1257 = vector.broadcast %add3A_1256 : i32 to vector<16xi32>
      %add3A_1258 = arith.addi %get3A_1255, %add3A_1257 : vector<16xi32>
      tpu.vector_store_idx %arg10[%add3A_1258], %broadcast_in_dim3A_10 {add = true} : memref<20480xf32, #tpu.memory_space<vmem>>[vector<16xi32>], vector<16xf32>,
      %mul3A_1259 = arith.constant 5 : i32
      %mul3A_1260 = arith.muli %scan3A_1238, %mul3A_1259 : i32
      %add3A_1261 = arith.constant 2 : i32
      %add3A_1262 = arith.addi %mul3A_1260, %add3A_1261 : i32
      %mul3A_1263 = arith.constant 16 : i32
      %mul3A_1264 = arith.muli %add3A_1262, %mul3A_1263 : i32
      %get3A_1265 = arith.index_cast %mul3A_1264 : i32 to index
      %get3A_1266 = tpu.vector_load %arg8[%get3A_1265] {strides = array<i32>} : memref<20000xi32, #tpu.memory_space<vmem>>, vector<16xi32>,
      tpu.vector_store_idx %arg10[%get3A_1266], %broadcast_in_dim3A_10 {add = true} : memref<20480xf32, #tpu.memory_space<vmem>>[vector<16xi32>], vector<16xf32>,
      %add3A_1267 = arith.constant 1 : i32
      %add3A_1268 = vector.broadcast %add3A_1267 : i32 to vector<16xi32>
      %add3A_1269 = arith.addi %get3A_1266, %add3A_1268 : vector<16xi32>
      tpu.vector_store_idx %arg10[%add3A_1269], %broadcast_in_dim3A_10 {add = true} : memref<20480xf32, #tpu.memory_space<vmem>>[vector<16xi32>], vector<16xf32>,
      %mul3A_1270 = arith.constant 5 : i32
      %mul3A_1271 = arith.muli %scan3A_1238, %mul3A_1270 : i32
      %add3A_1272 = arith.constant 3 : i32
      %add3A_1273 = arith.addi %mul3A_1271, %add3A_1272 : i32
      %mul3A_1274 = arith.constant 16 : i32
      %mul3A_1275 = arith.muli %add3A_1273, %mul3A_1274 : i32
      %get3A_1276 = arith.index_cast %mul3A_1275 : i32 to index
      %get3A_1277 = tpu.vector_load %arg8[%get3A_1276] {strides = array<i32>} : memref<20000xi32, #tpu.memory_space<vmem>>, vector<16xi32>,
      tpu.vector_store_idx %arg10[%get3A_1277], %broadcast_in_dim3A_10 {add = true} : memref<20480xf32, #tpu.memory_space<vmem>>[vector<16xi32>], vector<16xf32>,
      %add3A_1278 = arith.constant 1 : i32
      %add3A_1279 = vector.broadcast %add3A_1278 : i32 to vector<16xi32>
      %add3A_1280 = arith.addi %get3A_1277, %add3A_1279 : vector<16xi32>
      tpu.vector_store_idx %arg10[%add3A_1280], %broadcast_in_dim3A_10 {add = true} : memref<20480xf32, #tpu.memory_space<vmem>>[vector<16xi32>], vector<16xf32>,
      %mul3A_1281 = arith.constant 5 : i32
      %mul3A_1282 = arith.muli %scan3A_1238, %mul3A_1281 : i32
      %add3A_1283 = arith.constant 4 : i32
      %add3A_1284 = arith.addi %mul3A_1282, %add3A_1283 : i32
      %mul3A_1285 = arith.constant 16 : i32
      %mul3A_1286 = arith.muli %add3A_1284, %mul3A_1285 : i32
      %get3A_1287 = arith.index_cast %mul3A_1286 : i32 to index
      %get3A_1288 = tpu.vector_load %arg8[%get3A_1287] {strides = array<i32>} : memref<20000xi32, #tpu.memory_space<vmem>>, vector<16xi32>,
      tpu.vector_store_idx %arg10[%get3A_1288], %broadcast_in_dim3A_10 {add = true} : memref<20480xf32, #tpu.memory_space<vmem>>[vector<16xi32>], vector<16xf32>,
      %add3A_1289 = arith.constant 1 : i32
      %add3A_1290 = vector.broadcast %add3A_1289 : i32 to vector<16xi32>
      %add3A_1291 = arith.addi %get3A_1288, %add3A_1290 : vector<16xi32>
      tpu.vector_store_idx %arg10[%add3A_1291], %broadcast_in_dim3A_10 {add = true} : memref<20480xf32, #tpu.memory_space<vmem>>[vector<16xi32>], vector<16xf32>,
    }
    %scan3A_21 = arith.constant 250 : i32
    "tpu.region"() ({
      %run_scoped3A = tpu.sem_alloc : memref<!tpu.dma_semaphore, #tpu.memory_space<semaphore_mem>>
      %dma_start3A_1238 = arith.constant 0 : i32
      %dma_start3A_1239 = tpu.memref_slice %arg16[%arg1, %dma_start3A_1238] : memref<16x20480xf32, #tpu.memory_space<vmem_shared>> -> memref<1x20480xf32, #tpu.memory_space<vmem_shared>>
      %dma_start3A_1240 = tpu.memref_squeeze %dma_start3A_1239 : memref<1x20480xf32, #tpu.memory_space<vmem_shared>> -> memref<20480xf32, #tpu.memory_space<vmem_shared>>
      %dma_start3A_1241 = arith.constant 0 : i32
      %dma_start3A_1242 = tpu.memref_slice %arg16[%arg1, %dma_start3A_1241] : memref<16x20480xf32, #tpu.memory_space<vmem_shared>> -> memref<1x20480xf32, #tpu.memory_space<vmem_shared>>
      %dma_start3A_1243 = tpu.memref_squeeze %dma_start3A_1242 : memref<1x20480xf32, #tpu.memory_space<vmem_shared>> -> memref<20480xf32, #tpu.memory_space<vmem_shared>>
      tpu.enqueue_dma source(%arg10 : memref<20480xf32, #tpu.memory_space<vmem>>) target(%dma_start3A_1243 : memref<20480xf32, #tpu.memory_space<vmem_shared>>) target_semaphore(%run_scoped3A : memref<!tpu.dma_semaphore, #tpu.memory_space<semaphore_mem>>)
      %dma_wait3A_1244 = arith.constant 0 : i32
      %dma_wait3A_1245 = tpu.memref_slice %arg16[%arg1, %dma_wait3A_1244] : memref<16x20480xf32, #tpu.memory_space<vmem_shared>> -> memref<1x20480xf32, #tpu.memory_space<vmem_shared>>
      %dma_wait3A_1246 = tpu.memref_squeeze %dma_wait3A_1245 : memref<1x20480xf32, #tpu.memory_space<vmem_shared>> -> memref<20480xf32, #tpu.memory_space<vmem_shared>>
      %dma_wait3A_1247 = arith.constant 0 : i32
      %dma_wait3A_1248 = tpu.memref_slice %arg16[%arg1, %dma_wait3A_1247] : memref<16x20480xf32, #tpu.memory_space<vmem_shared>> -> memref<1x20480xf32, #tpu.memory_space<vmem_shared>>
      %dma_wait3A_1249 = tpu.memref_squeeze %dma_wait3A_1248 : memref<1x20480xf32, #tpu.memory_space<vmem_shared>> -> memref<20480xf32, #tpu.memory_space<vmem_shared>>
      tpu.wait_dma2 semaphore(%run_scoped3A : memref<!tpu.dma_semaphore, #tpu.memory_space<semaphore_mem>>) src(%arg10 : memref<20480xf32, #tpu.memory_space<vmem>>) dst(%dma_wait3A_1249 : memref<20480xf32, #tpu.memory_space<vmem_shared>>)
      tpu.yield
    }) : () -> ()
    %barrier3A = arith.constant 0 : index
    tpu.barrier barrier_id(%barrier3A)
    %dma_start3A_22 = arith.constant 0 : i32
    %dma_start3A_23 = arith.constant 0 : i32
    %dma_start3A_24 = arith.constant 0 : i32
    %dma_start3A_25 = tpu.memref_slice %arg15[%dma_start3A_23, %dma_start3A_24] : memref<16x1280xf32, #tpu.memory_space<vmem>> -> memref<1x1280xf32, #tpu.memory_space<vmem>>
    %dma_start3A_26 = tpu.memref_squeeze %dma_start3A_25 : memref<1x1280xf32, #tpu.memory_space<vmem>> -> memref<1280xf32, #tpu.memory_space<vmem>>
    %dma_start3A_27 = tpu.memref_slice %arg16[%dma_start3A_22, %mul3A_0] : memref<16x20480xf32, #tpu.memory_space<vmem_shared>> -> memref<1x1280xf32, #tpu.memory_space<vmem_shared>>
    %dma_start3A_28 = tpu.memref_squeeze %dma_start3A_27 : memref<1x1280xf32, #tpu.memory_space<vmem_shared>> -> memref<1280xf32, #tpu.memory_space<vmem_shared>>
    %dma_start3A_29 = arith.constant 0 : i32
    %dma_start3A_30 = tpu.memref_slice %arg15[%dma_start3A_23, %dma_start3A_29] : memref<16x1280xf32, #tpu.memory_space<vmem>> -> memref<1x1280xf32, #tpu.memory_space<vmem>>
    %dma_start3A_31 = tpu.memref_squeeze %dma_start3A_30 : memref<1x1280xf32, #tpu.memory_space<vmem>> -> memref<1280xf32, #tpu.memory_space<vmem>>
    %dma_start3A_32 = tpu.memref_slice %arg16[%dma_start3A_22, %mul3A_0] : memref<16x20480xf32, #tpu.memory_space<vmem_shared>> -> memref<1x1280xf32, #tpu.memory_space<vmem_shared>>
    %dma_start3A_33 = tpu.memref_squeeze %dma_start3A_32 : memref<1x1280xf32, #tpu.memory_space<vmem_shared>> -> memref<1280xf32, #tpu.memory_space<vmem_shared>>
    tpu.enqueue_dma source(%dma_start3A_33 : memref<1280xf32, #tpu.memory_space<vmem_shared>>) target(%dma_start3A_31 : memref<1280xf32, #tpu.memory_space<vmem>>) target_semaphore(%arg19 : memref<!tpu.dma_semaphore, #tpu.memory_space<semaphore_mem>>)
    %dma_start3A_34 = arith.constant 1 : i32
    %dma_start3A_35 = arith.constant 1 : i32
    %dma_start3A_36 = arith.constant 0 : i32
    %dma_start3A_37 = tpu.memref_slice %arg15[%dma_start3A_35, %dma_start3A_36] : memref<16x1280xf32, #tpu.memory_space<vmem>> -> memref<1x1280xf32, #tpu.memory_space<vmem>>
    %dma_start3A_38 = tpu.memref_squeeze %dma_start3A_37 : memref<1x1280xf32, #tpu.memory_space<vmem>> -> memref<1280xf32, #tpu.memory_space<vmem>>
    %dma_start3A_39 = tpu.memref_slice %arg16[%dma_start3A_34, %mul3A_0] : memref<16x20480xf32, #tpu.memory_space<vmem_shared>> -> memref<1x1280xf32, #tpu.memory_space<vmem_shared>>
    %dma_start3A_40 = tpu.memref_squeeze %dma_start3A_39 : memref<1x1280xf32, #tpu.memory_space<vmem_shared>> -> memref<1280xf32, #tpu.memory_space<vmem_shared>>
    %dma_start3A_41 = arith.constant 0 : i32
    %dma_start3A_42 = tpu.memref_slice %arg15[%dma_start3A_35, %dma_start3A_41] : memref<16x1280xf32, #tpu.memory_space<vmem>> -> memref<1x1280xf32, #tpu.memory_space<vmem>>
    %dma_start3A_43 = tpu.memref_squeeze %dma_start3A_42 : memref<1x1280xf32, #tpu.memory_space<vmem>> -> memref<1280xf32, #tpu.memory_space<vmem>>
    %dma_start3A_44 = tpu.memref_slice %arg16[%dma_start3A_34, %mul3A_0] : memref<16x20480xf32, #tpu.memory_space<vmem_shared>> -> memref<1x1280xf32, #tpu.memory_space<vmem_shared>>
    %dma_start3A_45 = tpu.memref_squeeze %dma_start3A_44 : memref<1x1280xf32, #tpu.memory_space<vmem_shared>> -> memref<1280xf32, #tpu.memory_space<vmem_shared>>
    tpu.enqueue_dma source(%dma_start3A_45 : memref<1280xf32, #tpu.memory_space<vmem_shared>>) target(%dma_start3A_43 : memref<1280xf32, #tpu.memory_space<vmem>>) target_semaphore(%arg19 : memref<!tpu.dma_semaphore, #tpu.memory_space<semaphore_mem>>)
    %dma_start3A_46 = arith.constant 2 : i32
    %dma_start3A_47 = arith.constant 2 : i32
    %dma_start3A_48 = arith.constant 0 : i32
    %dma_start3A_49 = tpu.memref_slice %arg15[%dma_start3A_47, %dma_start3A_48] : memref<16x1280xf32, #tpu.memory_space<vmem>> -> memref<1x1280xf32, #tpu.memory_space<vmem>>
    %dma_start3A_50 = tpu.memref_squeeze %dma_start3A_49 : memref<1x1280xf32, #tpu.memory_space<vmem>> -> memref<1280xf32, #tpu.memory_space<vmem>>
    %dma_start3A_51 = tpu.memref_slice %arg16[%dma_start3A_46, %mul3A_0] : memref<16x20480xf32, #tpu.memory_space<vmem_shared>> -> memref<1x1280xf32, #tpu.memory_space<vmem_shared>>
    %dma_start3A_52 = tpu.memref_squeeze %dma_start3A_51 : memref<1x1280xf32, #tpu.memory_space<vmem_shared>> -> memref<1280xf32, #tpu.memory_space<vmem_shared>>
    %dma_start3A_53 = arith.constant 0 : i32
    %dma_start3A_54 = tpu.memref_slice %arg15[%dma_start3A_47, %dma_start3A_53] : memref<16x1280xf32, #tpu.memory_space<vmem>> -> memref<1x1280xf32, #tpu.memory_space<vmem>>
    %dma_start3A_55 = tpu.memref_squeeze %dma_start3A_54 : memref<1x1280xf32, #tpu.memory_space<vmem>> -> memref<1280xf32, #tpu.memory_space<vmem>>
    %dma_start3A_56 = tpu.memref_slice %arg16[%dma_start3A_46, %mul3A_0] : memref<16x20480xf32, #tpu.memory_space<vmem_shared>> -> memref<1x1280xf32, #tpu.memory_space<vmem_shared>>
    %dma_start3A_57 = tpu.memref_squeeze %dma_start3A_56 : memref<1x1280xf32, #tpu.memory_space<vmem_shared>> -> memref<1280xf32, #tpu.memory_space<vmem_shared>>
    tpu.enqueue_dma source(%dma_start3A_57 : memref<1280xf32, #tpu.memory_space<vmem_shared>>) target(%dma_start3A_55 : memref<1280xf32, #tpu.memory_space<vmem>>) target_semaphore(%arg19 : memref<!tpu.dma_semaphore, #tpu.memory_space<semaphore_mem>>)
    %dma_start3A_58 = arith.constant 3 : i32
    %dma_start3A_59 = arith.constant 3 : i32
    %dma_start3A_60 = arith.constant 0 : i32
    %dma_start3A_61 = tpu.memref_slice %arg15[%dma_start3A_59, %dma_start3A_60] : memref<16x1280xf32, #tpu.memory_space<vmem>> -> memref<1x1280xf32, #tpu.memory_space<vmem>>
    %dma_start3A_62 = tpu.memref_squeeze %dma_start3A_61 : memref<1x1280xf32, #tpu.memory_space<vmem>> -> memref<1280xf32, #tpu.memory_space<vmem>>
    %dma_start3A_63 = tpu.memref_slice %arg16[%dma_start3A_58, %mul3A_0] : memref<16x20480xf32, #tpu.memory_space<vmem_shared>> -> memref<1x1280xf32, #tpu.memory_space<vmem_shared>>
    %dma_start3A_64 = tpu.memref_squeeze %dma_start3A_63 : memref<1x1280xf32, #tpu.memory_space<vmem_shared>> -> memref<1280xf32, #tpu.memory_space<vmem_shared>>
    %dma_start3A_65 = arith.constant 0 : i32
    %dma_start3A_66 = tpu.memref_slice %arg15[%dma_start3A_59, %dma_start3A_65] : memref<16x1280xf32, #tpu.memory_space<vmem>> -> memref<1x1280xf32, #tpu.memory_space<vmem>>
    %dma_start3A_67 = tpu.memref_squeeze %dma_start3A_66 : memref<1x1280xf32, #tpu.memory_space<vmem>> -> memref<1280xf32, #tpu.memory_space<vmem>>
    %dma_start3A_68 = tpu.memref_slice %arg16[%dma_start3A_58, %mul3A_0] : memref<16x20480xf32, #tpu.memory_space<vmem_shared>> -> memref<1x1280xf32, #tpu.memory_space<vmem_shared>>
    %dma_start3A_69 = tpu.memref_squeeze %dma_start3A_68 : memref<1x1280xf32, #tpu.memory_space<vmem_shared>> -> memref<1280xf32, #tpu.memory_space<vmem_shared>>
    tpu.enqueue_dma source(%dma_start3A_69 : memref<1280xf32, #tpu.memory_space<vmem_shared>>) target(%dma_start3A_67 : memref<1280xf32, #tpu.memory_space<vmem>>) target_semaphore(%arg19 : memref<!tpu.dma_semaphore, #tpu.memory_space<semaphore_mem>>)
    %dma_start3A_70 = arith.constant 4 : i32
    %dma_start3A_71 = arith.constant 4 : i32
    %dma_start3A_72 = arith.constant 0 : i32
    %dma_start3A_73 = tpu.memref_slice %arg15[%dma_start3A_71, %dma_start3A_72] : memref<16x1280xf32, #tpu.memory_space<vmem>> -> memref<1x1280xf32, #tpu.memory_space<vmem>>
    %dma_start3A_74 = tpu.memref_squeeze %dma_start3A_73 : memref<1x1280xf32, #tpu.memory_space<vmem>> -> memref<1280xf32, #tpu.memory_space<vmem>>
    %dma_start3A_75 = tpu.memref_slice %arg16[%dma_start3A_70, %mul3A_0] : memref<16x20480xf32, #tpu.memory_space<vmem_shared>> -> memref<1x1280xf32, #tpu.memory_space<vmem_shared>>
    %dma_start3A_76 = tpu.memref_squeeze %dma_start3A_75 : memref<1x1280xf32, #tpu.memory_space<vmem_shared>> -> memref<1280xf32, #tpu.memory_space<vmem_shared>>
    %dma_start3A_77 = arith.constant 0 : i32
    %dma_start3A_78 = tpu.memref_slice %arg15[%dma_start3A_71, %dma_start3A_77] : memref<16x1280xf32, #tpu.memory_space<vmem>> -> memref<1x1280xf32, #tpu.memory_space<vmem>>
    %dma_start3A_79 = tpu.memref_squeeze %dma_start3A_78 : memref<1x1280xf32, #tpu.memory_space<vmem>> -> memref<1280xf32, #tpu.memory_space<vmem>>
    %dma_start3A_80 = tpu.memref_slice %arg16[%dma_start3A_70, %mul3A_0] : memref<16x20480xf32, #tpu.memory_space<vmem_shared>> -> memref<1x1280xf32, #tpu.memory_space<vmem_shared>>
    %dma_start3A_81 = tpu.memref_squeeze %dma_start3A_80 : memref<1x1280xf32, #tpu.memory_space<vmem_shared>> -> memref<1280xf32, #tpu.memory_space<vmem_shared>>
    tpu.enqueue_dma source(%dma_start3A_81 : memref<1280xf32, #tpu.memory_space<vmem_shared>>) target(%dma_start3A_79 : memref<1280xf32, #tpu.memory_space<vmem>>) target_semaphore(%arg19 : memref<!tpu.dma_semaphore, #tpu.memory_space<semaphore_mem>>)
    %dma_start3A_82 = arith.constant 5 : i32
    %dma_start3A_83 = arith.constant 5 : i32
    %dma_start3A_84 = arith.constant 0 : i32
    %dma_start3A_85 = tpu.memref_slice %arg15[%dma_start3A_83, %dma_start3A_84] : memref<16x1280xf32, #tpu.memory_space<vmem>> -> memref<1x1280xf32, #tpu.memory_space<vmem>>
    %dma_start3A_86 = tpu.memref_squeeze %dma_start3A_85 : memref<1x1280xf32, #tpu.memory_space<vmem>> -> memref<1280xf32, #tpu.memory_space<vmem>>
    %dma_start3A_87 = tpu.memref_slice %arg16[%dma_start3A_82, %mul3A_0] : memref<16x20480xf32, #tpu.memory_space<vmem_shared>> -> memref<1x1280xf32, #tpu.memory_space<vmem_shared>>
    %dma_start3A_88 = tpu.memref_squeeze %dma_start3A_87 : memref<1x1280xf32, #tpu.memory_space<vmem_shared>> -> memref<1280xf32, #tpu.memory_space<vmem_shared>>
    %dma_start3A_89 = arith.constant 0 : i32
    %dma_start3A_90 = tpu.memref_slice %arg15[%dma_start3A_83, %dma_start3A_89] : memref<16x1280xf32, #tpu.memory_space<vmem>> -> memref<1x1280xf32, #tpu.memory_space<vmem>>
    %dma_start3A_91 = tpu.memref_squeeze %dma_start3A_90 : memref<1x1280xf32, #tpu.memory_space<vmem>> -> memref<1280xf32, #tpu.memory_space<vmem>>
    %dma_start3A_92 = tpu.memref_slice %arg16[%dma_start3A_82, %mul3A_0] : memref<16x20480xf32, #tpu.memory_space<vmem_shared>> -> memref<1x1280xf32, #tpu.memory_space<vmem_shared>>
    %dma_start3A_93 = tpu.memref_squeeze %dma_start3A_92 : memref<1x1280xf32, #tpu.memory_space<vmem_shared>> -> memref<1280xf32, #tpu.memory_space<vmem_shared>>
    tpu.enqueue_dma source(%dma_start3A_93 : memref<1280xf32, #tpu.memory_space<vmem_shared>>) target(%dma_start3A_91 : memref<1280xf32, #tpu.memory_space<vmem>>) target_semaphore(%arg19 : memref<!tpu.dma_semaphore, #tpu.memory_space<semaphore_mem>>)
    %dma_start3A_94 = arith.constant 6 : i32
    %dma_start3A_95 = arith.constant 6 : i32
    %dma_start3A_96 = arith.constant 0 : i32
    %dma_start3A_97 = tpu.memref_slice %arg15[%dma_start3A_95, %dma_start3A_96] : memref<16x1280xf32, #tpu.memory_space<vmem>> -> memref<1x1280xf32, #tpu.memory_space<vmem>>
    %dma_start3A_98 = tpu.memref_squeeze %dma_start3A_97 : memref<1x1280xf32, #tpu.memory_space<vmem>> -> memref<1280xf32, #tpu.memory_space<vmem>>
    %dma_start3A_99 = tpu.memref_slice %arg16[%dma_start3A_94, %mul3A_0] : memref<16x20480xf32, #tpu.memory_space<vmem_shared>> -> memref<1x1280xf32, #tpu.memory_space<vmem_shared>>
    %dma_start3A_100 = tpu.memref_squeeze %dma_start3A_99 : memref<1x1280xf32, #tpu.memory_space<vmem_shared>> -> memref<1280xf32, #tpu.memory_space<vmem_shared>>
    %dma_start3A_101 = arith.constant 0 : i32
    %dma_start3A_102 = tpu.memref_slice %arg15[%dma_start3A_95, %dma_start3A_101] : memref<16x1280xf32, #tpu.memory_space<vmem>> -> memref<1x1280xf32, #tpu.memory_space<vmem>>
    %dma_start3A_103 = tpu.memref_squeeze %dma_start3A_102 : memref<1x1280xf32, #tpu.memory_space<vmem>> -> memref<1280xf32, #tpu.memory_space<vmem>>
    %dma_start3A_104 = tpu.memref_slice %arg16[%dma_start3A_94, %mul3A_0] : memref<16x20480xf32, #tpu.memory_space<vmem_shared>> -> memref<1x1280xf32, #tpu.memory_space<vmem_shared>>
    %dma_start3A_105 = tpu.memref_squeeze %dma_start3A_104 : memref<1x1280xf32, #tpu.memory_space<vmem_shared>> -> memref<1280xf32, #tpu.memory_space<vmem_shared>>
    tpu.enqueue_dma source(%dma_start3A_105 : memref<1280xf32, #tpu.memory_space<vmem_shared>>) target(%dma_start3A_103 : memref<1280xf32, #tpu.memory_space<vmem>>) target_semaphore(%arg19 : memref<!tpu.dma_semaphore, #tpu.memory_space<semaphore_mem>>)
    %dma_start3A_106 = arith.constant 7 : i32
    %dma_start3A_107 = arith.constant 7 : i32
    %dma_start3A_108 = arith.constant 0 : i32
    %dma_start3A_109 = tpu.memref_slice %arg15[%dma_start3A_107, %dma_start3A_108] : memref<16x1280xf32, #tpu.memory_space<vmem>> -> memref<1x1280xf32, #tpu.memory_space<vmem>>
    %dma_start3A_110 = tpu.memref_squeeze %dma_start3A_109 : memref<1x1280xf32, #tpu.memory_space<vmem>> -> memref<1280xf32, #tpu.memory_space<vmem>>
    %dma_start3A_111 = tpu.memref_slice %arg16[%dma_start3A_106, %mul3A_0] : memref<16x20480xf32, #tpu.memory_space<vmem_shared>> -> memref<1x1280xf32, #tpu.memory_space<vmem_shared>>
    %dma_start3A_112 = tpu.memref_squeeze %dma_start3A_111 : memref<1x1280xf32, #tpu.memory_space<vmem_shared>> -> memref<1280xf32, #tpu.memory_space<vmem_shared>>
    %dma_start3A_113 = arith.constant 0 : i32
    %dma_start3A_114 = tpu.memref_slice %arg15[%dma_start3A_107, %dma_start3A_113] : memref<16x1280xf32, #tpu.memory_space<vmem>> -> memref<1x1280xf32, #tpu.memory_space<vmem>>
    %dma_start3A_115 = tpu.memref_squeeze %dma_start3A_114 : memref<1x1280xf32, #tpu.memory_space<vmem>> -> memref<1280xf32, #tpu.memory_space<vmem>>
    %dma_start3A_116 = tpu.memref_slice %arg16[%dma_start3A_106, %mul3A_0] : memref<16x20480xf32, #tpu.memory_space<vmem_shared>> -> memref<1x1280xf32, #tpu.memory_space<vmem_shared>>
    %dma_start3A_117 = tpu.memref_squeeze %dma_start3A_116 : memref<1x1280xf32, #tpu.memory_space<vmem_shared>> -> memref<1280xf32, #tpu.memory_space<vmem_shared>>
    tpu.enqueue_dma source(%dma_start3A_117 : memref<1280xf32, #tpu.memory_space<vmem_shared>>) target(%dma_start3A_115 : memref<1280xf32, #tpu.memory_space<vmem>>) target_semaphore(%arg19 : memref<!tpu.dma_semaphore, #tpu.memory_space<semaphore_mem>>)
    %dma_start3A_118 = arith.constant 8 : i32
    %dma_start3A_119 = arith.constant 8 : i32
    %dma_start3A_120 = arith.constant 0 : i32
    %dma_start3A_121 = tpu.memref_slice %arg15[%dma_start3A_119, %dma_start3A_120] : memref<16x1280xf32, #tpu.memory_space<vmem>> -> memref<1x1280xf32, #tpu.memory_space<vmem>>
    %dma_start3A_122 = tpu.memref_squeeze %dma_start3A_121 : memref<1x1280xf32, #tpu.memory_space<vmem>> -> memref<1280xf32, #tpu.memory_space<vmem>>
    %dma_start3A_123 = tpu.memref_slice %arg16[%dma_start3A_118, %mul3A_0] : memref<16x20480xf32, #tpu.memory_space<vmem_shared>> -> memref<1x1280xf32, #tpu.memory_space<vmem_shared>>
    %dma_start3A_124 = tpu.memref_squeeze %dma_start3A_123 : memref<1x1280xf32, #tpu.memory_space<vmem_shared>> -> memref<1280xf32, #tpu.memory_space<vmem_shared>>
    %dma_start3A_125 = arith.constant 0 : i32
    %dma_start3A_126 = tpu.memref_slice %arg15[%dma_start3A_119, %dma_start3A_125] : memref<16x1280xf32, #tpu.memory_space<vmem>> -> memref<1x1280xf32, #tpu.memory_space<vmem>>
    %dma_start3A_127 = tpu.memref_squeeze %dma_start3A_126 : memref<1x1280xf32, #tpu.memory_space<vmem>> -> memref<1280xf32, #tpu.memory_space<vmem>>
    %dma_start3A_128 = tpu.memref_slice %arg16[%dma_start3A_118, %mul3A_0] : memref<16x20480xf32, #tpu.memory_space<vmem_shared>> -> memref<1x1280xf32, #tpu.memory_space<vmem_shared>>
    %dma_start3A_129 = tpu.memref_squeeze %dma_start3A_128 : memref<1x1280xf32, #tpu.memory_space<vmem_shared>> -> memref<1280xf32, #tpu.memory_space<vmem_shared>>
    tpu.enqueue_dma source(%dma_start3A_129 : memref<1280xf32, #tpu.memory_space<vmem_shared>>) target(%dma_start3A_127 : memref<1280xf32, #tpu.memory_space<vmem>>) target_semaphore(%arg19 : memref<!tpu.dma_semaphore, #tpu.memory_space<semaphore_mem>>)
    %dma_start3A_130 = arith.constant 9 : i32
    %dma_start3A_131 = arith.constant 9 : i32
    %dma_start3A_132 = arith.constant 0 : i32
    %dma_start3A_133 = tpu.memref_slice %arg15[%dma_start3A_131, %dma_start3A_132] : memref<16x1280xf32, #tpu.memory_space<vmem>> -> memref<1x1280xf32, #tpu.memory_space<vmem>>
    %dma_start3A_134 = tpu.memref_squeeze %dma_start3A_133 : memref<1x1280xf32, #tpu.memory_space<vmem>> -> memref<1280xf32, #tpu.memory_space<vmem>>
    %dma_start3A_135 = tpu.memref_slice %arg16[%dma_start3A_130, %mul3A_0] : memref<16x20480xf32, #tpu.memory_space<vmem_shared>> -> memref<1x1280xf32, #tpu.memory_space<vmem_shared>>
    %dma_start3A_136 = tpu.memref_squeeze %dma_start3A_135 : memref<1x1280xf32, #tpu.memory_space<vmem_shared>> -> memref<1280xf32, #tpu.memory_space<vmem_shared>>
    %dma_start3A_137 = arith.constant 0 : i32
    %dma_start3A_138 = tpu.memref_slice %arg15[%dma_start3A_131, %dma_start3A_137] : memref<16x1280xf32, #tpu.memory_space<vmem>> -> memref<1x1280xf32, #tpu.memory_space<vmem>>
    %dma_start3A_139 = tpu.memref_squeeze %dma_start3A_138 : memref<1x1280xf32, #tpu.memory_space<vmem>> -> memref<1280xf32, #tpu.memory_space<vmem>>
    %dma_start3A_140 = tpu.memref_slice %arg16[%dma_start3A_130, %mul3A_0] : memref<16x20480xf32, #tpu.memory_space<vmem_shared>> -> memref<1x1280xf32, #tpu.memory_space<vmem_shared>>
    %dma_start3A_141 = tpu.memref_squeeze %dma_start3A_140 : memref<1x1280xf32, #tpu.memory_space<vmem_shared>> -> memref<1280xf32, #tpu.memory_space<vmem_shared>>
    tpu.enqueue_dma source(%dma_start3A_141 : memref<1280xf32, #tpu.memory_space<vmem_shared>>) target(%dma_start3A_139 : memref<1280xf32, #tpu.memory_space<vmem>>) target_semaphore(%arg19 : memref<!tpu.dma_semaphore, #tpu.memory_space<semaphore_mem>>)
    %dma_start3A_142 = arith.constant 10 : i32
    %dma_start3A_143 = arith.constant 10 : i32
    %dma_start3A_144 = arith.constant 0 : i32
    %dma_start3A_145 = tpu.memref_slice %arg15[%dma_start3A_143, %dma_start3A_144] : memref<16x1280xf32, #tpu.memory_space<vmem>> -> memref<1x1280xf32, #tpu.memory_space<vmem>>
    %dma_start3A_146 = tpu.memref_squeeze %dma_start3A_145 : memref<1x1280xf32, #tpu.memory_space<vmem>> -> memref<1280xf32, #tpu.memory_space<vmem>>
    %dma_start3A_147 = tpu.memref_slice %arg16[%dma_start3A_142, %mul3A_0] : memref<16x20480xf32, #tpu.memory_space<vmem_shared>> -> memref<1x1280xf32, #tpu.memory_space<vmem_shared>>
    %dma_start3A_148 = tpu.memref_squeeze %dma_start3A_147 : memref<1x1280xf32, #tpu.memory_space<vmem_shared>> -> memref<1280xf32, #tpu.memory_space<vmem_shared>>
    %dma_start3A_149 = arith.constant 0 : i32
    %dma_start3A_150 = tpu.memref_slice %arg15[%dma_start3A_143, %dma_start3A_149] : memref<16x1280xf32, #tpu.memory_space<vmem>> -> memref<1x1280xf32, #tpu.memory_space<vmem>>
    %dma_start3A_151 = tpu.memref_squeeze %dma_start3A_150 : memref<1x1280xf32, #tpu.memory_space<vmem>> -> memref<1280xf32, #tpu.memory_space<vmem>>
    %dma_start3A_152 = tpu.memref_slice %arg16[%dma_start3A_142, %mul3A_0] : memref<16x20480xf32, #tpu.memory_space<vmem_shared>> -> memref<1x1280xf32, #tpu.memory_space<vmem_shared>>
    %dma_start3A_153 = tpu.memref_squeeze %dma_start3A_152 : memref<1x1280xf32, #tpu.memory_space<vmem_shared>> -> memref<1280xf32, #tpu.memory_space<vmem_shared>>
    tpu.enqueue_dma source(%dma_start3A_153 : memref<1280xf32, #tpu.memory_space<vmem_shared>>) target(%dma_start3A_151 : memref<1280xf32, #tpu.memory_space<vmem>>) target_semaphore(%arg19 : memref<!tpu.dma_semaphore, #tpu.memory_space<semaphore_mem>>)
    %dma_start3A_154 = arith.constant 11 : i32
    %dma_start3A_155 = arith.constant 11 : i32
    %dma_start3A_156 = arith.constant 0 : i32
    %dma_start3A_157 = tpu.memref_slice %arg15[%dma_start3A_155, %dma_start3A_156] : memref<16x1280xf32, #tpu.memory_space<vmem>> -> memref<1x1280xf32, #tpu.memory_space<vmem>>
    %dma_start3A_158 = tpu.memref_squeeze %dma_start3A_157 : memref<1x1280xf32, #tpu.memory_space<vmem>> -> memref<1280xf32, #tpu.memory_space<vmem>>
    %dma_start3A_159 = tpu.memref_slice %arg16[%dma_start3A_154, %mul3A_0] : memref<16x20480xf32, #tpu.memory_space<vmem_shared>> -> memref<1x1280xf32, #tpu.memory_space<vmem_shared>>
    %dma_start3A_160 = tpu.memref_squeeze %dma_start3A_159 : memref<1x1280xf32, #tpu.memory_space<vmem_shared>> -> memref<1280xf32, #tpu.memory_space<vmem_shared>>
    %dma_start3A_161 = arith.constant 0 : i32
    %dma_start3A_162 = tpu.memref_slice %arg15[%dma_start3A_155, %dma_start3A_161] : memref<16x1280xf32, #tpu.memory_space<vmem>> -> memref<1x1280xf32, #tpu.memory_space<vmem>>
    %dma_start3A_163 = tpu.memref_squeeze %dma_start3A_162 : memref<1x1280xf32, #tpu.memory_space<vmem>> -> memref<1280xf32, #tpu.memory_space<vmem>>
    %dma_start3A_164 = tpu.memref_slice %arg16[%dma_start3A_154, %mul3A_0] : memref<16x20480xf32, #tpu.memory_space<vmem_shared>> -> memref<1x1280xf32, #tpu.memory_space<vmem_shared>>
    %dma_start3A_165 = tpu.memref_squeeze %dma_start3A_164 : memref<1x1280xf32, #tpu.memory_space<vmem_shared>> -> memref<1280xf32, #tpu.memory_space<vmem_shared>>
    tpu.enqueue_dma source(%dma_start3A_165 : memref<1280xf32, #tpu.memory_space<vmem_shared>>) target(%dma_start3A_163 : memref<1280xf32, #tpu.memory_space<vmem>>) target_semaphore(%arg19 : memref<!tpu.dma_semaphore, #tpu.memory_space<semaphore_mem>>)
    %dma_start3A_166 = arith.constant 12 : i32
    %dma_start3A_167 = arith.constant 12 : i32
    %dma_start3A_168 = arith.constant 0 : i32
    %dma_start3A_169 = tpu.memref_slice %arg15[%dma_start3A_167, %dma_start3A_168] : memref<16x1280xf32, #tpu.memory_space<vmem>> -> memref<1x1280xf32, #tpu.memory_space<vmem>>
    %dma_start3A_170 = tpu.memref_squeeze %dma_start3A_169 : memref<1x1280xf32, #tpu.memory_space<vmem>> -> memref<1280xf32, #tpu.memory_space<vmem>>
    %dma_start3A_171 = tpu.memref_slice %arg16[%dma_start3A_166, %mul3A_0] : memref<16x20480xf32, #tpu.memory_space<vmem_shared>> -> memref<1x1280xf32, #tpu.memory_space<vmem_shared>>
    %dma_start3A_172 = tpu.memref_squeeze %dma_start3A_171 : memref<1x1280xf32, #tpu.memory_space<vmem_shared>> -> memref<1280xf32, #tpu.memory_space<vmem_shared>>
    %dma_start3A_173 = arith.constant 0 : i32
    %dma_start3A_174 = tpu.memref_slice %arg15[%dma_start3A_167, %dma_start3A_173] : memref<16x1280xf32, #tpu.memory_space<vmem>> -> memref<1x1280xf32, #tpu.memory_space<vmem>>
    %dma_start3A_175 = tpu.memref_squeeze %dma_start3A_174 : memref<1x1280xf32, #tpu.memory_space<vmem>> -> memref<1280xf32, #tpu.memory_space<vmem>>
    %dma_start3A_176 = tpu.memref_slice %arg16[%dma_start3A_166, %mul3A_0] : memref<16x20480xf32, #tpu.memory_space<vmem_shared>> -> memref<1x1280xf32, #tpu.memory_space<vmem_shared>>
    %dma_start3A_177 = tpu.memref_squeeze %dma_start3A_176 : memref<1x1280xf32, #tpu.memory_space<vmem_shared>> -> memref<1280xf32, #tpu.memory_space<vmem_shared>>
    tpu.enqueue_dma source(%dma_start3A_177 : memref<1280xf32, #tpu.memory_space<vmem_shared>>) target(%dma_start3A_175 : memref<1280xf32, #tpu.memory_space<vmem>>) target_semaphore(%arg19 : memref<!tpu.dma_semaphore, #tpu.memory_space<semaphore_mem>>)
    %dma_start3A_178 = arith.constant 13 : i32
    %dma_start3A_179 = arith.constant 13 : i32
    %dma_start3A_180 = arith.constant 0 : i32
    %dma_start3A_181 = tpu.memref_slice %arg15[%dma_start3A_179, %dma_start3A_180] : memref<16x1280xf32, #tpu.memory_space<vmem>> -> memref<1x1280xf32, #tpu.memory_space<vmem>>
    %dma_start3A_182 = tpu.memref_squeeze %dma_start3A_181 : memref<1x1280xf32, #tpu.memory_space<vmem>> -> memref<1280xf32, #tpu.memory_space<vmem>>
    %dma_start3A_183 = tpu.memref_slice %arg16[%dma_start3A_178, %mul3A_0] : memref<16x20480xf32, #tpu.memory_space<vmem_shared>> -> memref<1x1280xf32, #tpu.memory_space<vmem_shared>>
    %dma_start3A_184 = tpu.memref_squeeze %dma_start3A_183 : memref<1x1280xf32, #tpu.memory_space<vmem_shared>> -> memref<1280xf32, #tpu.memory_space<vmem_shared>>
    %dma_start3A_185 = arith.constant 0 : i32
    %dma_start3A_186 = tpu.memref_slice %arg15[%dma_start3A_179, %dma_start3A_185] : memref<16x1280xf32, #tpu.memory_space<vmem>> -> memref<1x1280xf32, #tpu.memory_space<vmem>>
    %dma_start3A_187 = tpu.memref_squeeze %dma_start3A_186 : memref<1x1280xf32, #tpu.memory_space<vmem>> -> memref<1280xf32, #tpu.memory_space<vmem>>
    %dma_start3A_188 = tpu.memref_slice %arg16[%dma_start3A_178, %mul3A_0] : memref<16x20480xf32, #tpu.memory_space<vmem_shared>> -> memref<1x1280xf32, #tpu.memory_space<vmem_shared>>
    %dma_start3A_189 = tpu.memref_squeeze %dma_start3A_188 : memref<1x1280xf32, #tpu.memory_space<vmem_shared>> -> memref<1280xf32, #tpu.memory_space<vmem_shared>>
    tpu.enqueue_dma source(%dma_start3A_189 : memref<1280xf32, #tpu.memory_space<vmem_shared>>) target(%dma_start3A_187 : memref<1280xf32, #tpu.memory_space<vmem>>) target_semaphore(%arg19 : memref<!tpu.dma_semaphore, #tpu.memory_space<semaphore_mem>>)
    %dma_start3A_190 = arith.constant 14 : i32
    %dma_start3A_191 = arith.constant 14 : i32
    %dma_start3A_192 = arith.constant 0 : i32
    %dma_start3A_193 = tpu.memref_slice %arg15[%dma_start3A_191, %dma_start3A_192] : memref<16x1280xf32, #tpu.memory_space<vmem>> -> memref<1x1280xf32, #tpu.memory_space<vmem>>
    %dma_start3A_194 = tpu.memref_squeeze %dma_start3A_193 : memref<1x1280xf32, #tpu.memory_space<vmem>> -> memref<1280xf32, #tpu.memory_space<vmem>>
    %dma_start3A_195 = tpu.memref_slice %arg16[%dma_start3A_190, %mul3A_0] : memref<16x20480xf32, #tpu.memory_space<vmem_shared>> -> memref<1x1280xf32, #tpu.memory_space<vmem_shared>>
    %dma_start3A_196 = tpu.memref_squeeze %dma_start3A_195 : memref<1x1280xf32, #tpu.memory_space<vmem_shared>> -> memref<1280xf32, #tpu.memory_space<vmem_shared>>
    %dma_start3A_197 = arith.constant 0 : i32
    %dma_start3A_198 = tpu.memref_slice %arg15[%dma_start3A_191, %dma_start3A_197] : memref<16x1280xf32, #tpu.memory_space<vmem>> -> memref<1x1280xf32, #tpu.memory_space<vmem>>
    %dma_start3A_199 = tpu.memref_squeeze %dma_start3A_198 : memref<1x1280xf32, #tpu.memory_space<vmem>> -> memref<1280xf32, #tpu.memory_space<vmem>>
    %dma_start3A_200 = tpu.memref_slice %arg16[%dma_start3A_190, %mul3A_0] : memref<16x20480xf32, #tpu.memory_space<vmem_shared>> -> memref<1x1280xf32, #tpu.memory_space<vmem_shared>>
    %dma_start3A_201 = tpu.memref_squeeze %dma_start3A_200 : memref<1x1280xf32, #tpu.memory_space<vmem_shared>> -> memref<1280xf32, #tpu.memory_space<vmem_shared>>
    tpu.enqueue_dma source(%dma_start3A_201 : memref<1280xf32, #tpu.memory_space<vmem_shared>>) target(%dma_start3A_199 : memref<1280xf32, #tpu.memory_space<vmem>>) target_semaphore(%arg19 : memref<!tpu.dma_semaphore, #tpu.memory_space<semaphore_mem>>)
    %dma_start3A_202 = arith.constant 15 : i32
    %dma_start3A_203 = arith.constant 15 : i32
    %dma_start3A_204 = arith.constant 0 : i32
    %dma_start3A_205 = tpu.memref_slice %arg15[%dma_start3A_203, %dma_start3A_204] : memref<16x1280xf32, #tpu.memory_space<vmem>> -> memref<1x1280xf32, #tpu.memory_space<vmem>>
    %dma_start3A_206 = tpu.memref_squeeze %dma_start3A_205 : memref<1x1280xf32, #tpu.memory_space<vmem>> -> memref<1280xf32, #tpu.memory_space<vmem>>
    %dma_start3A_207 = tpu.memref_slice %arg16[%dma_start3A_202, %mul3A_0] : memref<16x20480xf32, #tpu.memory_space<vmem_shared>> -> memref<1x1280xf32, #tpu.memory_space<vmem_shared>>
    %dma_start3A_208 = tpu.memref_squeeze %dma_start3A_207 : memref<1x1280xf32, #tpu.memory_space<vmem_shared>> -> memref<1280xf32, #tpu.memory_space<vmem_shared>>
    %dma_start3A_209 = arith.constant 0 : i32
    %dma_start3A_210 = tpu.memref_slice %arg15[%dma_start3A_203, %dma_start3A_209] : memref<16x1280xf32, #tpu.memory_space<vmem>> -> memref<1x1280xf32, #tpu.memory_space<vmem>>
    %dma_start3A_211 = tpu.memref_squeeze %dma_start3A_210 : memref<1x1280xf32, #tpu.memory_space<vmem>> -> memref<1280xf32, #tpu.memory_space<vmem>>
    %dma_start3A_212 = tpu.memref_slice %arg16[%dma_start3A_202, %mul3A_0] : memref<16x20480xf32, #tpu.memory_space<vmem_shared>> -> memref<1x1280xf32, #tpu.memory_space<vmem_shared>>
    %dma_start3A_213 = tpu.memref_squeeze %dma_start3A_212 : memref<1x1280xf32, #tpu.memory_space<vmem_shared>> -> memref<1280xf32, #tpu.memory_space<vmem_shared>>
    tpu.enqueue_dma source(%dma_start3A_213 : memref<1280xf32, #tpu.memory_space<vmem_shared>>) target(%dma_start3A_211 : memref<1280xf32, #tpu.memory_space<vmem>>) target_semaphore(%arg19 : memref<!tpu.dma_semaphore, #tpu.memory_space<semaphore_mem>>)
    %dma_wait3A = arith.constant 0 : i32
    %dma_wait3A_214 = arith.constant 0 : i32
    %dma_wait3A_215 = arith.constant 0 : i32
    %dma_wait3A_216 = tpu.memref_slice %arg15[%dma_wait3A_214, %dma_wait3A_215] : memref<16x1280xf32, #tpu.memory_space<vmem>> -> memref<1x1280xf32, #tpu.memory_space<vmem>>
    %dma_wait3A_217 = tpu.memref_squeeze %dma_wait3A_216 : memref<1x1280xf32, #tpu.memory_space<vmem>> -> memref<1280xf32, #tpu.memory_space<vmem>>
    %dma_wait3A_218 = tpu.memref_slice %arg16[%dma_wait3A, %mul3A_0] : memref<16x20480xf32, #tpu.memory_space<vmem_shared>> -> memref<1x1280xf32, #tpu.memory_space<vmem_shared>>
    %dma_wait3A_219 = tpu.memref_squeeze %dma_wait3A_218 : memref<1x1280xf32, #tpu.memory_space<vmem_shared>> -> memref<1280xf32, #tpu.memory_space<vmem_shared>>
    %dma_wait3A_220 = arith.constant 0 : i32
    %dma_wait3A_221 = tpu.memref_slice %arg15[%dma_wait3A_214, %dma_wait3A_220] : memref<16x1280xf32, #tpu.memory_space<vmem>> -> memref<1x1280xf32, #tpu.memory_space<vmem>>
    %dma_wait3A_222 = tpu.memref_squeeze %dma_wait3A_221 : memref<1x1280xf32, #tpu.memory_space<vmem>> -> memref<1280xf32, #tpu.memory_space<vmem>>
    %dma_wait3A_223 = tpu.memref_slice %arg16[%dma_wait3A, %mul3A_0] : memref<16x20480xf32, #tpu.memory_space<vmem_shared>> -> memref<1x1280xf32, #tpu.memory_space<vmem_shared>>
    %dma_wait3A_224 = tpu.memref_squeeze %dma_wait3A_223 : memref<1x1280xf32, #tpu.memory_space<vmem_shared>> -> memref<1280xf32, #tpu.memory_space<vmem_shared>>
    tpu.wait_dma2 semaphore(%arg19 : memref<!tpu.dma_semaphore, #tpu.memory_space<semaphore_mem>>) src(%dma_wait3A_224 : memref<1280xf32, #tpu.memory_space<vmem_shared>>) dst(%dma_wait3A_222 : memref<1280xf32, #tpu.memory_space<vmem>>)
    %dma_wait3A_225 = arith.constant 1 : i32
    %dma_wait3A_226 = arith.constant 1 : i32
    %dma_wait3A_227 = arith.constant 0 : i32
    %dma_wait3A_228 = tpu.memref_slice %arg15[%dma_wait3A_226, %dma_wait3A_227] : memref<16x1280xf32, #tpu.memory_space<vmem>> -> memref<1x1280xf32, #tpu.memory_space<vmem>>
    %dma_wait3A_229 = tpu.memref_squeeze %dma_wait3A_228 : memref<1x1280xf32, #tpu.memory_space<vmem>> -> memref<1280xf32, #tpu.memory_space<vmem>>
    %dma_wait3A_230 = tpu.memref_slice %arg16[%dma_wait3A_225, %mul3A_0] : memref<16x20480xf32, #tpu.memory_space<vmem_shared>> -> memref<1x1280xf32, #tpu.memory_space<vmem_shared>>
    %dma_wait3A_231 = tpu.memref_squeeze %dma_wait3A_230 : memref<1x1280xf32, #tpu.memory_space<vmem_shared>> -> memref<1280xf32, #tpu.memory_space<vmem_shared>>
    %dma_wait3A_232 = arith.constant 0 : i32
    %dma_wait3A_233 = tpu.memref_slice %arg15[%dma_wait3A_226, %dma_wait3A_232] : memref<16x1280xf32, #tpu.memory_space<vmem>> -> memref<1x1280xf32, #tpu.memory_space<vmem>>
    %dma_wait3A_234 = tpu.memref_squeeze %dma_wait3A_233 : memref<1x1280xf32, #tpu.memory_space<vmem>> -> memref<1280xf32, #tpu.memory_space<vmem>>
    %dma_wait3A_235 = tpu.memref_slice %arg16[%dma_wait3A_225, %mul3A_0] : memref<16x20480xf32, #tpu.memory_space<vmem_shared>> -> memref<1x1280xf32, #tpu.memory_space<vmem_shared>>
    %dma_wait3A_236 = tpu.memref_squeeze %dma_wait3A_235 : memref<1x1280xf32, #tpu.memory_space<vmem_shared>> -> memref<1280xf32, #tpu.memory_space<vmem_shared>>
    tpu.wait_dma2 semaphore(%arg19 : memref<!tpu.dma_semaphore, #tpu.memory_space<semaphore_mem>>) src(%dma_wait3A_236 : memref<1280xf32, #tpu.memory_space<vmem_shared>>) dst(%dma_wait3A_234 : memref<1280xf32, #tpu.memory_space<vmem>>)
    %dma_wait3A_237 = arith.constant 2 : i32
    %dma_wait3A_238 = arith.constant 2 : i32
    %dma_wait3A_239 = arith.constant 0 : i32
    %dma_wait3A_240 = tpu.memref_slice %arg15[%dma_wait3A_238, %dma_wait3A_239] : memref<16x1280xf32, #tpu.memory_space<vmem>> -> memref<1x1280xf32, #tpu.memory_space<vmem>>
    %dma_wait3A_241 = tpu.memref_squeeze %dma_wait3A_240 : memref<1x1280xf32, #tpu.memory_space<vmem>> -> memref<1280xf32, #tpu.memory_space<vmem>>
    %dma_wait3A_242 = tpu.memref_slice %arg16[%dma_wait3A_237, %mul3A_0] : memref<16x20480xf32, #tpu.memory_space<vmem_shared>> -> memref<1x1280xf32, #tpu.memory_space<vmem_shared>>
    %dma_wait3A_243 = tpu.memref_squeeze %dma_wait3A_242 : memref<1x1280xf32, #tpu.memory_space<vmem_shared>> -> memref<1280xf32, #tpu.memory_space<vmem_shared>>
    %dma_wait3A_244 = arith.constant 0 : i32
    %dma_wait3A_245 = tpu.memref_slice %arg15[%dma_wait3A_238, %dma_wait3A_244] : memref<16x1280xf32, #tpu.memory_space<vmem>> -> memref<1x1280xf32, #tpu.memory_space<vmem>>
    %dma_wait3A_246 = tpu.memref_squeeze %dma_wait3A_245 : memref<1x1280xf32, #tpu.memory_space<vmem>> -> memref<1280xf32, #tpu.memory_space<vmem>>
    %dma_wait3A_247 = tpu.memref_slice %arg16[%dma_wait3A_237, %mul3A_0] : memref<16x20480xf32, #tpu.memory_space<vmem_shared>> -> memref<1x1280xf32, #tpu.memory_space<vmem_shared>>
    %dma_wait3A_248 = tpu.memref_squeeze %dma_wait3A_247 : memref<1x1280xf32, #tpu.memory_space<vmem_shared>> -> memref<1280xf32, #tpu.memory_space<vmem_shared>>
    tpu.wait_dma2 semaphore(%arg19 : memref<!tpu.dma_semaphore, #tpu.memory_space<semaphore_mem>>) src(%dma_wait3A_248 : memref<1280xf32, #tpu.memory_space<vmem_shared>>) dst(%dma_wait3A_246 : memref<1280xf32, #tpu.memory_space<vmem>>)
    %dma_wait3A_249 = arith.constant 3 : i32
    %dma_wait3A_250 = arith.constant 3 : i32
    %dma_wait3A_251 = arith.constant 0 : i32
    %dma_wait3A_252 = tpu.memref_slice %arg15[%dma_wait3A_250, %dma_wait3A_251] : memref<16x1280xf32, #tpu.memory_space<vmem>> -> memref<1x1280xf32, #tpu.memory_space<vmem>>
    %dma_wait3A_253 = tpu.memref_squeeze %dma_wait3A_252 : memref<1x1280xf32, #tpu.memory_space<vmem>> -> memref<1280xf32, #tpu.memory_space<vmem>>
    %dma_wait3A_254 = tpu.memref_slice %arg16[%dma_wait3A_249, %mul3A_0] : memref<16x20480xf32, #tpu.memory_space<vmem_shared>> -> memref<1x1280xf32, #tpu.memory_space<vmem_shared>>
    %dma_wait3A_255 = tpu.memref_squeeze %dma_wait3A_254 : memref<1x1280xf32, #tpu.memory_space<vmem_shared>> -> memref<1280xf32, #tpu.memory_space<vmem_shared>>
    %dma_wait3A_256 = arith.constant 0 : i32
    %dma_wait3A_257 = tpu.memref_slice %arg15[%dma_wait3A_250, %dma_wait3A_256] : memref<16x1280xf32, #tpu.memory_space<vmem>> -> memref<1x1280xf32, #tpu.memory_space<vmem>>
    %dma_wait3A_258 = tpu.memref_squeeze %dma_wait3A_257 : memref<1x1280xf32, #tpu.memory_space<vmem>> -> memref<1280xf32, #tpu.memory_space<vmem>>
    %dma_wait3A_259 = tpu.memref_slice %arg16[%dma_wait3A_249, %mul3A_0] : memref<16x20480xf32, #tpu.memory_space<vmem_shared>> -> memref<1x1280xf32, #tpu.memory_space<vmem_shared>>
    %dma_wait3A_260 = tpu.memref_squeeze %dma_wait3A_259 : memref<1x1280xf32, #tpu.memory_space<vmem_shared>> -> memref<1280xf32, #tpu.memory_space<vmem_shared>>
    tpu.wait_dma2 semaphore(%arg19 : memref<!tpu.dma_semaphore, #tpu.memory_space<semaphore_mem>>) src(%dma_wait3A_260 : memref<1280xf32, #tpu.memory_space<vmem_shared>>) dst(%dma_wait3A_258 : memref<1280xf32, #tpu.memory_space<vmem>>)
    %dma_wait3A_261 = arith.constant 4 : i32
    %dma_wait3A_262 = arith.constant 4 : i32
    %dma_wait3A_263 = arith.constant 0 : i32
    %dma_wait3A_264 = tpu.memref_slice %arg15[%dma_wait3A_262, %dma_wait3A_263] : memref<16x1280xf32, #tpu.memory_space<vmem>> -> memref<1x1280xf32, #tpu.memory_space<vmem>>
    %dma_wait3A_265 = tpu.memref_squeeze %dma_wait3A_264 : memref<1x1280xf32, #tpu.memory_space<vmem>> -> memref<1280xf32, #tpu.memory_space<vmem>>
    %dma_wait3A_266 = tpu.memref_slice %arg16[%dma_wait3A_261, %mul3A_0] : memref<16x20480xf32, #tpu.memory_space<vmem_shared>> -> memref<1x1280xf32, #tpu.memory_space<vmem_shared>>
    %dma_wait3A_267 = tpu.memref_squeeze %dma_wait3A_266 : memref<1x1280xf32, #tpu.memory_space<vmem_shared>> -> memref<1280xf32, #tpu.memory_space<vmem_shared>>
    %dma_wait3A_268 = arith.constant 0 : i32
    %dma_wait3A_269 = tpu.memref_slice %arg15[%dma_wait3A_262, %dma_wait3A_268] : memref<16x1280xf32, #tpu.memory_space<vmem>> -> memref<1x1280xf32, #tpu.memory_space<vmem>>
    %dma_wait3A_270 = tpu.memref_squeeze %dma_wait3A_269 : memref<1x1280xf32, #tpu.memory_space<vmem>> -> memref<1280xf32, #tpu.memory_space<vmem>>
    %dma_wait3A_271 = tpu.memref_slice %arg16[%dma_wait3A_261, %mul3A_0] : memref<16x20480xf32, #tpu.memory_space<vmem_shared>> -> memref<1x1280xf32, #tpu.memory_space<vmem_shared>>
    %dma_wait3A_272 = tpu.memref_squeeze %dma_wait3A_271 : memref<1x1280xf32, #tpu.memory_space<vmem_shared>> -> memref<1280xf32, #tpu.memory_space<vmem_shared>>
    tpu.wait_dma2 semaphore(%arg19 : memref<!tpu.dma_semaphore, #tpu.memory_space<semaphore_mem>>) src(%dma_wait3A_272 : memref<1280xf32, #tpu.memory_space<vmem_shared>>) dst(%dma_wait3A_270 : memref<1280xf32, #tpu.memory_space<vmem>>)
    %dma_wait3A_273 = arith.constant 5 : i32
    %dma_wait3A_274 = arith.constant 5 : i32
    %dma_wait3A_275 = arith.constant 0 : i32
    %dma_wait3A_276 = tpu.memref_slice %arg15[%dma_wait3A_274, %dma_wait3A_275] : memref<16x1280xf32, #tpu.memory_space<vmem>> -> memref<1x1280xf32, #tpu.memory_space<vmem>>
    %dma_wait3A_277 = tpu.memref_squeeze %dma_wait3A_276 : memref<1x1280xf32, #tpu.memory_space<vmem>> -> memref<1280xf32, #tpu.memory_space<vmem>>
    %dma_wait3A_278 = tpu.memref_slice %arg16[%dma_wait3A_273, %mul3A_0] : memref<16x20480xf32, #tpu.memory_space<vmem_shared>> -> memref<1x1280xf32, #tpu.memory_space<vmem_shared>>
    %dma_wait3A_279 = tpu.memref_squeeze %dma_wait3A_278 : memref<1x1280xf32, #tpu.memory_space<vmem_shared>> -> memref<1280xf32, #tpu.memory_space<vmem_shared>>
    %dma_wait3A_280 = arith.constant 0 : i32
    %dma_wait3A_281 = tpu.memref_slice %arg15[%dma_wait3A_274, %dma_wait3A_280] : memref<16x1280xf32, #tpu.memory_space<vmem>> -> memref<1x1280xf32, #tpu.memory_space<vmem>>
    %dma_wait3A_282 = tpu.memref_squeeze %dma_wait3A_281 : memref<1x1280xf32, #tpu.memory_space<vmem>> -> memref<1280xf32, #tpu.memory_space<vmem>>
    %dma_wait3A_283 = tpu.memref_slice %arg16[%dma_wait3A_273, %mul3A_0] : memref<16x20480xf32, #tpu.memory_space<vmem_shared>> -> memref<1x1280xf32, #tpu.memory_space<vmem_shared>>
    %dma_wait3A_284 = tpu.memref_squeeze %dma_wait3A_283 : memref<1x1280xf32, #tpu.memory_space<vmem_shared>> -> memref<1280xf32, #tpu.memory_space<vmem_shared>>
    tpu.wait_dma2 semaphore(%arg19 : memref<!tpu.dma_semaphore, #tpu.memory_space<semaphore_mem>>) src(%dma_wait3A_284 : memref<1280xf32, #tpu.memory_space<vmem_shared>>) dst(%dma_wait3A_282 : memref<1280xf32, #tpu.memory_space<vmem>>)
    %dma_wait3A_285 = arith.constant 6 : i32
    %dma_wait3A_286 = arith.constant 6 : i32
    %dma_wait3A_287 = arith.constant 0 : i32
    %dma_wait3A_288 = tpu.memref_slice %arg15[%dma_wait3A_286, %dma_wait3A_287] : memref<16x1280xf32, #tpu.memory_space<vmem>> -> memref<1x1280xf32, #tpu.memory_space<vmem>>
    %dma_wait3A_289 = tpu.memref_squeeze %dma_wait3A_288 : memref<1x1280xf32, #tpu.memory_space<vmem>> -> memref<1280xf32, #tpu.memory_space<vmem>>
    %dma_wait3A_290 = tpu.memref_slice %arg16[%dma_wait3A_285, %mul3A_0] : memref<16x20480xf32, #tpu.memory_space<vmem_shared>> -> memref<1x1280xf32, #tpu.memory_space<vmem_shared>>
    %dma_wait3A_291 = tpu.memref_squeeze %dma_wait3A_290 : memref<1x1280xf32, #tpu.memory_space<vmem_shared>> -> memref<1280xf32, #tpu.memory_space<vmem_shared>>
    %dma_wait3A_292 = arith.constant 0 : i32
    %dma_wait3A_293 = tpu.memref_slice %arg15[%dma_wait3A_286, %dma_wait3A_292] : memref<16x1280xf32, #tpu.memory_space<vmem>> -> memref<1x1280xf32, #tpu.memory_space<vmem>>
    %dma_wait3A_294 = tpu.memref_squeeze %dma_wait3A_293 : memref<1x1280xf32, #tpu.memory_space<vmem>> -> memref<1280xf32, #tpu.memory_space<vmem>>
    %dma_wait3A_295 = tpu.memref_slice %arg16[%dma_wait3A_285, %mul3A_0] : memref<16x20480xf32, #tpu.memory_space<vmem_shared>> -> memref<1x1280xf32, #tpu.memory_space<vmem_shared>>
    %dma_wait3A_296 = tpu.memref_squeeze %dma_wait3A_295 : memref<1x1280xf32, #tpu.memory_space<vmem_shared>> -> memref<1280xf32, #tpu.memory_space<vmem_shared>>
    tpu.wait_dma2 semaphore(%arg19 : memref<!tpu.dma_semaphore, #tpu.memory_space<semaphore_mem>>) src(%dma_wait3A_296 : memref<1280xf32, #tpu.memory_space<vmem_shared>>) dst(%dma_wait3A_294 : memref<1280xf32, #tpu.memory_space<vmem>>)
    %dma_wait3A_297 = arith.constant 7 : i32
    %dma_wait3A_298 = arith.constant 7 : i32
    %dma_wait3A_299 = arith.constant 0 : i32
    %dma_wait3A_300 = tpu.memref_slice %arg15[%dma_wait3A_298, %dma_wait3A_299] : memref<16x1280xf32, #tpu.memory_space<vmem>> -> memref<1x1280xf32, #tpu.memory_space<vmem>>
    %dma_wait3A_301 = tpu.memref_squeeze %dma_wait3A_300 : memref<1x1280xf32, #tpu.memory_space<vmem>> -> memref<1280xf32, #tpu.memory_space<vmem>>
    %dma_wait3A_302 = tpu.memref_slice %arg16[%dma_wait3A_297, %mul3A_0] : memref<16x20480xf32, #tpu.memory_space<vmem_shared>> -> memref<1x1280xf32, #tpu.memory_space<vmem_shared>>
    %dma_wait3A_303 = tpu.memref_squeeze %dma_wait3A_302 : memref<1x1280xf32, #tpu.memory_space<vmem_shared>> -> memref<1280xf32, #tpu.memory_space<vmem_shared>>
    %dma_wait3A_304 = arith.constant 0 : i32
    %dma_wait3A_305 = tpu.memref_slice %arg15[%dma_wait3A_298, %dma_wait3A_304] : memref<16x1280xf32, #tpu.memory_space<vmem>> -> memref<1x1280xf32, #tpu.memory_space<vmem>>
    %dma_wait3A_306 = tpu.memref_squeeze %dma_wait3A_305 : memref<1x1280xf32, #tpu.memory_space<vmem>> -> memref<1280xf32, #tpu.memory_space<vmem>>
    %dma_wait3A_307 = tpu.memref_slice %arg16[%dma_wait3A_297, %mul3A_0] : memref<16x20480xf32, #tpu.memory_space<vmem_shared>> -> memref<1x1280xf32, #tpu.memory_space<vmem_shared>>
    %dma_wait3A_308 = tpu.memref_squeeze %dma_wait3A_307 : memref<1x1280xf32, #tpu.memory_space<vmem_shared>> -> memref<1280xf32, #tpu.memory_space<vmem_shared>>
    tpu.wait_dma2 semaphore(%arg19 : memref<!tpu.dma_semaphore, #tpu.memory_space<semaphore_mem>>) src(%dma_wait3A_308 : memref<1280xf32, #tpu.memory_space<vmem_shared>>) dst(%dma_wait3A_306 : memref<1280xf32, #tpu.memory_space<vmem>>)
    %dma_wait3A_309 = arith.constant 8 : i32
    %dma_wait3A_310 = arith.constant 8 : i32
    %dma_wait3A_311 = arith.constant 0 : i32
    %dma_wait3A_312 = tpu.memref_slice %arg15[%dma_wait3A_310, %dma_wait3A_311] : memref<16x1280xf32, #tpu.memory_space<vmem>> -> memref<1x1280xf32, #tpu.memory_space<vmem>>
    %dma_wait3A_313 = tpu.memref_squeeze %dma_wait3A_312 : memref<1x1280xf32, #tpu.memory_space<vmem>> -> memref<1280xf32, #tpu.memory_space<vmem>>
    %dma_wait3A_314 = tpu.memref_slice %arg16[%dma_wait3A_309, %mul3A_0] : memref<16x20480xf32, #tpu.memory_space<vmem_shared>> -> memref<1x1280xf32, #tpu.memory_space<vmem_shared>>
    %dma_wait3A_315 = tpu.memref_squeeze %dma_wait3A_314 : memref<1x1280xf32, #tpu.memory_space<vmem_shared>> -> memref<1280xf32, #tpu.memory_space<vmem_shared>>
    %dma_wait3A_316 = arith.constant 0 : i32
    %dma_wait3A_317 = tpu.memref_slice %arg15[%dma_wait3A_310, %dma_wait3A_316] : memref<16x1280xf32, #tpu.memory_space<vmem>> -> memref<1x1280xf32, #tpu.memory_space<vmem>>
    %dma_wait3A_318 = tpu.memref_squeeze %dma_wait3A_317 : memref<1x1280xf32, #tpu.memory_space<vmem>> -> memref<1280xf32, #tpu.memory_space<vmem>>
    %dma_wait3A_319 = tpu.memref_slice %arg16[%dma_wait3A_309, %mul3A_0] : memref<16x20480xf32, #tpu.memory_space<vmem_shared>> -> memref<1x1280xf32, #tpu.memory_space<vmem_shared>>
    %dma_wait3A_320 = tpu.memref_squeeze %dma_wait3A_319 : memref<1x1280xf32, #tpu.memory_space<vmem_shared>> -> memref<1280xf32, #tpu.memory_space<vmem_shared>>
    tpu.wait_dma2 semaphore(%arg19 : memref<!tpu.dma_semaphore, #tpu.memory_space<semaphore_mem>>) src(%dma_wait3A_320 : memref<1280xf32, #tpu.memory_space<vmem_shared>>) dst(%dma_wait3A_318 : memref<1280xf32, #tpu.memory_space<vmem>>)
    %dma_wait3A_321 = arith.constant 9 : i32
    %dma_wait3A_322 = arith.constant 9 : i32
    %dma_wait3A_323 = arith.constant 0 : i32
    %dma_wait3A_324 = tpu.memref_slice %arg15[%dma_wait3A_322, %dma_wait3A_323] : memref<16x1280xf32, #tpu.memory_space<vmem>> -> memref<1x1280xf32, #tpu.memory_space<vmem>>
    %dma_wait3A_325 = tpu.memref_squeeze %dma_wait3A_324 : memref<1x1280xf32, #tpu.memory_space<vmem>> -> memref<1280xf32, #tpu.memory_space<vmem>>
    %dma_wait3A_326 = tpu.memref_slice %arg16[%dma_wait3A_321, %mul3A_0] : memref<16x20480xf32, #tpu.memory_space<vmem_shared>> -> memref<1x1280xf32, #tpu.memory_space<vmem_shared>>
    %dma_wait3A_327 = tpu.memref_squeeze %dma_wait3A_326 : memref<1x1280xf32, #tpu.memory_space<vmem_shared>> -> memref<1280xf32, #tpu.memory_space<vmem_shared>>
    %dma_wait3A_328 = arith.constant 0 : i32
    %dma_wait3A_329 = tpu.memref_slice %arg15[%dma_wait3A_322, %dma_wait3A_328] : memref<16x1280xf32, #tpu.memory_space<vmem>> -> memref<1x1280xf32, #tpu.memory_space<vmem>>
    %dma_wait3A_330 = tpu.memref_squeeze %dma_wait3A_329 : memref<1x1280xf32, #tpu.memory_space<vmem>> -> memref<1280xf32, #tpu.memory_space<vmem>>
    %dma_wait3A_331 = tpu.memref_slice %arg16[%dma_wait3A_321, %mul3A_0] : memref<16x20480xf32, #tpu.memory_space<vmem_shared>> -> memref<1x1280xf32, #tpu.memory_space<vmem_shared>>
    %dma_wait3A_332 = tpu.memref_squeeze %dma_wait3A_331 : memref<1x1280xf32, #tpu.memory_space<vmem_shared>> -> memref<1280xf32, #tpu.memory_space<vmem_shared>>
    tpu.wait_dma2 semaphore(%arg19 : memref<!tpu.dma_semaphore, #tpu.memory_space<semaphore_mem>>) src(%dma_wait3A_332 : memref<1280xf32, #tpu.memory_space<vmem_shared>>) dst(%dma_wait3A_330 : memref<1280xf32, #tpu.memory_space<vmem>>)
    %dma_wait3A_333 = arith.constant 10 : i32
    %dma_wait3A_334 = arith.constant 10 : i32
    %dma_wait3A_335 = arith.constant 0 : i32
    %dma_wait3A_336 = tpu.memref_slice %arg15[%dma_wait3A_334, %dma_wait3A_335] : memref<16x1280xf32, #tpu.memory_space<vmem>> -> memref<1x1280xf32, #tpu.memory_space<vmem>>
    %dma_wait3A_337 = tpu.memref_squeeze %dma_wait3A_336 : memref<1x1280xf32, #tpu.memory_space<vmem>> -> memref<1280xf32, #tpu.memory_space<vmem>>
    %dma_wait3A_338 = tpu.memref_slice %arg16[%dma_wait3A_333, %mul3A_0] : memref<16x20480xf32, #tpu.memory_space<vmem_shared>> -> memref<1x1280xf32, #tpu.memory_space<vmem_shared>>
    %dma_wait3A_339 = tpu.memref_squeeze %dma_wait3A_338 : memref<1x1280xf32, #tpu.memory_space<vmem_shared>> -> memref<1280xf32, #tpu.memory_space<vmem_shared>>
    %dma_wait3A_340 = arith.constant 0 : i32
    %dma_wait3A_341 = tpu.memref_slice %arg15[%dma_wait3A_334, %dma_wait3A_340] : memref<16x1280xf32, #tpu.memory_space<vmem>> -> memref<1x1280xf32, #tpu.memory_space<vmem>>
    %dma_wait3A_342 = tpu.memref_squeeze %dma_wait3A_341 : memref<1x1280xf32, #tpu.memory_space<vmem>> -> memref<1280xf32, #tpu.memory_space<vmem>>
    %dma_wait3A_343 = tpu.memref_slice %arg16[%dma_wait3A_333, %mul3A_0] : memref<16x20480xf32, #tpu.memory_space<vmem_shared>> -> memref<1x1280xf32, #tpu.memory_space<vmem_shared>>
    %dma_wait3A_344 = tpu.memref_squeeze %dma_wait3A_343 : memref<1x1280xf32, #tpu.memory_space<vmem_shared>> -> memref<1280xf32, #tpu.memory_space<vmem_shared>>
    tpu.wait_dma2 semaphore(%arg19 : memref<!tpu.dma_semaphore, #tpu.memory_space<semaphore_mem>>) src(%dma_wait3A_344 : memref<1280xf32, #tpu.memory_space<vmem_shared>>) dst(%dma_wait3A_342 : memref<1280xf32, #tpu.memory_space<vmem>>)
    %dma_wait3A_345 = arith.constant 11 : i32
    %dma_wait3A_346 = arith.constant 11 : i32
    %dma_wait3A_347 = arith.constant 0 : i32
    %dma_wait3A_348 = tpu.memref_slice %arg15[%dma_wait3A_346, %dma_wait3A_347] : memref<16x1280xf32, #tpu.memory_space<vmem>> -> memref<1x1280xf32, #tpu.memory_space<vmem>>
    %dma_wait3A_349 = tpu.memref_squeeze %dma_wait3A_348 : memref<1x1280xf32, #tpu.memory_space<vmem>> -> memref<1280xf32, #tpu.memory_space<vmem>>
    %dma_wait3A_350 = tpu.memref_slice %arg16[%dma_wait3A_345, %mul3A_0] : memref<16x20480xf32, #tpu.memory_space<vmem_shared>> -> memref<1x1280xf32, #tpu.memory_space<vmem_shared>>
    %dma_wait3A_351 = tpu.memref_squeeze %dma_wait3A_350 : memref<1x1280xf32, #tpu.memory_space<vmem_shared>> -> memref<1280xf32, #tpu.memory_space<vmem_shared>>
    %dma_wait3A_352 = arith.constant 0 : i32
    %dma_wait3A_353 = tpu.memref_slice %arg15[%dma_wait3A_346, %dma_wait3A_352] : memref<16x1280xf32, #tpu.memory_space<vmem>> -> memref<1x1280xf32, #tpu.memory_space<vmem>>
    %dma_wait3A_354 = tpu.memref_squeeze %dma_wait3A_353 : memref<1x1280xf32, #tpu.memory_space<vmem>> -> memref<1280xf32, #tpu.memory_space<vmem>>
    %dma_wait3A_355 = tpu.memref_slice %arg16[%dma_wait3A_345, %mul3A_0] : memref<16x20480xf32, #tpu.memory_space<vmem_shared>> -> memref<1x1280xf32, #tpu.memory_space<vmem_shared>>
    %dma_wait3A_356 = tpu.memref_squeeze %dma_wait3A_355 : memref<1x1280xf32, #tpu.memory_space<vmem_shared>> -> memref<1280xf32, #tpu.memory_space<vmem_shared>>
    tpu.wait_dma2 semaphore(%arg19 : memref<!tpu.dma_semaphore, #tpu.memory_space<semaphore_mem>>) src(%dma_wait3A_356 : memref<1280xf32, #tpu.memory_space<vmem_shared>>) dst(%dma_wait3A_354 : memref<1280xf32, #tpu.memory_space<vmem>>)
    %dma_wait3A_357 = arith.constant 12 : i32
    %dma_wait3A_358 = arith.constant 12 : i32
    %dma_wait3A_359 = arith.constant 0 : i32
    %dma_wait3A_360 = tpu.memref_slice %arg15[%dma_wait3A_358, %dma_wait3A_359] : memref<16x1280xf32, #tpu.memory_space<vmem>> -> memref<1x1280xf32, #tpu.memory_space<vmem>>
    %dma_wait3A_361 = tpu.memref_squeeze %dma_wait3A_360 : memref<1x1280xf32, #tpu.memory_space<vmem>> -> memref<1280xf32, #tpu.memory_space<vmem>>
    %dma_wait3A_362 = tpu.memref_slice %arg16[%dma_wait3A_357, %mul3A_0] : memref<16x20480xf32, #tpu.memory_space<vmem_shared>> -> memref<1x1280xf32, #tpu.memory_space<vmem_shared>>
    %dma_wait3A_363 = tpu.memref_squeeze %dma_wait3A_362 : memref<1x1280xf32, #tpu.memory_space<vmem_shared>> -> memref<1280xf32, #tpu.memory_space<vmem_shared>>
    %dma_wait3A_364 = arith.constant 0 : i32
    %dma_wait3A_365 = tpu.memref_slice %arg15[%dma_wait3A_358, %dma_wait3A_364] : memref<16x1280xf32, #tpu.memory_space<vmem>> -> memref<1x1280xf32, #tpu.memory_space<vmem>>
    %dma_wait3A_366 = tpu.memref_squeeze %dma_wait3A_365 : memref<1x1280xf32, #tpu.memory_space<vmem>> -> memref<1280xf32, #tpu.memory_space<vmem>>
    %dma_wait3A_367 = tpu.memref_slice %arg16[%dma_wait3A_357, %mul3A_0] : memref<16x20480xf32, #tpu.memory_space<vmem_shared>> -> memref<1x1280xf32, #tpu.memory_space<vmem_shared>>
    %dma_wait3A_368 = tpu.memref_squeeze %dma_wait3A_367 : memref<1x1280xf32, #tpu.memory_space<vmem_shared>> -> memref<1280xf32, #tpu.memory_space<vmem_shared>>
    tpu.wait_dma2 semaphore(%arg19 : memref<!tpu.dma_semaphore, #tpu.memory_space<semaphore_mem>>) src(%dma_wait3A_368 : memref<1280xf32, #tpu.memory_space<vmem_shared>>) dst(%dma_wait3A_366 : memref<1280xf32, #tpu.memory_space<vmem>>)
    %dma_wait3A_369 = arith.constant 13 : i32
    %dma_wait3A_370 = arith.constant 13 : i32
    %dma_wait3A_371 = arith.constant 0 : i32
    %dma_wait3A_372 = tpu.memref_slice %arg15[%dma_wait3A_370, %dma_wait3A_371] : memref<16x1280xf32, #tpu.memory_space<vmem>> -> memref<1x1280xf32, #tpu.memory_space<vmem>>
    %dma_wait3A_373 = tpu.memref_squeeze %dma_wait3A_372 : memref<1x1280xf32, #tpu.memory_space<vmem>> -> memref<1280xf32, #tpu.memory_space<vmem>>
    %dma_wait3A_374 = tpu.memref_slice %arg16[%dma_wait3A_369, %mul3A_0] : memref<16x20480xf32, #tpu.memory_space<vmem_shared>> -> memref<1x1280xf32, #tpu.memory_space<vmem_shared>>
    %dma_wait3A_375 = tpu.memref_squeeze %dma_wait3A_374 : memref<1x1280xf32, #tpu.memory_space<vmem_shared>> -> memref<1280xf32, #tpu.memory_space<vmem_shared>>
    %dma_wait3A_376 = arith.constant 0 : i32
    %dma_wait3A_377 = tpu.memref_slice %arg15[%dma_wait3A_370, %dma_wait3A_376] : memref<16x1280xf32, #tpu.memory_space<vmem>> -> memref<1x1280xf32, #tpu.memory_space<vmem>>
    %dma_wait3A_378 = tpu.memref_squeeze %dma_wait3A_377 : memref<1x1280xf32, #tpu.memory_space<vmem>> -> memref<1280xf32, #tpu.memory_space<vmem>>
    %dma_wait3A_379 = tpu.memref_slice %arg16[%dma_wait3A_369, %mul3A_0] : memref<16x20480xf32, #tpu.memory_space<vmem_shared>> -> memref<1x1280xf32, #tpu.memory_space<vmem_shared>>
    %dma_wait3A_380 = tpu.memref_squeeze %dma_wait3A_379 : memref<1x1280xf32, #tpu.memory_space<vmem_shared>> -> memref<1280xf32, #tpu.memory_space<vmem_shared>>
    tpu.wait_dma2 semaphore(%arg19 : memref<!tpu.dma_semaphore, #tpu.memory_space<semaphore_mem>>) src(%dma_wait3A_380 : memref<1280xf32, #tpu.memory_space<vmem_shared>>) dst(%dma_wait3A_378 : memref<1280xf32, #tpu.memory_space<vmem>>)
    %dma_wait3A_381 = arith.constant 14 : i32
    %dma_wait3A_382 = arith.constant 14 : i32
    %dma_wait3A_383 = arith.constant 0 : i32
    %dma_wait3A_384 = tpu.memref_slice %arg15[%dma_wait3A_382, %dma_wait3A_383] : memref<16x1280xf32, #tpu.memory_space<vmem>> -> memref<1x1280xf32, #tpu.memory_space<vmem>>
    %dma_wait3A_385 = tpu.memref_squeeze %dma_wait3A_384 : memref<1x1280xf32, #tpu.memory_space<vmem>> -> memref<1280xf32, #tpu.memory_space<vmem>>
    %dma_wait3A_386 = tpu.memref_slice %arg16[%dma_wait3A_381, %mul3A_0] : memref<16x20480xf32, #tpu.memory_space<vmem_shared>> -> memref<1x1280xf32, #tpu.memory_space<vmem_shared>>
    %dma_wait3A_387 = tpu.memref_squeeze %dma_wait3A_386 : memref<1x1280xf32, #tpu.memory_space<vmem_shared>> -> memref<1280xf32, #tpu.memory_space<vmem_shared>>
    %dma_wait3A_388 = arith.constant 0 : i32
    %dma_wait3A_389 = tpu.memref_slice %arg15[%dma_wait3A_382, %dma_wait3A_388] : memref<16x1280xf32, #tpu.memory_space<vmem>> -> memref<1x1280xf32, #tpu.memory_space<vmem>>
    %dma_wait3A_390 = tpu.memref_squeeze %dma_wait3A_389 : memref<1x1280xf32, #tpu.memory_space<vmem>> -> memref<1280xf32, #tpu.memory_space<vmem>>
    %dma_wait3A_391 = tpu.memref_slice %arg16[%dma_wait3A_381, %mul3A_0] : memref<16x20480xf32, #tpu.memory_space<vmem_shared>> -> memref<1x1280xf32, #tpu.memory_space<vmem_shared>>
    %dma_wait3A_392 = tpu.memref_squeeze %dma_wait3A_391 : memref<1x1280xf32, #tpu.memory_space<vmem_shared>> -> memref<1280xf32, #tpu.memory_space<vmem_shared>>
    tpu.wait_dma2 semaphore(%arg19 : memref<!tpu.dma_semaphore, #tpu.memory_space<semaphore_mem>>) src(%dma_wait3A_392 : memref<1280xf32, #tpu.memory_space<vmem_shared>>) dst(%dma_wait3A_390 : memref<1280xf32, #tpu.memory_space<vmem>>)
    %dma_wait3A_393 = arith.constant 15 : i32
    %dma_wait3A_394 = arith.constant 15 : i32
    %dma_wait3A_395 = arith.constant 0 : i32
    %dma_wait3A_396 = tpu.memref_slice %arg15[%dma_wait3A_394, %dma_wait3A_395] : memref<16x1280xf32, #tpu.memory_space<vmem>> -> memref<1x1280xf32, #tpu.memory_space<vmem>>
    %dma_wait3A_397 = tpu.memref_squeeze %dma_wait3A_396 : memref<1x1280xf32, #tpu.memory_space<vmem>> -> memref<1280xf32, #tpu.memory_space<vmem>>
    %dma_wait3A_398 = tpu.memref_slice %arg16[%dma_wait3A_393, %mul3A_0] : memref<16x20480xf32, #tpu.memory_space<vmem_shared>> -> memref<1x1280xf32, #tpu.memory_space<vmem_shared>>
    %dma_wait3A_399 = tpu.memref_squeeze %dma_wait3A_398 : memref<1x1280xf32, #tpu.memory_space<vmem_shared>> -> memref<1280xf32, #tpu.memory_space<vmem_shared>>
    %dma_wait3A_400 = arith.constant 0 : i32
    %dma_wait3A_401 = tpu.memref_slice %arg15[%dma_wait3A_394, %dma_wait3A_400] : memref<16x1280xf32, #tpu.memory_space<vmem>> -> memref<1x1280xf32, #tpu.memory_space<vmem>>
    %dma_wait3A_402 = tpu.memref_squeeze %dma_wait3A_401 : memref<1x1280xf32, #tpu.memory_space<vmem>> -> memref<1280xf32, #tpu.memory_space<vmem>>
    %dma_wait3A_403 = tpu.memref_slice %arg16[%dma_wait3A_393, %mul3A_0] : memref<16x20480xf32, #tpu.memory_space<vmem_shared>> -> memref<1x1280xf32, #tpu.memory_space<vmem_shared>>
    %dma_wait3A_404 = tpu.memref_squeeze %dma_wait3A_403 : memref<1x1280xf32, #tpu.memory_space<vmem_shared>> -> memref<1280xf32, #tpu.memory_space<vmem_shared>>
    tpu.wait_dma2 semaphore(%arg19 : memref<!tpu.dma_semaphore, #tpu.memory_space<semaphore_mem>>) src(%dma_wait3A_404 : memref<1280xf32, #tpu.memory_space<vmem_shared>>) dst(%dma_wait3A_402 : memref<1280xf32, #tpu.memory_space<vmem>>)
    %barrier3A_405 = arith.constant 0 : index
    tpu.barrier barrier_id(%barrier3A_405)
    %dma_wait3A_406 = tpu.memref_slice %arg2[%arg0, %mul3A_0] : memref<2x20480xf32, #tpu.memory_space<hbm>> -> memref<1x1280xf32, #tpu.memory_space<hbm>>
    %dma_wait3A_407 = tpu.memref_squeeze %dma_wait3A_406 : memref<1x1280xf32, #tpu.memory_space<hbm>> -> memref<1280xf32, #tpu.memory_space<hbm>>
    %dma_wait3A_408 = tpu.memref_slice %arg2[%arg0, %mul3A_0] : memref<2x20480xf32, #tpu.memory_space<hbm>> -> memref<1x1280xf32, #tpu.memory_space<hbm>>
    %dma_wait3A_409 = tpu.memref_squeeze %dma_wait3A_408 : memref<1x1280xf32, #tpu.memory_space<hbm>> -> memref<1280xf32, #tpu.memory_space<hbm>>
    tpu.wait_dma2 semaphore(%arg18 : memref<!tpu.dma_semaphore, #tpu.memory_space<semaphore_mem>>) src(%dma_wait3A_409 : memref<1280xf32, #tpu.memory_space<hbm>>) dst(%arg11 : memref<1280xf32, #tpu.memory_space<vmem>>)
    %scan3A_410 = arith.constant 0 : i32
    %scan3A_411 = arith.constant 0 : i32
    %scan3A_412 = arith.constant 80 : i32
    %scan3A_413 = arith.addi %scan3A_411, %scan3A_412 : i32
    %scan3A_414 = arith.constant 1 : i32
    scf.for %scan3A_1238 = %scan3A_411 to %scan3A_413 step %scan3A_414  : i32 {
      %mul3A_1239 = arith.constant 16 : i32
      %mul3A_1240 = arith.muli %scan3A_1238, %mul3A_1239 : i32
      %get3A = arith.constant 0 : i32
      %get3A_1241 = arith.index_cast %get3A : i32 to index
      %get3A_1242 = arith.index_cast %mul3A_1240 : i32 to index
      %get3A_1243 = tpu.vector_load %arg15[%get3A_1241, %get3A_1242] {strides = array<i32>} : memref<16x1280xf32, #tpu.memory_space<vmem>>, vector<16xf32>,
      %add3A = arith.constant 1.000000e+00 : f32
      %add3A_1244 = vector.broadcast %add3A : f32 to vector<16xf32>
      %add3A_1245 = arith.addf %get3A_1243, %add3A_1244 : vector<16xf32>
      %get3A_1246 = arith.constant 1 : i32
      %get3A_1247 = arith.index_cast %get3A_1246 : i32 to index
      %get3A_1248 = arith.index_cast %mul3A_1240 : i32 to index
      %get3A_1249 = tpu.vector_load %arg15[%get3A_1247, %get3A_1248] {strides = array<i32>} : memref<16x1280xf32, #tpu.memory_space<vmem>>, vector<16xf32>,
      %add3A_1250 = arith.addf %add3A_1245, %get3A_1249 : vector<16xf32>
      %get3A_1251 = arith.constant 2 : i32
      %get3A_1252 = arith.index_cast %get3A_1251 : i32 to index
      %get3A_1253 = arith.index_cast %mul3A_1240 : i32 to index
      %get3A_1254 = tpu.vector_load %arg15[%get3A_1252, %get3A_1253] {strides = array<i32>} : memref<16x1280xf32, #tpu.memory_space<vmem>>, vector<16xf32>,
      %add3A_1255 = arith.addf %add3A_1250, %get3A_1254 : vector<16xf32>
      %get3A_1256 = arith.constant 3 : i32
      %get3A_1257 = arith.index_cast %get3A_1256 : i32 to index
      %get3A_1258 = arith.index_cast %mul3A_1240 : i32 to index
      %get3A_1259 = tpu.vector_load %arg15[%get3A_1257, %get3A_1258] {strides = array<i32>} : memref<16x1280xf32, #tpu.memory_space<vmem>>, vector<16xf32>,
      %add3A_1260 = arith.addf %add3A_1255, %get3A_1259 : vector<16xf32>
      %get3A_1261 = arith.constant 4 : i32
      %get3A_1262 = arith.index_cast %get3A_1261 : i32 to index
      %get3A_1263 = arith.index_cast %mul3A_1240 : i32 to index
      %get3A_1264 = tpu.vector_load %arg15[%get3A_1262, %get3A_1263] {strides = array<i32>} : memref<16x1280xf32, #tpu.memory_space<vmem>>, vector<16xf32>,
      %add3A_1265 = arith.addf %add3A_1260, %get3A_1264 : vector<16xf32>
      %get3A_1266 = arith.constant 5 : i32
      %get3A_1267 = arith.index_cast %get3A_1266 : i32 to index
      %get3A_1268 = arith.index_cast %mul3A_1240 : i32 to index
      %get3A_1269 = tpu.vector_load %arg15[%get3A_1267, %get3A_1268] {strides = array<i32>} : memref<16x1280xf32, #tpu.memory_space<vmem>>, vector<16xf32>,
      %add3A_1270 = arith.addf %add3A_1265, %get3A_1269 : vector<16xf32>
      %get3A_1271 = arith.constant 6 : i32
      %get3A_1272 = arith.index_cast %get3A_1271 : i32 to index
      %get3A_1273 = arith.index_cast %mul3A_1240 : i32 to index
      %get3A_1274 = tpu.vector_load %arg15[%get3A_1272, %get3A_1273] {strides = array<i32>} : memref<16x1280xf32, #tpu.memory_space<vmem>>, vector<16xf32>,
      %add3A_1275 = arith.addf %add3A_1270, %get3A_1274 : vector<16xf32>
      %get3A_1276 = arith.constant 7 : i32
      %get3A_1277 = arith.index_cast %get3A_1276 : i32 to index
      %get3A_1278 = arith.index_cast %mul3A_1240 : i32 to index
      %get3A_1279 = tpu.vector_load %arg15[%get3A_1277, %get3A_1278] {strides = array<i32>} : memref<16x1280xf32, #tpu.memory_space<vmem>>, vector<16xf32>,
      %add3A_1280 = arith.addf %add3A_1275, %get3A_1279 : vector<16xf32>
      %get3A_1281 = arith.constant 8 : i32
      %get3A_1282 = arith.index_cast %get3A_1281 : i32 to index
      %get3A_1283 = arith.index_cast %mul3A_1240 : i32 to index
      %get3A_1284 = tpu.vector_load %arg15[%get3A_1282, %get3A_1283] {strides = array<i32>} : memref<16x1280xf32, #tpu.memory_space<vmem>>, vector<16xf32>,
      %add3A_1285 = arith.addf %add3A_1280, %get3A_1284 : vector<16xf32>
      %get3A_1286 = arith.constant 9 : i32
      %get3A_1287 = arith.index_cast %get3A_1286 : i32 to index
      %get3A_1288 = arith.index_cast %mul3A_1240 : i32 to index
      %get3A_1289 = tpu.vector_load %arg15[%get3A_1287, %get3A_1288] {strides = array<i32>} : memref<16x1280xf32, #tpu.memory_space<vmem>>, vector<16xf32>,
      %add3A_1290 = arith.addf %add3A_1285, %get3A_1289 : vector<16xf32>
      %get3A_1291 = arith.constant 10 : i32
      %get3A_1292 = arith.index_cast %get3A_1291 : i32 to index
      %get3A_1293 = arith.index_cast %mul3A_1240 : i32 to index
      %get3A_1294 = tpu.vector_load %arg15[%get3A_1292, %get3A_1293] {strides = array<i32>} : memref<16x1280xf32, #tpu.memory_space<vmem>>, vector<16xf32>,
      %add3A_1295 = arith.addf %add3A_1290, %get3A_1294 : vector<16xf32>
      %get3A_1296 = arith.constant 11 : i32
      %get3A_1297 = arith.index_cast %get3A_1296 : i32 to index
      %get3A_1298 = arith.index_cast %mul3A_1240 : i32 to index
      %get3A_1299 = tpu.vector_load %arg15[%get3A_1297, %get3A_1298] {strides = array<i32>} : memref<16x1280xf32, #tpu.memory_space<vmem>>, vector<16xf32>,
      %add3A_1300 = arith.addf %add3A_1295, %get3A_1299 : vector<16xf32>
      %get3A_1301 = arith.constant 12 : i32
      %get3A_1302 = arith.index_cast %get3A_1301 : i32 to index
      %get3A_1303 = arith.index_cast %mul3A_1240 : i32 to index
      %get3A_1304 = tpu.vector_load %arg15[%get3A_1302, %get3A_1303] {strides = array<i32>} : memref<16x1280xf32, #tpu.memory_space<vmem>>, vector<16xf32>,
      %add3A_1305 = arith.addf %add3A_1300, %get3A_1304 : vector<16xf32>
      %get3A_1306 = arith.constant 13 : i32
      %get3A_1307 = arith.index_cast %get3A_1306 : i32 to index
      %get3A_1308 = arith.index_cast %mul3A_1240 : i32 to index
      %get3A_1309 = tpu.vector_load %arg15[%get3A_1307, %get3A_1308] {strides = array<i32>} : memref<16x1280xf32, #tpu.memory_space<vmem>>, vector<16xf32>,
      %add3A_1310 = arith.addf %add3A_1305, %get3A_1309 : vector<16xf32>
      %get3A_1311 = arith.constant 14 : i32
      %get3A_1312 = arith.index_cast %get3A_1311 : i32 to index
      %get3A_1313 = arith.index_cast %mul3A_1240 : i32 to index
      %get3A_1314 = tpu.vector_load %arg15[%get3A_1312, %get3A_1313] {strides = array<i32>} : memref<16x1280xf32, #tpu.memory_space<vmem>>, vector<16xf32>,
      %add3A_1315 = arith.addf %add3A_1310, %get3A_1314 : vector<16xf32>
      %get3A_1316 = arith.constant 15 : i32
      %get3A_1317 = arith.index_cast %get3A_1316 : i32 to index
      %get3A_1318 = arith.index_cast %mul3A_1240 : i32 to index
      %get3A_1319 = tpu.vector_load %arg15[%get3A_1317, %get3A_1318] {strides = array<i32>} : memref<16x1280xf32, #tpu.memory_space<vmem>>, vector<16xf32>,
      %add3A_1320 = arith.addf %add3A_1315, %get3A_1319 : vector<16xf32>
      %mul3A_1321 = arith.mulf %add3A_1320, %broadcast_in_dim3A_4 : vector<16xf32>
      %bitcast3A = vector.bitcast %add3A_1320 : vector<16xf32> to vector<16xi32>
      %shift_right_logical3A = arith.constant 1 : i32
      %shift_right_logical3A_1322 = vector.broadcast %shift_right_logical3A : i32 to vector<16xi32>
      %shift_right_logical3A_1323 = arith.shrui %bitcast3A, %shift_right_logical3A_1322 : vector<16xi32>
      %sub3A = arith.subi %broadcast_in_dim3A_8, %shift_right_logical3A_1323 : vector<16xi32>
      %bitcast3A_1324 = vector.bitcast %sub3A : vector<16xi32> to vector<16xf32>
      %mul3A_1325 = arith.mulf %mul3A_1321, %bitcast3A_1324 : vector<16xf32>
      %mul3A_1326 = arith.mulf %mul3A_1325, %bitcast3A_1324 : vector<16xf32>
      %sub3A_1327 = arith.subf %broadcast_in_dim3A_6, %mul3A_1326 : vector<16xf32>
      %mul3A_1328 = arith.mulf %bitcast3A_1324, %sub3A_1327 : vector<16xf32>
      %mul3A_1329 = arith.mulf %mul3A_1321, %mul3A_1328 : vector<16xf32>
      %mul3A_1330 = arith.mulf %mul3A_1329, %mul3A_1328 : vector<16xf32>
      %sub3A_1331 = arith.subf %broadcast_in_dim3A_6, %mul3A_1330 : vector<16xf32>
      %mul3A_1332 = arith.mulf %mul3A_1328, %sub3A_1331 : vector<16xf32>
      %mul3A_1333 = arith.mulf %mul3A_1321, %mul3A_1332 : vector<16xf32>
      %mul3A_1334 = arith.mulf %mul3A_1333, %mul3A_1332 : vector<16xf32>
      %sub3A_1335 = arith.subf %broadcast_in_dim3A_6, %mul3A_1334 : vector<16xf32>
      %mul3A_1336 = arith.mulf %mul3A_1332, %sub3A_1335 : vector<16xf32>
      %swap3A = arith.index_cast %mul3A_1240 : i32 to index
      %swap3A_1337 = tpu.vector_load %arg12[%swap3A] {strides = array<i32>} : memref<1280xf32, #tpu.memory_space<vmem>>, vector<16xf32>,
      tpu.vector_store %arg12[%swap3A], %mul3A_1336 {strides = array<i32>} : memref<1280xf32, #tpu.memory_space<vmem>>, vector<16xf32>,
      %mul3A_1338 = arith.mulf %mul3A_1336, %mul3A_1336 : vector<16xf32>
      %swap3A_1339 = arith.index_cast %mul3A_1240 : i32 to index
      %swap3A_1340 = tpu.vector_load %arg13[%swap3A_1339] {strides = array<i32>} : memref<1280xf32, #tpu.memory_space<vmem>>, vector<16xf32>,
      tpu.vector_store %arg13[%swap3A_1339], %mul3A_1338 {strides = array<i32>} : memref<1280xf32, #tpu.memory_space<vmem>>, vector<16xf32>,
      %get3A_1341 = arith.index_cast %mul3A_1240 : i32 to index
      %get3A_1342 = tpu.vector_load %arg11[%get3A_1341] {strides = array<i32>} : memref<1280xf32, #tpu.memory_space<vmem>>, vector<16xf32>,
      %mul3A_1343 = arith.mulf %mul3A_1336, %get3A_1342 : vector<16xf32>
      %swap3A_1344 = arith.index_cast %mul3A_1240 : i32 to index
      %swap3A_1345 = tpu.vector_load %arg11[%swap3A_1344] {strides = array<i32>} : memref<1280xf32, #tpu.memory_space<vmem>>, vector<16xf32>,
      tpu.vector_store %arg11[%swap3A_1344], %mul3A_1343 {strides = array<i32>} : memref<1280xf32, #tpu.memory_space<vmem>>, vector<16xf32>,
    }
    %scan3A_415 = arith.constant 80 : i32
    "tpu.region"() ({
      %run_scoped3A = tpu.sem_alloc : memref<!tpu.dma_semaphore, #tpu.memory_space<semaphore_mem>>
      %dma_start3A_1238 = tpu.memref_slice %arg6[%arg0, %mul3A_0] : memref<2x20480xf32, #tpu.memory_space<hbm>> -> memref<1x1280xf32, #tpu.memory_space<hbm>>
      %dma_start3A_1239 = tpu.memref_squeeze %dma_start3A_1238 : memref<1x1280xf32, #tpu.memory_space<hbm>> -> memref<1280xf32, #tpu.memory_space<hbm>>
      %dma_start3A_1240 = tpu.memref_slice %arg6[%arg0, %mul3A_0] : memref<2x20480xf32, #tpu.memory_space<hbm>> -> memref<1x1280xf32, #tpu.memory_space<hbm>>
      %dma_start3A_1241 = tpu.memref_squeeze %dma_start3A_1240 : memref<1x1280xf32, #tpu.memory_space<hbm>> -> memref<1280xf32, #tpu.memory_space<hbm>>
      tpu.enqueue_dma source(%arg11 : memref<1280xf32, #tpu.memory_space<vmem>>) target(%dma_start3A_1241 : memref<1280xf32, #tpu.memory_space<hbm>>) target_semaphore(%run_scoped3A : memref<!tpu.dma_semaphore, #tpu.memory_space<semaphore_mem>>)
      %dma_wait3A_1242 = tpu.memref_slice %arg6[%arg0, %mul3A_0] : memref<2x20480xf32, #tpu.memory_space<hbm>> -> memref<1x1280xf32, #tpu.memory_space<hbm>>
      %dma_wait3A_1243 = tpu.memref_squeeze %dma_wait3A_1242 : memref<1x1280xf32, #tpu.memory_space<hbm>> -> memref<1280xf32, #tpu.memory_space<hbm>>
      %dma_wait3A_1244 = tpu.memref_slice %arg6[%arg0, %mul3A_0] : memref<2x20480xf32, #tpu.memory_space<hbm>> -> memref<1x1280xf32, #tpu.memory_space<hbm>>
      %dma_wait3A_1245 = tpu.memref_squeeze %dma_wait3A_1244 : memref<1x1280xf32, #tpu.memory_space<hbm>> -> memref<1280xf32, #tpu.memory_space<hbm>>
      tpu.wait_dma2 semaphore(%run_scoped3A : memref<!tpu.dma_semaphore, #tpu.memory_space<semaphore_mem>>) src(%arg11 : memref<1280xf32, #tpu.memory_space<vmem>>) dst(%dma_wait3A_1245 : memref<1280xf32, #tpu.memory_space<hbm>>)
      tpu.yield
    }) : () -> ()
    %barrier3A_416 = arith.constant 0 : index
    tpu.barrier barrier_id(%barrier3A_416)
    "tpu.region"() ({
      %run_scoped3A = tpu.sem_alloc : memref<!tpu.dma_semaphore, #tpu.memory_space<semaphore_mem>>
      %dma_start3A_1238 = arith.constant 0 : i32
      %dma_start3A_1239 = tpu.memref_slice %arg6[%arg0, %dma_start3A_1238] : memref<2x20480xf32, #tpu.memory_space<hbm>> -> memref<1x20480xf32, #tpu.memory_space<hbm>>
      %dma_start3A_1240 = tpu.memref_squeeze %dma_start3A_1239 : memref<1x20480xf32, #tpu.memory_space<hbm>> -> memref<20480xf32, #tpu.memory_space<hbm>>
      %dma_start3A_1241 = arith.constant 0 : i32
      %dma_start3A_1242 = tpu.memref_slice %arg6[%arg0, %dma_start3A_1241] : memref<2x20480xf32, #tpu.memory_space<hbm>> -> memref<1x20480xf32, #tpu.memory_space<hbm>>
      %dma_start3A_1243 = tpu.memref_squeeze %dma_start3A_1242 : memref<1x20480xf32, #tpu.memory_space<hbm>> -> memref<20480xf32, #tpu.memory_space<hbm>>
      tpu.enqueue_dma source(%dma_start3A_1243 : memref<20480xf32, #tpu.memory_space<hbm>>) target(%arg9 : memref<20480xf32, #tpu.memory_space<vmem>>) target_semaphore(%run_scoped3A : memref<!tpu.dma_semaphore, #tpu.memory_space<semaphore_mem>>)
      %dma_wait3A_1244 = arith.constant 0 : i32
      %dma_wait3A_1245 = tpu.memref_slice %arg6[%arg0, %dma_wait3A_1244] : memref<2x20480xf32, #tpu.memory_space<hbm>> -> memref<1x20480xf32, #tpu.memory_space<hbm>>
      %dma_wait3A_1246 = tpu.memref_squeeze %dma_wait3A_1245 : memref<1x20480xf32, #tpu.memory_space<hbm>> -> memref<20480xf32, #tpu.memory_space<hbm>>
      %dma_wait3A_1247 = arith.constant 0 : i32
      %dma_wait3A_1248 = tpu.memref_slice %arg6[%arg0, %dma_wait3A_1247] : memref<2x20480xf32, #tpu.memory_space<hbm>> -> memref<1x20480xf32, #tpu.memory_space<hbm>>
      %dma_wait3A_1249 = tpu.memref_squeeze %dma_wait3A_1248 : memref<1x20480xf32, #tpu.memory_space<hbm>> -> memref<20480xf32, #tpu.memory_space<hbm>>
      tpu.wait_dma2 semaphore(%run_scoped3A : memref<!tpu.dma_semaphore, #tpu.memory_space<semaphore_mem>>) src(%dma_wait3A_1249 : memref<20480xf32, #tpu.memory_space<hbm>>) dst(%arg9 : memref<20480xf32, #tpu.memory_space<vmem>>)
      tpu.yield
    }) : () -> ()
    %scan3A_417 = arith.constant 0 : i32
    %scan3A_418 = arith.constant 0 : i32
    %scan3A_419 = arith.constant 256 : i32
    %scan3A_420 = arith.addi %scan3A_418, %scan3A_419 : i32
    %scan3A_421 = arith.constant 1 : i32
    scf.for %scan3A_1238 = %scan3A_418 to %scan3A_420 step %scan3A_421  : i32 {
      %broadcast_in_dim3A_1239 = arith.constant 0.000000e+00 : f32
      %broadcast_in_dim3A_1240 = vector.broadcast %broadcast_in_dim3A_1239 : f32 to vector<16xf32>
      %mul3A_1241 = arith.constant 5 : i32
      %mul3A_1242 = arith.muli %scan3A_1238, %mul3A_1241 : i32
      %add3A = arith.constant 0 : i32
      %add3A_1243 = arith.addi %mul3A_1242, %add3A : i32
      %mul3A_1244 = arith.constant 16 : i32
      %mul3A_1245 = arith.muli %add3A_1243, %mul3A_1244 : i32
      %swap3A = arith.index_cast %mul3A_1245 : i32 to index
      %swap3A_1246 = tpu.vector_load %arg10[%swap3A] {strides = array<i32>} : memref<20480xf32, #tpu.memory_space<vmem>>, vector<16xf32>,
      tpu.vector_store %arg10[%swap3A], %broadcast_in_dim3A_1240 {strides = array<i32>} : memref<20480xf32, #tpu.memory_space<vmem>>, vector<16xf32>,
      %broadcast_in_dim3A_1247 = arith.constant 0.000000e+00 : f32
      %broadcast_in_dim3A_1248 = vector.broadcast %broadcast_in_dim3A_1247 : f32 to vector<16xf32>
      %mul3A_1249 = arith.constant 5 : i32
      %mul3A_1250 = arith.muli %scan3A_1238, %mul3A_1249 : i32
      %add3A_1251 = arith.constant 1 : i32
      %add3A_1252 = arith.addi %mul3A_1250, %add3A_1251 : i32
      %mul3A_1253 = arith.constant 16 : i32
      %mul3A_1254 = arith.muli %add3A_1252, %mul3A_1253 : i32
      %swap3A_1255 = arith.index_cast %mul3A_1254 : i32 to index
      %swap3A_1256 = tpu.vector_load %arg10[%swap3A_1255] {strides = array<i32>} : memref<20480xf32, #tpu.memory_space<vmem>>, vector<16xf32>,
      tpu.vector_store %arg10[%swap3A_1255], %broadcast_in_dim3A_1248 {strides = array<i32>} : memref<20480xf32, #tpu.memory_space<vmem>>, vector<16xf32>,
      %broadcast_in_dim3A_1257 = arith.constant 0.000000e+00 : f32
      %broadcast_in_dim3A_1258 = vector.broadcast %broadcast_in_dim3A_1257 : f32 to vector<16xf32>
      %mul3A_1259 = arith.constant 5 : i32
      %mul3A_1260 = arith.muli %scan3A_1238, %mul3A_1259 : i32
      %add3A_1261 = arith.constant 2 : i32
      %add3A_1262 = arith.addi %mul3A_1260, %add3A_1261 : i32
      %mul3A_1263 = arith.constant 16 : i32
      %mul3A_1264 = arith.muli %add3A_1262, %mul3A_1263 : i32
      %swap3A_1265 = arith.index_cast %mul3A_1264 : i32 to index
      %swap3A_1266 = tpu.vector_load %arg10[%swap3A_1265] {strides = array<i32>} : memref<20480xf32, #tpu.memory_space<vmem>>, vector<16xf32>,
      tpu.vector_store %arg10[%swap3A_1265], %broadcast_in_dim3A_1258 {strides = array<i32>} : memref<20480xf32, #tpu.memory_space<vmem>>, vector<16xf32>,
      %broadcast_in_dim3A_1267 = arith.constant 0.000000e+00 : f32
      %broadcast_in_dim3A_1268 = vector.broadcast %broadcast_in_dim3A_1267 : f32 to vector<16xf32>
      %mul3A_1269 = arith.constant 5 : i32
      %mul3A_1270 = arith.muli %scan3A_1238, %mul3A_1269 : i32
      %add3A_1271 = arith.constant 3 : i32
      %add3A_1272 = arith.addi %mul3A_1270, %add3A_1271 : i32
      %mul3A_1273 = arith.constant 16 : i32
      %mul3A_1274 = arith.muli %add3A_1272, %mul3A_1273 : i32
      %swap3A_1275 = arith.index_cast %mul3A_1274 : i32 to index
      %swap3A_1276 = tpu.vector_load %arg10[%swap3A_1275] {strides = array<i32>} : memref<20480xf32, #tpu.memory_space<vmem>>, vector<16xf32>,
      tpu.vector_store %arg10[%swap3A_1275], %broadcast_in_dim3A_1268 {strides = array<i32>} : memref<20480xf32, #tpu.memory_space<vmem>>, vector<16xf32>,
      %broadcast_in_dim3A_1277 = arith.constant 0.000000e+00 : f32
      %broadcast_in_dim3A_1278 = vector.broadcast %broadcast_in_dim3A_1277 : f32 to vector<16xf32>
      %mul3A_1279 = arith.constant 5 : i32
      %mul3A_1280 = arith.muli %scan3A_1238, %mul3A_1279 : i32
      %add3A_1281 = arith.constant 4 : i32
      %add3A_1282 = arith.addi %mul3A_1280, %add3A_1281 : i32
      %mul3A_1283 = arith.constant 16 : i32
      %mul3A_1284 = arith.muli %add3A_1282, %mul3A_1283 : i32
      %swap3A_1285 = arith.index_cast %mul3A_1284 : i32 to index
      %swap3A_1286 = tpu.vector_load %arg10[%swap3A_1285] {strides = array<i32>} : memref<20480xf32, #tpu.memory_space<vmem>>, vector<16xf32>,
      tpu.vector_store %arg10[%swap3A_1285], %broadcast_in_dim3A_1278 {strides = array<i32>} : memref<20480xf32, #tpu.memory_space<vmem>>, vector<16xf32>,
    }
    %scan3A_422 = arith.constant 256 : i32
    %scan3A_423 = arith.constant 0 : i32
    %scan3A_424 = arith.constant 0 : i32
    %scan3A_425 = arith.constant 250 : i32
    %scan3A_426 = arith.addi %scan3A_424, %scan3A_425 : i32
    %scan3A_427 = arith.constant 1 : i32
    scf.for %scan3A_1238 = %scan3A_424 to %scan3A_426 step %scan3A_427  : i32 {
      %mul3A_1239 = arith.constant 5 : i32
      %mul3A_1240 = arith.muli %scan3A_1238, %mul3A_1239 : i32
      %add3A = arith.constant 0 : i32
      %add3A_1241 = arith.addi %mul3A_1240, %add3A : i32
      %mul3A_1242 = arith.constant 16 : i32
      %mul3A_1243 = arith.muli %add3A_1241, %mul3A_1242 : i32
      %get3A = arith.index_cast %mul3A_1243 : i32 to index
      %get3A_1244 = tpu.vector_load %arg7[%get3A] {strides = array<i32>} : memref<20000xi32, #tpu.memory_space<vmem>>, vector<16xi32>,
      %get3A_1245 = arith.index_cast %mul3A_1243 : i32 to index
      %get3A_1246 = tpu.vector_load %arg8[%get3A_1245] {strides = array<i32>} : memref<20000xi32, #tpu.memory_space<vmem>>, vector<16xi32>,
      %gather3A = tpu.vector_load_idx %arg9[%get3A_1244] : memref<20480xf32, #tpu.memory_space<vmem>>[vector<16xi32>], vector<16xf32>,
      tpu.vector_store_idx %arg10[%get3A_1246], %gather3A {add = true} : memref<20480xf32, #tpu.memory_space<vmem>>[vector<16xi32>], vector<16xf32>,
      %add3A_1247 = arith.constant 1 : i32
      %add3A_1248 = vector.broadcast %add3A_1247 : i32 to vector<16xi32>
      %add3A_1249 = arith.addi %get3A_1244, %add3A_1248 : vector<16xi32>
      %gather3A_1250 = tpu.vector_load_idx %arg9[%add3A_1249] : memref<20480xf32, #tpu.memory_space<vmem>>[vector<16xi32>], vector<16xf32>,
      %add3A_1251 = arith.constant 1 : i32
      %add3A_1252 = vector.broadcast %add3A_1251 : i32 to vector<16xi32>
      %add3A_1253 = arith.addi %get3A_1246, %add3A_1252 : vector<16xi32>
      tpu.vector_store_idx %arg10[%add3A_1253], %gather3A_1250 {add = true} : memref<20480xf32, #tpu.memory_space<vmem>>[vector<16xi32>], vector<16xf32>,
      %mul3A_1254 = arith.constant 5 : i32
      %mul3A_1255 = arith.muli %scan3A_1238, %mul3A_1254 : i32
      %add3A_1256 = arith.constant 1 : i32
      %add3A_1257 = arith.addi %mul3A_1255, %add3A_1256 : i32
      %mul3A_1258 = arith.constant 16 : i32
      %mul3A_1259 = arith.muli %add3A_1257, %mul3A_1258 : i32
      %get3A_1260 = arith.index_cast %mul3A_1259 : i32 to index
      %get3A_1261 = tpu.vector_load %arg7[%get3A_1260] {strides = array<i32>} : memref<20000xi32, #tpu.memory_space<vmem>>, vector<16xi32>,
      %get3A_1262 = arith.index_cast %mul3A_1259 : i32 to index
      %get3A_1263 = tpu.vector_load %arg8[%get3A_1262] {strides = array<i32>} : memref<20000xi32, #tpu.memory_space<vmem>>, vector<16xi32>,
      %gather3A_1264 = tpu.vector_load_idx %arg9[%get3A_1261] : memref<20480xf32, #tpu.memory_space<vmem>>[vector<16xi32>], vector<16xf32>,
      tpu.vector_store_idx %arg10[%get3A_1263], %gather3A_1264 {add = true} : memref<20480xf32, #tpu.memory_space<vmem>>[vector<16xi32>], vector<16xf32>,
      %add3A_1265 = arith.constant 1 : i32
      %add3A_1266 = vector.broadcast %add3A_1265 : i32 to vector<16xi32>
      %add3A_1267 = arith.addi %get3A_1261, %add3A_1266 : vector<16xi32>
      %gather3A_1268 = tpu.vector_load_idx %arg9[%add3A_1267] : memref<20480xf32, #tpu.memory_space<vmem>>[vector<16xi32>], vector<16xf32>,
      %add3A_1269 = arith.constant 1 : i32
      %add3A_1270 = vector.broadcast %add3A_1269 : i32 to vector<16xi32>
      %add3A_1271 = arith.addi %get3A_1263, %add3A_1270 : vector<16xi32>
      tpu.vector_store_idx %arg10[%add3A_1271], %gather3A_1268 {add = true} : memref<20480xf32, #tpu.memory_space<vmem>>[vector<16xi32>], vector<16xf32>,
      %mul3A_1272 = arith.constant 5 : i32
      %mul3A_1273 = arith.muli %scan3A_1238, %mul3A_1272 : i32
      %add3A_1274 = arith.constant 2 : i32
      %add3A_1275 = arith.addi %mul3A_1273, %add3A_1274 : i32
      %mul3A_1276 = arith.constant 16 : i32
      %mul3A_1277 = arith.muli %add3A_1275, %mul3A_1276 : i32
      %get3A_1278 = arith.index_cast %mul3A_1277 : i32 to index
      %get3A_1279 = tpu.vector_load %arg7[%get3A_1278] {strides = array<i32>} : memref<20000xi32, #tpu.memory_space<vmem>>, vector<16xi32>,
      %get3A_1280 = arith.index_cast %mul3A_1277 : i32 to index
      %get3A_1281 = tpu.vector_load %arg8[%get3A_1280] {strides = array<i32>} : memref<20000xi32, #tpu.memory_space<vmem>>, vector<16xi32>,
      %gather3A_1282 = tpu.vector_load_idx %arg9[%get3A_1279] : memref<20480xf32, #tpu.memory_space<vmem>>[vector<16xi32>], vector<16xf32>,
      tpu.vector_store_idx %arg10[%get3A_1281], %gather3A_1282 {add = true} : memref<20480xf32, #tpu.memory_space<vmem>>[vector<16xi32>], vector<16xf32>,
      %add3A_1283 = arith.constant 1 : i32
      %add3A_1284 = vector.broadcast %add3A_1283 : i32 to vector<16xi32>
      %add3A_1285 = arith.addi %get3A_1279, %add3A_1284 : vector<16xi32>
      %gather3A_1286 = tpu.vector_load_idx %arg9[%add3A_1285] : memref<20480xf32, #tpu.memory_space<vmem>>[vector<16xi32>], vector<16xf32>,
      %add3A_1287 = arith.constant 1 : i32
      %add3A_1288 = vector.broadcast %add3A_1287 : i32 to vector<16xi32>
      %add3A_1289 = arith.addi %get3A_1281, %add3A_1288 : vector<16xi32>
      tpu.vector_store_idx %arg10[%add3A_1289], %gather3A_1286 {add = true} : memref<20480xf32, #tpu.memory_space<vmem>>[vector<16xi32>], vector<16xf32>,
      %mul3A_1290 = arith.constant 5 : i32
      %mul3A_1291 = arith.muli %scan3A_1238, %mul3A_1290 : i32
      %add3A_1292 = arith.constant 3 : i32
      %add3A_1293 = arith.addi %mul3A_1291, %add3A_1292 : i32
      %mul3A_1294 = arith.constant 16 : i32
      %mul3A_1295 = arith.muli %add3A_1293, %mul3A_1294 : i32
      %get3A_1296 = arith.index_cast %mul3A_1295 : i32 to index
      %get3A_1297 = tpu.vector_load %arg7[%get3A_1296] {strides = array<i32>} : memref<20000xi32, #tpu.memory_space<vmem>>, vector<16xi32>,
      %get3A_1298 = arith.index_cast %mul3A_1295 : i32 to index
      %get3A_1299 = tpu.vector_load %arg8[%get3A_1298] {strides = array<i32>} : memref<20000xi32, #tpu.memory_space<vmem>>, vector<16xi32>,
      %gather3A_1300 = tpu.vector_load_idx %arg9[%get3A_1297] : memref<20480xf32, #tpu.memory_space<vmem>>[vector<16xi32>], vector<16xf32>,
      tpu.vector_store_idx %arg10[%get3A_1299], %gather3A_1300 {add = true} : memref<20480xf32, #tpu.memory_space<vmem>>[vector<16xi32>], vector<16xf32>,
      %add3A_1301 = arith.constant 1 : i32
      %add3A_1302 = vector.broadcast %add3A_1301 : i32 to vector<16xi32>
      %add3A_1303 = arith.addi %get3A_1297, %add3A_1302 : vector<16xi32>
      %gather3A_1304 = tpu.vector_load_idx %arg9[%add3A_1303] : memref<20480xf32, #tpu.memory_space<vmem>>[vector<16xi32>], vector<16xf32>,
      %add3A_1305 = arith.constant 1 : i32
      %add3A_1306 = vector.broadcast %add3A_1305 : i32 to vector<16xi32>
      %add3A_1307 = arith.addi %get3A_1299, %add3A_1306 : vector<16xi32>
      tpu.vector_store_idx %arg10[%add3A_1307], %gather3A_1304 {add = true} : memref<20480xf32, #tpu.memory_space<vmem>>[vector<16xi32>], vector<16xf32>,
      %mul3A_1308 = arith.constant 5 : i32
      %mul3A_1309 = arith.muli %scan3A_1238, %mul3A_1308 : i32
      %add3A_1310 = arith.constant 4 : i32
      %add3A_1311 = arith.addi %mul3A_1309, %add3A_1310 : i32
      %mul3A_1312 = arith.constant 16 : i32
      %mul3A_1313 = arith.muli %add3A_1311, %mul3A_1312 : i32
      %get3A_1314 = arith.index_cast %mul3A_1313 : i32 to index
      %get3A_1315 = tpu.vector_load %arg7[%get3A_1314] {strides = array<i32>} : memref<20000xi32, #tpu.memory_space<vmem>>, vector<16xi32>,
      %get3A_1316 = arith.index_cast %mul3A_1313 : i32 to index
      %get3A_1317 = tpu.vector_load %arg8[%get3A_1316] {strides = array<i32>} : memref<20000xi32, #tpu.memory_space<vmem>>, vector<16xi32>,
      %gather3A_1318 = tpu.vector_load_idx %arg9[%get3A_1315] : memref<20480xf32, #tpu.memory_space<vmem>>[vector<16xi32>], vector<16xf32>,
      tpu.vector_store_idx %arg10[%get3A_1317], %gather3A_1318 {add = true} : memref<20480xf32, #tpu.memory_space<vmem>>[vector<16xi32>], vector<16xf32>,
      %add3A_1319 = arith.constant 1 : i32
      %add3A_1320 = vector.broadcast %add3A_1319 : i32 to vector<16xi32>
      %add3A_1321 = arith.addi %get3A_1315, %add3A_1320 : vector<16xi32>
      %gather3A_1322 = tpu.vector_load_idx %arg9[%add3A_1321] : memref<20480xf32, #tpu.memory_space<vmem>>[vector<16xi32>], vector<16xf32>,
      %add3A_1323 = arith.constant 1 : i32
      %add3A_1324 = vector.broadcast %add3A_1323 : i32 to vector<16xi32>
      %add3A_1325 = arith.addi %get3A_1317, %add3A_1324 : vector<16xi32>
      tpu.vector_store_idx %arg10[%add3A_1325], %gather3A_1322 {add = true} : memref<20480xf32, #tpu.memory_space<vmem>>[vector<16xi32>], vector<16xf32>,
    }
    %scan3A_428 = arith.constant 250 : i32
    "tpu.region"() ({
      %run_scoped3A = tpu.sem_alloc : memref<!tpu.dma_semaphore, #tpu.memory_space<semaphore_mem>>
      %dma_start3A_1238 = arith.constant 0 : i32
      %dma_start3A_1239 = tpu.memref_slice %arg16[%arg1, %dma_start3A_1238] : memref<16x20480xf32, #tpu.memory_space<vmem_shared>> -> memref<1x20480xf32, #tpu.memory_space<vmem_shared>>
      %dma_start3A_1240 = tpu.memref_squeeze %dma_start3A_1239 : memref<1x20480xf32, #tpu.memory_space<vmem_shared>> -> memref<20480xf32, #tpu.memory_space<vmem_shared>>
      %dma_start3A_1241 = arith.constant 0 : i32
      %dma_start3A_1242 = tpu.memref_slice %arg16[%arg1, %dma_start3A_1241] : memref<16x20480xf32, #tpu.memory_space<vmem_shared>> -> memref<1x20480xf32, #tpu.memory_space<vmem_shared>>
      %dma_start3A_1243 = tpu.memref_squeeze %dma_start3A_1242 : memref<1x20480xf32, #tpu.memory_space<vmem_shared>> -> memref<20480xf32, #tpu.memory_space<vmem_shared>>
      tpu.enqueue_dma source(%arg10 : memref<20480xf32, #tpu.memory_space<vmem>>) target(%dma_start3A_1243 : memref<20480xf32, #tpu.memory_space<vmem_shared>>) target_semaphore(%run_scoped3A : memref<!tpu.dma_semaphore, #tpu.memory_space<semaphore_mem>>)
      %dma_wait3A_1244 = arith.constant 0 : i32
      %dma_wait3A_1245 = tpu.memref_slice %arg16[%arg1, %dma_wait3A_1244] : memref<16x20480xf32, #tpu.memory_space<vmem_shared>> -> memref<1x20480xf32, #tpu.memory_space<vmem_shared>>
      %dma_wait3A_1246 = tpu.memref_squeeze %dma_wait3A_1245 : memref<1x20480xf32, #tpu.memory_space<vmem_shared>> -> memref<20480xf32, #tpu.memory_space<vmem_shared>>
      %dma_wait3A_1247 = arith.constant 0 : i32
      %dma_wait3A_1248 = tpu.memref_slice %arg16[%arg1, %dma_wait3A_1247] : memref<16x20480xf32, #tpu.memory_space<vmem_shared>> -> memref<1x20480xf32, #tpu.memory_space<vmem_shared>>
      %dma_wait3A_1249 = tpu.memref_squeeze %dma_wait3A_1248 : memref<1x20480xf32, #tpu.memory_space<vmem_shared>> -> memref<20480xf32, #tpu.memory_space<vmem_shared>>
      tpu.wait_dma2 semaphore(%run_scoped3A : memref<!tpu.dma_semaphore, #tpu.memory_space<semaphore_mem>>) src(%arg10 : memref<20480xf32, #tpu.memory_space<vmem>>) dst(%dma_wait3A_1249 : memref<20480xf32, #tpu.memory_space<vmem_shared>>)
      tpu.yield
    }) : () -> ()
    %barrier3A_429 = arith.constant 0 : index
    tpu.barrier barrier_id(%barrier3A_429)
    %dma_start3A_430 = arith.constant 0 : i32
    %dma_start3A_431 = arith.constant 0 : i32
    %dma_start3A_432 = arith.constant 0 : i32
    %dma_start3A_433 = tpu.memref_slice %arg15[%dma_start3A_431, %dma_start3A_432] : memref<16x1280xf32, #tpu.memory_space<vmem>> -> memref<1x1280xf32, #tpu.memory_space<vmem>>
    %dma_start3A_434 = tpu.memref_squeeze %dma_start3A_433 : memref<1x1280xf32, #tpu.memory_space<vmem>> -> memref<1280xf32, #tpu.memory_space<vmem>>
    %dma_start3A_435 = tpu.memref_slice %arg16[%dma_start3A_430, %mul3A_0] : memref<16x20480xf32, #tpu.memory_space<vmem_shared>> -> memref<1x1280xf32, #tpu.memory_space<vmem_shared>>
    %dma_start3A_436 = tpu.memref_squeeze %dma_start3A_435 : memref<1x1280xf32, #tpu.memory_space<vmem_shared>> -> memref<1280xf32, #tpu.memory_space<vmem_shared>>
    %dma_start3A_437 = arith.constant 0 : i32
    %dma_start3A_438 = tpu.memref_slice %arg15[%dma_start3A_431, %dma_start3A_437] : memref<16x1280xf32, #tpu.memory_space<vmem>> -> memref<1x1280xf32, #tpu.memory_space<vmem>>
    %dma_start3A_439 = tpu.memref_squeeze %dma_start3A_438 : memref<1x1280xf32, #tpu.memory_space<vmem>> -> memref<1280xf32, #tpu.memory_space<vmem>>
    %dma_start3A_440 = tpu.memref_slice %arg16[%dma_start3A_430, %mul3A_0] : memref<16x20480xf32, #tpu.memory_space<vmem_shared>> -> memref<1x1280xf32, #tpu.memory_space<vmem_shared>>
    %dma_start3A_441 = tpu.memref_squeeze %dma_start3A_440 : memref<1x1280xf32, #tpu.memory_space<vmem_shared>> -> memref<1280xf32, #tpu.memory_space<vmem_shared>>
    tpu.enqueue_dma source(%dma_start3A_441 : memref<1280xf32, #tpu.memory_space<vmem_shared>>) target(%dma_start3A_439 : memref<1280xf32, #tpu.memory_space<vmem>>) target_semaphore(%arg19 : memref<!tpu.dma_semaphore, #tpu.memory_space<semaphore_mem>>)
    %dma_start3A_442 = arith.constant 1 : i32
    %dma_start3A_443 = arith.constant 1 : i32
    %dma_start3A_444 = arith.constant 0 : i32
    %dma_start3A_445 = tpu.memref_slice %arg15[%dma_start3A_443, %dma_start3A_444] : memref<16x1280xf32, #tpu.memory_space<vmem>> -> memref<1x1280xf32, #tpu.memory_space<vmem>>
    %dma_start3A_446 = tpu.memref_squeeze %dma_start3A_445 : memref<1x1280xf32, #tpu.memory_space<vmem>> -> memref<1280xf32, #tpu.memory_space<vmem>>
    %dma_start3A_447 = tpu.memref_slice %arg16[%dma_start3A_442, %mul3A_0] : memref<16x20480xf32, #tpu.memory_space<vmem_shared>> -> memref<1x1280xf32, #tpu.memory_space<vmem_shared>>
    %dma_start3A_448 = tpu.memref_squeeze %dma_start3A_447 : memref<1x1280xf32, #tpu.memory_space<vmem_shared>> -> memref<1280xf32, #tpu.memory_space<vmem_shared>>
    %dma_start3A_449 = arith.constant 0 : i32
    %dma_start3A_450 = tpu.memref_slice %arg15[%dma_start3A_443, %dma_start3A_449] : memref<16x1280xf32, #tpu.memory_space<vmem>> -> memref<1x1280xf32, #tpu.memory_space<vmem>>
    %dma_start3A_451 = tpu.memref_squeeze %dma_start3A_450 : memref<1x1280xf32, #tpu.memory_space<vmem>> -> memref<1280xf32, #tpu.memory_space<vmem>>
    %dma_start3A_452 = tpu.memref_slice %arg16[%dma_start3A_442, %mul3A_0] : memref<16x20480xf32, #tpu.memory_space<vmem_shared>> -> memref<1x1280xf32, #tpu.memory_space<vmem_shared>>
    %dma_start3A_453 = tpu.memref_squeeze %dma_start3A_452 : memref<1x1280xf32, #tpu.memory_space<vmem_shared>> -> memref<1280xf32, #tpu.memory_space<vmem_shared>>
    tpu.enqueue_dma source(%dma_start3A_453 : memref<1280xf32, #tpu.memory_space<vmem_shared>>) target(%dma_start3A_451 : memref<1280xf32, #tpu.memory_space<vmem>>) target_semaphore(%arg19 : memref<!tpu.dma_semaphore, #tpu.memory_space<semaphore_mem>>)
    %dma_start3A_454 = arith.constant 2 : i32
    %dma_start3A_455 = arith.constant 2 : i32
    %dma_start3A_456 = arith.constant 0 : i32
    %dma_start3A_457 = tpu.memref_slice %arg15[%dma_start3A_455, %dma_start3A_456] : memref<16x1280xf32, #tpu.memory_space<vmem>> -> memref<1x1280xf32, #tpu.memory_space<vmem>>
    %dma_start3A_458 = tpu.memref_squeeze %dma_start3A_457 : memref<1x1280xf32, #tpu.memory_space<vmem>> -> memref<1280xf32, #tpu.memory_space<vmem>>
    %dma_start3A_459 = tpu.memref_slice %arg16[%dma_start3A_454, %mul3A_0] : memref<16x20480xf32, #tpu.memory_space<vmem_shared>> -> memref<1x1280xf32, #tpu.memory_space<vmem_shared>>
    %dma_start3A_460 = tpu.memref_squeeze %dma_start3A_459 : memref<1x1280xf32, #tpu.memory_space<vmem_shared>> -> memref<1280xf32, #tpu.memory_space<vmem_shared>>
    %dma_start3A_461 = arith.constant 0 : i32
    %dma_start3A_462 = tpu.memref_slice %arg15[%dma_start3A_455, %dma_start3A_461] : memref<16x1280xf32, #tpu.memory_space<vmem>> -> memref<1x1280xf32, #tpu.memory_space<vmem>>
    %dma_start3A_463 = tpu.memref_squeeze %dma_start3A_462 : memref<1x1280xf32, #tpu.memory_space<vmem>> -> memref<1280xf32, #tpu.memory_space<vmem>>
    %dma_start3A_464 = tpu.memref_slice %arg16[%dma_start3A_454, %mul3A_0] : memref<16x20480xf32, #tpu.memory_space<vmem_shared>> -> memref<1x1280xf32, #tpu.memory_space<vmem_shared>>
    %dma_start3A_465 = tpu.memref_squeeze %dma_start3A_464 : memref<1x1280xf32, #tpu.memory_space<vmem_shared>> -> memref<1280xf32, #tpu.memory_space<vmem_shared>>
    tpu.enqueue_dma source(%dma_start3A_465 : memref<1280xf32, #tpu.memory_space<vmem_shared>>) target(%dma_start3A_463 : memref<1280xf32, #tpu.memory_space<vmem>>) target_semaphore(%arg19 : memref<!tpu.dma_semaphore, #tpu.memory_space<semaphore_mem>>)
    %dma_start3A_466 = arith.constant 3 : i32
    %dma_start3A_467 = arith.constant 3 : i32
    %dma_start3A_468 = arith.constant 0 : i32
    %dma_start3A_469 = tpu.memref_slice %arg15[%dma_start3A_467, %dma_start3A_468] : memref<16x1280xf32, #tpu.memory_space<vmem>> -> memref<1x1280xf32, #tpu.memory_space<vmem>>
    %dma_start3A_470 = tpu.memref_squeeze %dma_start3A_469 : memref<1x1280xf32, #tpu.memory_space<vmem>> -> memref<1280xf32, #tpu.memory_space<vmem>>
    %dma_start3A_471 = tpu.memref_slice %arg16[%dma_start3A_466, %mul3A_0] : memref<16x20480xf32, #tpu.memory_space<vmem_shared>> -> memref<1x1280xf32, #tpu.memory_space<vmem_shared>>
    %dma_start3A_472 = tpu.memref_squeeze %dma_start3A_471 : memref<1x1280xf32, #tpu.memory_space<vmem_shared>> -> memref<1280xf32, #tpu.memory_space<vmem_shared>>
    %dma_start3A_473 = arith.constant 0 : i32
    %dma_start3A_474 = tpu.memref_slice %arg15[%dma_start3A_467, %dma_start3A_473] : memref<16x1280xf32, #tpu.memory_space<vmem>> -> memref<1x1280xf32, #tpu.memory_space<vmem>>
    %dma_start3A_475 = tpu.memref_squeeze %dma_start3A_474 : memref<1x1280xf32, #tpu.memory_space<vmem>> -> memref<1280xf32, #tpu.memory_space<vmem>>
    %dma_start3A_476 = tpu.memref_slice %arg16[%dma_start3A_466, %mul3A_0] : memref<16x20480xf32, #tpu.memory_space<vmem_shared>> -> memref<1x1280xf32, #tpu.memory_space<vmem_shared>>
    %dma_start3A_477 = tpu.memref_squeeze %dma_start3A_476 : memref<1x1280xf32, #tpu.memory_space<vmem_shared>> -> memref<1280xf32, #tpu.memory_space<vmem_shared>>
    tpu.enqueue_dma source(%dma_start3A_477 : memref<1280xf32, #tpu.memory_space<vmem_shared>>) target(%dma_start3A_475 : memref<1280xf32, #tpu.memory_space<vmem>>) target_semaphore(%arg19 : memref<!tpu.dma_semaphore, #tpu.memory_space<semaphore_mem>>)
    %dma_start3A_478 = arith.constant 4 : i32
    %dma_start3A_479 = arith.constant 4 : i32
    %dma_start3A_480 = arith.constant 0 : i32
    %dma_start3A_481 = tpu.memref_slice %arg15[%dma_start3A_479, %dma_start3A_480] : memref<16x1280xf32, #tpu.memory_space<vmem>> -> memref<1x1280xf32, #tpu.memory_space<vmem>>
    %dma_start3A_482 = tpu.memref_squeeze %dma_start3A_481 : memref<1x1280xf32, #tpu.memory_space<vmem>> -> memref<1280xf32, #tpu.memory_space<vmem>>
    %dma_start3A_483 = tpu.memref_slice %arg16[%dma_start3A_478, %mul3A_0] : memref<16x20480xf32, #tpu.memory_space<vmem_shared>> -> memref<1x1280xf32, #tpu.memory_space<vmem_shared>>
    %dma_start3A_484 = tpu.memref_squeeze %dma_start3A_483 : memref<1x1280xf32, #tpu.memory_space<vmem_shared>> -> memref<1280xf32, #tpu.memory_space<vmem_shared>>
    %dma_start3A_485 = arith.constant 0 : i32
    %dma_start3A_486 = tpu.memref_slice %arg15[%dma_start3A_479, %dma_start3A_485] : memref<16x1280xf32, #tpu.memory_space<vmem>> -> memref<1x1280xf32, #tpu.memory_space<vmem>>
    %dma_start3A_487 = tpu.memref_squeeze %dma_start3A_486 : memref<1x1280xf32, #tpu.memory_space<vmem>> -> memref<1280xf32, #tpu.memory_space<vmem>>
    %dma_start3A_488 = tpu.memref_slice %arg16[%dma_start3A_478, %mul3A_0] : memref<16x20480xf32, #tpu.memory_space<vmem_shared>> -> memref<1x1280xf32, #tpu.memory_space<vmem_shared>>
    %dma_start3A_489 = tpu.memref_squeeze %dma_start3A_488 : memref<1x1280xf32, #tpu.memory_space<vmem_shared>> -> memref<1280xf32, #tpu.memory_space<vmem_shared>>
    tpu.enqueue_dma source(%dma_start3A_489 : memref<1280xf32, #tpu.memory_space<vmem_shared>>) target(%dma_start3A_487 : memref<1280xf32, #tpu.memory_space<vmem>>) target_semaphore(%arg19 : memref<!tpu.dma_semaphore, #tpu.memory_space<semaphore_mem>>)
    %dma_start3A_490 = arith.constant 5 : i32
    %dma_start3A_491 = arith.constant 5 : i32
    %dma_start3A_492 = arith.constant 0 : i32
    %dma_start3A_493 = tpu.memref_slice %arg15[%dma_start3A_491, %dma_start3A_492] : memref<16x1280xf32, #tpu.memory_space<vmem>> -> memref<1x1280xf32, #tpu.memory_space<vmem>>
    %dma_start3A_494 = tpu.memref_squeeze %dma_start3A_493 : memref<1x1280xf32, #tpu.memory_space<vmem>> -> memref<1280xf32, #tpu.memory_space<vmem>>
    %dma_start3A_495 = tpu.memref_slice %arg16[%dma_start3A_490, %mul3A_0] : memref<16x20480xf32, #tpu.memory_space<vmem_shared>> -> memref<1x1280xf32, #tpu.memory_space<vmem_shared>>
    %dma_start3A_496 = tpu.memref_squeeze %dma_start3A_495 : memref<1x1280xf32, #tpu.memory_space<vmem_shared>> -> memref<1280xf32, #tpu.memory_space<vmem_shared>>
    %dma_start3A_497 = arith.constant 0 : i32
    %dma_start3A_498 = tpu.memref_slice %arg15[%dma_start3A_491, %dma_start3A_497] : memref<16x1280xf32, #tpu.memory_space<vmem>> -> memref<1x1280xf32, #tpu.memory_space<vmem>>
    %dma_start3A_499 = tpu.memref_squeeze %dma_start3A_498 : memref<1x1280xf32, #tpu.memory_space<vmem>> -> memref<1280xf32, #tpu.memory_space<vmem>>
    %dma_start3A_500 = tpu.memref_slice %arg16[%dma_start3A_490, %mul3A_0] : memref<16x20480xf32, #tpu.memory_space<vmem_shared>> -> memref<1x1280xf32, #tpu.memory_space<vmem_shared>>
    %dma_start3A_501 = tpu.memref_squeeze %dma_start3A_500 : memref<1x1280xf32, #tpu.memory_space<vmem_shared>> -> memref<1280xf32, #tpu.memory_space<vmem_shared>>
    tpu.enqueue_dma source(%dma_start3A_501 : memref<1280xf32, #tpu.memory_space<vmem_shared>>) target(%dma_start3A_499 : memref<1280xf32, #tpu.memory_space<vmem>>) target_semaphore(%arg19 : memref<!tpu.dma_semaphore, #tpu.memory_space<semaphore_mem>>)
    %dma_start3A_502 = arith.constant 6 : i32
    %dma_start3A_503 = arith.constant 6 : i32
    %dma_start3A_504 = arith.constant 0 : i32
    %dma_start3A_505 = tpu.memref_slice %arg15[%dma_start3A_503, %dma_start3A_504] : memref<16x1280xf32, #tpu.memory_space<vmem>> -> memref<1x1280xf32, #tpu.memory_space<vmem>>
    %dma_start3A_506 = tpu.memref_squeeze %dma_start3A_505 : memref<1x1280xf32, #tpu.memory_space<vmem>> -> memref<1280xf32, #tpu.memory_space<vmem>>
    %dma_start3A_507 = tpu.memref_slice %arg16[%dma_start3A_502, %mul3A_0] : memref<16x20480xf32, #tpu.memory_space<vmem_shared>> -> memref<1x1280xf32, #tpu.memory_space<vmem_shared>>
    %dma_start3A_508 = tpu.memref_squeeze %dma_start3A_507 : memref<1x1280xf32, #tpu.memory_space<vmem_shared>> -> memref<1280xf32, #tpu.memory_space<vmem_shared>>
    %dma_start3A_509 = arith.constant 0 : i32
    %dma_start3A_510 = tpu.memref_slice %arg15[%dma_start3A_503, %dma_start3A_509] : memref<16x1280xf32, #tpu.memory_space<vmem>> -> memref<1x1280xf32, #tpu.memory_space<vmem>>
    %dma_start3A_511 = tpu.memref_squeeze %dma_start3A_510 : memref<1x1280xf32, #tpu.memory_space<vmem>> -> memref<1280xf32, #tpu.memory_space<vmem>>
    %dma_start3A_512 = tpu.memref_slice %arg16[%dma_start3A_502, %mul3A_0] : memref<16x20480xf32, #tpu.memory_space<vmem_shared>> -> memref<1x1280xf32, #tpu.memory_space<vmem_shared>>
    %dma_start3A_513 = tpu.memref_squeeze %dma_start3A_512 : memref<1x1280xf32, #tpu.memory_space<vmem_shared>> -> memref<1280xf32, #tpu.memory_space<vmem_shared>>
    tpu.enqueue_dma source(%dma_start3A_513 : memref<1280xf32, #tpu.memory_space<vmem_shared>>) target(%dma_start3A_511 : memref<1280xf32, #tpu.memory_space<vmem>>) target_semaphore(%arg19 : memref<!tpu.dma_semaphore, #tpu.memory_space<semaphore_mem>>)
    %dma_start3A_514 = arith.constant 7 : i32
    %dma_start3A_515 = arith.constant 7 : i32
    %dma_start3A_516 = arith.constant 0 : i32
    %dma_start3A_517 = tpu.memref_slice %arg15[%dma_start3A_515, %dma_start3A_516] : memref<16x1280xf32, #tpu.memory_space<vmem>> -> memref<1x1280xf32, #tpu.memory_space<vmem>>
    %dma_start3A_518 = tpu.memref_squeeze %dma_start3A_517 : memref<1x1280xf32, #tpu.memory_space<vmem>> -> memref<1280xf32, #tpu.memory_space<vmem>>
    %dma_start3A_519 = tpu.memref_slice %arg16[%dma_start3A_514, %mul3A_0] : memref<16x20480xf32, #tpu.memory_space<vmem_shared>> -> memref<1x1280xf32, #tpu.memory_space<vmem_shared>>
    %dma_start3A_520 = tpu.memref_squeeze %dma_start3A_519 : memref<1x1280xf32, #tpu.memory_space<vmem_shared>> -> memref<1280xf32, #tpu.memory_space<vmem_shared>>
    %dma_start3A_521 = arith.constant 0 : i32
    %dma_start3A_522 = tpu.memref_slice %arg15[%dma_start3A_515, %dma_start3A_521] : memref<16x1280xf32, #tpu.memory_space<vmem>> -> memref<1x1280xf32, #tpu.memory_space<vmem>>
    %dma_start3A_523 = tpu.memref_squeeze %dma_start3A_522 : memref<1x1280xf32, #tpu.memory_space<vmem>> -> memref<1280xf32, #tpu.memory_space<vmem>>
    %dma_start3A_524 = tpu.memref_slice %arg16[%dma_start3A_514, %mul3A_0] : memref<16x20480xf32, #tpu.memory_space<vmem_shared>> -> memref<1x1280xf32, #tpu.memory_space<vmem_shared>>
    %dma_start3A_525 = tpu.memref_squeeze %dma_start3A_524 : memref<1x1280xf32, #tpu.memory_space<vmem_shared>> -> memref<1280xf32, #tpu.memory_space<vmem_shared>>
    tpu.enqueue_dma source(%dma_start3A_525 : memref<1280xf32, #tpu.memory_space<vmem_shared>>) target(%dma_start3A_523 : memref<1280xf32, #tpu.memory_space<vmem>>) target_semaphore(%arg19 : memref<!tpu.dma_semaphore, #tpu.memory_space<semaphore_mem>>)
    %dma_start3A_526 = arith.constant 8 : i32
    %dma_start3A_527 = arith.constant 8 : i32
    %dma_start3A_528 = arith.constant 0 : i32
    %dma_start3A_529 = tpu.memref_slice %arg15[%dma_start3A_527, %dma_start3A_528] : memref<16x1280xf32, #tpu.memory_space<vmem>> -> memref<1x1280xf32, #tpu.memory_space<vmem>>
    %dma_start3A_530 = tpu.memref_squeeze %dma_start3A_529 : memref<1x1280xf32, #tpu.memory_space<vmem>> -> memref<1280xf32, #tpu.memory_space<vmem>>
    %dma_start3A_531 = tpu.memref_slice %arg16[%dma_start3A_526, %mul3A_0] : memref<16x20480xf32, #tpu.memory_space<vmem_shared>> -> memref<1x1280xf32, #tpu.memory_space<vmem_shared>>
    %dma_start3A_532 = tpu.memref_squeeze %dma_start3A_531 : memref<1x1280xf32, #tpu.memory_space<vmem_shared>> -> memref<1280xf32, #tpu.memory_space<vmem_shared>>
    %dma_start3A_533 = arith.constant 0 : i32
    %dma_start3A_534 = tpu.memref_slice %arg15[%dma_start3A_527, %dma_start3A_533] : memref<16x1280xf32, #tpu.memory_space<vmem>> -> memref<1x1280xf32, #tpu.memory_space<vmem>>
    %dma_start3A_535 = tpu.memref_squeeze %dma_start3A_534 : memref<1x1280xf32, #tpu.memory_space<vmem>> -> memref<1280xf32, #tpu.memory_space<vmem>>
    %dma_start3A_536 = tpu.memref_slice %arg16[%dma_start3A_526, %mul3A_0] : memref<16x20480xf32, #tpu.memory_space<vmem_shared>> -> memref<1x1280xf32, #tpu.memory_space<vmem_shared>>
    %dma_start3A_537 = tpu.memref_squeeze %dma_start3A_536 : memref<1x1280xf32, #tpu.memory_space<vmem_shared>> -> memref<1280xf32, #tpu.memory_space<vmem_shared>>
    tpu.enqueue_dma source(%dma_start3A_537 : memref<1280xf32, #tpu.memory_space<vmem_shared>>) target(%dma_start3A_535 : memref<1280xf32, #tpu.memory_space<vmem>>) target_semaphore(%arg19 : memref<!tpu.dma_semaphore, #tpu.memory_space<semaphore_mem>>)
    %dma_start3A_538 = arith.constant 9 : i32
    %dma_start3A_539 = arith.constant 9 : i32
    %dma_start3A_540 = arith.constant 0 : i32
    %dma_start3A_541 = tpu.memref_slice %arg15[%dma_start3A_539, %dma_start3A_540] : memref<16x1280xf32, #tpu.memory_space<vmem>> -> memref<1x1280xf32, #tpu.memory_space<vmem>>
    %dma_start3A_542 = tpu.memref_squeeze %dma_start3A_541 : memref<1x1280xf32, #tpu.memory_space<vmem>> -> memref<1280xf32, #tpu.memory_space<vmem>>
    %dma_start3A_543 = tpu.memref_slice %arg16[%dma_start3A_538, %mul3A_0] : memref<16x20480xf32, #tpu.memory_space<vmem_shared>> -> memref<1x1280xf32, #tpu.memory_space<vmem_shared>>
    %dma_start3A_544 = tpu.memref_squeeze %dma_start3A_543 : memref<1x1280xf32, #tpu.memory_space<vmem_shared>> -> memref<1280xf32, #tpu.memory_space<vmem_shared>>
    %dma_start3A_545 = arith.constant 0 : i32
    %dma_start3A_546 = tpu.memref_slice %arg15[%dma_start3A_539, %dma_start3A_545] : memref<16x1280xf32, #tpu.memory_space<vmem>> -> memref<1x1280xf32, #tpu.memory_space<vmem>>
    %dma_start3A_547 = tpu.memref_squeeze %dma_start3A_546 : memref<1x1280xf32, #tpu.memory_space<vmem>> -> memref<1280xf32, #tpu.memory_space<vmem>>
    %dma_start3A_548 = tpu.memref_slice %arg16[%dma_start3A_538, %mul3A_0] : memref<16x20480xf32, #tpu.memory_space<vmem_shared>> -> memref<1x1280xf32, #tpu.memory_space<vmem_shared>>
    %dma_start3A_549 = tpu.memref_squeeze %dma_start3A_548 : memref<1x1280xf32, #tpu.memory_space<vmem_shared>> -> memref<1280xf32, #tpu.memory_space<vmem_shared>>
    tpu.enqueue_dma source(%dma_start3A_549 : memref<1280xf32, #tpu.memory_space<vmem_shared>>) target(%dma_start3A_547 : memref<1280xf32, #tpu.memory_space<vmem>>) target_semaphore(%arg19 : memref<!tpu.dma_semaphore, #tpu.memory_space<semaphore_mem>>)
    %dma_start3A_550 = arith.constant 10 : i32
    %dma_start3A_551 = arith.constant 10 : i32
    %dma_start3A_552 = arith.constant 0 : i32
    %dma_start3A_553 = tpu.memref_slice %arg15[%dma_start3A_551, %dma_start3A_552] : memref<16x1280xf32, #tpu.memory_space<vmem>> -> memref<1x1280xf32, #tpu.memory_space<vmem>>
    %dma_start3A_554 = tpu.memref_squeeze %dma_start3A_553 : memref<1x1280xf32, #tpu.memory_space<vmem>> -> memref<1280xf32, #tpu.memory_space<vmem>>
    %dma_start3A_555 = tpu.memref_slice %arg16[%dma_start3A_550, %mul3A_0] : memref<16x20480xf32, #tpu.memory_space<vmem_shared>> -> memref<1x1280xf32, #tpu.memory_space<vmem_shared>>
    %dma_start3A_556 = tpu.memref_squeeze %dma_start3A_555 : memref<1x1280xf32, #tpu.memory_space<vmem_shared>> -> memref<1280xf32, #tpu.memory_space<vmem_shared>>
    %dma_start3A_557 = arith.constant 0 : i32
    %dma_start3A_558 = tpu.memref_slice %arg15[%dma_start3A_551, %dma_start3A_557] : memref<16x1280xf32, #tpu.memory_space<vmem>> -> memref<1x1280xf32, #tpu.memory_space<vmem>>
    %dma_start3A_559 = tpu.memref_squeeze %dma_start3A_558 : memref<1x1280xf32, #tpu.memory_space<vmem>> -> memref<1280xf32, #tpu.memory_space<vmem>>
    %dma_start3A_560 = tpu.memref_slice %arg16[%dma_start3A_550, %mul3A_0] : memref<16x20480xf32, #tpu.memory_space<vmem_shared>> -> memref<1x1280xf32, #tpu.memory_space<vmem_shared>>
    %dma_start3A_561 = tpu.memref_squeeze %dma_start3A_560 : memref<1x1280xf32, #tpu.memory_space<vmem_shared>> -> memref<1280xf32, #tpu.memory_space<vmem_shared>>
    tpu.enqueue_dma source(%dma_start3A_561 : memref<1280xf32, #tpu.memory_space<vmem_shared>>) target(%dma_start3A_559 : memref<1280xf32, #tpu.memory_space<vmem>>) target_semaphore(%arg19 : memref<!tpu.dma_semaphore, #tpu.memory_space<semaphore_mem>>)
    %dma_start3A_562 = arith.constant 11 : i32
    %dma_start3A_563 = arith.constant 11 : i32
    %dma_start3A_564 = arith.constant 0 : i32
    %dma_start3A_565 = tpu.memref_slice %arg15[%dma_start3A_563, %dma_start3A_564] : memref<16x1280xf32, #tpu.memory_space<vmem>> -> memref<1x1280xf32, #tpu.memory_space<vmem>>
    %dma_start3A_566 = tpu.memref_squeeze %dma_start3A_565 : memref<1x1280xf32, #tpu.memory_space<vmem>> -> memref<1280xf32, #tpu.memory_space<vmem>>
    %dma_start3A_567 = tpu.memref_slice %arg16[%dma_start3A_562, %mul3A_0] : memref<16x20480xf32, #tpu.memory_space<vmem_shared>> -> memref<1x1280xf32, #tpu.memory_space<vmem_shared>>
    %dma_start3A_568 = tpu.memref_squeeze %dma_start3A_567 : memref<1x1280xf32, #tpu.memory_space<vmem_shared>> -> memref<1280xf32, #tpu.memory_space<vmem_shared>>
    %dma_start3A_569 = arith.constant 0 : i32
    %dma_start3A_570 = tpu.memref_slice %arg15[%dma_start3A_563, %dma_start3A_569] : memref<16x1280xf32, #tpu.memory_space<vmem>> -> memref<1x1280xf32, #tpu.memory_space<vmem>>
    %dma_start3A_571 = tpu.memref_squeeze %dma_start3A_570 : memref<1x1280xf32, #tpu.memory_space<vmem>> -> memref<1280xf32, #tpu.memory_space<vmem>>
    %dma_start3A_572 = tpu.memref_slice %arg16[%dma_start3A_562, %mul3A_0] : memref<16x20480xf32, #tpu.memory_space<vmem_shared>> -> memref<1x1280xf32, #tpu.memory_space<vmem_shared>>
    %dma_start3A_573 = tpu.memref_squeeze %dma_start3A_572 : memref<1x1280xf32, #tpu.memory_space<vmem_shared>> -> memref<1280xf32, #tpu.memory_space<vmem_shared>>
    tpu.enqueue_dma source(%dma_start3A_573 : memref<1280xf32, #tpu.memory_space<vmem_shared>>) target(%dma_start3A_571 : memref<1280xf32, #tpu.memory_space<vmem>>) target_semaphore(%arg19 : memref<!tpu.dma_semaphore, #tpu.memory_space<semaphore_mem>>)
    %dma_start3A_574 = arith.constant 12 : i32
    %dma_start3A_575 = arith.constant 12 : i32
    %dma_start3A_576 = arith.constant 0 : i32
    %dma_start3A_577 = tpu.memref_slice %arg15[%dma_start3A_575, %dma_start3A_576] : memref<16x1280xf32, #tpu.memory_space<vmem>> -> memref<1x1280xf32, #tpu.memory_space<vmem>>
    %dma_start3A_578 = tpu.memref_squeeze %dma_start3A_577 : memref<1x1280xf32, #tpu.memory_space<vmem>> -> memref<1280xf32, #tpu.memory_space<vmem>>
    %dma_start3A_579 = tpu.memref_slice %arg16[%dma_start3A_574, %mul3A_0] : memref<16x20480xf32, #tpu.memory_space<vmem_shared>> -> memref<1x1280xf32, #tpu.memory_space<vmem_shared>>
    %dma_start3A_580 = tpu.memref_squeeze %dma_start3A_579 : memref<1x1280xf32, #tpu.memory_space<vmem_shared>> -> memref<1280xf32, #tpu.memory_space<vmem_shared>>
    %dma_start3A_581 = arith.constant 0 : i32
    %dma_start3A_582 = tpu.memref_slice %arg15[%dma_start3A_575, %dma_start3A_581] : memref<16x1280xf32, #tpu.memory_space<vmem>> -> memref<1x1280xf32, #tpu.memory_space<vmem>>
    %dma_start3A_583 = tpu.memref_squeeze %dma_start3A_582 : memref<1x1280xf32, #tpu.memory_space<vmem>> -> memref<1280xf32, #tpu.memory_space<vmem>>
    %dma_start3A_584 = tpu.memref_slice %arg16[%dma_start3A_574, %mul3A_0] : memref<16x20480xf32, #tpu.memory_space<vmem_shared>> -> memref<1x1280xf32, #tpu.memory_space<vmem_shared>>
    %dma_start3A_585 = tpu.memref_squeeze %dma_start3A_584 : memref<1x1280xf32, #tpu.memory_space<vmem_shared>> -> memref<1280xf32, #tpu.memory_space<vmem_shared>>
    tpu.enqueue_dma source(%dma_start3A_585 : memref<1280xf32, #tpu.memory_space<vmem_shared>>) target(%dma_start3A_583 : memref<1280xf32, #tpu.memory_space<vmem>>) target_semaphore(%arg19 : memref<!tpu.dma_semaphore, #tpu.memory_space<semaphore_mem>>)
    %dma_start3A_586 = arith.constant 13 : i32
    %dma_start3A_587 = arith.constant 13 : i32
    %dma_start3A_588 = arith.constant 0 : i32
    %dma_start3A_589 = tpu.memref_slice %arg15[%dma_start3A_587, %dma_start3A_588] : memref<16x1280xf32, #tpu.memory_space<vmem>> -> memref<1x1280xf32, #tpu.memory_space<vmem>>
    %dma_start3A_590 = tpu.memref_squeeze %dma_start3A_589 : memref<1x1280xf32, #tpu.memory_space<vmem>> -> memref<1280xf32, #tpu.memory_space<vmem>>
    %dma_start3A_591 = tpu.memref_slice %arg16[%dma_start3A_586, %mul3A_0] : memref<16x20480xf32, #tpu.memory_space<vmem_shared>> -> memref<1x1280xf32, #tpu.memory_space<vmem_shared>>
    %dma_start3A_592 = tpu.memref_squeeze %dma_start3A_591 : memref<1x1280xf32, #tpu.memory_space<vmem_shared>> -> memref<1280xf32, #tpu.memory_space<vmem_shared>>
    %dma_start3A_593 = arith.constant 0 : i32
    %dma_start3A_594 = tpu.memref_slice %arg15[%dma_start3A_587, %dma_start3A_593] : memref<16x1280xf32, #tpu.memory_space<vmem>> -> memref<1x1280xf32, #tpu.memory_space<vmem>>
    %dma_start3A_595 = tpu.memref_squeeze %dma_start3A_594 : memref<1x1280xf32, #tpu.memory_space<vmem>> -> memref<1280xf32, #tpu.memory_space<vmem>>
    %dma_start3A_596 = tpu.memref_slice %arg16[%dma_start3A_586, %mul3A_0] : memref<16x20480xf32, #tpu.memory_space<vmem_shared>> -> memref<1x1280xf32, #tpu.memory_space<vmem_shared>>
    %dma_start3A_597 = tpu.memref_squeeze %dma_start3A_596 : memref<1x1280xf32, #tpu.memory_space<vmem_shared>> -> memref<1280xf32, #tpu.memory_space<vmem_shared>>
    tpu.enqueue_dma source(%dma_start3A_597 : memref<1280xf32, #tpu.memory_space<vmem_shared>>) target(%dma_start3A_595 : memref<1280xf32, #tpu.memory_space<vmem>>) target_semaphore(%arg19 : memref<!tpu.dma_semaphore, #tpu.memory_space<semaphore_mem>>)
    %dma_start3A_598 = arith.constant 14 : i32
    %dma_start3A_599 = arith.constant 14 : i32
    %dma_start3A_600 = arith.constant 0 : i32
    %dma_start3A_601 = tpu.memref_slice %arg15[%dma_start3A_599, %dma_start3A_600] : memref<16x1280xf32, #tpu.memory_space<vmem>> -> memref<1x1280xf32, #tpu.memory_space<vmem>>
    %dma_start3A_602 = tpu.memref_squeeze %dma_start3A_601 : memref<1x1280xf32, #tpu.memory_space<vmem>> -> memref<1280xf32, #tpu.memory_space<vmem>>
    %dma_start3A_603 = tpu.memref_slice %arg16[%dma_start3A_598, %mul3A_0] : memref<16x20480xf32, #tpu.memory_space<vmem_shared>> -> memref<1x1280xf32, #tpu.memory_space<vmem_shared>>
    %dma_start3A_604 = tpu.memref_squeeze %dma_start3A_603 : memref<1x1280xf32, #tpu.memory_space<vmem_shared>> -> memref<1280xf32, #tpu.memory_space<vmem_shared>>
    %dma_start3A_605 = arith.constant 0 : i32
    %dma_start3A_606 = tpu.memref_slice %arg15[%dma_start3A_599, %dma_start3A_605] : memref<16x1280xf32, #tpu.memory_space<vmem>> -> memref<1x1280xf32, #tpu.memory_space<vmem>>
    %dma_start3A_607 = tpu.memref_squeeze %dma_start3A_606 : memref<1x1280xf32, #tpu.memory_space<vmem>> -> memref<1280xf32, #tpu.memory_space<vmem>>
    %dma_start3A_608 = tpu.memref_slice %arg16[%dma_start3A_598, %mul3A_0] : memref<16x20480xf32, #tpu.memory_space<vmem_shared>> -> memref<1x1280xf32, #tpu.memory_space<vmem_shared>>
    %dma_start3A_609 = tpu.memref_squeeze %dma_start3A_608 : memref<1x1280xf32, #tpu.memory_space<vmem_shared>> -> memref<1280xf32, #tpu.memory_space<vmem_shared>>
    tpu.enqueue_dma source(%dma_start3A_609 : memref<1280xf32, #tpu.memory_space<vmem_shared>>) target(%dma_start3A_607 : memref<1280xf32, #tpu.memory_space<vmem>>) target_semaphore(%arg19 : memref<!tpu.dma_semaphore, #tpu.memory_space<semaphore_mem>>)
    %dma_start3A_610 = arith.constant 15 : i32
    %dma_start3A_611 = arith.constant 15 : i32
    %dma_start3A_612 = arith.constant 0 : i32
    %dma_start3A_613 = tpu.memref_slice %arg15[%dma_start3A_611, %dma_start3A_612] : memref<16x1280xf32, #tpu.memory_space<vmem>> -> memref<1x1280xf32, #tpu.memory_space<vmem>>
    %dma_start3A_614 = tpu.memref_squeeze %dma_start3A_613 : memref<1x1280xf32, #tpu.memory_space<vmem>> -> memref<1280xf32, #tpu.memory_space<vmem>>
    %dma_start3A_615 = tpu.memref_slice %arg16[%dma_start3A_610, %mul3A_0] : memref<16x20480xf32, #tpu.memory_space<vmem_shared>> -> memref<1x1280xf32, #tpu.memory_space<vmem_shared>>
    %dma_start3A_616 = tpu.memref_squeeze %dma_start3A_615 : memref<1x1280xf32, #tpu.memory_space<vmem_shared>> -> memref<1280xf32, #tpu.memory_space<vmem_shared>>
    %dma_start3A_617 = arith.constant 0 : i32
    %dma_start3A_618 = tpu.memref_slice %arg15[%dma_start3A_611, %dma_start3A_617] : memref<16x1280xf32, #tpu.memory_space<vmem>> -> memref<1x1280xf32, #tpu.memory_space<vmem>>
    %dma_start3A_619 = tpu.memref_squeeze %dma_start3A_618 : memref<1x1280xf32, #tpu.memory_space<vmem>> -> memref<1280xf32, #tpu.memory_space<vmem>>
    %dma_start3A_620 = tpu.memref_slice %arg16[%dma_start3A_610, %mul3A_0] : memref<16x20480xf32, #tpu.memory_space<vmem_shared>> -> memref<1x1280xf32, #tpu.memory_space<vmem_shared>>
    %dma_start3A_621 = tpu.memref_squeeze %dma_start3A_620 : memref<1x1280xf32, #tpu.memory_space<vmem_shared>> -> memref<1280xf32, #tpu.memory_space<vmem_shared>>
    tpu.enqueue_dma source(%dma_start3A_621 : memref<1280xf32, #tpu.memory_space<vmem_shared>>) target(%dma_start3A_619 : memref<1280xf32, #tpu.memory_space<vmem>>) target_semaphore(%arg19 : memref<!tpu.dma_semaphore, #tpu.memory_space<semaphore_mem>>)
    %dma_wait3A_622 = arith.constant 0 : i32
    %dma_wait3A_623 = arith.constant 0 : i32
    %dma_wait3A_624 = arith.constant 0 : i32
    %dma_wait3A_625 = tpu.memref_slice %arg15[%dma_wait3A_623, %dma_wait3A_624] : memref<16x1280xf32, #tpu.memory_space<vmem>> -> memref<1x1280xf32, #tpu.memory_space<vmem>>
    %dma_wait3A_626 = tpu.memref_squeeze %dma_wait3A_625 : memref<1x1280xf32, #tpu.memory_space<vmem>> -> memref<1280xf32, #tpu.memory_space<vmem>>
    %dma_wait3A_627 = tpu.memref_slice %arg16[%dma_wait3A_622, %mul3A_0] : memref<16x20480xf32, #tpu.memory_space<vmem_shared>> -> memref<1x1280xf32, #tpu.memory_space<vmem_shared>>
    %dma_wait3A_628 = tpu.memref_squeeze %dma_wait3A_627 : memref<1x1280xf32, #tpu.memory_space<vmem_shared>> -> memref<1280xf32, #tpu.memory_space<vmem_shared>>
    %dma_wait3A_629 = arith.constant 0 : i32
    %dma_wait3A_630 = tpu.memref_slice %arg15[%dma_wait3A_623, %dma_wait3A_629] : memref<16x1280xf32, #tpu.memory_space<vmem>> -> memref<1x1280xf32, #tpu.memory_space<vmem>>
    %dma_wait3A_631 = tpu.memref_squeeze %dma_wait3A_630 : memref<1x1280xf32, #tpu.memory_space<vmem>> -> memref<1280xf32, #tpu.memory_space<vmem>>
    %dma_wait3A_632 = tpu.memref_slice %arg16[%dma_wait3A_622, %mul3A_0] : memref<16x20480xf32, #tpu.memory_space<vmem_shared>> -> memref<1x1280xf32, #tpu.memory_space<vmem_shared>>
    %dma_wait3A_633 = tpu.memref_squeeze %dma_wait3A_632 : memref<1x1280xf32, #tpu.memory_space<vmem_shared>> -> memref<1280xf32, #tpu.memory_space<vmem_shared>>
    tpu.wait_dma2 semaphore(%arg19 : memref<!tpu.dma_semaphore, #tpu.memory_space<semaphore_mem>>) src(%dma_wait3A_633 : memref<1280xf32, #tpu.memory_space<vmem_shared>>) dst(%dma_wait3A_631 : memref<1280xf32, #tpu.memory_space<vmem>>)
    %dma_wait3A_634 = arith.constant 1 : i32
    %dma_wait3A_635 = arith.constant 1 : i32
    %dma_wait3A_636 = arith.constant 0 : i32
    %dma_wait3A_637 = tpu.memref_slice %arg15[%dma_wait3A_635, %dma_wait3A_636] : memref<16x1280xf32, #tpu.memory_space<vmem>> -> memref<1x1280xf32, #tpu.memory_space<vmem>>
    %dma_wait3A_638 = tpu.memref_squeeze %dma_wait3A_637 : memref<1x1280xf32, #tpu.memory_space<vmem>> -> memref<1280xf32, #tpu.memory_space<vmem>>
    %dma_wait3A_639 = tpu.memref_slice %arg16[%dma_wait3A_634, %mul3A_0] : memref<16x20480xf32, #tpu.memory_space<vmem_shared>> -> memref<1x1280xf32, #tpu.memory_space<vmem_shared>>
    %dma_wait3A_640 = tpu.memref_squeeze %dma_wait3A_639 : memref<1x1280xf32, #tpu.memory_space<vmem_shared>> -> memref<1280xf32, #tpu.memory_space<vmem_shared>>
    %dma_wait3A_641 = arith.constant 0 : i32
    %dma_wait3A_642 = tpu.memref_slice %arg15[%dma_wait3A_635, %dma_wait3A_641] : memref<16x1280xf32, #tpu.memory_space<vmem>> -> memref<1x1280xf32, #tpu.memory_space<vmem>>
    %dma_wait3A_643 = tpu.memref_squeeze %dma_wait3A_642 : memref<1x1280xf32, #tpu.memory_space<vmem>> -> memref<1280xf32, #tpu.memory_space<vmem>>
    %dma_wait3A_644 = tpu.memref_slice %arg16[%dma_wait3A_634, %mul3A_0] : memref<16x20480xf32, #tpu.memory_space<vmem_shared>> -> memref<1x1280xf32, #tpu.memory_space<vmem_shared>>
    %dma_wait3A_645 = tpu.memref_squeeze %dma_wait3A_644 : memref<1x1280xf32, #tpu.memory_space<vmem_shared>> -> memref<1280xf32, #tpu.memory_space<vmem_shared>>
    tpu.wait_dma2 semaphore(%arg19 : memref<!tpu.dma_semaphore, #tpu.memory_space<semaphore_mem>>) src(%dma_wait3A_645 : memref<1280xf32, #tpu.memory_space<vmem_shared>>) dst(%dma_wait3A_643 : memref<1280xf32, #tpu.memory_space<vmem>>)
    %dma_wait3A_646 = arith.constant 2 : i32
    %dma_wait3A_647 = arith.constant 2 : i32
    %dma_wait3A_648 = arith.constant 0 : i32
    %dma_wait3A_649 = tpu.memref_slice %arg15[%dma_wait3A_647, %dma_wait3A_648] : memref<16x1280xf32, #tpu.memory_space<vmem>> -> memref<1x1280xf32, #tpu.memory_space<vmem>>
    %dma_wait3A_650 = tpu.memref_squeeze %dma_wait3A_649 : memref<1x1280xf32, #tpu.memory_space<vmem>> -> memref<1280xf32, #tpu.memory_space<vmem>>
    %dma_wait3A_651 = tpu.memref_slice %arg16[%dma_wait3A_646, %mul3A_0] : memref<16x20480xf32, #tpu.memory_space<vmem_shared>> -> memref<1x1280xf32, #tpu.memory_space<vmem_shared>>
    %dma_wait3A_652 = tpu.memref_squeeze %dma_wait3A_651 : memref<1x1280xf32, #tpu.memory_space<vmem_shared>> -> memref<1280xf32, #tpu.memory_space<vmem_shared>>
    %dma_wait3A_653 = arith.constant 0 : i32
    %dma_wait3A_654 = tpu.memref_slice %arg15[%dma_wait3A_647, %dma_wait3A_653] : memref<16x1280xf32, #tpu.memory_space<vmem>> -> memref<1x1280xf32, #tpu.memory_space<vmem>>
    %dma_wait3A_655 = tpu.memref_squeeze %dma_wait3A_654 : memref<1x1280xf32, #tpu.memory_space<vmem>> -> memref<1280xf32, #tpu.memory_space<vmem>>
    %dma_wait3A_656 = tpu.memref_slice %arg16[%dma_wait3A_646, %mul3A_0] : memref<16x20480xf32, #tpu.memory_space<vmem_shared>> -> memref<1x1280xf32, #tpu.memory_space<vmem_shared>>
    %dma_wait3A_657 = tpu.memref_squeeze %dma_wait3A_656 : memref<1x1280xf32, #tpu.memory_space<vmem_shared>> -> memref<1280xf32, #tpu.memory_space<vmem_shared>>
    tpu.wait_dma2 semaphore(%arg19 : memref<!tpu.dma_semaphore, #tpu.memory_space<semaphore_mem>>) src(%dma_wait3A_657 : memref<1280xf32, #tpu.memory_space<vmem_shared>>) dst(%dma_wait3A_655 : memref<1280xf32, #tpu.memory_space<vmem>>)
    %dma_wait3A_658 = arith.constant 3 : i32
    %dma_wait3A_659 = arith.constant 3 : i32
    %dma_wait3A_660 = arith.constant 0 : i32
    %dma_wait3A_661 = tpu.memref_slice %arg15[%dma_wait3A_659, %dma_wait3A_660] : memref<16x1280xf32, #tpu.memory_space<vmem>> -> memref<1x1280xf32, #tpu.memory_space<vmem>>
    %dma_wait3A_662 = tpu.memref_squeeze %dma_wait3A_661 : memref<1x1280xf32, #tpu.memory_space<vmem>> -> memref<1280xf32, #tpu.memory_space<vmem>>
    %dma_wait3A_663 = tpu.memref_slice %arg16[%dma_wait3A_658, %mul3A_0] : memref<16x20480xf32, #tpu.memory_space<vmem_shared>> -> memref<1x1280xf32, #tpu.memory_space<vmem_shared>>
    %dma_wait3A_664 = tpu.memref_squeeze %dma_wait3A_663 : memref<1x1280xf32, #tpu.memory_space<vmem_shared>> -> memref<1280xf32, #tpu.memory_space<vmem_shared>>
    %dma_wait3A_665 = arith.constant 0 : i32
    %dma_wait3A_666 = tpu.memref_slice %arg15[%dma_wait3A_659, %dma_wait3A_665] : memref<16x1280xf32, #tpu.memory_space<vmem>> -> memref<1x1280xf32, #tpu.memory_space<vmem>>
    %dma_wait3A_667 = tpu.memref_squeeze %dma_wait3A_666 : memref<1x1280xf32, #tpu.memory_space<vmem>> -> memref<1280xf32, #tpu.memory_space<vmem>>
    %dma_wait3A_668 = tpu.memref_slice %arg16[%dma_wait3A_658, %mul3A_0] : memref<16x20480xf32, #tpu.memory_space<vmem_shared>> -> memref<1x1280xf32, #tpu.memory_space<vmem_shared>>
    %dma_wait3A_669 = tpu.memref_squeeze %dma_wait3A_668 : memref<1x1280xf32, #tpu.memory_space<vmem_shared>> -> memref<1280xf32, #tpu.memory_space<vmem_shared>>
    tpu.wait_dma2 semaphore(%arg19 : memref<!tpu.dma_semaphore, #tpu.memory_space<semaphore_mem>>) src(%dma_wait3A_669 : memref<1280xf32, #tpu.memory_space<vmem_shared>>) dst(%dma_wait3A_667 : memref<1280xf32, #tpu.memory_space<vmem>>)
    %dma_wait3A_670 = arith.constant 4 : i32
    %dma_wait3A_671 = arith.constant 4 : i32
    %dma_wait3A_672 = arith.constant 0 : i32
    %dma_wait3A_673 = tpu.memref_slice %arg15[%dma_wait3A_671, %dma_wait3A_672] : memref<16x1280xf32, #tpu.memory_space<vmem>> -> memref<1x1280xf32, #tpu.memory_space<vmem>>
    %dma_wait3A_674 = tpu.memref_squeeze %dma_wait3A_673 : memref<1x1280xf32, #tpu.memory_space<vmem>> -> memref<1280xf32, #tpu.memory_space<vmem>>
    %dma_wait3A_675 = tpu.memref_slice %arg16[%dma_wait3A_670, %mul3A_0] : memref<16x20480xf32, #tpu.memory_space<vmem_shared>> -> memref<1x1280xf32, #tpu.memory_space<vmem_shared>>
    %dma_wait3A_676 = tpu.memref_squeeze %dma_wait3A_675 : memref<1x1280xf32, #tpu.memory_space<vmem_shared>> -> memref<1280xf32, #tpu.memory_space<vmem_shared>>
    %dma_wait3A_677 = arith.constant 0 : i32
    %dma_wait3A_678 = tpu.memref_slice %arg15[%dma_wait3A_671, %dma_wait3A_677] : memref<16x1280xf32, #tpu.memory_space<vmem>> -> memref<1x1280xf32, #tpu.memory_space<vmem>>
    %dma_wait3A_679 = tpu.memref_squeeze %dma_wait3A_678 : memref<1x1280xf32, #tpu.memory_space<vmem>> -> memref<1280xf32, #tpu.memory_space<vmem>>
    %dma_wait3A_680 = tpu.memref_slice %arg16[%dma_wait3A_670, %mul3A_0] : memref<16x20480xf32, #tpu.memory_space<vmem_shared>> -> memref<1x1280xf32, #tpu.memory_space<vmem_shared>>
    %dma_wait3A_681 = tpu.memref_squeeze %dma_wait3A_680 : memref<1x1280xf32, #tpu.memory_space<vmem_shared>> -> memref<1280xf32, #tpu.memory_space<vmem_shared>>
    tpu.wait_dma2 semaphore(%arg19 : memref<!tpu.dma_semaphore, #tpu.memory_space<semaphore_mem>>) src(%dma_wait3A_681 : memref<1280xf32, #tpu.memory_space<vmem_shared>>) dst(%dma_wait3A_679 : memref<1280xf32, #tpu.memory_space<vmem>>)
    %dma_wait3A_682 = arith.constant 5 : i32
    %dma_wait3A_683 = arith.constant 5 : i32
    %dma_wait3A_684 = arith.constant 0 : i32
    %dma_wait3A_685 = tpu.memref_slice %arg15[%dma_wait3A_683, %dma_wait3A_684] : memref<16x1280xf32, #tpu.memory_space<vmem>> -> memref<1x1280xf32, #tpu.memory_space<vmem>>
    %dma_wait3A_686 = tpu.memref_squeeze %dma_wait3A_685 : memref<1x1280xf32, #tpu.memory_space<vmem>> -> memref<1280xf32, #tpu.memory_space<vmem>>
    %dma_wait3A_687 = tpu.memref_slice %arg16[%dma_wait3A_682, %mul3A_0] : memref<16x20480xf32, #tpu.memory_space<vmem_shared>> -> memref<1x1280xf32, #tpu.memory_space<vmem_shared>>
    %dma_wait3A_688 = tpu.memref_squeeze %dma_wait3A_687 : memref<1x1280xf32, #tpu.memory_space<vmem_shared>> -> memref<1280xf32, #tpu.memory_space<vmem_shared>>
    %dma_wait3A_689 = arith.constant 0 : i32
    %dma_wait3A_690 = tpu.memref_slice %arg15[%dma_wait3A_683, %dma_wait3A_689] : memref<16x1280xf32, #tpu.memory_space<vmem>> -> memref<1x1280xf32, #tpu.memory_space<vmem>>
    %dma_wait3A_691 = tpu.memref_squeeze %dma_wait3A_690 : memref<1x1280xf32, #tpu.memory_space<vmem>> -> memref<1280xf32, #tpu.memory_space<vmem>>
    %dma_wait3A_692 = tpu.memref_slice %arg16[%dma_wait3A_682, %mul3A_0] : memref<16x20480xf32, #tpu.memory_space<vmem_shared>> -> memref<1x1280xf32, #tpu.memory_space<vmem_shared>>
    %dma_wait3A_693 = tpu.memref_squeeze %dma_wait3A_692 : memref<1x1280xf32, #tpu.memory_space<vmem_shared>> -> memref<1280xf32, #tpu.memory_space<vmem_shared>>
    tpu.wait_dma2 semaphore(%arg19 : memref<!tpu.dma_semaphore, #tpu.memory_space<semaphore_mem>>) src(%dma_wait3A_693 : memref<1280xf32, #tpu.memory_space<vmem_shared>>) dst(%dma_wait3A_691 : memref<1280xf32, #tpu.memory_space<vmem>>)
    %dma_wait3A_694 = arith.constant 6 : i32
    %dma_wait3A_695 = arith.constant 6 : i32
    %dma_wait3A_696 = arith.constant 0 : i32
    %dma_wait3A_697 = tpu.memref_slice %arg15[%dma_wait3A_695, %dma_wait3A_696] : memref<16x1280xf32, #tpu.memory_space<vmem>> -> memref<1x1280xf32, #tpu.memory_space<vmem>>
    %dma_wait3A_698 = tpu.memref_squeeze %dma_wait3A_697 : memref<1x1280xf32, #tpu.memory_space<vmem>> -> memref<1280xf32, #tpu.memory_space<vmem>>
    %dma_wait3A_699 = tpu.memref_slice %arg16[%dma_wait3A_694, %mul3A_0] : memref<16x20480xf32, #tpu.memory_space<vmem_shared>> -> memref<1x1280xf32, #tpu.memory_space<vmem_shared>>
    %dma_wait3A_700 = tpu.memref_squeeze %dma_wait3A_699 : memref<1x1280xf32, #tpu.memory_space<vmem_shared>> -> memref<1280xf32, #tpu.memory_space<vmem_shared>>
    %dma_wait3A_701 = arith.constant 0 : i32
    %dma_wait3A_702 = tpu.memref_slice %arg15[%dma_wait3A_695, %dma_wait3A_701] : memref<16x1280xf32, #tpu.memory_space<vmem>> -> memref<1x1280xf32, #tpu.memory_space<vmem>>
    %dma_wait3A_703 = tpu.memref_squeeze %dma_wait3A_702 : memref<1x1280xf32, #tpu.memory_space<vmem>> -> memref<1280xf32, #tpu.memory_space<vmem>>
    %dma_wait3A_704 = tpu.memref_slice %arg16[%dma_wait3A_694, %mul3A_0] : memref<16x20480xf32, #tpu.memory_space<vmem_shared>> -> memref<1x1280xf32, #tpu.memory_space<vmem_shared>>
    %dma_wait3A_705 = tpu.memref_squeeze %dma_wait3A_704 : memref<1x1280xf32, #tpu.memory_space<vmem_shared>> -> memref<1280xf32, #tpu.memory_space<vmem_shared>>
    tpu.wait_dma2 semaphore(%arg19 : memref<!tpu.dma_semaphore, #tpu.memory_space<semaphore_mem>>) src(%dma_wait3A_705 : memref<1280xf32, #tpu.memory_space<vmem_shared>>) dst(%dma_wait3A_703 : memref<1280xf32, #tpu.memory_space<vmem>>)
    %dma_wait3A_706 = arith.constant 7 : i32
    %dma_wait3A_707 = arith.constant 7 : i32
    %dma_wait3A_708 = arith.constant 0 : i32
    %dma_wait3A_709 = tpu.memref_slice %arg15[%dma_wait3A_707, %dma_wait3A_708] : memref<16x1280xf32, #tpu.memory_space<vmem>> -> memref<1x1280xf32, #tpu.memory_space<vmem>>
    %dma_wait3A_710 = tpu.memref_squeeze %dma_wait3A_709 : memref<1x1280xf32, #tpu.memory_space<vmem>> -> memref<1280xf32, #tpu.memory_space<vmem>>
    %dma_wait3A_711 = tpu.memref_slice %arg16[%dma_wait3A_706, %mul3A_0] : memref<16x20480xf32, #tpu.memory_space<vmem_shared>> -> memref<1x1280xf32, #tpu.memory_space<vmem_shared>>
    %dma_wait3A_712 = tpu.memref_squeeze %dma_wait3A_711 : memref<1x1280xf32, #tpu.memory_space<vmem_shared>> -> memref<1280xf32, #tpu.memory_space<vmem_shared>>
    %dma_wait3A_713 = arith.constant 0 : i32
    %dma_wait3A_714 = tpu.memref_slice %arg15[%dma_wait3A_707, %dma_wait3A_713] : memref<16x1280xf32, #tpu.memory_space<vmem>> -> memref<1x1280xf32, #tpu.memory_space<vmem>>
    %dma_wait3A_715 = tpu.memref_squeeze %dma_wait3A_714 : memref<1x1280xf32, #tpu.memory_space<vmem>> -> memref<1280xf32, #tpu.memory_space<vmem>>
    %dma_wait3A_716 = tpu.memref_slice %arg16[%dma_wait3A_706, %mul3A_0] : memref<16x20480xf32, #tpu.memory_space<vmem_shared>> -> memref<1x1280xf32, #tpu.memory_space<vmem_shared>>
    %dma_wait3A_717 = tpu.memref_squeeze %dma_wait3A_716 : memref<1x1280xf32, #tpu.memory_space<vmem_shared>> -> memref<1280xf32, #tpu.memory_space<vmem_shared>>
    tpu.wait_dma2 semaphore(%arg19 : memref<!tpu.dma_semaphore, #tpu.memory_space<semaphore_mem>>) src(%dma_wait3A_717 : memref<1280xf32, #tpu.memory_space<vmem_shared>>) dst(%dma_wait3A_715 : memref<1280xf32, #tpu.memory_space<vmem>>)
    %dma_wait3A_718 = arith.constant 8 : i32
    %dma_wait3A_719 = arith.constant 8 : i32
    %dma_wait3A_720 = arith.constant 0 : i32
    %dma_wait3A_721 = tpu.memref_slice %arg15[%dma_wait3A_719, %dma_wait3A_720] : memref<16x1280xf32, #tpu.memory_space<vmem>> -> memref<1x1280xf32, #tpu.memory_space<vmem>>
    %dma_wait3A_722 = tpu.memref_squeeze %dma_wait3A_721 : memref<1x1280xf32, #tpu.memory_space<vmem>> -> memref<1280xf32, #tpu.memory_space<vmem>>
    %dma_wait3A_723 = tpu.memref_slice %arg16[%dma_wait3A_718, %mul3A_0] : memref<16x20480xf32, #tpu.memory_space<vmem_shared>> -> memref<1x1280xf32, #tpu.memory_space<vmem_shared>>
    %dma_wait3A_724 = tpu.memref_squeeze %dma_wait3A_723 : memref<1x1280xf32, #tpu.memory_space<vmem_shared>> -> memref<1280xf32, #tpu.memory_space<vmem_shared>>
    %dma_wait3A_725 = arith.constant 0 : i32
    %dma_wait3A_726 = tpu.memref_slice %arg15[%dma_wait3A_719, %dma_wait3A_725] : memref<16x1280xf32, #tpu.memory_space<vmem>> -> memref<1x1280xf32, #tpu.memory_space<vmem>>
    %dma_wait3A_727 = tpu.memref_squeeze %dma_wait3A_726 : memref<1x1280xf32, #tpu.memory_space<vmem>> -> memref<1280xf32, #tpu.memory_space<vmem>>
    %dma_wait3A_728 = tpu.memref_slice %arg16[%dma_wait3A_718, %mul3A_0] : memref<16x20480xf32, #tpu.memory_space<vmem_shared>> -> memref<1x1280xf32, #tpu.memory_space<vmem_shared>>
    %dma_wait3A_729 = tpu.memref_squeeze %dma_wait3A_728 : memref<1x1280xf32, #tpu.memory_space<vmem_shared>> -> memref<1280xf32, #tpu.memory_space<vmem_shared>>
    tpu.wait_dma2 semaphore(%arg19 : memref<!tpu.dma_semaphore, #tpu.memory_space<semaphore_mem>>) src(%dma_wait3A_729 : memref<1280xf32, #tpu.memory_space<vmem_shared>>) dst(%dma_wait3A_727 : memref<1280xf32, #tpu.memory_space<vmem>>)
    %dma_wait3A_730 = arith.constant 9 : i32
    %dma_wait3A_731 = arith.constant 9 : i32
    %dma_wait3A_732 = arith.constant 0 : i32
    %dma_wait3A_733 = tpu.memref_slice %arg15[%dma_wait3A_731, %dma_wait3A_732] : memref<16x1280xf32, #tpu.memory_space<vmem>> -> memref<1x1280xf32, #tpu.memory_space<vmem>>
    %dma_wait3A_734 = tpu.memref_squeeze %dma_wait3A_733 : memref<1x1280xf32, #tpu.memory_space<vmem>> -> memref<1280xf32, #tpu.memory_space<vmem>>
    %dma_wait3A_735 = tpu.memref_slice %arg16[%dma_wait3A_730, %mul3A_0] : memref<16x20480xf32, #tpu.memory_space<vmem_shared>> -> memref<1x1280xf32, #tpu.memory_space<vmem_shared>>
    %dma_wait3A_736 = tpu.memref_squeeze %dma_wait3A_735 : memref<1x1280xf32, #tpu.memory_space<vmem_shared>> -> memref<1280xf32, #tpu.memory_space<vmem_shared>>
    %dma_wait3A_737 = arith.constant 0 : i32
    %dma_wait3A_738 = tpu.memref_slice %arg15[%dma_wait3A_731, %dma_wait3A_737] : memref<16x1280xf32, #tpu.memory_space<vmem>> -> memref<1x1280xf32, #tpu.memory_space<vmem>>
    %dma_wait3A_739 = tpu.memref_squeeze %dma_wait3A_738 : memref<1x1280xf32, #tpu.memory_space<vmem>> -> memref<1280xf32, #tpu.memory_space<vmem>>
    %dma_wait3A_740 = tpu.memref_slice %arg16[%dma_wait3A_730, %mul3A_0] : memref<16x20480xf32, #tpu.memory_space<vmem_shared>> -> memref<1x1280xf32, #tpu.memory_space<vmem_shared>>
    %dma_wait3A_741 = tpu.memref_squeeze %dma_wait3A_740 : memref<1x1280xf32, #tpu.memory_space<vmem_shared>> -> memref<1280xf32, #tpu.memory_space<vmem_shared>>
    tpu.wait_dma2 semaphore(%arg19 : memref<!tpu.dma_semaphore, #tpu.memory_space<semaphore_mem>>) src(%dma_wait3A_741 : memref<1280xf32, #tpu.memory_space<vmem_shared>>) dst(%dma_wait3A_739 : memref<1280xf32, #tpu.memory_space<vmem>>)
    %dma_wait3A_742 = arith.constant 10 : i32
    %dma_wait3A_743 = arith.constant 10 : i32
    %dma_wait3A_744 = arith.constant 0 : i32
    %dma_wait3A_745 = tpu.memref_slice %arg15[%dma_wait3A_743, %dma_wait3A_744] : memref<16x1280xf32, #tpu.memory_space<vmem>> -> memref<1x1280xf32, #tpu.memory_space<vmem>>
    %dma_wait3A_746 = tpu.memref_squeeze %dma_wait3A_745 : memref<1x1280xf32, #tpu.memory_space<vmem>> -> memref<1280xf32, #tpu.memory_space<vmem>>
    %dma_wait3A_747 = tpu.memref_slice %arg16[%dma_wait3A_742, %mul3A_0] : memref<16x20480xf32, #tpu.memory_space<vmem_shared>> -> memref<1x1280xf32, #tpu.memory_space<vmem_shared>>
    %dma_wait3A_748 = tpu.memref_squeeze %dma_wait3A_747 : memref<1x1280xf32, #tpu.memory_space<vmem_shared>> -> memref<1280xf32, #tpu.memory_space<vmem_shared>>
    %dma_wait3A_749 = arith.constant 0 : i32
    %dma_wait3A_750 = tpu.memref_slice %arg15[%dma_wait3A_743, %dma_wait3A_749] : memref<16x1280xf32, #tpu.memory_space<vmem>> -> memref<1x1280xf32, #tpu.memory_space<vmem>>
    %dma_wait3A_751 = tpu.memref_squeeze %dma_wait3A_750 : memref<1x1280xf32, #tpu.memory_space<vmem>> -> memref<1280xf32, #tpu.memory_space<vmem>>
    %dma_wait3A_752 = tpu.memref_slice %arg16[%dma_wait3A_742, %mul3A_0] : memref<16x20480xf32, #tpu.memory_space<vmem_shared>> -> memref<1x1280xf32, #tpu.memory_space<vmem_shared>>
    %dma_wait3A_753 = tpu.memref_squeeze %dma_wait3A_752 : memref<1x1280xf32, #tpu.memory_space<vmem_shared>> -> memref<1280xf32, #tpu.memory_space<vmem_shared>>
    tpu.wait_dma2 semaphore(%arg19 : memref<!tpu.dma_semaphore, #tpu.memory_space<semaphore_mem>>) src(%dma_wait3A_753 : memref<1280xf32, #tpu.memory_space<vmem_shared>>) dst(%dma_wait3A_751 : memref<1280xf32, #tpu.memory_space<vmem>>)
    %dma_wait3A_754 = arith.constant 11 : i32
    %dma_wait3A_755 = arith.constant 11 : i32
    %dma_wait3A_756 = arith.constant 0 : i32
    %dma_wait3A_757 = tpu.memref_slice %arg15[%dma_wait3A_755, %dma_wait3A_756] : memref<16x1280xf32, #tpu.memory_space<vmem>> -> memref<1x1280xf32, #tpu.memory_space<vmem>>
    %dma_wait3A_758 = tpu.memref_squeeze %dma_wait3A_757 : memref<1x1280xf32, #tpu.memory_space<vmem>> -> memref<1280xf32, #tpu.memory_space<vmem>>
    %dma_wait3A_759 = tpu.memref_slice %arg16[%dma_wait3A_754, %mul3A_0] : memref<16x20480xf32, #tpu.memory_space<vmem_shared>> -> memref<1x1280xf32, #tpu.memory_space<vmem_shared>>
    %dma_wait3A_760 = tpu.memref_squeeze %dma_wait3A_759 : memref<1x1280xf32, #tpu.memory_space<vmem_shared>> -> memref<1280xf32, #tpu.memory_space<vmem_shared>>
    %dma_wait3A_761 = arith.constant 0 : i32
    %dma_wait3A_762 = tpu.memref_slice %arg15[%dma_wait3A_755, %dma_wait3A_761] : memref<16x1280xf32, #tpu.memory_space<vmem>> -> memref<1x1280xf32, #tpu.memory_space<vmem>>
    %dma_wait3A_763 = tpu.memref_squeeze %dma_wait3A_762 : memref<1x1280xf32, #tpu.memory_space<vmem>> -> memref<1280xf32, #tpu.memory_space<vmem>>
    %dma_wait3A_764 = tpu.memref_slice %arg16[%dma_wait3A_754, %mul3A_0] : memref<16x20480xf32, #tpu.memory_space<vmem_shared>> -> memref<1x1280xf32, #tpu.memory_space<vmem_shared>>
    %dma_wait3A_765 = tpu.memref_squeeze %dma_wait3A_764 : memref<1x1280xf32, #tpu.memory_space<vmem_shared>> -> memref<1280xf32, #tpu.memory_space<vmem_shared>>
    tpu.wait_dma2 semaphore(%arg19 : memref<!tpu.dma_semaphore, #tpu.memory_space<semaphore_mem>>) src(%dma_wait3A_765 : memref<1280xf32, #tpu.memory_space<vmem_shared>>) dst(%dma_wait3A_763 : memref<1280xf32, #tpu.memory_space<vmem>>)
    %dma_wait3A_766 = arith.constant 12 : i32
    %dma_wait3A_767 = arith.constant 12 : i32
    %dma_wait3A_768 = arith.constant 0 : i32
    %dma_wait3A_769 = tpu.memref_slice %arg15[%dma_wait3A_767, %dma_wait3A_768] : memref<16x1280xf32, #tpu.memory_space<vmem>> -> memref<1x1280xf32, #tpu.memory_space<vmem>>
    %dma_wait3A_770 = tpu.memref_squeeze %dma_wait3A_769 : memref<1x1280xf32, #tpu.memory_space<vmem>> -> memref<1280xf32, #tpu.memory_space<vmem>>
    %dma_wait3A_771 = tpu.memref_slice %arg16[%dma_wait3A_766, %mul3A_0] : memref<16x20480xf32, #tpu.memory_space<vmem_shared>> -> memref<1x1280xf32, #tpu.memory_space<vmem_shared>>
    %dma_wait3A_772 = tpu.memref_squeeze %dma_wait3A_771 : memref<1x1280xf32, #tpu.memory_space<vmem_shared>> -> memref<1280xf32, #tpu.memory_space<vmem_shared>>
    %dma_wait3A_773 = arith.constant 0 : i32
    %dma_wait3A_774 = tpu.memref_slice %arg15[%dma_wait3A_767, %dma_wait3A_773] : memref<16x1280xf32, #tpu.memory_space<vmem>> -> memref<1x1280xf32, #tpu.memory_space<vmem>>
    %dma_wait3A_775 = tpu.memref_squeeze %dma_wait3A_774 : memref<1x1280xf32, #tpu.memory_space<vmem>> -> memref<1280xf32, #tpu.memory_space<vmem>>
    %dma_wait3A_776 = tpu.memref_slice %arg16[%dma_wait3A_766, %mul3A_0] : memref<16x20480xf32, #tpu.memory_space<vmem_shared>> -> memref<1x1280xf32, #tpu.memory_space<vmem_shared>>
    %dma_wait3A_777 = tpu.memref_squeeze %dma_wait3A_776 : memref<1x1280xf32, #tpu.memory_space<vmem_shared>> -> memref<1280xf32, #tpu.memory_space<vmem_shared>>
    tpu.wait_dma2 semaphore(%arg19 : memref<!tpu.dma_semaphore, #tpu.memory_space<semaphore_mem>>) src(%dma_wait3A_777 : memref<1280xf32, #tpu.memory_space<vmem_shared>>) dst(%dma_wait3A_775 : memref<1280xf32, #tpu.memory_space<vmem>>)
    %dma_wait3A_778 = arith.constant 13 : i32
    %dma_wait3A_779 = arith.constant 13 : i32
    %dma_wait3A_780 = arith.constant 0 : i32
    %dma_wait3A_781 = tpu.memref_slice %arg15[%dma_wait3A_779, %dma_wait3A_780] : memref<16x1280xf32, #tpu.memory_space<vmem>> -> memref<1x1280xf32, #tpu.memory_space<vmem>>
    %dma_wait3A_782 = tpu.memref_squeeze %dma_wait3A_781 : memref<1x1280xf32, #tpu.memory_space<vmem>> -> memref<1280xf32, #tpu.memory_space<vmem>>
    %dma_wait3A_783 = tpu.memref_slice %arg16[%dma_wait3A_778, %mul3A_0] : memref<16x20480xf32, #tpu.memory_space<vmem_shared>> -> memref<1x1280xf32, #tpu.memory_space<vmem_shared>>
    %dma_wait3A_784 = tpu.memref_squeeze %dma_wait3A_783 : memref<1x1280xf32, #tpu.memory_space<vmem_shared>> -> memref<1280xf32, #tpu.memory_space<vmem_shared>>
    %dma_wait3A_785 = arith.constant 0 : i32
    %dma_wait3A_786 = tpu.memref_slice %arg15[%dma_wait3A_779, %dma_wait3A_785] : memref<16x1280xf32, #tpu.memory_space<vmem>> -> memref<1x1280xf32, #tpu.memory_space<vmem>>
    %dma_wait3A_787 = tpu.memref_squeeze %dma_wait3A_786 : memref<1x1280xf32, #tpu.memory_space<vmem>> -> memref<1280xf32, #tpu.memory_space<vmem>>
    %dma_wait3A_788 = tpu.memref_slice %arg16[%dma_wait3A_778, %mul3A_0] : memref<16x20480xf32, #tpu.memory_space<vmem_shared>> -> memref<1x1280xf32, #tpu.memory_space<vmem_shared>>
    %dma_wait3A_789 = tpu.memref_squeeze %dma_wait3A_788 : memref<1x1280xf32, #tpu.memory_space<vmem_shared>> -> memref<1280xf32, #tpu.memory_space<vmem_shared>>
    tpu.wait_dma2 semaphore(%arg19 : memref<!tpu.dma_semaphore, #tpu.memory_space<semaphore_mem>>) src(%dma_wait3A_789 : memref<1280xf32, #tpu.memory_space<vmem_shared>>) dst(%dma_wait3A_787 : memref<1280xf32, #tpu.memory_space<vmem>>)
    %dma_wait3A_790 = arith.constant 14 : i32
    %dma_wait3A_791 = arith.constant 14 : i32
    %dma_wait3A_792 = arith.constant 0 : i32
    %dma_wait3A_793 = tpu.memref_slice %arg15[%dma_wait3A_791, %dma_wait3A_792] : memref<16x1280xf32, #tpu.memory_space<vmem>> -> memref<1x1280xf32, #tpu.memory_space<vmem>>
    %dma_wait3A_794 = tpu.memref_squeeze %dma_wait3A_793 : memref<1x1280xf32, #tpu.memory_space<vmem>> -> memref<1280xf32, #tpu.memory_space<vmem>>
    %dma_wait3A_795 = tpu.memref_slice %arg16[%dma_wait3A_790, %mul3A_0] : memref<16x20480xf32, #tpu.memory_space<vmem_shared>> -> memref<1x1280xf32, #tpu.memory_space<vmem_shared>>
    %dma_wait3A_796 = tpu.memref_squeeze %dma_wait3A_795 : memref<1x1280xf32, #tpu.memory_space<vmem_shared>> -> memref<1280xf32, #tpu.memory_space<vmem_shared>>
    %dma_wait3A_797 = arith.constant 0 : i32
    %dma_wait3A_798 = tpu.memref_slice %arg15[%dma_wait3A_791, %dma_wait3A_797] : memref<16x1280xf32, #tpu.memory_space<vmem>> -> memref<1x1280xf32, #tpu.memory_space<vmem>>
    %dma_wait3A_799 = tpu.memref_squeeze %dma_wait3A_798 : memref<1x1280xf32, #tpu.memory_space<vmem>> -> memref<1280xf32, #tpu.memory_space<vmem>>
    %dma_wait3A_800 = tpu.memref_slice %arg16[%dma_wait3A_790, %mul3A_0] : memref<16x20480xf32, #tpu.memory_space<vmem_shared>> -> memref<1x1280xf32, #tpu.memory_space<vmem_shared>>
    %dma_wait3A_801 = tpu.memref_squeeze %dma_wait3A_800 : memref<1x1280xf32, #tpu.memory_space<vmem_shared>> -> memref<1280xf32, #tpu.memory_space<vmem_shared>>
    tpu.wait_dma2 semaphore(%arg19 : memref<!tpu.dma_semaphore, #tpu.memory_space<semaphore_mem>>) src(%dma_wait3A_801 : memref<1280xf32, #tpu.memory_space<vmem_shared>>) dst(%dma_wait3A_799 : memref<1280xf32, #tpu.memory_space<vmem>>)
    %dma_wait3A_802 = arith.constant 15 : i32
    %dma_wait3A_803 = arith.constant 15 : i32
    %dma_wait3A_804 = arith.constant 0 : i32
    %dma_wait3A_805 = tpu.memref_slice %arg15[%dma_wait3A_803, %dma_wait3A_804] : memref<16x1280xf32, #tpu.memory_space<vmem>> -> memref<1x1280xf32, #tpu.memory_space<vmem>>
    %dma_wait3A_806 = tpu.memref_squeeze %dma_wait3A_805 : memref<1x1280xf32, #tpu.memory_space<vmem>> -> memref<1280xf32, #tpu.memory_space<vmem>>
    %dma_wait3A_807 = tpu.memref_slice %arg16[%dma_wait3A_802, %mul3A_0] : memref<16x20480xf32, #tpu.memory_space<vmem_shared>> -> memref<1x1280xf32, #tpu.memory_space<vmem_shared>>
    %dma_wait3A_808 = tpu.memref_squeeze %dma_wait3A_807 : memref<1x1280xf32, #tpu.memory_space<vmem_shared>> -> memref<1280xf32, #tpu.memory_space<vmem_shared>>
    %dma_wait3A_809 = arith.constant 0 : i32
    %dma_wait3A_810 = tpu.memref_slice %arg15[%dma_wait3A_803, %dma_wait3A_809] : memref<16x1280xf32, #tpu.memory_space<vmem>> -> memref<1x1280xf32, #tpu.memory_space<vmem>>
    %dma_wait3A_811 = tpu.memref_squeeze %dma_wait3A_810 : memref<1x1280xf32, #tpu.memory_space<vmem>> -> memref<1280xf32, #tpu.memory_space<vmem>>
    %dma_wait3A_812 = tpu.memref_slice %arg16[%dma_wait3A_802, %mul3A_0] : memref<16x20480xf32, #tpu.memory_space<vmem_shared>> -> memref<1x1280xf32, #tpu.memory_space<vmem_shared>>
    %dma_wait3A_813 = tpu.memref_squeeze %dma_wait3A_812 : memref<1x1280xf32, #tpu.memory_space<vmem_shared>> -> memref<1280xf32, #tpu.memory_space<vmem_shared>>
    tpu.wait_dma2 semaphore(%arg19 : memref<!tpu.dma_semaphore, #tpu.memory_space<semaphore_mem>>) src(%dma_wait3A_813 : memref<1280xf32, #tpu.memory_space<vmem_shared>>) dst(%dma_wait3A_811 : memref<1280xf32, #tpu.memory_space<vmem>>)
    %barrier3A_814 = arith.constant 0 : index
    tpu.barrier barrier_id(%barrier3A_814)
    %scan3A_815 = arith.constant 0 : i32
    %scan3A_816 = arith.constant 0 : i32
    %scan3A_817 = arith.constant 80 : i32
    %scan3A_818 = arith.addi %scan3A_816, %scan3A_817 : i32
    %scan3A_819 = arith.constant 1 : i32
    scf.for %scan3A_1238 = %scan3A_816 to %scan3A_818 step %scan3A_819  : i32 {
      %mul3A_1239 = arith.constant 16 : i32
      %mul3A_1240 = arith.muli %scan3A_1238, %mul3A_1239 : i32
      %get3A = arith.index_cast %mul3A_1240 : i32 to index
      %get3A_1241 = tpu.vector_load %arg11[%get3A] {strides = array<i32>} : memref<1280xf32, #tpu.memory_space<vmem>>, vector<16xf32>,
      %get3A_1242 = arith.constant 0 : i32
      %get3A_1243 = arith.index_cast %get3A_1242 : i32 to index
      %get3A_1244 = arith.index_cast %mul3A_1240 : i32 to index
      %get3A_1245 = tpu.vector_load %arg15[%get3A_1243, %get3A_1244] {strides = array<i32>} : memref<16x1280xf32, #tpu.memory_space<vmem>>, vector<16xf32>,
      %add3A = arith.addf %get3A_1241, %get3A_1245 : vector<16xf32>
      %get3A_1246 = arith.constant 1 : i32
      %get3A_1247 = arith.index_cast %get3A_1246 : i32 to index
      %get3A_1248 = arith.index_cast %mul3A_1240 : i32 to index
      %get3A_1249 = tpu.vector_load %arg15[%get3A_1247, %get3A_1248] {strides = array<i32>} : memref<16x1280xf32, #tpu.memory_space<vmem>>, vector<16xf32>,
      %add3A_1250 = arith.addf %add3A, %get3A_1249 : vector<16xf32>
      %get3A_1251 = arith.constant 2 : i32
      %get3A_1252 = arith.index_cast %get3A_1251 : i32 to index
      %get3A_1253 = arith.index_cast %mul3A_1240 : i32 to index
      %get3A_1254 = tpu.vector_load %arg15[%get3A_1252, %get3A_1253] {strides = array<i32>} : memref<16x1280xf32, #tpu.memory_space<vmem>>, vector<16xf32>,
      %add3A_1255 = arith.addf %add3A_1250, %get3A_1254 : vector<16xf32>
      %get3A_1256 = arith.constant 3 : i32
      %get3A_1257 = arith.index_cast %get3A_1256 : i32 to index
      %get3A_1258 = arith.index_cast %mul3A_1240 : i32 to index
      %get3A_1259 = tpu.vector_load %arg15[%get3A_1257, %get3A_1258] {strides = array<i32>} : memref<16x1280xf32, #tpu.memory_space<vmem>>, vector<16xf32>,
      %add3A_1260 = arith.addf %add3A_1255, %get3A_1259 : vector<16xf32>
      %get3A_1261 = arith.constant 4 : i32
      %get3A_1262 = arith.index_cast %get3A_1261 : i32 to index
      %get3A_1263 = arith.index_cast %mul3A_1240 : i32 to index
      %get3A_1264 = tpu.vector_load %arg15[%get3A_1262, %get3A_1263] {strides = array<i32>} : memref<16x1280xf32, #tpu.memory_space<vmem>>, vector<16xf32>,
      %add3A_1265 = arith.addf %add3A_1260, %get3A_1264 : vector<16xf32>
      %get3A_1266 = arith.constant 5 : i32
      %get3A_1267 = arith.index_cast %get3A_1266 : i32 to index
      %get3A_1268 = arith.index_cast %mul3A_1240 : i32 to index
      %get3A_1269 = tpu.vector_load %arg15[%get3A_1267, %get3A_1268] {strides = array<i32>} : memref<16x1280xf32, #tpu.memory_space<vmem>>, vector<16xf32>,
      %add3A_1270 = arith.addf %add3A_1265, %get3A_1269 : vector<16xf32>
      %get3A_1271 = arith.constant 6 : i32
      %get3A_1272 = arith.index_cast %get3A_1271 : i32 to index
      %get3A_1273 = arith.index_cast %mul3A_1240 : i32 to index
      %get3A_1274 = tpu.vector_load %arg15[%get3A_1272, %get3A_1273] {strides = array<i32>} : memref<16x1280xf32, #tpu.memory_space<vmem>>, vector<16xf32>,
      %add3A_1275 = arith.addf %add3A_1270, %get3A_1274 : vector<16xf32>
      %get3A_1276 = arith.constant 7 : i32
      %get3A_1277 = arith.index_cast %get3A_1276 : i32 to index
      %get3A_1278 = arith.index_cast %mul3A_1240 : i32 to index
      %get3A_1279 = tpu.vector_load %arg15[%get3A_1277, %get3A_1278] {strides = array<i32>} : memref<16x1280xf32, #tpu.memory_space<vmem>>, vector<16xf32>,
      %add3A_1280 = arith.addf %add3A_1275, %get3A_1279 : vector<16xf32>
      %get3A_1281 = arith.constant 8 : i32
      %get3A_1282 = arith.index_cast %get3A_1281 : i32 to index
      %get3A_1283 = arith.index_cast %mul3A_1240 : i32 to index
      %get3A_1284 = tpu.vector_load %arg15[%get3A_1282, %get3A_1283] {strides = array<i32>} : memref<16x1280xf32, #tpu.memory_space<vmem>>, vector<16xf32>,
      %add3A_1285 = arith.addf %add3A_1280, %get3A_1284 : vector<16xf32>
      %get3A_1286 = arith.constant 9 : i32
      %get3A_1287 = arith.index_cast %get3A_1286 : i32 to index
      %get3A_1288 = arith.index_cast %mul3A_1240 : i32 to index
      %get3A_1289 = tpu.vector_load %arg15[%get3A_1287, %get3A_1288] {strides = array<i32>} : memref<16x1280xf32, #tpu.memory_space<vmem>>, vector<16xf32>,
      %add3A_1290 = arith.addf %add3A_1285, %get3A_1289 : vector<16xf32>
      %get3A_1291 = arith.constant 10 : i32
      %get3A_1292 = arith.index_cast %get3A_1291 : i32 to index
      %get3A_1293 = arith.index_cast %mul3A_1240 : i32 to index
      %get3A_1294 = tpu.vector_load %arg15[%get3A_1292, %get3A_1293] {strides = array<i32>} : memref<16x1280xf32, #tpu.memory_space<vmem>>, vector<16xf32>,
      %add3A_1295 = arith.addf %add3A_1290, %get3A_1294 : vector<16xf32>
      %get3A_1296 = arith.constant 11 : i32
      %get3A_1297 = arith.index_cast %get3A_1296 : i32 to index
      %get3A_1298 = arith.index_cast %mul3A_1240 : i32 to index
      %get3A_1299 = tpu.vector_load %arg15[%get3A_1297, %get3A_1298] {strides = array<i32>} : memref<16x1280xf32, #tpu.memory_space<vmem>>, vector<16xf32>,
      %add3A_1300 = arith.addf %add3A_1295, %get3A_1299 : vector<16xf32>
      %get3A_1301 = arith.constant 12 : i32
      %get3A_1302 = arith.index_cast %get3A_1301 : i32 to index
      %get3A_1303 = arith.index_cast %mul3A_1240 : i32 to index
      %get3A_1304 = tpu.vector_load %arg15[%get3A_1302, %get3A_1303] {strides = array<i32>} : memref<16x1280xf32, #tpu.memory_space<vmem>>, vector<16xf32>,
      %add3A_1305 = arith.addf %add3A_1300, %get3A_1304 : vector<16xf32>
      %get3A_1306 = arith.constant 13 : i32
      %get3A_1307 = arith.index_cast %get3A_1306 : i32 to index
      %get3A_1308 = arith.index_cast %mul3A_1240 : i32 to index
      %get3A_1309 = tpu.vector_load %arg15[%get3A_1307, %get3A_1308] {strides = array<i32>} : memref<16x1280xf32, #tpu.memory_space<vmem>>, vector<16xf32>,
      %add3A_1310 = arith.addf %add3A_1305, %get3A_1309 : vector<16xf32>
      %get3A_1311 = arith.constant 14 : i32
      %get3A_1312 = arith.index_cast %get3A_1311 : i32 to index
      %get3A_1313 = arith.index_cast %mul3A_1240 : i32 to index
      %get3A_1314 = tpu.vector_load %arg15[%get3A_1312, %get3A_1313] {strides = array<i32>} : memref<16x1280xf32, #tpu.memory_space<vmem>>, vector<16xf32>,
      %add3A_1315 = arith.addf %add3A_1310, %get3A_1314 : vector<16xf32>
      %get3A_1316 = arith.constant 15 : i32
      %get3A_1317 = arith.index_cast %get3A_1316 : i32 to index
      %get3A_1318 = arith.index_cast %mul3A_1240 : i32 to index
      %get3A_1319 = tpu.vector_load %arg15[%get3A_1317, %get3A_1318] {strides = array<i32>} : memref<16x1280xf32, #tpu.memory_space<vmem>>, vector<16xf32>,
      %add3A_1320 = arith.addf %add3A_1315, %get3A_1319 : vector<16xf32>
      %swap3A = arith.index_cast %mul3A_1240 : i32 to index
      %swap3A_1321 = tpu.vector_load %arg14[%swap3A] {strides = array<i32>} : memref<1280xf32, #tpu.memory_space<vmem>>, vector<16xf32>,
      tpu.vector_store %arg14[%swap3A], %add3A_1320 {strides = array<i32>} : memref<1280xf32, #tpu.memory_space<vmem>>, vector<16xf32>,
    }
    %scan3A_820 = arith.constant 80 : i32
    %scan3A_821 = arith.constant 0 : i32
    %scan3A_822 = arith.constant 0 : i32
    %scan3A_823 = arith.constant 80 : i32
    %scan3A_824 = arith.addi %scan3A_822, %scan3A_823 : i32
    %scan3A_825 = arith.constant 1 : i32
    scf.for %scan3A_1238 = %scan3A_822 to %scan3A_824 step %scan3A_825  : i32 {
      %mul3A_1239 = arith.constant 16 : i32
      %mul3A_1240 = arith.muli %scan3A_1238, %mul3A_1239 : i32
      %get3A = arith.index_cast %mul3A_1240 : i32 to index
      %get3A_1241 = tpu.vector_load %arg14[%get3A] {strides = array<i32>} : memref<1280xf32, #tpu.memory_space<vmem>>, vector<16xf32>,
      %get3A_1242 = arith.index_cast %mul3A_1240 : i32 to index
      %get3A_1243 = tpu.vector_load %arg13[%get3A_1242] {strides = array<i32>} : memref<1280xf32, #tpu.memory_space<vmem>>, vector<16xf32>,
      %mul3A_1244 = arith.mulf %get3A_1241, %get3A_1243 : vector<16xf32>
      %swap3A = arith.index_cast %mul3A_1240 : i32 to index
      %swap3A_1245 = tpu.vector_load %arg14[%swap3A] {strides = array<i32>} : memref<1280xf32, #tpu.memory_space<vmem>>, vector<16xf32>,
      tpu.vector_store %arg14[%swap3A], %mul3A_1244 {strides = array<i32>} : memref<1280xf32, #tpu.memory_space<vmem>>, vector<16xf32>,
      %swap3A_1246 = arith.index_cast %mul3A_1240 : i32 to index
      %swap3A_1247 = tpu.vector_load %arg11[%swap3A_1246] {strides = array<i32>} : memref<1280xf32, #tpu.memory_space<vmem>>, vector<16xf32>,
      tpu.vector_store %arg11[%swap3A_1246], %mul3A_1244 {strides = array<i32>} : memref<1280xf32, #tpu.memory_space<vmem>>, vector<16xf32>,
    }
    %scan3A_826 = arith.constant 80 : i32
    "tpu.region"() ({
      %run_scoped3A = tpu.sem_alloc : memref<!tpu.dma_semaphore, #tpu.memory_space<semaphore_mem>>
      %dma_start3A_1238 = tpu.memref_slice %arg6[%arg0, %mul3A_0] : memref<2x20480xf32, #tpu.memory_space<hbm>> -> memref<1x1280xf32, #tpu.memory_space<hbm>>
      %dma_start3A_1239 = tpu.memref_squeeze %dma_start3A_1238 : memref<1x1280xf32, #tpu.memory_space<hbm>> -> memref<1280xf32, #tpu.memory_space<hbm>>
      %dma_start3A_1240 = tpu.memref_slice %arg6[%arg0, %mul3A_0] : memref<2x20480xf32, #tpu.memory_space<hbm>> -> memref<1x1280xf32, #tpu.memory_space<hbm>>
      %dma_start3A_1241 = tpu.memref_squeeze %dma_start3A_1240 : memref<1x1280xf32, #tpu.memory_space<hbm>> -> memref<1280xf32, #tpu.memory_space<hbm>>
      tpu.enqueue_dma source(%arg14 : memref<1280xf32, #tpu.memory_space<vmem>>) target(%dma_start3A_1241 : memref<1280xf32, #tpu.memory_space<hbm>>) target_semaphore(%run_scoped3A : memref<!tpu.dma_semaphore, #tpu.memory_space<semaphore_mem>>)
      %dma_wait3A_1242 = tpu.memref_slice %arg6[%arg0, %mul3A_0] : memref<2x20480xf32, #tpu.memory_space<hbm>> -> memref<1x1280xf32, #tpu.memory_space<hbm>>
      %dma_wait3A_1243 = tpu.memref_squeeze %dma_wait3A_1242 : memref<1x1280xf32, #tpu.memory_space<hbm>> -> memref<1280xf32, #tpu.memory_space<hbm>>
      %dma_wait3A_1244 = tpu.memref_slice %arg6[%arg0, %mul3A_0] : memref<2x20480xf32, #tpu.memory_space<hbm>> -> memref<1x1280xf32, #tpu.memory_space<hbm>>
      %dma_wait3A_1245 = tpu.memref_squeeze %dma_wait3A_1244 : memref<1x1280xf32, #tpu.memory_space<hbm>> -> memref<1280xf32, #tpu.memory_space<hbm>>
      tpu.wait_dma2 semaphore(%run_scoped3A : memref<!tpu.dma_semaphore, #tpu.memory_space<semaphore_mem>>) src(%arg14 : memref<1280xf32, #tpu.memory_space<vmem>>) dst(%dma_wait3A_1245 : memref<1280xf32, #tpu.memory_space<hbm>>)
      tpu.yield
    }) : () -> ()
    %barrier3A_827 = arith.constant 0 : index
    tpu.barrier barrier_id(%barrier3A_827)
    "tpu.region"() ({
      %run_scoped3A = tpu.sem_alloc : memref<!tpu.dma_semaphore, #tpu.memory_space<semaphore_mem>>
      %dma_start3A_1238 = arith.constant 0 : i32
      %dma_start3A_1239 = tpu.memref_slice %arg6[%arg0, %dma_start3A_1238] : memref<2x20480xf32, #tpu.memory_space<hbm>> -> memref<1x20480xf32, #tpu.memory_space<hbm>>
      %dma_start3A_1240 = tpu.memref_squeeze %dma_start3A_1239 : memref<1x20480xf32, #tpu.memory_space<hbm>> -> memref<20480xf32, #tpu.memory_space<hbm>>
      %dma_start3A_1241 = arith.constant 0 : i32
      %dma_start3A_1242 = tpu.memref_slice %arg6[%arg0, %dma_start3A_1241] : memref<2x20480xf32, #tpu.memory_space<hbm>> -> memref<1x20480xf32, #tpu.memory_space<hbm>>
      %dma_start3A_1243 = tpu.memref_squeeze %dma_start3A_1242 : memref<1x20480xf32, #tpu.memory_space<hbm>> -> memref<20480xf32, #tpu.memory_space<hbm>>
      tpu.enqueue_dma source(%dma_start3A_1243 : memref<20480xf32, #tpu.memory_space<hbm>>) target(%arg9 : memref<20480xf32, #tpu.memory_space<vmem>>) target_semaphore(%run_scoped3A : memref<!tpu.dma_semaphore, #tpu.memory_space<semaphore_mem>>)
      %dma_wait3A_1244 = arith.constant 0 : i32
      %dma_wait3A_1245 = tpu.memref_slice %arg6[%arg0, %dma_wait3A_1244] : memref<2x20480xf32, #tpu.memory_space<hbm>> -> memref<1x20480xf32, #tpu.memory_space<hbm>>
      %dma_wait3A_1246 = tpu.memref_squeeze %dma_wait3A_1245 : memref<1x20480xf32, #tpu.memory_space<hbm>> -> memref<20480xf32, #tpu.memory_space<hbm>>
      %dma_wait3A_1247 = arith.constant 0 : i32
      %dma_wait3A_1248 = tpu.memref_slice %arg6[%arg0, %dma_wait3A_1247] : memref<2x20480xf32, #tpu.memory_space<hbm>> -> memref<1x20480xf32, #tpu.memory_space<hbm>>
      %dma_wait3A_1249 = tpu.memref_squeeze %dma_wait3A_1248 : memref<1x20480xf32, #tpu.memory_space<hbm>> -> memref<20480xf32, #tpu.memory_space<hbm>>
      tpu.wait_dma2 semaphore(%run_scoped3A : memref<!tpu.dma_semaphore, #tpu.memory_space<semaphore_mem>>) src(%dma_wait3A_1249 : memref<20480xf32, #tpu.memory_space<hbm>>) dst(%arg9 : memref<20480xf32, #tpu.memory_space<vmem>>)
      tpu.yield
    }) : () -> ()
    %scan3A_828 = arith.constant 0 : i32
    %scan3A_829 = arith.constant 0 : i32
    %scan3A_830 = arith.constant 256 : i32
    %scan3A_831 = arith.addi %scan3A_829, %scan3A_830 : i32
    %scan3A_832 = arith.constant 1 : i32
    scf.for %scan3A_1238 = %scan3A_829 to %scan3A_831 step %scan3A_832  : i32 {
      %broadcast_in_dim3A_1239 = arith.constant 0.000000e+00 : f32
      %broadcast_in_dim3A_1240 = vector.broadcast %broadcast_in_dim3A_1239 : f32 to vector<16xf32>
      %mul3A_1241 = arith.constant 5 : i32
      %mul3A_1242 = arith.muli %scan3A_1238, %mul3A_1241 : i32
      %add3A = arith.constant 0 : i32
      %add3A_1243 = arith.addi %mul3A_1242, %add3A : i32
      %mul3A_1244 = arith.constant 16 : i32
      %mul3A_1245 = arith.muli %add3A_1243, %mul3A_1244 : i32
      %swap3A = arith.index_cast %mul3A_1245 : i32 to index
      %swap3A_1246 = tpu.vector_load %arg10[%swap3A] {strides = array<i32>} : memref<20480xf32, #tpu.memory_space<vmem>>, vector<16xf32>,
      tpu.vector_store %arg10[%swap3A], %broadcast_in_dim3A_1240 {strides = array<i32>} : memref<20480xf32, #tpu.memory_space<vmem>>, vector<16xf32>,
      %broadcast_in_dim3A_1247 = arith.constant 0.000000e+00 : f32
      %broadcast_in_dim3A_1248 = vector.broadcast %broadcast_in_dim3A_1247 : f32 to vector<16xf32>
      %mul3A_1249 = arith.constant 5 : i32
      %mul3A_1250 = arith.muli %scan3A_1238, %mul3A_1249 : i32
      %add3A_1251 = arith.constant 1 : i32
      %add3A_1252 = arith.addi %mul3A_1250, %add3A_1251 : i32
      %mul3A_1253 = arith.constant 16 : i32
      %mul3A_1254 = arith.muli %add3A_1252, %mul3A_1253 : i32
      %swap3A_1255 = arith.index_cast %mul3A_1254 : i32 to index
      %swap3A_1256 = tpu.vector_load %arg10[%swap3A_1255] {strides = array<i32>} : memref<20480xf32, #tpu.memory_space<vmem>>, vector<16xf32>,
      tpu.vector_store %arg10[%swap3A_1255], %broadcast_in_dim3A_1248 {strides = array<i32>} : memref<20480xf32, #tpu.memory_space<vmem>>, vector<16xf32>,
      %broadcast_in_dim3A_1257 = arith.constant 0.000000e+00 : f32
      %broadcast_in_dim3A_1258 = vector.broadcast %broadcast_in_dim3A_1257 : f32 to vector<16xf32>
      %mul3A_1259 = arith.constant 5 : i32
      %mul3A_1260 = arith.muli %scan3A_1238, %mul3A_1259 : i32
      %add3A_1261 = arith.constant 2 : i32
      %add3A_1262 = arith.addi %mul3A_1260, %add3A_1261 : i32
      %mul3A_1263 = arith.constant 16 : i32
      %mul3A_1264 = arith.muli %add3A_1262, %mul3A_1263 : i32
      %swap3A_1265 = arith.index_cast %mul3A_1264 : i32 to index
      %swap3A_1266 = tpu.vector_load %arg10[%swap3A_1265] {strides = array<i32>} : memref<20480xf32, #tpu.memory_space<vmem>>, vector<16xf32>,
      tpu.vector_store %arg10[%swap3A_1265], %broadcast_in_dim3A_1258 {strides = array<i32>} : memref<20480xf32, #tpu.memory_space<vmem>>, vector<16xf32>,
      %broadcast_in_dim3A_1267 = arith.constant 0.000000e+00 : f32
      %broadcast_in_dim3A_1268 = vector.broadcast %broadcast_in_dim3A_1267 : f32 to vector<16xf32>
      %mul3A_1269 = arith.constant 5 : i32
      %mul3A_1270 = arith.muli %scan3A_1238, %mul3A_1269 : i32
      %add3A_1271 = arith.constant 3 : i32
      %add3A_1272 = arith.addi %mul3A_1270, %add3A_1271 : i32
      %mul3A_1273 = arith.constant 16 : i32
      %mul3A_1274 = arith.muli %add3A_1272, %mul3A_1273 : i32
      %swap3A_1275 = arith.index_cast %mul3A_1274 : i32 to index
      %swap3A_1276 = tpu.vector_load %arg10[%swap3A_1275] {strides = array<i32>} : memref<20480xf32, #tpu.memory_space<vmem>>, vector<16xf32>,
      tpu.vector_store %arg10[%swap3A_1275], %broadcast_in_dim3A_1268 {strides = array<i32>} : memref<20480xf32, #tpu.memory_space<vmem>>, vector<16xf32>,
      %broadcast_in_dim3A_1277 = arith.constant 0.000000e+00 : f32
      %broadcast_in_dim3A_1278 = vector.broadcast %broadcast_in_dim3A_1277 : f32 to vector<16xf32>
      %mul3A_1279 = arith.constant 5 : i32
      %mul3A_1280 = arith.muli %scan3A_1238, %mul3A_1279 : i32
      %add3A_1281 = arith.constant 4 : i32
      %add3A_1282 = arith.addi %mul3A_1280, %add3A_1281 : i32
      %mul3A_1283 = arith.constant 16 : i32
      %mul3A_1284 = arith.muli %add3A_1282, %mul3A_1283 : i32
      %swap3A_1285 = arith.index_cast %mul3A_1284 : i32 to index
      %swap3A_1286 = tpu.vector_load %arg10[%swap3A_1285] {strides = array<i32>} : memref<20480xf32, #tpu.memory_space<vmem>>, vector<16xf32>,
      tpu.vector_store %arg10[%swap3A_1285], %broadcast_in_dim3A_1278 {strides = array<i32>} : memref<20480xf32, #tpu.memory_space<vmem>>, vector<16xf32>,
    }
    %scan3A_833 = arith.constant 256 : i32
    %scan3A_834 = arith.constant 0 : i32
    %scan3A_835 = arith.constant 0 : i32
    %scan3A_836 = arith.constant 250 : i32
    %scan3A_837 = arith.addi %scan3A_835, %scan3A_836 : i32
    %scan3A_838 = arith.constant 1 : i32
    scf.for %scan3A_1238 = %scan3A_835 to %scan3A_837 step %scan3A_838  : i32 {
      %mul3A_1239 = arith.constant 5 : i32
      %mul3A_1240 = arith.muli %scan3A_1238, %mul3A_1239 : i32
      %add3A = arith.constant 0 : i32
      %add3A_1241 = arith.addi %mul3A_1240, %add3A : i32
      %mul3A_1242 = arith.constant 16 : i32
      %mul3A_1243 = arith.muli %add3A_1241, %mul3A_1242 : i32
      %get3A = arith.index_cast %mul3A_1243 : i32 to index
      %get3A_1244 = tpu.vector_load %arg7[%get3A] {strides = array<i32>} : memref<20000xi32, #tpu.memory_space<vmem>>, vector<16xi32>,
      %get3A_1245 = arith.index_cast %mul3A_1243 : i32 to index
      %get3A_1246 = tpu.vector_load %arg8[%get3A_1245] {strides = array<i32>} : memref<20000xi32, #tpu.memory_space<vmem>>, vector<16xi32>,
      %gather3A = tpu.vector_load_idx %arg9[%get3A_1244] : memref<20480xf32, #tpu.memory_space<vmem>>[vector<16xi32>], vector<16xf32>,
      tpu.vector_store_idx %arg10[%get3A_1246], %gather3A {add = true} : memref<20480xf32, #tpu.memory_space<vmem>>[vector<16xi32>], vector<16xf32>,
      %add3A_1247 = arith.constant 1 : i32
      %add3A_1248 = vector.broadcast %add3A_1247 : i32 to vector<16xi32>
      %add3A_1249 = arith.addi %get3A_1244, %add3A_1248 : vector<16xi32>
      %gather3A_1250 = tpu.vector_load_idx %arg9[%add3A_1249] : memref<20480xf32, #tpu.memory_space<vmem>>[vector<16xi32>], vector<16xf32>,
      %add3A_1251 = arith.constant 1 : i32
      %add3A_1252 = vector.broadcast %add3A_1251 : i32 to vector<16xi32>
      %add3A_1253 = arith.addi %get3A_1246, %add3A_1252 : vector<16xi32>
      tpu.vector_store_idx %arg10[%add3A_1253], %gather3A_1250 {add = true} : memref<20480xf32, #tpu.memory_space<vmem>>[vector<16xi32>], vector<16xf32>,
      %mul3A_1254 = arith.constant 5 : i32
      %mul3A_1255 = arith.muli %scan3A_1238, %mul3A_1254 : i32
      %add3A_1256 = arith.constant 1 : i32
      %add3A_1257 = arith.addi %mul3A_1255, %add3A_1256 : i32
      %mul3A_1258 = arith.constant 16 : i32
      %mul3A_1259 = arith.muli %add3A_1257, %mul3A_1258 : i32
      %get3A_1260 = arith.index_cast %mul3A_1259 : i32 to index
      %get3A_1261 = tpu.vector_load %arg7[%get3A_1260] {strides = array<i32>} : memref<20000xi32, #tpu.memory_space<vmem>>, vector<16xi32>,
      %get3A_1262 = arith.index_cast %mul3A_1259 : i32 to index
      %get3A_1263 = tpu.vector_load %arg8[%get3A_1262] {strides = array<i32>} : memref<20000xi32, #tpu.memory_space<vmem>>, vector<16xi32>,
      %gather3A_1264 = tpu.vector_load_idx %arg9[%get3A_1261] : memref<20480xf32, #tpu.memory_space<vmem>>[vector<16xi32>], vector<16xf32>,
      tpu.vector_store_idx %arg10[%get3A_1263], %gather3A_1264 {add = true} : memref<20480xf32, #tpu.memory_space<vmem>>[vector<16xi32>], vector<16xf32>,
      %add3A_1265 = arith.constant 1 : i32
      %add3A_1266 = vector.broadcast %add3A_1265 : i32 to vector<16xi32>
      %add3A_1267 = arith.addi %get3A_1261, %add3A_1266 : vector<16xi32>
      %gather3A_1268 = tpu.vector_load_idx %arg9[%add3A_1267] : memref<20480xf32, #tpu.memory_space<vmem>>[vector<16xi32>], vector<16xf32>,
      %add3A_1269 = arith.constant 1 : i32
      %add3A_1270 = vector.broadcast %add3A_1269 : i32 to vector<16xi32>
      %add3A_1271 = arith.addi %get3A_1263, %add3A_1270 : vector<16xi32>
      tpu.vector_store_idx %arg10[%add3A_1271], %gather3A_1268 {add = true} : memref<20480xf32, #tpu.memory_space<vmem>>[vector<16xi32>], vector<16xf32>,
      %mul3A_1272 = arith.constant 5 : i32
      %mul3A_1273 = arith.muli %scan3A_1238, %mul3A_1272 : i32
      %add3A_1274 = arith.constant 2 : i32
      %add3A_1275 = arith.addi %mul3A_1273, %add3A_1274 : i32
      %mul3A_1276 = arith.constant 16 : i32
      %mul3A_1277 = arith.muli %add3A_1275, %mul3A_1276 : i32
      %get3A_1278 = arith.index_cast %mul3A_1277 : i32 to index
      %get3A_1279 = tpu.vector_load %arg7[%get3A_1278] {strides = array<i32>} : memref<20000xi32, #tpu.memory_space<vmem>>, vector<16xi32>,
      %get3A_1280 = arith.index_cast %mul3A_1277 : i32 to index
      %get3A_1281 = tpu.vector_load %arg8[%get3A_1280] {strides = array<i32>} : memref<20000xi32, #tpu.memory_space<vmem>>, vector<16xi32>,
      %gather3A_1282 = tpu.vector_load_idx %arg9[%get3A_1279] : memref<20480xf32, #tpu.memory_space<vmem>>[vector<16xi32>], vector<16xf32>,
      tpu.vector_store_idx %arg10[%get3A_1281], %gather3A_1282 {add = true} : memref<20480xf32, #tpu.memory_space<vmem>>[vector<16xi32>], vector<16xf32>,
      %add3A_1283 = arith.constant 1 : i32
      %add3A_1284 = vector.broadcast %add3A_1283 : i32 to vector<16xi32>
      %add3A_1285 = arith.addi %get3A_1279, %add3A_1284 : vector<16xi32>
      %gather3A_1286 = tpu.vector_load_idx %arg9[%add3A_1285] : memref<20480xf32, #tpu.memory_space<vmem>>[vector<16xi32>], vector<16xf32>,
      %add3A_1287 = arith.constant 1 : i32
      %add3A_1288 = vector.broadcast %add3A_1287 : i32 to vector<16xi32>
      %add3A_1289 = arith.addi %get3A_1281, %add3A_1288 : vector<16xi32>
      tpu.vector_store_idx %arg10[%add3A_1289], %gather3A_1286 {add = true} : memref<20480xf32, #tpu.memory_space<vmem>>[vector<16xi32>], vector<16xf32>,
      %mul3A_1290 = arith.constant 5 : i32
      %mul3A_1291 = arith.muli %scan3A_1238, %mul3A_1290 : i32
      %add3A_1292 = arith.constant 3 : i32
      %add3A_1293 = arith.addi %mul3A_1291, %add3A_1292 : i32
      %mul3A_1294 = arith.constant 16 : i32
      %mul3A_1295 = arith.muli %add3A_1293, %mul3A_1294 : i32
      %get3A_1296 = arith.index_cast %mul3A_1295 : i32 to index
      %get3A_1297 = tpu.vector_load %arg7[%get3A_1296] {strides = array<i32>} : memref<20000xi32, #tpu.memory_space<vmem>>, vector<16xi32>,
      %get3A_1298 = arith.index_cast %mul3A_1295 : i32 to index
      %get3A_1299 = tpu.vector_load %arg8[%get3A_1298] {strides = array<i32>} : memref<20000xi32, #tpu.memory_space<vmem>>, vector<16xi32>,
      %gather3A_1300 = tpu.vector_load_idx %arg9[%get3A_1297] : memref<20480xf32, #tpu.memory_space<vmem>>[vector<16xi32>], vector<16xf32>,
      tpu.vector_store_idx %arg10[%get3A_1299], %gather3A_1300 {add = true} : memref<20480xf32, #tpu.memory_space<vmem>>[vector<16xi32>], vector<16xf32>,
      %add3A_1301 = arith.constant 1 : i32
      %add3A_1302 = vector.broadcast %add3A_1301 : i32 to vector<16xi32>
      %add3A_1303 = arith.addi %get3A_1297, %add3A_1302 : vector<16xi32>
      %gather3A_1304 = tpu.vector_load_idx %arg9[%add3A_1303] : memref<20480xf32, #tpu.memory_space<vmem>>[vector<16xi32>], vector<16xf32>,
      %add3A_1305 = arith.constant 1 : i32
      %add3A_1306 = vector.broadcast %add3A_1305 : i32 to vector<16xi32>
      %add3A_1307 = arith.addi %get3A_1299, %add3A_1306 : vector<16xi32>
      tpu.vector_store_idx %arg10[%add3A_1307], %gather3A_1304 {add = true} : memref<20480xf32, #tpu.memory_space<vmem>>[vector<16xi32>], vector<16xf32>,
      %mul3A_1308 = arith.constant 5 : i32
      %mul3A_1309 = arith.muli %scan3A_1238, %mul3A_1308 : i32
      %add3A_1310 = arith.constant 4 : i32
      %add3A_1311 = arith.addi %mul3A_1309, %add3A_1310 : i32
      %mul3A_1312 = arith.constant 16 : i32
      %mul3A_1313 = arith.muli %add3A_1311, %mul3A_1312 : i32
      %get3A_1314 = arith.index_cast %mul3A_1313 : i32 to index
      %get3A_1315 = tpu.vector_load %arg7[%get3A_1314] {strides = array<i32>} : memref<20000xi32, #tpu.memory_space<vmem>>, vector<16xi32>,
      %get3A_1316 = arith.index_cast %mul3A_1313 : i32 to index
      %get3A_1317 = tpu.vector_load %arg8[%get3A_1316] {strides = array<i32>} : memref<20000xi32, #tpu.memory_space<vmem>>, vector<16xi32>,
      %gather3A_1318 = tpu.vector_load_idx %arg9[%get3A_1315] : memref<20480xf32, #tpu.memory_space<vmem>>[vector<16xi32>], vector<16xf32>,
      tpu.vector_store_idx %arg10[%get3A_1317], %gather3A_1318 {add = true} : memref<20480xf32, #tpu.memory_space<vmem>>[vector<16xi32>], vector<16xf32>,
      %add3A_1319 = arith.constant 1 : i32
      %add3A_1320 = vector.broadcast %add3A_1319 : i32 to vector<16xi32>
      %add3A_1321 = arith.addi %get3A_1315, %add3A_1320 : vector<16xi32>
      %gather3A_1322 = tpu.vector_load_idx %arg9[%add3A_1321] : memref<20480xf32, #tpu.memory_space<vmem>>[vector<16xi32>], vector<16xf32>,
      %add3A_1323 = arith.constant 1 : i32
      %add3A_1324 = vector.broadcast %add3A_1323 : i32 to vector<16xi32>
      %add3A_1325 = arith.addi %get3A_1317, %add3A_1324 : vector<16xi32>
      tpu.vector_store_idx %arg10[%add3A_1325], %gather3A_1322 {add = true} : memref<20480xf32, #tpu.memory_space<vmem>>[vector<16xi32>], vector<16xf32>,
    }
    %scan3A_839 = arith.constant 250 : i32
    "tpu.region"() ({
      %run_scoped3A = tpu.sem_alloc : memref<!tpu.dma_semaphore, #tpu.memory_space<semaphore_mem>>
      %dma_start3A_1238 = arith.constant 0 : i32
      %dma_start3A_1239 = tpu.memref_slice %arg16[%arg1, %dma_start3A_1238] : memref<16x20480xf32, #tpu.memory_space<vmem_shared>> -> memref<1x20480xf32, #tpu.memory_space<vmem_shared>>
      %dma_start3A_1240 = tpu.memref_squeeze %dma_start3A_1239 : memref<1x20480xf32, #tpu.memory_space<vmem_shared>> -> memref<20480xf32, #tpu.memory_space<vmem_shared>>
      %dma_start3A_1241 = arith.constant 0 : i32
      %dma_start3A_1242 = tpu.memref_slice %arg16[%arg1, %dma_start3A_1241] : memref<16x20480xf32, #tpu.memory_space<vmem_shared>> -> memref<1x20480xf32, #tpu.memory_space<vmem_shared>>
      %dma_start3A_1243 = tpu.memref_squeeze %dma_start3A_1242 : memref<1x20480xf32, #tpu.memory_space<vmem_shared>> -> memref<20480xf32, #tpu.memory_space<vmem_shared>>
      tpu.enqueue_dma source(%arg10 : memref<20480xf32, #tpu.memory_space<vmem>>) target(%dma_start3A_1243 : memref<20480xf32, #tpu.memory_space<vmem_shared>>) target_semaphore(%run_scoped3A : memref<!tpu.dma_semaphore, #tpu.memory_space<semaphore_mem>>)
      %dma_wait3A_1244 = arith.constant 0 : i32
      %dma_wait3A_1245 = tpu.memref_slice %arg16[%arg1, %dma_wait3A_1244] : memref<16x20480xf32, #tpu.memory_space<vmem_shared>> -> memref<1x20480xf32, #tpu.memory_space<vmem_shared>>
      %dma_wait3A_1246 = tpu.memref_squeeze %dma_wait3A_1245 : memref<1x20480xf32, #tpu.memory_space<vmem_shared>> -> memref<20480xf32, #tpu.memory_space<vmem_shared>>
      %dma_wait3A_1247 = arith.constant 0 : i32
      %dma_wait3A_1248 = tpu.memref_slice %arg16[%arg1, %dma_wait3A_1247] : memref<16x20480xf32, #tpu.memory_space<vmem_shared>> -> memref<1x20480xf32, #tpu.memory_space<vmem_shared>>
      %dma_wait3A_1249 = tpu.memref_squeeze %dma_wait3A_1248 : memref<1x20480xf32, #tpu.memory_space<vmem_shared>> -> memref<20480xf32, #tpu.memory_space<vmem_shared>>
      tpu.wait_dma2 semaphore(%run_scoped3A : memref<!tpu.dma_semaphore, #tpu.memory_space<semaphore_mem>>) src(%arg10 : memref<20480xf32, #tpu.memory_space<vmem>>) dst(%dma_wait3A_1249 : memref<20480xf32, #tpu.memory_space<vmem_shared>>)
      tpu.yield
    }) : () -> ()
    %barrier3A_840 = arith.constant 0 : index
    tpu.barrier barrier_id(%barrier3A_840)
    %dma_start3A_841 = arith.constant 0 : i32
    %dma_start3A_842 = arith.constant 0 : i32
    %dma_start3A_843 = arith.constant 0 : i32
    %dma_start3A_844 = tpu.memref_slice %arg15[%dma_start3A_842, %dma_start3A_843] : memref<16x1280xf32, #tpu.memory_space<vmem>> -> memref<1x1280xf32, #tpu.memory_space<vmem>>
    %dma_start3A_845 = tpu.memref_squeeze %dma_start3A_844 : memref<1x1280xf32, #tpu.memory_space<vmem>> -> memref<1280xf32, #tpu.memory_space<vmem>>
    %dma_start3A_846 = tpu.memref_slice %arg16[%dma_start3A_841, %mul3A_0] : memref<16x20480xf32, #tpu.memory_space<vmem_shared>> -> memref<1x1280xf32, #tpu.memory_space<vmem_shared>>
    %dma_start3A_847 = tpu.memref_squeeze %dma_start3A_846 : memref<1x1280xf32, #tpu.memory_space<vmem_shared>> -> memref<1280xf32, #tpu.memory_space<vmem_shared>>
    %dma_start3A_848 = arith.constant 0 : i32
    %dma_start3A_849 = tpu.memref_slice %arg15[%dma_start3A_842, %dma_start3A_848] : memref<16x1280xf32, #tpu.memory_space<vmem>> -> memref<1x1280xf32, #tpu.memory_space<vmem>>
    %dma_start3A_850 = tpu.memref_squeeze %dma_start3A_849 : memref<1x1280xf32, #tpu.memory_space<vmem>> -> memref<1280xf32, #tpu.memory_space<vmem>>
    %dma_start3A_851 = tpu.memref_slice %arg16[%dma_start3A_841, %mul3A_0] : memref<16x20480xf32, #tpu.memory_space<vmem_shared>> -> memref<1x1280xf32, #tpu.memory_space<vmem_shared>>
    %dma_start3A_852 = tpu.memref_squeeze %dma_start3A_851 : memref<1x1280xf32, #tpu.memory_space<vmem_shared>> -> memref<1280xf32, #tpu.memory_space<vmem_shared>>
    tpu.enqueue_dma source(%dma_start3A_852 : memref<1280xf32, #tpu.memory_space<vmem_shared>>) target(%dma_start3A_850 : memref<1280xf32, #tpu.memory_space<vmem>>) target_semaphore(%arg19 : memref<!tpu.dma_semaphore, #tpu.memory_space<semaphore_mem>>)
    %dma_start3A_853 = arith.constant 1 : i32
    %dma_start3A_854 = arith.constant 1 : i32
    %dma_start3A_855 = arith.constant 0 : i32
    %dma_start3A_856 = tpu.memref_slice %arg15[%dma_start3A_854, %dma_start3A_855] : memref<16x1280xf32, #tpu.memory_space<vmem>> -> memref<1x1280xf32, #tpu.memory_space<vmem>>
    %dma_start3A_857 = tpu.memref_squeeze %dma_start3A_856 : memref<1x1280xf32, #tpu.memory_space<vmem>> -> memref<1280xf32, #tpu.memory_space<vmem>>
    %dma_start3A_858 = tpu.memref_slice %arg16[%dma_start3A_853, %mul3A_0] : memref<16x20480xf32, #tpu.memory_space<vmem_shared>> -> memref<1x1280xf32, #tpu.memory_space<vmem_shared>>
    %dma_start3A_859 = tpu.memref_squeeze %dma_start3A_858 : memref<1x1280xf32, #tpu.memory_space<vmem_shared>> -> memref<1280xf32, #tpu.memory_space<vmem_shared>>
    %dma_start3A_860 = arith.constant 0 : i32
    %dma_start3A_861 = tpu.memref_slice %arg15[%dma_start3A_854, %dma_start3A_860] : memref<16x1280xf32, #tpu.memory_space<vmem>> -> memref<1x1280xf32, #tpu.memory_space<vmem>>
    %dma_start3A_862 = tpu.memref_squeeze %dma_start3A_861 : memref<1x1280xf32, #tpu.memory_space<vmem>> -> memref<1280xf32, #tpu.memory_space<vmem>>
    %dma_start3A_863 = tpu.memref_slice %arg16[%dma_start3A_853, %mul3A_0] : memref<16x20480xf32, #tpu.memory_space<vmem_shared>> -> memref<1x1280xf32, #tpu.memory_space<vmem_shared>>
    %dma_start3A_864 = tpu.memref_squeeze %dma_start3A_863 : memref<1x1280xf32, #tpu.memory_space<vmem_shared>> -> memref<1280xf32, #tpu.memory_space<vmem_shared>>
    tpu.enqueue_dma source(%dma_start3A_864 : memref<1280xf32, #tpu.memory_space<vmem_shared>>) target(%dma_start3A_862 : memref<1280xf32, #tpu.memory_space<vmem>>) target_semaphore(%arg19 : memref<!tpu.dma_semaphore, #tpu.memory_space<semaphore_mem>>)
    %dma_start3A_865 = arith.constant 2 : i32
    %dma_start3A_866 = arith.constant 2 : i32
    %dma_start3A_867 = arith.constant 0 : i32
    %dma_start3A_868 = tpu.memref_slice %arg15[%dma_start3A_866, %dma_start3A_867] : memref<16x1280xf32, #tpu.memory_space<vmem>> -> memref<1x1280xf32, #tpu.memory_space<vmem>>
    %dma_start3A_869 = tpu.memref_squeeze %dma_start3A_868 : memref<1x1280xf32, #tpu.memory_space<vmem>> -> memref<1280xf32, #tpu.memory_space<vmem>>
    %dma_start3A_870 = tpu.memref_slice %arg16[%dma_start3A_865, %mul3A_0] : memref<16x20480xf32, #tpu.memory_space<vmem_shared>> -> memref<1x1280xf32, #tpu.memory_space<vmem_shared>>
    %dma_start3A_871 = tpu.memref_squeeze %dma_start3A_870 : memref<1x1280xf32, #tpu.memory_space<vmem_shared>> -> memref<1280xf32, #tpu.memory_space<vmem_shared>>
    %dma_start3A_872 = arith.constant 0 : i32
    %dma_start3A_873 = tpu.memref_slice %arg15[%dma_start3A_866, %dma_start3A_872] : memref<16x1280xf32, #tpu.memory_space<vmem>> -> memref<1x1280xf32, #tpu.memory_space<vmem>>
    %dma_start3A_874 = tpu.memref_squeeze %dma_start3A_873 : memref<1x1280xf32, #tpu.memory_space<vmem>> -> memref<1280xf32, #tpu.memory_space<vmem>>
    %dma_start3A_875 = tpu.memref_slice %arg16[%dma_start3A_865, %mul3A_0] : memref<16x20480xf32, #tpu.memory_space<vmem_shared>> -> memref<1x1280xf32, #tpu.memory_space<vmem_shared>>
    %dma_start3A_876 = tpu.memref_squeeze %dma_start3A_875 : memref<1x1280xf32, #tpu.memory_space<vmem_shared>> -> memref<1280xf32, #tpu.memory_space<vmem_shared>>
    tpu.enqueue_dma source(%dma_start3A_876 : memref<1280xf32, #tpu.memory_space<vmem_shared>>) target(%dma_start3A_874 : memref<1280xf32, #tpu.memory_space<vmem>>) target_semaphore(%arg19 : memref<!tpu.dma_semaphore, #tpu.memory_space<semaphore_mem>>)
    %dma_start3A_877 = arith.constant 3 : i32
    %dma_start3A_878 = arith.constant 3 : i32
    %dma_start3A_879 = arith.constant 0 : i32
    %dma_start3A_880 = tpu.memref_slice %arg15[%dma_start3A_878, %dma_start3A_879] : memref<16x1280xf32, #tpu.memory_space<vmem>> -> memref<1x1280xf32, #tpu.memory_space<vmem>>
    %dma_start3A_881 = tpu.memref_squeeze %dma_start3A_880 : memref<1x1280xf32, #tpu.memory_space<vmem>> -> memref<1280xf32, #tpu.memory_space<vmem>>
    %dma_start3A_882 = tpu.memref_slice %arg16[%dma_start3A_877, %mul3A_0] : memref<16x20480xf32, #tpu.memory_space<vmem_shared>> -> memref<1x1280xf32, #tpu.memory_space<vmem_shared>>
    %dma_start3A_883 = tpu.memref_squeeze %dma_start3A_882 : memref<1x1280xf32, #tpu.memory_space<vmem_shared>> -> memref<1280xf32, #tpu.memory_space<vmem_shared>>
    %dma_start3A_884 = arith.constant 0 : i32
    %dma_start3A_885 = tpu.memref_slice %arg15[%dma_start3A_878, %dma_start3A_884] : memref<16x1280xf32, #tpu.memory_space<vmem>> -> memref<1x1280xf32, #tpu.memory_space<vmem>>
    %dma_start3A_886 = tpu.memref_squeeze %dma_start3A_885 : memref<1x1280xf32, #tpu.memory_space<vmem>> -> memref<1280xf32, #tpu.memory_space<vmem>>
    %dma_start3A_887 = tpu.memref_slice %arg16[%dma_start3A_877, %mul3A_0] : memref<16x20480xf32, #tpu.memory_space<vmem_shared>> -> memref<1x1280xf32, #tpu.memory_space<vmem_shared>>
    %dma_start3A_888 = tpu.memref_squeeze %dma_start3A_887 : memref<1x1280xf32, #tpu.memory_space<vmem_shared>> -> memref<1280xf32, #tpu.memory_space<vmem_shared>>
    tpu.enqueue_dma source(%dma_start3A_888 : memref<1280xf32, #tpu.memory_space<vmem_shared>>) target(%dma_start3A_886 : memref<1280xf32, #tpu.memory_space<vmem>>) target_semaphore(%arg19 : memref<!tpu.dma_semaphore, #tpu.memory_space<semaphore_mem>>)
    %dma_start3A_889 = arith.constant 4 : i32
    %dma_start3A_890 = arith.constant 4 : i32
    %dma_start3A_891 = arith.constant 0 : i32
    %dma_start3A_892 = tpu.memref_slice %arg15[%dma_start3A_890, %dma_start3A_891] : memref<16x1280xf32, #tpu.memory_space<vmem>> -> memref<1x1280xf32, #tpu.memory_space<vmem>>
    %dma_start3A_893 = tpu.memref_squeeze %dma_start3A_892 : memref<1x1280xf32, #tpu.memory_space<vmem>> -> memref<1280xf32, #tpu.memory_space<vmem>>
    %dma_start3A_894 = tpu.memref_slice %arg16[%dma_start3A_889, %mul3A_0] : memref<16x20480xf32, #tpu.memory_space<vmem_shared>> -> memref<1x1280xf32, #tpu.memory_space<vmem_shared>>
    %dma_start3A_895 = tpu.memref_squeeze %dma_start3A_894 : memref<1x1280xf32, #tpu.memory_space<vmem_shared>> -> memref<1280xf32, #tpu.memory_space<vmem_shared>>
    %dma_start3A_896 = arith.constant 0 : i32
    %dma_start3A_897 = tpu.memref_slice %arg15[%dma_start3A_890, %dma_start3A_896] : memref<16x1280xf32, #tpu.memory_space<vmem>> -> memref<1x1280xf32, #tpu.memory_space<vmem>>
    %dma_start3A_898 = tpu.memref_squeeze %dma_start3A_897 : memref<1x1280xf32, #tpu.memory_space<vmem>> -> memref<1280xf32, #tpu.memory_space<vmem>>
    %dma_start3A_899 = tpu.memref_slice %arg16[%dma_start3A_889, %mul3A_0] : memref<16x20480xf32, #tpu.memory_space<vmem_shared>> -> memref<1x1280xf32, #tpu.memory_space<vmem_shared>>
    %dma_start3A_900 = tpu.memref_squeeze %dma_start3A_899 : memref<1x1280xf32, #tpu.memory_space<vmem_shared>> -> memref<1280xf32, #tpu.memory_space<vmem_shared>>
    tpu.enqueue_dma source(%dma_start3A_900 : memref<1280xf32, #tpu.memory_space<vmem_shared>>) target(%dma_start3A_898 : memref<1280xf32, #tpu.memory_space<vmem>>) target_semaphore(%arg19 : memref<!tpu.dma_semaphore, #tpu.memory_space<semaphore_mem>>)
    %dma_start3A_901 = arith.constant 5 : i32
    %dma_start3A_902 = arith.constant 5 : i32
    %dma_start3A_903 = arith.constant 0 : i32
    %dma_start3A_904 = tpu.memref_slice %arg15[%dma_start3A_902, %dma_start3A_903] : memref<16x1280xf32, #tpu.memory_space<vmem>> -> memref<1x1280xf32, #tpu.memory_space<vmem>>
    %dma_start3A_905 = tpu.memref_squeeze %dma_start3A_904 : memref<1x1280xf32, #tpu.memory_space<vmem>> -> memref<1280xf32, #tpu.memory_space<vmem>>
    %dma_start3A_906 = tpu.memref_slice %arg16[%dma_start3A_901, %mul3A_0] : memref<16x20480xf32, #tpu.memory_space<vmem_shared>> -> memref<1x1280xf32, #tpu.memory_space<vmem_shared>>
    %dma_start3A_907 = tpu.memref_squeeze %dma_start3A_906 : memref<1x1280xf32, #tpu.memory_space<vmem_shared>> -> memref<1280xf32, #tpu.memory_space<vmem_shared>>
    %dma_start3A_908 = arith.constant 0 : i32
    %dma_start3A_909 = tpu.memref_slice %arg15[%dma_start3A_902, %dma_start3A_908] : memref<16x1280xf32, #tpu.memory_space<vmem>> -> memref<1x1280xf32, #tpu.memory_space<vmem>>
    %dma_start3A_910 = tpu.memref_squeeze %dma_start3A_909 : memref<1x1280xf32, #tpu.memory_space<vmem>> -> memref<1280xf32, #tpu.memory_space<vmem>>
    %dma_start3A_911 = tpu.memref_slice %arg16[%dma_start3A_901, %mul3A_0] : memref<16x20480xf32, #tpu.memory_space<vmem_shared>> -> memref<1x1280xf32, #tpu.memory_space<vmem_shared>>
    %dma_start3A_912 = tpu.memref_squeeze %dma_start3A_911 : memref<1x1280xf32, #tpu.memory_space<vmem_shared>> -> memref<1280xf32, #tpu.memory_space<vmem_shared>>
    tpu.enqueue_dma source(%dma_start3A_912 : memref<1280xf32, #tpu.memory_space<vmem_shared>>) target(%dma_start3A_910 : memref<1280xf32, #tpu.memory_space<vmem>>) target_semaphore(%arg19 : memref<!tpu.dma_semaphore, #tpu.memory_space<semaphore_mem>>)
    %dma_start3A_913 = arith.constant 6 : i32
    %dma_start3A_914 = arith.constant 6 : i32
    %dma_start3A_915 = arith.constant 0 : i32
    %dma_start3A_916 = tpu.memref_slice %arg15[%dma_start3A_914, %dma_start3A_915] : memref<16x1280xf32, #tpu.memory_space<vmem>> -> memref<1x1280xf32, #tpu.memory_space<vmem>>
    %dma_start3A_917 = tpu.memref_squeeze %dma_start3A_916 : memref<1x1280xf32, #tpu.memory_space<vmem>> -> memref<1280xf32, #tpu.memory_space<vmem>>
    %dma_start3A_918 = tpu.memref_slice %arg16[%dma_start3A_913, %mul3A_0] : memref<16x20480xf32, #tpu.memory_space<vmem_shared>> -> memref<1x1280xf32, #tpu.memory_space<vmem_shared>>
    %dma_start3A_919 = tpu.memref_squeeze %dma_start3A_918 : memref<1x1280xf32, #tpu.memory_space<vmem_shared>> -> memref<1280xf32, #tpu.memory_space<vmem_shared>>
    %dma_start3A_920 = arith.constant 0 : i32
    %dma_start3A_921 = tpu.memref_slice %arg15[%dma_start3A_914, %dma_start3A_920] : memref<16x1280xf32, #tpu.memory_space<vmem>> -> memref<1x1280xf32, #tpu.memory_space<vmem>>
    %dma_start3A_922 = tpu.memref_squeeze %dma_start3A_921 : memref<1x1280xf32, #tpu.memory_space<vmem>> -> memref<1280xf32, #tpu.memory_space<vmem>>
    %dma_start3A_923 = tpu.memref_slice %arg16[%dma_start3A_913, %mul3A_0] : memref<16x20480xf32, #tpu.memory_space<vmem_shared>> -> memref<1x1280xf32, #tpu.memory_space<vmem_shared>>
    %dma_start3A_924 = tpu.memref_squeeze %dma_start3A_923 : memref<1x1280xf32, #tpu.memory_space<vmem_shared>> -> memref<1280xf32, #tpu.memory_space<vmem_shared>>
    tpu.enqueue_dma source(%dma_start3A_924 : memref<1280xf32, #tpu.memory_space<vmem_shared>>) target(%dma_start3A_922 : memref<1280xf32, #tpu.memory_space<vmem>>) target_semaphore(%arg19 : memref<!tpu.dma_semaphore, #tpu.memory_space<semaphore_mem>>)
    %dma_start3A_925 = arith.constant 7 : i32
    %dma_start3A_926 = arith.constant 7 : i32
    %dma_start3A_927 = arith.constant 0 : i32
    %dma_start3A_928 = tpu.memref_slice %arg15[%dma_start3A_926, %dma_start3A_927] : memref<16x1280xf32, #tpu.memory_space<vmem>> -> memref<1x1280xf32, #tpu.memory_space<vmem>>
    %dma_start3A_929 = tpu.memref_squeeze %dma_start3A_928 : memref<1x1280xf32, #tpu.memory_space<vmem>> -> memref<1280xf32, #tpu.memory_space<vmem>>
    %dma_start3A_930 = tpu.memref_slice %arg16[%dma_start3A_925, %mul3A_0] : memref<16x20480xf32, #tpu.memory_space<vmem_shared>> -> memref<1x1280xf32, #tpu.memory_space<vmem_shared>>
    %dma_start3A_931 = tpu.memref_squeeze %dma_start3A_930 : memref<1x1280xf32, #tpu.memory_space<vmem_shared>> -> memref<1280xf32, #tpu.memory_space<vmem_shared>>
    %dma_start3A_932 = arith.constant 0 : i32
    %dma_start3A_933 = tpu.memref_slice %arg15[%dma_start3A_926, %dma_start3A_932] : memref<16x1280xf32, #tpu.memory_space<vmem>> -> memref<1x1280xf32, #tpu.memory_space<vmem>>
    %dma_start3A_934 = tpu.memref_squeeze %dma_start3A_933 : memref<1x1280xf32, #tpu.memory_space<vmem>> -> memref<1280xf32, #tpu.memory_space<vmem>>
    %dma_start3A_935 = tpu.memref_slice %arg16[%dma_start3A_925, %mul3A_0] : memref<16x20480xf32, #tpu.memory_space<vmem_shared>> -> memref<1x1280xf32, #tpu.memory_space<vmem_shared>>
    %dma_start3A_936 = tpu.memref_squeeze %dma_start3A_935 : memref<1x1280xf32, #tpu.memory_space<vmem_shared>> -> memref<1280xf32, #tpu.memory_space<vmem_shared>>
    tpu.enqueue_dma source(%dma_start3A_936 : memref<1280xf32, #tpu.memory_space<vmem_shared>>) target(%dma_start3A_934 : memref<1280xf32, #tpu.memory_space<vmem>>) target_semaphore(%arg19 : memref<!tpu.dma_semaphore, #tpu.memory_space<semaphore_mem>>)
    %dma_start3A_937 = arith.constant 8 : i32
    %dma_start3A_938 = arith.constant 8 : i32
    %dma_start3A_939 = arith.constant 0 : i32
    %dma_start3A_940 = tpu.memref_slice %arg15[%dma_start3A_938, %dma_start3A_939] : memref<16x1280xf32, #tpu.memory_space<vmem>> -> memref<1x1280xf32, #tpu.memory_space<vmem>>
    %dma_start3A_941 = tpu.memref_squeeze %dma_start3A_940 : memref<1x1280xf32, #tpu.memory_space<vmem>> -> memref<1280xf32, #tpu.memory_space<vmem>>
    %dma_start3A_942 = tpu.memref_slice %arg16[%dma_start3A_937, %mul3A_0] : memref<16x20480xf32, #tpu.memory_space<vmem_shared>> -> memref<1x1280xf32, #tpu.memory_space<vmem_shared>>
    %dma_start3A_943 = tpu.memref_squeeze %dma_start3A_942 : memref<1x1280xf32, #tpu.memory_space<vmem_shared>> -> memref<1280xf32, #tpu.memory_space<vmem_shared>>
    %dma_start3A_944 = arith.constant 0 : i32
    %dma_start3A_945 = tpu.memref_slice %arg15[%dma_start3A_938, %dma_start3A_944] : memref<16x1280xf32, #tpu.memory_space<vmem>> -> memref<1x1280xf32, #tpu.memory_space<vmem>>
    %dma_start3A_946 = tpu.memref_squeeze %dma_start3A_945 : memref<1x1280xf32, #tpu.memory_space<vmem>> -> memref<1280xf32, #tpu.memory_space<vmem>>
    %dma_start3A_947 = tpu.memref_slice %arg16[%dma_start3A_937, %mul3A_0] : memref<16x20480xf32, #tpu.memory_space<vmem_shared>> -> memref<1x1280xf32, #tpu.memory_space<vmem_shared>>
    %dma_start3A_948 = tpu.memref_squeeze %dma_start3A_947 : memref<1x1280xf32, #tpu.memory_space<vmem_shared>> -> memref<1280xf32, #tpu.memory_space<vmem_shared>>
    tpu.enqueue_dma source(%dma_start3A_948 : memref<1280xf32, #tpu.memory_space<vmem_shared>>) target(%dma_start3A_946 : memref<1280xf32, #tpu.memory_space<vmem>>) target_semaphore(%arg19 : memref<!tpu.dma_semaphore, #tpu.memory_space<semaphore_mem>>)
    %dma_start3A_949 = arith.constant 9 : i32
    %dma_start3A_950 = arith.constant 9 : i32
    %dma_start3A_951 = arith.constant 0 : i32
    %dma_start3A_952 = tpu.memref_slice %arg15[%dma_start3A_950, %dma_start3A_951] : memref<16x1280xf32, #tpu.memory_space<vmem>> -> memref<1x1280xf32, #tpu.memory_space<vmem>>
    %dma_start3A_953 = tpu.memref_squeeze %dma_start3A_952 : memref<1x1280xf32, #tpu.memory_space<vmem>> -> memref<1280xf32, #tpu.memory_space<vmem>>
    %dma_start3A_954 = tpu.memref_slice %arg16[%dma_start3A_949, %mul3A_0] : memref<16x20480xf32, #tpu.memory_space<vmem_shared>> -> memref<1x1280xf32, #tpu.memory_space<vmem_shared>>
    %dma_start3A_955 = tpu.memref_squeeze %dma_start3A_954 : memref<1x1280xf32, #tpu.memory_space<vmem_shared>> -> memref<1280xf32, #tpu.memory_space<vmem_shared>>
    %dma_start3A_956 = arith.constant 0 : i32
    %dma_start3A_957 = tpu.memref_slice %arg15[%dma_start3A_950, %dma_start3A_956] : memref<16x1280xf32, #tpu.memory_space<vmem>> -> memref<1x1280xf32, #tpu.memory_space<vmem>>
    %dma_start3A_958 = tpu.memref_squeeze %dma_start3A_957 : memref<1x1280xf32, #tpu.memory_space<vmem>> -> memref<1280xf32, #tpu.memory_space<vmem>>
    %dma_start3A_959 = tpu.memref_slice %arg16[%dma_start3A_949, %mul3A_0] : memref<16x20480xf32, #tpu.memory_space<vmem_shared>> -> memref<1x1280xf32, #tpu.memory_space<vmem_shared>>
    %dma_start3A_960 = tpu.memref_squeeze %dma_start3A_959 : memref<1x1280xf32, #tpu.memory_space<vmem_shared>> -> memref<1280xf32, #tpu.memory_space<vmem_shared>>
    tpu.enqueue_dma source(%dma_start3A_960 : memref<1280xf32, #tpu.memory_space<vmem_shared>>) target(%dma_start3A_958 : memref<1280xf32, #tpu.memory_space<vmem>>) target_semaphore(%arg19 : memref<!tpu.dma_semaphore, #tpu.memory_space<semaphore_mem>>)
    %dma_start3A_961 = arith.constant 10 : i32
    %dma_start3A_962 = arith.constant 10 : i32
    %dma_start3A_963 = arith.constant 0 : i32
    %dma_start3A_964 = tpu.memref_slice %arg15[%dma_start3A_962, %dma_start3A_963] : memref<16x1280xf32, #tpu.memory_space<vmem>> -> memref<1x1280xf32, #tpu.memory_space<vmem>>
    %dma_start3A_965 = tpu.memref_squeeze %dma_start3A_964 : memref<1x1280xf32, #tpu.memory_space<vmem>> -> memref<1280xf32, #tpu.memory_space<vmem>>
    %dma_start3A_966 = tpu.memref_slice %arg16[%dma_start3A_961, %mul3A_0] : memref<16x20480xf32, #tpu.memory_space<vmem_shared>> -> memref<1x1280xf32, #tpu.memory_space<vmem_shared>>
    %dma_start3A_967 = tpu.memref_squeeze %dma_start3A_966 : memref<1x1280xf32, #tpu.memory_space<vmem_shared>> -> memref<1280xf32, #tpu.memory_space<vmem_shared>>
    %dma_start3A_968 = arith.constant 0 : i32
    %dma_start3A_969 = tpu.memref_slice %arg15[%dma_start3A_962, %dma_start3A_968] : memref<16x1280xf32, #tpu.memory_space<vmem>> -> memref<1x1280xf32, #tpu.memory_space<vmem>>
    %dma_start3A_970 = tpu.memref_squeeze %dma_start3A_969 : memref<1x1280xf32, #tpu.memory_space<vmem>> -> memref<1280xf32, #tpu.memory_space<vmem>>
    %dma_start3A_971 = tpu.memref_slice %arg16[%dma_start3A_961, %mul3A_0] : memref<16x20480xf32, #tpu.memory_space<vmem_shared>> -> memref<1x1280xf32, #tpu.memory_space<vmem_shared>>
    %dma_start3A_972 = tpu.memref_squeeze %dma_start3A_971 : memref<1x1280xf32, #tpu.memory_space<vmem_shared>> -> memref<1280xf32, #tpu.memory_space<vmem_shared>>
    tpu.enqueue_dma source(%dma_start3A_972 : memref<1280xf32, #tpu.memory_space<vmem_shared>>) target(%dma_start3A_970 : memref<1280xf32, #tpu.memory_space<vmem>>) target_semaphore(%arg19 : memref<!tpu.dma_semaphore, #tpu.memory_space<semaphore_mem>>)
    %dma_start3A_973 = arith.constant 11 : i32
    %dma_start3A_974 = arith.constant 11 : i32
    %dma_start3A_975 = arith.constant 0 : i32
    %dma_start3A_976 = tpu.memref_slice %arg15[%dma_start3A_974, %dma_start3A_975] : memref<16x1280xf32, #tpu.memory_space<vmem>> -> memref<1x1280xf32, #tpu.memory_space<vmem>>
    %dma_start3A_977 = tpu.memref_squeeze %dma_start3A_976 : memref<1x1280xf32, #tpu.memory_space<vmem>> -> memref<1280xf32, #tpu.memory_space<vmem>>
    %dma_start3A_978 = tpu.memref_slice %arg16[%dma_start3A_973, %mul3A_0] : memref<16x20480xf32, #tpu.memory_space<vmem_shared>> -> memref<1x1280xf32, #tpu.memory_space<vmem_shared>>
    %dma_start3A_979 = tpu.memref_squeeze %dma_start3A_978 : memref<1x1280xf32, #tpu.memory_space<vmem_shared>> -> memref<1280xf32, #tpu.memory_space<vmem_shared>>
    %dma_start3A_980 = arith.constant 0 : i32
    %dma_start3A_981 = tpu.memref_slice %arg15[%dma_start3A_974, %dma_start3A_980] : memref<16x1280xf32, #tpu.memory_space<vmem>> -> memref<1x1280xf32, #tpu.memory_space<vmem>>
    %dma_start3A_982 = tpu.memref_squeeze %dma_start3A_981 : memref<1x1280xf32, #tpu.memory_space<vmem>> -> memref<1280xf32, #tpu.memory_space<vmem>>
    %dma_start3A_983 = tpu.memref_slice %arg16[%dma_start3A_973, %mul3A_0] : memref<16x20480xf32, #tpu.memory_space<vmem_shared>> -> memref<1x1280xf32, #tpu.memory_space<vmem_shared>>
    %dma_start3A_984 = tpu.memref_squeeze %dma_start3A_983 : memref<1x1280xf32, #tpu.memory_space<vmem_shared>> -> memref<1280xf32, #tpu.memory_space<vmem_shared>>
    tpu.enqueue_dma source(%dma_start3A_984 : memref<1280xf32, #tpu.memory_space<vmem_shared>>) target(%dma_start3A_982 : memref<1280xf32, #tpu.memory_space<vmem>>) target_semaphore(%arg19 : memref<!tpu.dma_semaphore, #tpu.memory_space<semaphore_mem>>)
    %dma_start3A_985 = arith.constant 12 : i32
    %dma_start3A_986 = arith.constant 12 : i32
    %dma_start3A_987 = arith.constant 0 : i32
    %dma_start3A_988 = tpu.memref_slice %arg15[%dma_start3A_986, %dma_start3A_987] : memref<16x1280xf32, #tpu.memory_space<vmem>> -> memref<1x1280xf32, #tpu.memory_space<vmem>>
    %dma_start3A_989 = tpu.memref_squeeze %dma_start3A_988 : memref<1x1280xf32, #tpu.memory_space<vmem>> -> memref<1280xf32, #tpu.memory_space<vmem>>
    %dma_start3A_990 = tpu.memref_slice %arg16[%dma_start3A_985, %mul3A_0] : memref<16x20480xf32, #tpu.memory_space<vmem_shared>> -> memref<1x1280xf32, #tpu.memory_space<vmem_shared>>
    %dma_start3A_991 = tpu.memref_squeeze %dma_start3A_990 : memref<1x1280xf32, #tpu.memory_space<vmem_shared>> -> memref<1280xf32, #tpu.memory_space<vmem_shared>>
    %dma_start3A_992 = arith.constant 0 : i32
    %dma_start3A_993 = tpu.memref_slice %arg15[%dma_start3A_986, %dma_start3A_992] : memref<16x1280xf32, #tpu.memory_space<vmem>> -> memref<1x1280xf32, #tpu.memory_space<vmem>>
    %dma_start3A_994 = tpu.memref_squeeze %dma_start3A_993 : memref<1x1280xf32, #tpu.memory_space<vmem>> -> memref<1280xf32, #tpu.memory_space<vmem>>
    %dma_start3A_995 = tpu.memref_slice %arg16[%dma_start3A_985, %mul3A_0] : memref<16x20480xf32, #tpu.memory_space<vmem_shared>> -> memref<1x1280xf32, #tpu.memory_space<vmem_shared>>
    %dma_start3A_996 = tpu.memref_squeeze %dma_start3A_995 : memref<1x1280xf32, #tpu.memory_space<vmem_shared>> -> memref<1280xf32, #tpu.memory_space<vmem_shared>>
    tpu.enqueue_dma source(%dma_start3A_996 : memref<1280xf32, #tpu.memory_space<vmem_shared>>) target(%dma_start3A_994 : memref<1280xf32, #tpu.memory_space<vmem>>) target_semaphore(%arg19 : memref<!tpu.dma_semaphore, #tpu.memory_space<semaphore_mem>>)
    %dma_start3A_997 = arith.constant 13 : i32
    %dma_start3A_998 = arith.constant 13 : i32
    %dma_start3A_999 = arith.constant 0 : i32
    %dma_start3A_1000 = tpu.memref_slice %arg15[%dma_start3A_998, %dma_start3A_999] : memref<16x1280xf32, #tpu.memory_space<vmem>> -> memref<1x1280xf32, #tpu.memory_space<vmem>>
    %dma_start3A_1001 = tpu.memref_squeeze %dma_start3A_1000 : memref<1x1280xf32, #tpu.memory_space<vmem>> -> memref<1280xf32, #tpu.memory_space<vmem>>
    %dma_start3A_1002 = tpu.memref_slice %arg16[%dma_start3A_997, %mul3A_0] : memref<16x20480xf32, #tpu.memory_space<vmem_shared>> -> memref<1x1280xf32, #tpu.memory_space<vmem_shared>>
    %dma_start3A_1003 = tpu.memref_squeeze %dma_start3A_1002 : memref<1x1280xf32, #tpu.memory_space<vmem_shared>> -> memref<1280xf32, #tpu.memory_space<vmem_shared>>
    %dma_start3A_1004 = arith.constant 0 : i32
    %dma_start3A_1005 = tpu.memref_slice %arg15[%dma_start3A_998, %dma_start3A_1004] : memref<16x1280xf32, #tpu.memory_space<vmem>> -> memref<1x1280xf32, #tpu.memory_space<vmem>>
    %dma_start3A_1006 = tpu.memref_squeeze %dma_start3A_1005 : memref<1x1280xf32, #tpu.memory_space<vmem>> -> memref<1280xf32, #tpu.memory_space<vmem>>
    %dma_start3A_1007 = tpu.memref_slice %arg16[%dma_start3A_997, %mul3A_0] : memref<16x20480xf32, #tpu.memory_space<vmem_shared>> -> memref<1x1280xf32, #tpu.memory_space<vmem_shared>>
    %dma_start3A_1008 = tpu.memref_squeeze %dma_start3A_1007 : memref<1x1280xf32, #tpu.memory_space<vmem_shared>> -> memref<1280xf32, #tpu.memory_space<vmem_shared>>
    tpu.enqueue_dma source(%dma_start3A_1008 : memref<1280xf32, #tpu.memory_space<vmem_shared>>) target(%dma_start3A_1006 : memref<1280xf32, #tpu.memory_space<vmem>>) target_semaphore(%arg19 : memref<!tpu.dma_semaphore, #tpu.memory_space<semaphore_mem>>)
    %dma_start3A_1009 = arith.constant 14 : i32
    %dma_start3A_1010 = arith.constant 14 : i32
    %dma_start3A_1011 = arith.constant 0 : i32
    %dma_start3A_1012 = tpu.memref_slice %arg15[%dma_start3A_1010, %dma_start3A_1011] : memref<16x1280xf32, #tpu.memory_space<vmem>> -> memref<1x1280xf32, #tpu.memory_space<vmem>>
    %dma_start3A_1013 = tpu.memref_squeeze %dma_start3A_1012 : memref<1x1280xf32, #tpu.memory_space<vmem>> -> memref<1280xf32, #tpu.memory_space<vmem>>
    %dma_start3A_1014 = tpu.memref_slice %arg16[%dma_start3A_1009, %mul3A_0] : memref<16x20480xf32, #tpu.memory_space<vmem_shared>> -> memref<1x1280xf32, #tpu.memory_space<vmem_shared>>
    %dma_start3A_1015 = tpu.memref_squeeze %dma_start3A_1014 : memref<1x1280xf32, #tpu.memory_space<vmem_shared>> -> memref<1280xf32, #tpu.memory_space<vmem_shared>>
    %dma_start3A_1016 = arith.constant 0 : i32
    %dma_start3A_1017 = tpu.memref_slice %arg15[%dma_start3A_1010, %dma_start3A_1016] : memref<16x1280xf32, #tpu.memory_space<vmem>> -> memref<1x1280xf32, #tpu.memory_space<vmem>>
    %dma_start3A_1018 = tpu.memref_squeeze %dma_start3A_1017 : memref<1x1280xf32, #tpu.memory_space<vmem>> -> memref<1280xf32, #tpu.memory_space<vmem>>
    %dma_start3A_1019 = tpu.memref_slice %arg16[%dma_start3A_1009, %mul3A_0] : memref<16x20480xf32, #tpu.memory_space<vmem_shared>> -> memref<1x1280xf32, #tpu.memory_space<vmem_shared>>
    %dma_start3A_1020 = tpu.memref_squeeze %dma_start3A_1019 : memref<1x1280xf32, #tpu.memory_space<vmem_shared>> -> memref<1280xf32, #tpu.memory_space<vmem_shared>>
    tpu.enqueue_dma source(%dma_start3A_1020 : memref<1280xf32, #tpu.memory_space<vmem_shared>>) target(%dma_start3A_1018 : memref<1280xf32, #tpu.memory_space<vmem>>) target_semaphore(%arg19 : memref<!tpu.dma_semaphore, #tpu.memory_space<semaphore_mem>>)
    %dma_start3A_1021 = arith.constant 15 : i32
    %dma_start3A_1022 = arith.constant 15 : i32
    %dma_start3A_1023 = arith.constant 0 : i32
    %dma_start3A_1024 = tpu.memref_slice %arg15[%dma_start3A_1022, %dma_start3A_1023] : memref<16x1280xf32, #tpu.memory_space<vmem>> -> memref<1x1280xf32, #tpu.memory_space<vmem>>
    %dma_start3A_1025 = tpu.memref_squeeze %dma_start3A_1024 : memref<1x1280xf32, #tpu.memory_space<vmem>> -> memref<1280xf32, #tpu.memory_space<vmem>>
    %dma_start3A_1026 = tpu.memref_slice %arg16[%dma_start3A_1021, %mul3A_0] : memref<16x20480xf32, #tpu.memory_space<vmem_shared>> -> memref<1x1280xf32, #tpu.memory_space<vmem_shared>>
    %dma_start3A_1027 = tpu.memref_squeeze %dma_start3A_1026 : memref<1x1280xf32, #tpu.memory_space<vmem_shared>> -> memref<1280xf32, #tpu.memory_space<vmem_shared>>
    %dma_start3A_1028 = arith.constant 0 : i32
    %dma_start3A_1029 = tpu.memref_slice %arg15[%dma_start3A_1022, %dma_start3A_1028] : memref<16x1280xf32, #tpu.memory_space<vmem>> -> memref<1x1280xf32, #tpu.memory_space<vmem>>
    %dma_start3A_1030 = tpu.memref_squeeze %dma_start3A_1029 : memref<1x1280xf32, #tpu.memory_space<vmem>> -> memref<1280xf32, #tpu.memory_space<vmem>>
    %dma_start3A_1031 = tpu.memref_slice %arg16[%dma_start3A_1021, %mul3A_0] : memref<16x20480xf32, #tpu.memory_space<vmem_shared>> -> memref<1x1280xf32, #tpu.memory_space<vmem_shared>>
    %dma_start3A_1032 = tpu.memref_squeeze %dma_start3A_1031 : memref<1x1280xf32, #tpu.memory_space<vmem_shared>> -> memref<1280xf32, #tpu.memory_space<vmem_shared>>
    tpu.enqueue_dma source(%dma_start3A_1032 : memref<1280xf32, #tpu.memory_space<vmem_shared>>) target(%dma_start3A_1030 : memref<1280xf32, #tpu.memory_space<vmem>>) target_semaphore(%arg19 : memref<!tpu.dma_semaphore, #tpu.memory_space<semaphore_mem>>)
    %dma_wait3A_1033 = arith.constant 0 : i32
    %dma_wait3A_1034 = arith.constant 0 : i32
    %dma_wait3A_1035 = arith.constant 0 : i32
    %dma_wait3A_1036 = tpu.memref_slice %arg15[%dma_wait3A_1034, %dma_wait3A_1035] : memref<16x1280xf32, #tpu.memory_space<vmem>> -> memref<1x1280xf32, #tpu.memory_space<vmem>>
    %dma_wait3A_1037 = tpu.memref_squeeze %dma_wait3A_1036 : memref<1x1280xf32, #tpu.memory_space<vmem>> -> memref<1280xf32, #tpu.memory_space<vmem>>
    %dma_wait3A_1038 = tpu.memref_slice %arg16[%dma_wait3A_1033, %mul3A_0] : memref<16x20480xf32, #tpu.memory_space<vmem_shared>> -> memref<1x1280xf32, #tpu.memory_space<vmem_shared>>
    %dma_wait3A_1039 = tpu.memref_squeeze %dma_wait3A_1038 : memref<1x1280xf32, #tpu.memory_space<vmem_shared>> -> memref<1280xf32, #tpu.memory_space<vmem_shared>>
    %dma_wait3A_1040 = arith.constant 0 : i32
    %dma_wait3A_1041 = tpu.memref_slice %arg15[%dma_wait3A_1034, %dma_wait3A_1040] : memref<16x1280xf32, #tpu.memory_space<vmem>> -> memref<1x1280xf32, #tpu.memory_space<vmem>>
    %dma_wait3A_1042 = tpu.memref_squeeze %dma_wait3A_1041 : memref<1x1280xf32, #tpu.memory_space<vmem>> -> memref<1280xf32, #tpu.memory_space<vmem>>
    %dma_wait3A_1043 = tpu.memref_slice %arg16[%dma_wait3A_1033, %mul3A_0] : memref<16x20480xf32, #tpu.memory_space<vmem_shared>> -> memref<1x1280xf32, #tpu.memory_space<vmem_shared>>
    %dma_wait3A_1044 = tpu.memref_squeeze %dma_wait3A_1043 : memref<1x1280xf32, #tpu.memory_space<vmem_shared>> -> memref<1280xf32, #tpu.memory_space<vmem_shared>>
    tpu.wait_dma2 semaphore(%arg19 : memref<!tpu.dma_semaphore, #tpu.memory_space<semaphore_mem>>) src(%dma_wait3A_1044 : memref<1280xf32, #tpu.memory_space<vmem_shared>>) dst(%dma_wait3A_1042 : memref<1280xf32, #tpu.memory_space<vmem>>)
    %dma_wait3A_1045 = arith.constant 1 : i32
    %dma_wait3A_1046 = arith.constant 1 : i32
    %dma_wait3A_1047 = arith.constant 0 : i32
    %dma_wait3A_1048 = tpu.memref_slice %arg15[%dma_wait3A_1046, %dma_wait3A_1047] : memref<16x1280xf32, #tpu.memory_space<vmem>> -> memref<1x1280xf32, #tpu.memory_space<vmem>>
    %dma_wait3A_1049 = tpu.memref_squeeze %dma_wait3A_1048 : memref<1x1280xf32, #tpu.memory_space<vmem>> -> memref<1280xf32, #tpu.memory_space<vmem>>
    %dma_wait3A_1050 = tpu.memref_slice %arg16[%dma_wait3A_1045, %mul3A_0] : memref<16x20480xf32, #tpu.memory_space<vmem_shared>> -> memref<1x1280xf32, #tpu.memory_space<vmem_shared>>
    %dma_wait3A_1051 = tpu.memref_squeeze %dma_wait3A_1050 : memref<1x1280xf32, #tpu.memory_space<vmem_shared>> -> memref<1280xf32, #tpu.memory_space<vmem_shared>>
    %dma_wait3A_1052 = arith.constant 0 : i32
    %dma_wait3A_1053 = tpu.memref_slice %arg15[%dma_wait3A_1046, %dma_wait3A_1052] : memref<16x1280xf32, #tpu.memory_space<vmem>> -> memref<1x1280xf32, #tpu.memory_space<vmem>>
    %dma_wait3A_1054 = tpu.memref_squeeze %dma_wait3A_1053 : memref<1x1280xf32, #tpu.memory_space<vmem>> -> memref<1280xf32, #tpu.memory_space<vmem>>
    %dma_wait3A_1055 = tpu.memref_slice %arg16[%dma_wait3A_1045, %mul3A_0] : memref<16x20480xf32, #tpu.memory_space<vmem_shared>> -> memref<1x1280xf32, #tpu.memory_space<vmem_shared>>
    %dma_wait3A_1056 = tpu.memref_squeeze %dma_wait3A_1055 : memref<1x1280xf32, #tpu.memory_space<vmem_shared>> -> memref<1280xf32, #tpu.memory_space<vmem_shared>>
    tpu.wait_dma2 semaphore(%arg19 : memref<!tpu.dma_semaphore, #tpu.memory_space<semaphore_mem>>) src(%dma_wait3A_1056 : memref<1280xf32, #tpu.memory_space<vmem_shared>>) dst(%dma_wait3A_1054 : memref<1280xf32, #tpu.memory_space<vmem>>)
    %dma_wait3A_1057 = arith.constant 2 : i32
    %dma_wait3A_1058 = arith.constant 2 : i32
    %dma_wait3A_1059 = arith.constant 0 : i32
    %dma_wait3A_1060 = tpu.memref_slice %arg15[%dma_wait3A_1058, %dma_wait3A_1059] : memref<16x1280xf32, #tpu.memory_space<vmem>> -> memref<1x1280xf32, #tpu.memory_space<vmem>>
    %dma_wait3A_1061 = tpu.memref_squeeze %dma_wait3A_1060 : memref<1x1280xf32, #tpu.memory_space<vmem>> -> memref<1280xf32, #tpu.memory_space<vmem>>
    %dma_wait3A_1062 = tpu.memref_slice %arg16[%dma_wait3A_1057, %mul3A_0] : memref<16x20480xf32, #tpu.memory_space<vmem_shared>> -> memref<1x1280xf32, #tpu.memory_space<vmem_shared>>
    %dma_wait3A_1063 = tpu.memref_squeeze %dma_wait3A_1062 : memref<1x1280xf32, #tpu.memory_space<vmem_shared>> -> memref<1280xf32, #tpu.memory_space<vmem_shared>>
    %dma_wait3A_1064 = arith.constant 0 : i32
    %dma_wait3A_1065 = tpu.memref_slice %arg15[%dma_wait3A_1058, %dma_wait3A_1064] : memref<16x1280xf32, #tpu.memory_space<vmem>> -> memref<1x1280xf32, #tpu.memory_space<vmem>>
    %dma_wait3A_1066 = tpu.memref_squeeze %dma_wait3A_1065 : memref<1x1280xf32, #tpu.memory_space<vmem>> -> memref<1280xf32, #tpu.memory_space<vmem>>
    %dma_wait3A_1067 = tpu.memref_slice %arg16[%dma_wait3A_1057, %mul3A_0] : memref<16x20480xf32, #tpu.memory_space<vmem_shared>> -> memref<1x1280xf32, #tpu.memory_space<vmem_shared>>
    %dma_wait3A_1068 = tpu.memref_squeeze %dma_wait3A_1067 : memref<1x1280xf32, #tpu.memory_space<vmem_shared>> -> memref<1280xf32, #tpu.memory_space<vmem_shared>>
    tpu.wait_dma2 semaphore(%arg19 : memref<!tpu.dma_semaphore, #tpu.memory_space<semaphore_mem>>) src(%dma_wait3A_1068 : memref<1280xf32, #tpu.memory_space<vmem_shared>>) dst(%dma_wait3A_1066 : memref<1280xf32, #tpu.memory_space<vmem>>)
    %dma_wait3A_1069 = arith.constant 3 : i32
    %dma_wait3A_1070 = arith.constant 3 : i32
    %dma_wait3A_1071 = arith.constant 0 : i32
    %dma_wait3A_1072 = tpu.memref_slice %arg15[%dma_wait3A_1070, %dma_wait3A_1071] : memref<16x1280xf32, #tpu.memory_space<vmem>> -> memref<1x1280xf32, #tpu.memory_space<vmem>>
    %dma_wait3A_1073 = tpu.memref_squeeze %dma_wait3A_1072 : memref<1x1280xf32, #tpu.memory_space<vmem>> -> memref<1280xf32, #tpu.memory_space<vmem>>
    %dma_wait3A_1074 = tpu.memref_slice %arg16[%dma_wait3A_1069, %mul3A_0] : memref<16x20480xf32, #tpu.memory_space<vmem_shared>> -> memref<1x1280xf32, #tpu.memory_space<vmem_shared>>
    %dma_wait3A_1075 = tpu.memref_squeeze %dma_wait3A_1074 : memref<1x1280xf32, #tpu.memory_space<vmem_shared>> -> memref<1280xf32, #tpu.memory_space<vmem_shared>>
    %dma_wait3A_1076 = arith.constant 0 : i32
    %dma_wait3A_1077 = tpu.memref_slice %arg15[%dma_wait3A_1070, %dma_wait3A_1076] : memref<16x1280xf32, #tpu.memory_space<vmem>> -> memref<1x1280xf32, #tpu.memory_space<vmem>>
    %dma_wait3A_1078 = tpu.memref_squeeze %dma_wait3A_1077 : memref<1x1280xf32, #tpu.memory_space<vmem>> -> memref<1280xf32, #tpu.memory_space<vmem>>
    %dma_wait3A_1079 = tpu.memref_slice %arg16[%dma_wait3A_1069, %mul3A_0] : memref<16x20480xf32, #tpu.memory_space<vmem_shared>> -> memref<1x1280xf32, #tpu.memory_space<vmem_shared>>
    %dma_wait3A_1080 = tpu.memref_squeeze %dma_wait3A_1079 : memref<1x1280xf32, #tpu.memory_space<vmem_shared>> -> memref<1280xf32, #tpu.memory_space<vmem_shared>>
    tpu.wait_dma2 semaphore(%arg19 : memref<!tpu.dma_semaphore, #tpu.memory_space<semaphore_mem>>) src(%dma_wait3A_1080 : memref<1280xf32, #tpu.memory_space<vmem_shared>>) dst(%dma_wait3A_1078 : memref<1280xf32, #tpu.memory_space<vmem>>)
    %dma_wait3A_1081 = arith.constant 4 : i32
    %dma_wait3A_1082 = arith.constant 4 : i32
    %dma_wait3A_1083 = arith.constant 0 : i32
    %dma_wait3A_1084 = tpu.memref_slice %arg15[%dma_wait3A_1082, %dma_wait3A_1083] : memref<16x1280xf32, #tpu.memory_space<vmem>> -> memref<1x1280xf32, #tpu.memory_space<vmem>>
    %dma_wait3A_1085 = tpu.memref_squeeze %dma_wait3A_1084 : memref<1x1280xf32, #tpu.memory_space<vmem>> -> memref<1280xf32, #tpu.memory_space<vmem>>
    %dma_wait3A_1086 = tpu.memref_slice %arg16[%dma_wait3A_1081, %mul3A_0] : memref<16x20480xf32, #tpu.memory_space<vmem_shared>> -> memref<1x1280xf32, #tpu.memory_space<vmem_shared>>
    %dma_wait3A_1087 = tpu.memref_squeeze %dma_wait3A_1086 : memref<1x1280xf32, #tpu.memory_space<vmem_shared>> -> memref<1280xf32, #tpu.memory_space<vmem_shared>>
    %dma_wait3A_1088 = arith.constant 0 : i32
    %dma_wait3A_1089 = tpu.memref_slice %arg15[%dma_wait3A_1082, %dma_wait3A_1088] : memref<16x1280xf32, #tpu.memory_space<vmem>> -> memref<1x1280xf32, #tpu.memory_space<vmem>>
    %dma_wait3A_1090 = tpu.memref_squeeze %dma_wait3A_1089 : memref<1x1280xf32, #tpu.memory_space<vmem>> -> memref<1280xf32, #tpu.memory_space<vmem>>
    %dma_wait3A_1091 = tpu.memref_slice %arg16[%dma_wait3A_1081, %mul3A_0] : memref<16x20480xf32, #tpu.memory_space<vmem_shared>> -> memref<1x1280xf32, #tpu.memory_space<vmem_shared>>
    %dma_wait3A_1092 = tpu.memref_squeeze %dma_wait3A_1091 : memref<1x1280xf32, #tpu.memory_space<vmem_shared>> -> memref<1280xf32, #tpu.memory_space<vmem_shared>>
    tpu.wait_dma2 semaphore(%arg19 : memref<!tpu.dma_semaphore, #tpu.memory_space<semaphore_mem>>) src(%dma_wait3A_1092 : memref<1280xf32, #tpu.memory_space<vmem_shared>>) dst(%dma_wait3A_1090 : memref<1280xf32, #tpu.memory_space<vmem>>)
    %dma_wait3A_1093 = arith.constant 5 : i32
    %dma_wait3A_1094 = arith.constant 5 : i32
    %dma_wait3A_1095 = arith.constant 0 : i32
    %dma_wait3A_1096 = tpu.memref_slice %arg15[%dma_wait3A_1094, %dma_wait3A_1095] : memref<16x1280xf32, #tpu.memory_space<vmem>> -> memref<1x1280xf32, #tpu.memory_space<vmem>>
    %dma_wait3A_1097 = tpu.memref_squeeze %dma_wait3A_1096 : memref<1x1280xf32, #tpu.memory_space<vmem>> -> memref<1280xf32, #tpu.memory_space<vmem>>
    %dma_wait3A_1098 = tpu.memref_slice %arg16[%dma_wait3A_1093, %mul3A_0] : memref<16x20480xf32, #tpu.memory_space<vmem_shared>> -> memref<1x1280xf32, #tpu.memory_space<vmem_shared>>
    %dma_wait3A_1099 = tpu.memref_squeeze %dma_wait3A_1098 : memref<1x1280xf32, #tpu.memory_space<vmem_shared>> -> memref<1280xf32, #tpu.memory_space<vmem_shared>>
    %dma_wait3A_1100 = arith.constant 0 : i32
    %dma_wait3A_1101 = tpu.memref_slice %arg15[%dma_wait3A_1094, %dma_wait3A_1100] : memref<16x1280xf32, #tpu.memory_space<vmem>> -> memref<1x1280xf32, #tpu.memory_space<vmem>>
    %dma_wait3A_1102 = tpu.memref_squeeze %dma_wait3A_1101 : memref<1x1280xf32, #tpu.memory_space<vmem>> -> memref<1280xf32, #tpu.memory_space<vmem>>
    %dma_wait3A_1103 = tpu.memref_slice %arg16[%dma_wait3A_1093, %mul3A_0] : memref<16x20480xf32, #tpu.memory_space<vmem_shared>> -> memref<1x1280xf32, #tpu.memory_space<vmem_shared>>
    %dma_wait3A_1104 = tpu.memref_squeeze %dma_wait3A_1103 : memref<1x1280xf32, #tpu.memory_space<vmem_shared>> -> memref<1280xf32, #tpu.memory_space<vmem_shared>>
    tpu.wait_dma2 semaphore(%arg19 : memref<!tpu.dma_semaphore, #tpu.memory_space<semaphore_mem>>) src(%dma_wait3A_1104 : memref<1280xf32, #tpu.memory_space<vmem_shared>>) dst(%dma_wait3A_1102 : memref<1280xf32, #tpu.memory_space<vmem>>)
    %dma_wait3A_1105 = arith.constant 6 : i32
    %dma_wait3A_1106 = arith.constant 6 : i32
    %dma_wait3A_1107 = arith.constant 0 : i32
    %dma_wait3A_1108 = tpu.memref_slice %arg15[%dma_wait3A_1106, %dma_wait3A_1107] : memref<16x1280xf32, #tpu.memory_space<vmem>> -> memref<1x1280xf32, #tpu.memory_space<vmem>>
    %dma_wait3A_1109 = tpu.memref_squeeze %dma_wait3A_1108 : memref<1x1280xf32, #tpu.memory_space<vmem>> -> memref<1280xf32, #tpu.memory_space<vmem>>
    %dma_wait3A_1110 = tpu.memref_slice %arg16[%dma_wait3A_1105, %mul3A_0] : memref<16x20480xf32, #tpu.memory_space<vmem_shared>> -> memref<1x1280xf32, #tpu.memory_space<vmem_shared>>
    %dma_wait3A_1111 = tpu.memref_squeeze %dma_wait3A_1110 : memref<1x1280xf32, #tpu.memory_space<vmem_shared>> -> memref<1280xf32, #tpu.memory_space<vmem_shared>>
    %dma_wait3A_1112 = arith.constant 0 : i32
    %dma_wait3A_1113 = tpu.memref_slice %arg15[%dma_wait3A_1106, %dma_wait3A_1112] : memref<16x1280xf32, #tpu.memory_space<vmem>> -> memref<1x1280xf32, #tpu.memory_space<vmem>>
    %dma_wait3A_1114 = tpu.memref_squeeze %dma_wait3A_1113 : memref<1x1280xf32, #tpu.memory_space<vmem>> -> memref<1280xf32, #tpu.memory_space<vmem>>
    %dma_wait3A_1115 = tpu.memref_slice %arg16[%dma_wait3A_1105, %mul3A_0] : memref<16x20480xf32, #tpu.memory_space<vmem_shared>> -> memref<1x1280xf32, #tpu.memory_space<vmem_shared>>
    %dma_wait3A_1116 = tpu.memref_squeeze %dma_wait3A_1115 : memref<1x1280xf32, #tpu.memory_space<vmem_shared>> -> memref<1280xf32, #tpu.memory_space<vmem_shared>>
    tpu.wait_dma2 semaphore(%arg19 : memref<!tpu.dma_semaphore, #tpu.memory_space<semaphore_mem>>) src(%dma_wait3A_1116 : memref<1280xf32, #tpu.memory_space<vmem_shared>>) dst(%dma_wait3A_1114 : memref<1280xf32, #tpu.memory_space<vmem>>)
    %dma_wait3A_1117 = arith.constant 7 : i32
    %dma_wait3A_1118 = arith.constant 7 : i32
    %dma_wait3A_1119 = arith.constant 0 : i32
    %dma_wait3A_1120 = tpu.memref_slice %arg15[%dma_wait3A_1118, %dma_wait3A_1119] : memref<16x1280xf32, #tpu.memory_space<vmem>> -> memref<1x1280xf32, #tpu.memory_space<vmem>>
    %dma_wait3A_1121 = tpu.memref_squeeze %dma_wait3A_1120 : memref<1x1280xf32, #tpu.memory_space<vmem>> -> memref<1280xf32, #tpu.memory_space<vmem>>
    %dma_wait3A_1122 = tpu.memref_slice %arg16[%dma_wait3A_1117, %mul3A_0] : memref<16x20480xf32, #tpu.memory_space<vmem_shared>> -> memref<1x1280xf32, #tpu.memory_space<vmem_shared>>
    %dma_wait3A_1123 = tpu.memref_squeeze %dma_wait3A_1122 : memref<1x1280xf32, #tpu.memory_space<vmem_shared>> -> memref<1280xf32, #tpu.memory_space<vmem_shared>>
    %dma_wait3A_1124 = arith.constant 0 : i32
    %dma_wait3A_1125 = tpu.memref_slice %arg15[%dma_wait3A_1118, %dma_wait3A_1124] : memref<16x1280xf32, #tpu.memory_space<vmem>> -> memref<1x1280xf32, #tpu.memory_space<vmem>>
    %dma_wait3A_1126 = tpu.memref_squeeze %dma_wait3A_1125 : memref<1x1280xf32, #tpu.memory_space<vmem>> -> memref<1280xf32, #tpu.memory_space<vmem>>
    %dma_wait3A_1127 = tpu.memref_slice %arg16[%dma_wait3A_1117, %mul3A_0] : memref<16x20480xf32, #tpu.memory_space<vmem_shared>> -> memref<1x1280xf32, #tpu.memory_space<vmem_shared>>
    %dma_wait3A_1128 = tpu.memref_squeeze %dma_wait3A_1127 : memref<1x1280xf32, #tpu.memory_space<vmem_shared>> -> memref<1280xf32, #tpu.memory_space<vmem_shared>>
    tpu.wait_dma2 semaphore(%arg19 : memref<!tpu.dma_semaphore, #tpu.memory_space<semaphore_mem>>) src(%dma_wait3A_1128 : memref<1280xf32, #tpu.memory_space<vmem_shared>>) dst(%dma_wait3A_1126 : memref<1280xf32, #tpu.memory_space<vmem>>)
    %dma_wait3A_1129 = arith.constant 8 : i32
    %dma_wait3A_1130 = arith.constant 8 : i32
    %dma_wait3A_1131 = arith.constant 0 : i32
    %dma_wait3A_1132 = tpu.memref_slice %arg15[%dma_wait3A_1130, %dma_wait3A_1131] : memref<16x1280xf32, #tpu.memory_space<vmem>> -> memref<1x1280xf32, #tpu.memory_space<vmem>>
    %dma_wait3A_1133 = tpu.memref_squeeze %dma_wait3A_1132 : memref<1x1280xf32, #tpu.memory_space<vmem>> -> memref<1280xf32, #tpu.memory_space<vmem>>
    %dma_wait3A_1134 = tpu.memref_slice %arg16[%dma_wait3A_1129, %mul3A_0] : memref<16x20480xf32, #tpu.memory_space<vmem_shared>> -> memref<1x1280xf32, #tpu.memory_space<vmem_shared>>
    %dma_wait3A_1135 = tpu.memref_squeeze %dma_wait3A_1134 : memref<1x1280xf32, #tpu.memory_space<vmem_shared>> -> memref<1280xf32, #tpu.memory_space<vmem_shared>>
    %dma_wait3A_1136 = arith.constant 0 : i32
    %dma_wait3A_1137 = tpu.memref_slice %arg15[%dma_wait3A_1130, %dma_wait3A_1136] : memref<16x1280xf32, #tpu.memory_space<vmem>> -> memref<1x1280xf32, #tpu.memory_space<vmem>>
    %dma_wait3A_1138 = tpu.memref_squeeze %dma_wait3A_1137 : memref<1x1280xf32, #tpu.memory_space<vmem>> -> memref<1280xf32, #tpu.memory_space<vmem>>
    %dma_wait3A_1139 = tpu.memref_slice %arg16[%dma_wait3A_1129, %mul3A_0] : memref<16x20480xf32, #tpu.memory_space<vmem_shared>> -> memref<1x1280xf32, #tpu.memory_space<vmem_shared>>
    %dma_wait3A_1140 = tpu.memref_squeeze %dma_wait3A_1139 : memref<1x1280xf32, #tpu.memory_space<vmem_shared>> -> memref<1280xf32, #tpu.memory_space<vmem_shared>>
    tpu.wait_dma2 semaphore(%arg19 : memref<!tpu.dma_semaphore, #tpu.memory_space<semaphore_mem>>) src(%dma_wait3A_1140 : memref<1280xf32, #tpu.memory_space<vmem_shared>>) dst(%dma_wait3A_1138 : memref<1280xf32, #tpu.memory_space<vmem>>)
    %dma_wait3A_1141 = arith.constant 9 : i32
    %dma_wait3A_1142 = arith.constant 9 : i32
    %dma_wait3A_1143 = arith.constant 0 : i32
    %dma_wait3A_1144 = tpu.memref_slice %arg15[%dma_wait3A_1142, %dma_wait3A_1143] : memref<16x1280xf32, #tpu.memory_space<vmem>> -> memref<1x1280xf32, #tpu.memory_space<vmem>>
    %dma_wait3A_1145 = tpu.memref_squeeze %dma_wait3A_1144 : memref<1x1280xf32, #tpu.memory_space<vmem>> -> memref<1280xf32, #tpu.memory_space<vmem>>
    %dma_wait3A_1146 = tpu.memref_slice %arg16[%dma_wait3A_1141, %mul3A_0] : memref<16x20480xf32, #tpu.memory_space<vmem_shared>> -> memref<1x1280xf32, #tpu.memory_space<vmem_shared>>
    %dma_wait3A_1147 = tpu.memref_squeeze %dma_wait3A_1146 : memref<1x1280xf32, #tpu.memory_space<vmem_shared>> -> memref<1280xf32, #tpu.memory_space<vmem_shared>>
    %dma_wait3A_1148 = arith.constant 0 : i32
    %dma_wait3A_1149 = tpu.memref_slice %arg15[%dma_wait3A_1142, %dma_wait3A_1148] : memref<16x1280xf32, #tpu.memory_space<vmem>> -> memref<1x1280xf32, #tpu.memory_space<vmem>>
    %dma_wait3A_1150 = tpu.memref_squeeze %dma_wait3A_1149 : memref<1x1280xf32, #tpu.memory_space<vmem>> -> memref<1280xf32, #tpu.memory_space<vmem>>
    %dma_wait3A_1151 = tpu.memref_slice %arg16[%dma_wait3A_1141, %mul3A_0] : memref<16x20480xf32, #tpu.memory_space<vmem_shared>> -> memref<1x1280xf32, #tpu.memory_space<vmem_shared>>
    %dma_wait3A_1152 = tpu.memref_squeeze %dma_wait3A_1151 : memref<1x1280xf32, #tpu.memory_space<vmem_shared>> -> memref<1280xf32, #tpu.memory_space<vmem_shared>>
    tpu.wait_dma2 semaphore(%arg19 : memref<!tpu.dma_semaphore, #tpu.memory_space<semaphore_mem>>) src(%dma_wait3A_1152 : memref<1280xf32, #tpu.memory_space<vmem_shared>>) dst(%dma_wait3A_1150 : memref<1280xf32, #tpu.memory_space<vmem>>)
    %dma_wait3A_1153 = arith.constant 10 : i32
    %dma_wait3A_1154 = arith.constant 10 : i32
    %dma_wait3A_1155 = arith.constant 0 : i32
    %dma_wait3A_1156 = tpu.memref_slice %arg15[%dma_wait3A_1154, %dma_wait3A_1155] : memref<16x1280xf32, #tpu.memory_space<vmem>> -> memref<1x1280xf32, #tpu.memory_space<vmem>>
    %dma_wait3A_1157 = tpu.memref_squeeze %dma_wait3A_1156 : memref<1x1280xf32, #tpu.memory_space<vmem>> -> memref<1280xf32, #tpu.memory_space<vmem>>
    %dma_wait3A_1158 = tpu.memref_slice %arg16[%dma_wait3A_1153, %mul3A_0] : memref<16x20480xf32, #tpu.memory_space<vmem_shared>> -> memref<1x1280xf32, #tpu.memory_space<vmem_shared>>
    %dma_wait3A_1159 = tpu.memref_squeeze %dma_wait3A_1158 : memref<1x1280xf32, #tpu.memory_space<vmem_shared>> -> memref<1280xf32, #tpu.memory_space<vmem_shared>>
    %dma_wait3A_1160 = arith.constant 0 : i32
    %dma_wait3A_1161 = tpu.memref_slice %arg15[%dma_wait3A_1154, %dma_wait3A_1160] : memref<16x1280xf32, #tpu.memory_space<vmem>> -> memref<1x1280xf32, #tpu.memory_space<vmem>>
    %dma_wait3A_1162 = tpu.memref_squeeze %dma_wait3A_1161 : memref<1x1280xf32, #tpu.memory_space<vmem>> -> memref<1280xf32, #tpu.memory_space<vmem>>
    %dma_wait3A_1163 = tpu.memref_slice %arg16[%dma_wait3A_1153, %mul3A_0] : memref<16x20480xf32, #tpu.memory_space<vmem_shared>> -> memref<1x1280xf32, #tpu.memory_space<vmem_shared>>
    %dma_wait3A_1164 = tpu.memref_squeeze %dma_wait3A_1163 : memref<1x1280xf32, #tpu.memory_space<vmem_shared>> -> memref<1280xf32, #tpu.memory_space<vmem_shared>>
    tpu.wait_dma2 semaphore(%arg19 : memref<!tpu.dma_semaphore, #tpu.memory_space<semaphore_mem>>) src(%dma_wait3A_1164 : memref<1280xf32, #tpu.memory_space<vmem_shared>>) dst(%dma_wait3A_1162 : memref<1280xf32, #tpu.memory_space<vmem>>)
    %dma_wait3A_1165 = arith.constant 11 : i32
    %dma_wait3A_1166 = arith.constant 11 : i32
    %dma_wait3A_1167 = arith.constant 0 : i32
    %dma_wait3A_1168 = tpu.memref_slice %arg15[%dma_wait3A_1166, %dma_wait3A_1167] : memref<16x1280xf32, #tpu.memory_space<vmem>> -> memref<1x1280xf32, #tpu.memory_space<vmem>>
    %dma_wait3A_1169 = tpu.memref_squeeze %dma_wait3A_1168 : memref<1x1280xf32, #tpu.memory_space<vmem>> -> memref<1280xf32, #tpu.memory_space<vmem>>
    %dma_wait3A_1170 = tpu.memref_slice %arg16[%dma_wait3A_1165, %mul3A_0] : memref<16x20480xf32, #tpu.memory_space<vmem_shared>> -> memref<1x1280xf32, #tpu.memory_space<vmem_shared>>
    %dma_wait3A_1171 = tpu.memref_squeeze %dma_wait3A_1170 : memref<1x1280xf32, #tpu.memory_space<vmem_shared>> -> memref<1280xf32, #tpu.memory_space<vmem_shared>>
    %dma_wait3A_1172 = arith.constant 0 : i32
    %dma_wait3A_1173 = tpu.memref_slice %arg15[%dma_wait3A_1166, %dma_wait3A_1172] : memref<16x1280xf32, #tpu.memory_space<vmem>> -> memref<1x1280xf32, #tpu.memory_space<vmem>>
    %dma_wait3A_1174 = tpu.memref_squeeze %dma_wait3A_1173 : memref<1x1280xf32, #tpu.memory_space<vmem>> -> memref<1280xf32, #tpu.memory_space<vmem>>
    %dma_wait3A_1175 = tpu.memref_slice %arg16[%dma_wait3A_1165, %mul3A_0] : memref<16x20480xf32, #tpu.memory_space<vmem_shared>> -> memref<1x1280xf32, #tpu.memory_space<vmem_shared>>
    %dma_wait3A_1176 = tpu.memref_squeeze %dma_wait3A_1175 : memref<1x1280xf32, #tpu.memory_space<vmem_shared>> -> memref<1280xf32, #tpu.memory_space<vmem_shared>>
    tpu.wait_dma2 semaphore(%arg19 : memref<!tpu.dma_semaphore, #tpu.memory_space<semaphore_mem>>) src(%dma_wait3A_1176 : memref<1280xf32, #tpu.memory_space<vmem_shared>>) dst(%dma_wait3A_1174 : memref<1280xf32, #tpu.memory_space<vmem>>)
    %dma_wait3A_1177 = arith.constant 12 : i32
    %dma_wait3A_1178 = arith.constant 12 : i32
    %dma_wait3A_1179 = arith.constant 0 : i32
    %dma_wait3A_1180 = tpu.memref_slice %arg15[%dma_wait3A_1178, %dma_wait3A_1179] : memref<16x1280xf32, #tpu.memory_space<vmem>> -> memref<1x1280xf32, #tpu.memory_space<vmem>>
    %dma_wait3A_1181 = tpu.memref_squeeze %dma_wait3A_1180 : memref<1x1280xf32, #tpu.memory_space<vmem>> -> memref<1280xf32, #tpu.memory_space<vmem>>
    %dma_wait3A_1182 = tpu.memref_slice %arg16[%dma_wait3A_1177, %mul3A_0] : memref<16x20480xf32, #tpu.memory_space<vmem_shared>> -> memref<1x1280xf32, #tpu.memory_space<vmem_shared>>
    %dma_wait3A_1183 = tpu.memref_squeeze %dma_wait3A_1182 : memref<1x1280xf32, #tpu.memory_space<vmem_shared>> -> memref<1280xf32, #tpu.memory_space<vmem_shared>>
    %dma_wait3A_1184 = arith.constant 0 : i32
    %dma_wait3A_1185 = tpu.memref_slice %arg15[%dma_wait3A_1178, %dma_wait3A_1184] : memref<16x1280xf32, #tpu.memory_space<vmem>> -> memref<1x1280xf32, #tpu.memory_space<vmem>>
    %dma_wait3A_1186 = tpu.memref_squeeze %dma_wait3A_1185 : memref<1x1280xf32, #tpu.memory_space<vmem>> -> memref<1280xf32, #tpu.memory_space<vmem>>
    %dma_wait3A_1187 = tpu.memref_slice %arg16[%dma_wait3A_1177, %mul3A_0] : memref<16x20480xf32, #tpu.memory_space<vmem_shared>> -> memref<1x1280xf32, #tpu.memory_space<vmem_shared>>
    %dma_wait3A_1188 = tpu.memref_squeeze %dma_wait3A_1187 : memref<1x1280xf32, #tpu.memory_space<vmem_shared>> -> memref<1280xf32, #tpu.memory_space<vmem_shared>>
    tpu.wait_dma2 semaphore(%arg19 : memref<!tpu.dma_semaphore, #tpu.memory_space<semaphore_mem>>) src(%dma_wait3A_1188 : memref<1280xf32, #tpu.memory_space<vmem_shared>>) dst(%dma_wait3A_1186 : memref<1280xf32, #tpu.memory_space<vmem>>)
    %dma_wait3A_1189 = arith.constant 13 : i32
    %dma_wait3A_1190 = arith.constant 13 : i32
    %dma_wait3A_1191 = arith.constant 0 : i32
    %dma_wait3A_1192 = tpu.memref_slice %arg15[%dma_wait3A_1190, %dma_wait3A_1191] : memref<16x1280xf32, #tpu.memory_space<vmem>> -> memref<1x1280xf32, #tpu.memory_space<vmem>>
    %dma_wait3A_1193 = tpu.memref_squeeze %dma_wait3A_1192 : memref<1x1280xf32, #tpu.memory_space<vmem>> -> memref<1280xf32, #tpu.memory_space<vmem>>
    %dma_wait3A_1194 = tpu.memref_slice %arg16[%dma_wait3A_1189, %mul3A_0] : memref<16x20480xf32, #tpu.memory_space<vmem_shared>> -> memref<1x1280xf32, #tpu.memory_space<vmem_shared>>
    %dma_wait3A_1195 = tpu.memref_squeeze %dma_wait3A_1194 : memref<1x1280xf32, #tpu.memory_space<vmem_shared>> -> memref<1280xf32, #tpu.memory_space<vmem_shared>>
    %dma_wait3A_1196 = arith.constant 0 : i32
    %dma_wait3A_1197 = tpu.memref_slice %arg15[%dma_wait3A_1190, %dma_wait3A_1196] : memref<16x1280xf32, #tpu.memory_space<vmem>> -> memref<1x1280xf32, #tpu.memory_space<vmem>>
    %dma_wait3A_1198 = tpu.memref_squeeze %dma_wait3A_1197 : memref<1x1280xf32, #tpu.memory_space<vmem>> -> memref<1280xf32, #tpu.memory_space<vmem>>
    %dma_wait3A_1199 = tpu.memref_slice %arg16[%dma_wait3A_1189, %mul3A_0] : memref<16x20480xf32, #tpu.memory_space<vmem_shared>> -> memref<1x1280xf32, #tpu.memory_space<vmem_shared>>
    %dma_wait3A_1200 = tpu.memref_squeeze %dma_wait3A_1199 : memref<1x1280xf32, #tpu.memory_space<vmem_shared>> -> memref<1280xf32, #tpu.memory_space<vmem_shared>>
    tpu.wait_dma2 semaphore(%arg19 : memref<!tpu.dma_semaphore, #tpu.memory_space<semaphore_mem>>) src(%dma_wait3A_1200 : memref<1280xf32, #tpu.memory_space<vmem_shared>>) dst(%dma_wait3A_1198 : memref<1280xf32, #tpu.memory_space<vmem>>)
    %dma_wait3A_1201 = arith.constant 14 : i32
    %dma_wait3A_1202 = arith.constant 14 : i32
    %dma_wait3A_1203 = arith.constant 0 : i32
    %dma_wait3A_1204 = tpu.memref_slice %arg15[%dma_wait3A_1202, %dma_wait3A_1203] : memref<16x1280xf32, #tpu.memory_space<vmem>> -> memref<1x1280xf32, #tpu.memory_space<vmem>>
    %dma_wait3A_1205 = tpu.memref_squeeze %dma_wait3A_1204 : memref<1x1280xf32, #tpu.memory_space<vmem>> -> memref<1280xf32, #tpu.memory_space<vmem>>
    %dma_wait3A_1206 = tpu.memref_slice %arg16[%dma_wait3A_1201, %mul3A_0] : memref<16x20480xf32, #tpu.memory_space<vmem_shared>> -> memref<1x1280xf32, #tpu.memory_space<vmem_shared>>
    %dma_wait3A_1207 = tpu.memref_squeeze %dma_wait3A_1206 : memref<1x1280xf32, #tpu.memory_space<vmem_shared>> -> memref<1280xf32, #tpu.memory_space<vmem_shared>>
    %dma_wait3A_1208 = arith.constant 0 : i32
    %dma_wait3A_1209 = tpu.memref_slice %arg15[%dma_wait3A_1202, %dma_wait3A_1208] : memref<16x1280xf32, #tpu.memory_space<vmem>> -> memref<1x1280xf32, #tpu.memory_space<vmem>>
    %dma_wait3A_1210 = tpu.memref_squeeze %dma_wait3A_1209 : memref<1x1280xf32, #tpu.memory_space<vmem>> -> memref<1280xf32, #tpu.memory_space<vmem>>
    %dma_wait3A_1211 = tpu.memref_slice %arg16[%dma_wait3A_1201, %mul3A_0] : memref<16x20480xf32, #tpu.memory_space<vmem_shared>> -> memref<1x1280xf32, #tpu.memory_space<vmem_shared>>
    %dma_wait3A_1212 = tpu.memref_squeeze %dma_wait3A_1211 : memref<1x1280xf32, #tpu.memory_space<vmem_shared>> -> memref<1280xf32, #tpu.memory_space<vmem_shared>>
    tpu.wait_dma2 semaphore(%arg19 : memref<!tpu.dma_semaphore, #tpu.memory_space<semaphore_mem>>) src(%dma_wait3A_1212 : memref<1280xf32, #tpu.memory_space<vmem_shared>>) dst(%dma_wait3A_1210 : memref<1280xf32, #tpu.memory_space<vmem>>)
    %dma_wait3A_1213 = arith.constant 15 : i32
    %dma_wait3A_1214 = arith.constant 15 : i32
    %dma_wait3A_1215 = arith.constant 0 : i32
    %dma_wait3A_1216 = tpu.memref_slice %arg15[%dma_wait3A_1214, %dma_wait3A_1215] : memref<16x1280xf32, #tpu.memory_space<vmem>> -> memref<1x1280xf32, #tpu.memory_space<vmem>>
    %dma_wait3A_1217 = tpu.memref_squeeze %dma_wait3A_1216 : memref<1x1280xf32, #tpu.memory_space<vmem>> -> memref<1280xf32, #tpu.memory_space<vmem>>
    %dma_wait3A_1218 = tpu.memref_slice %arg16[%dma_wait3A_1213, %mul3A_0] : memref<16x20480xf32, #tpu.memory_space<vmem_shared>> -> memref<1x1280xf32, #tpu.memory_space<vmem_shared>>
    %dma_wait3A_1219 = tpu.memref_squeeze %dma_wait3A_1218 : memref<1x1280xf32, #tpu.memory_space<vmem_shared>> -> memref<1280xf32, #tpu.memory_space<vmem_shared>>
    %dma_wait3A_1220 = arith.constant 0 : i32
    %dma_wait3A_1221 = tpu.memref_slice %arg15[%dma_wait3A_1214, %dma_wait3A_1220] : memref<16x1280xf32, #tpu.memory_space<vmem>> -> memref<1x1280xf32, #tpu.memory_space<vmem>>
    %dma_wait3A_1222 = tpu.memref_squeeze %dma_wait3A_1221 : memref<1x1280xf32, #tpu.memory_space<vmem>> -> memref<1280xf32, #tpu.memory_space<vmem>>
    %dma_wait3A_1223 = tpu.memref_slice %arg16[%dma_wait3A_1213, %mul3A_0] : memref<16x20480xf32, #tpu.memory_space<vmem_shared>> -> memref<1x1280xf32, #tpu.memory_space<vmem_shared>>
    %dma_wait3A_1224 = tpu.memref_squeeze %dma_wait3A_1223 : memref<1x1280xf32, #tpu.memory_space<vmem_shared>> -> memref<1280xf32, #tpu.memory_space<vmem_shared>>
    tpu.wait_dma2 semaphore(%arg19 : memref<!tpu.dma_semaphore, #tpu.memory_space<semaphore_mem>>) src(%dma_wait3A_1224 : memref<1280xf32, #tpu.memory_space<vmem_shared>>) dst(%dma_wait3A_1222 : memref<1280xf32, #tpu.memory_space<vmem>>)
    %barrier3A_1225 = arith.constant 0 : index
    tpu.barrier barrier_id(%barrier3A_1225)
    %scan3A_1226 = arith.constant 0 : i32
    %scan3A_1227 = arith.constant 0 : i32
    %scan3A_1228 = arith.constant 80 : i32
    %scan3A_1229 = arith.addi %scan3A_1227, %scan3A_1228 : i32
    %scan3A_1230 = arith.constant 1 : i32
    scf.for %scan3A_1238 = %scan3A_1227 to %scan3A_1229 step %scan3A_1230  : i32 {
      %mul3A_1239 = arith.constant 16 : i32
      %mul3A_1240 = arith.muli %scan3A_1238, %mul3A_1239 : i32
      %get3A = arith.index_cast %mul3A_1240 : i32 to index
      %get3A_1241 = tpu.vector_load %arg11[%get3A] {strides = array<i32>} : memref<1280xf32, #tpu.memory_space<vmem>>, vector<16xf32>,
      %get3A_1242 = arith.constant 0 : i32
      %get3A_1243 = arith.index_cast %get3A_1242 : i32 to index
      %get3A_1244 = arith.index_cast %mul3A_1240 : i32 to index
      %get3A_1245 = tpu.vector_load %arg15[%get3A_1243, %get3A_1244] {strides = array<i32>} : memref<16x1280xf32, #tpu.memory_space<vmem>>, vector<16xf32>,
      %add3A = arith.addf %get3A_1241, %get3A_1245 : vector<16xf32>
      %get3A_1246 = arith.constant 1 : i32
      %get3A_1247 = arith.index_cast %get3A_1246 : i32 to index
      %get3A_1248 = arith.index_cast %mul3A_1240 : i32 to index
      %get3A_1249 = tpu.vector_load %arg15[%get3A_1247, %get3A_1248] {strides = array<i32>} : memref<16x1280xf32, #tpu.memory_space<vmem>>, vector<16xf32>,
      %add3A_1250 = arith.addf %add3A, %get3A_1249 : vector<16xf32>
      %get3A_1251 = arith.constant 2 : i32
      %get3A_1252 = arith.index_cast %get3A_1251 : i32 to index
      %get3A_1253 = arith.index_cast %mul3A_1240 : i32 to index
      %get3A_1254 = tpu.vector_load %arg15[%get3A_1252, %get3A_1253] {strides = array<i32>} : memref<16x1280xf32, #tpu.memory_space<vmem>>, vector<16xf32>,
      %add3A_1255 = arith.addf %add3A_1250, %get3A_1254 : vector<16xf32>
      %get3A_1256 = arith.constant 3 : i32
      %get3A_1257 = arith.index_cast %get3A_1256 : i32 to index
      %get3A_1258 = arith.index_cast %mul3A_1240 : i32 to index
      %get3A_1259 = tpu.vector_load %arg15[%get3A_1257, %get3A_1258] {strides = array<i32>} : memref<16x1280xf32, #tpu.memory_space<vmem>>, vector<16xf32>,
      %add3A_1260 = arith.addf %add3A_1255, %get3A_1259 : vector<16xf32>
      %get3A_1261 = arith.constant 4 : i32
      %get3A_1262 = arith.index_cast %get3A_1261 : i32 to index
      %get3A_1263 = arith.index_cast %mul3A_1240 : i32 to index
      %get3A_1264 = tpu.vector_load %arg15[%get3A_1262, %get3A_1263] {strides = array<i32>} : memref<16x1280xf32, #tpu.memory_space<vmem>>, vector<16xf32>,
      %add3A_1265 = arith.addf %add3A_1260, %get3A_1264 : vector<16xf32>
      %get3A_1266 = arith.constant 5 : i32
      %get3A_1267 = arith.index_cast %get3A_1266 : i32 to index
      %get3A_1268 = arith.index_cast %mul3A_1240 : i32 to index
      %get3A_1269 = tpu.vector_load %arg15[%get3A_1267, %get3A_1268] {strides = array<i32>} : memref<16x1280xf32, #tpu.memory_space<vmem>>, vector<16xf32>,
      %add3A_1270 = arith.addf %add3A_1265, %get3A_1269 : vector<16xf32>
      %get3A_1271 = arith.constant 6 : i32
      %get3A_1272 = arith.index_cast %get3A_1271 : i32 to index
      %get3A_1273 = arith.index_cast %mul3A_1240 : i32 to index
      %get3A_1274 = tpu.vector_load %arg15[%get3A_1272, %get3A_1273] {strides = array<i32>} : memref<16x1280xf32, #tpu.memory_space<vmem>>, vector<16xf32>,
      %add3A_1275 = arith.addf %add3A_1270, %get3A_1274 : vector<16xf32>
      %get3A_1276 = arith.constant 7 : i32
      %get3A_1277 = arith.index_cast %get3A_1276 : i32 to index
      %get3A_1278 = arith.index_cast %mul3A_1240 : i32 to index
      %get3A_1279 = tpu.vector_load %arg15[%get3A_1277, %get3A_1278] {strides = array<i32>} : memref<16x1280xf32, #tpu.memory_space<vmem>>, vector<16xf32>,
      %add3A_1280 = arith.addf %add3A_1275, %get3A_1279 : vector<16xf32>
      %get3A_1281 = arith.constant 8 : i32
      %get3A_1282 = arith.index_cast %get3A_1281 : i32 to index
      %get3A_1283 = arith.index_cast %mul3A_1240 : i32 to index
      %get3A_1284 = tpu.vector_load %arg15[%get3A_1282, %get3A_1283] {strides = array<i32>} : memref<16x1280xf32, #tpu.memory_space<vmem>>, vector<16xf32>,
      %add3A_1285 = arith.addf %add3A_1280, %get3A_1284 : vector<16xf32>
      %get3A_1286 = arith.constant 9 : i32
      %get3A_1287 = arith.index_cast %get3A_1286 : i32 to index
      %get3A_1288 = arith.index_cast %mul3A_1240 : i32 to index
      %get3A_1289 = tpu.vector_load %arg15[%get3A_1287, %get3A_1288] {strides = array<i32>} : memref<16x1280xf32, #tpu.memory_space<vmem>>, vector<16xf32>,
      %add3A_1290 = arith.addf %add3A_1285, %get3A_1289 : vector<16xf32>
      %get3A_1291 = arith.constant 10 : i32
      %get3A_1292 = arith.index_cast %get3A_1291 : i32 to index
      %get3A_1293 = arith.index_cast %mul3A_1240 : i32 to index
      %get3A_1294 = tpu.vector_load %arg15[%get3A_1292, %get3A_1293] {strides = array<i32>} : memref<16x1280xf32, #tpu.memory_space<vmem>>, vector<16xf32>,
      %add3A_1295 = arith.addf %add3A_1290, %get3A_1294 : vector<16xf32>
      %get3A_1296 = arith.constant 11 : i32
      %get3A_1297 = arith.index_cast %get3A_1296 : i32 to index
      %get3A_1298 = arith.index_cast %mul3A_1240 : i32 to index
      %get3A_1299 = tpu.vector_load %arg15[%get3A_1297, %get3A_1298] {strides = array<i32>} : memref<16x1280xf32, #tpu.memory_space<vmem>>, vector<16xf32>,
      %add3A_1300 = arith.addf %add3A_1295, %get3A_1299 : vector<16xf32>
      %get3A_1301 = arith.constant 12 : i32
      %get3A_1302 = arith.index_cast %get3A_1301 : i32 to index
      %get3A_1303 = arith.index_cast %mul3A_1240 : i32 to index
      %get3A_1304 = tpu.vector_load %arg15[%get3A_1302, %get3A_1303] {strides = array<i32>} : memref<16x1280xf32, #tpu.memory_space<vmem>>, vector<16xf32>,
      %add3A_1305 = arith.addf %add3A_1300, %get3A_1304 : vector<16xf32>
      %get3A_1306 = arith.constant 13 : i32
      %get3A_1307 = arith.index_cast %get3A_1306 : i32 to index
      %get3A_1308 = arith.index_cast %mul3A_1240 : i32 to index
      %get3A_1309 = tpu.vector_load %arg15[%get3A_1307, %get3A_1308] {strides = array<i32>} : memref<16x1280xf32, #tpu.memory_space<vmem>>, vector<16xf32>,
      %add3A_1310 = arith.addf %add3A_1305, %get3A_1309 : vector<16xf32>
      %get3A_1311 = arith.constant 14 : i32
      %get3A_1312 = arith.index_cast %get3A_1311 : i32 to index
      %get3A_1313 = arith.index_cast %mul3A_1240 : i32 to index
      %get3A_1314 = tpu.vector_load %arg15[%get3A_1312, %get3A_1313] {strides = array<i32>} : memref<16x1280xf32, #tpu.memory_space<vmem>>, vector<16xf32>,
      %add3A_1315 = arith.addf %add3A_1310, %get3A_1314 : vector<16xf32>
      %get3A_1316 = arith.constant 15 : i32
      %get3A_1317 = arith.index_cast %get3A_1316 : i32 to index
      %get3A_1318 = arith.index_cast %mul3A_1240 : i32 to index
      %get3A_1319 = tpu.vector_load %arg15[%get3A_1317, %get3A_1318] {strides = array<i32>} : memref<16x1280xf32, #tpu.memory_space<vmem>>, vector<16xf32>,
      %add3A_1320 = arith.addf %add3A_1315, %get3A_1319 : vector<16xf32>
      %swap3A = arith.index_cast %mul3A_1240 : i32 to index
      %swap3A_1321 = tpu.vector_load %arg14[%swap3A] {strides = array<i32>} : memref<1280xf32, #tpu.memory_space<vmem>>, vector<16xf32>,
      tpu.vector_store %arg14[%swap3A], %add3A_1320 {strides = array<i32>} : memref<1280xf32, #tpu.memory_space<vmem>>, vector<16xf32>,
    }
    %scan3A_1231 = arith.constant 80 : i32
    %scan3A_1232 = arith.constant 0 : i32
    %scan3A_1233 = arith.constant 0 : i32
    %scan3A_1234 = arith.constant 80 : i32
    %scan3A_1235 = arith.addi %scan3A_1233, %scan3A_1234 : i32
    %scan3A_1236 = arith.constant 1 : i32
    scf.for %scan3A_1238 = %scan3A_1233 to %scan3A_1235 step %scan3A_1236  : i32 {
      %mul3A_1239 = arith.constant 16 : i32
      %mul3A_1240 = arith.muli %scan3A_1238, %mul3A_1239 : i32
      %get3A = arith.index_cast %mul3A_1240 : i32 to index
      %get3A_1241 = tpu.vector_load %arg14[%get3A] {strides = array<i32>} : memref<1280xf32, #tpu.memory_space<vmem>>, vector<16xf32>,
      %get3A_1242 = arith.index_cast %mul3A_1240 : i32 to index
      %get3A_1243 = tpu.vector_load %arg12[%get3A_1242] {strides = array<i32>} : memref<1280xf32, #tpu.memory_space<vmem>>, vector<16xf32>,
      %mul3A_1244 = arith.mulf %get3A_1241, %get3A_1243 : vector<16xf32>
      %swap3A = arith.index_cast %mul3A_1240 : i32 to index
      %swap3A_1245 = tpu.vector_load %arg14[%swap3A] {strides = array<i32>} : memref<1280xf32, #tpu.memory_space<vmem>>, vector<16xf32>,
      tpu.vector_store %arg14[%swap3A], %mul3A_1244 {strides = array<i32>} : memref<1280xf32, #tpu.memory_space<vmem>>, vector<16xf32>,
    }
    %scan3A_1237 = arith.constant 80 : i32
    "tpu.region"() ({
      %run_scoped3A = tpu.sem_alloc : memref<!tpu.dma_semaphore, #tpu.memory_space<semaphore_mem>>
      %dma_start3A_1238 = tpu.memref_slice %arg5[%arg0, %mul3A_0] : memref<2x20480xf32, #tpu.memory_space<hbm>> -> memref<1x1280xf32, #tpu.memory_space<hbm>>
      %dma_start3A_1239 = tpu.memref_squeeze %dma_start3A_1238 : memref<1x1280xf32, #tpu.memory_space<hbm>> -> memref<1280xf32, #tpu.memory_space<hbm>>
      %dma_start3A_1240 = tpu.memref_slice %arg5[%arg0, %mul3A_0] : memref<2x20480xf32, #tpu.memory_space<hbm>> -> memref<1x1280xf32, #tpu.memory_space<hbm>>
      %dma_start3A_1241 = tpu.memref_squeeze %dma_start3A_1240 : memref<1x1280xf32, #tpu.memory_space<hbm>> -> memref<1280xf32, #tpu.memory_space<hbm>>
      tpu.enqueue_dma source(%arg14 : memref<1280xf32, #tpu.memory_space<vmem>>) target(%dma_start3A_1241 : memref<1280xf32, #tpu.memory_space<hbm>>) target_semaphore(%run_scoped3A : memref<!tpu.dma_semaphore, #tpu.memory_space<semaphore_mem>>)
      %dma_wait3A_1242 = tpu.memref_slice %arg5[%arg0, %mul3A_0] : memref<2x20480xf32, #tpu.memory_space<hbm>> -> memref<1x1280xf32, #tpu.memory_space<hbm>>
      %dma_wait3A_1243 = tpu.memref_squeeze %dma_wait3A_1242 : memref<1x1280xf32, #tpu.memory_space<hbm>> -> memref<1280xf32, #tpu.memory_space<hbm>>
      %dma_wait3A_1244 = tpu.memref_slice %arg5[%arg0, %mul3A_0] : memref<2x20480xf32, #tpu.memory_space<hbm>> -> memref<1x1280xf32, #tpu.memory_space<hbm>>
      %dma_wait3A_1245 = tpu.memref_squeeze %dma_wait3A_1244 : memref<1x1280xf32, #tpu.memory_space<hbm>> -> memref<1280xf32, #tpu.memory_space<hbm>>
      tpu.wait_dma2 semaphore(%run_scoped3A : memref<!tpu.dma_semaphore, #tpu.memory_space<semaphore_mem>>) src(%arg14 : memref<1280xf32, #tpu.memory_space<vmem>>) dst(%dma_wait3A_1245 : memref<1280xf32, #tpu.memory_space<hbm>>)
      tpu.yield
    }) : () -> ()
    return
  }
}

module attributes {stable_mosaic.version = 14 : i64} {
  func.func @_tc_z(%arg0: memref<10000x128xf32, #tpu.memory_space<vmem>>, %arg1: memref<128x4xf32, #tpu.memory_space<vmem>>, %arg2: memref<10240x4xf32, #tpu.memory_space<vmem>>) attributes {dimension_semantics = [], scalar_prefetch = 0 : i64, scratch_operands = 0 : i64, tpu.core_type = #tpu.core_type<tc>} {
    %get3A = arith.constant 0 : index
    %get3A_0 = arith.constant 0 : index
    %get3A_1 = vector.load %arg0[%get3A, %get3A_0] : memref<10000x128xf32, #tpu.memory_space<vmem>>, vector<10000x128xf32>
    %get3A_2 = arith.constant 0 : index
    %get3A_3 = arith.constant 0 : index
    %get3A_4 = vector.load %arg1[%get3A_2, %get3A_3] : memref<128x4xf32, #tpu.memory_space<vmem>>, vector<128x4xf32>
    %dot_general3A = arith.constant dense<0.000000e+00> : vector<10000x4xf32>
    %dot_general3A_5 = tpu.matmul %get3A_1, %get3A_4, %dot_general3A {dimension_numbers = #tpu.dot_dimension_numbers<[1], [0], [0], [1], [0, 0, 1, 1], [], []>, transpose_lhs_hint = false} : vector<10000x128xf32>, vector<128x4xf32>, vector<10000x4xf32> -> vector<10000x4xf32>
    %swap3A = arith.constant 0 : index
    %swap3A_6 = arith.constant 0 : index
    %swap3A_7 = vector.load %arg2[%swap3A, %swap3A_6] : memref<10240x4xf32, #tpu.memory_space<vmem>>, vector<10000x4xf32>
    tpu.vector_store %arg2[%swap3A, %swap3A_6], %dot_general3A_5 {strides = array<i32>} : memref<10240x4xf32, #tpu.memory_space<vmem>>, vector<10000x4xf32>,
    %broadcast_in_dim3A = arith.constant 0.000000e+00 : f32
    %broadcast_in_dim3A_8 = vector.broadcast %broadcast_in_dim3A : f32 to vector<240x4xf32>
    %swap3A_9 = arith.constant 10000 : index
    %swap3A_10 = arith.constant 0 : index
    %swap3A_11 = vector.load %arg2[%swap3A_9, %swap3A_10] : memref<10240x4xf32, #tpu.memory_space<vmem>>, vector<240x4xf32>
    tpu.vector_store %arg2[%swap3A_9, %swap3A_10], %broadcast_in_dim3A_8 {strides = array<i32>} : memref<10240x4xf32, #tpu.memory_space<vmem>>, vector<240x4xf32>,
    return
  }
}

module attributes {stable_mosaic.version = 14 : i64} {
  func.func @_tc_final(%arg0: memref<10240x4xf32, #tpu.memory_space<vmem>>, %arg1: memref<4xf32, #tpu.memory_space<vmem>>, %arg2: memref<10240x4xf32, #tpu.memory_space<vmem>>) attributes {dimension_semantics = [], scalar_prefetch = 0 : i64, scratch_operands = 0 : i64, tpu.core_type = #tpu.core_type<tc>} {
    %get3A = arith.constant 0 : index
    %get3A_0 = arith.constant 0 : index
    %get3A_1 = vector.load %arg0[%get3A, %get3A_0] : memref<10240x4xf32, #tpu.memory_space<vmem>>, vector<10240x4xf32>
    %get3A_2 = arith.constant 0 : index
    %get3A_3 = vector.load %arg1[%get3A_2] : memref<4xf32, #tpu.memory_space<vmem>>, vector<4xf32>
    %broadcast_in_dim3A = vector.shape_cast %get3A_3 : vector<4xf32> to vector<1x4xf32>
    %add3A = vector.broadcast %broadcast_in_dim3A : vector<1x4xf32> to vector<10240x4xf32>
    %add3A_4 = arith.addf %get3A_1, %add3A : vector<10240x4xf32>
    %reduce_max3A = arith.constant dense<0xFF800000> : vector<10240xf32>
    %reduce_max3A_5 = vector.multi_reduction <maximumf>, %add3A_4, %reduce_max3A [1] : vector<10240x4xf32> to vector<10240xf32>
    %broadcast_in_dim3A_6 = vector.shape_cast %reduce_max3A_5 : vector<10240xf32> to vector<10240x1xf32>
    %sub3A = vector.broadcast %broadcast_in_dim3A_6 : vector<10240x1xf32> to vector<10240x4xf32>
    %sub3A_7 = arith.subf %add3A_4, %sub3A : vector<10240x4xf32>
    %exp3A = math.exp %sub3A_7 : vector<10240x4xf32>
    %reduce_sum3A = arith.constant dense<0.000000e+00> : vector<10240xf32>
    %reduce_sum3A_8 = vector.multi_reduction <add>, %exp3A, %reduce_sum3A [1] : vector<10240x4xf32> to vector<10240xf32>
    %broadcast_in_dim3A_9 = vector.shape_cast %reduce_sum3A_8 : vector<10240xf32> to vector<10240x1xf32>
    %log3A = math.log %broadcast_in_dim3A_9 : vector<10240x1xf32>
    %sub3A_10 = vector.broadcast %broadcast_in_dim3A_6 : vector<10240x1xf32> to vector<10240x4xf32>
    %sub3A_11 = arith.subf %add3A_4, %sub3A_10 : vector<10240x4xf32>
    %sub3A_12 = vector.broadcast %log3A : vector<10240x1xf32> to vector<10240x4xf32>
    %sub3A_13 = arith.subf %sub3A_11, %sub3A_12 : vector<10240x4xf32>
    %swap3A = arith.constant 0 : index
    %swap3A_14 = arith.constant 0 : index
    %swap3A_15 = vector.load %arg2[%swap3A, %swap3A_14] : memref<10240x4xf32, #tpu.memory_space<vmem>>, vector<10240x4xf32>
    tpu.vector_store %arg2[%swap3A, %swap3A_14], %sub3A_13 {strides = array<i32>} : memref<10240x4xf32, #tpu.memory_space<vmem>>, vector<10240x4xf32>,
    return
  }
}

</mosaic_0001>

<sc_bundles>
// kernel: kernel.5.cloned.1.call-start
scs
__scs_entry_jumppad:
0x0: {  	(pc) =	sbr.rel $0x88, $3  }
0x1: {  	(tag) =	ssettag $0x0;
	lr =	simm.s32 $0x1  }
0x2: {  	[smem:$0x3F9D] =	sst lr;
	_ =	strace $0xD0000000  }
0x3: {  	_ = 	snop  }
0x4: {  	_ = 	snop  }
0x5: {  	_ = 	snop  }
0x6: {  	_ = 	snop  }
0x7: {  	_ = 	snop  }
__scs_overlays_trampoline_lowered:
0x8: {  	[smem:$0x3FAC] =	sst s0  }
0x9: {  	[smem:$0x3FAD] =	sst s1  }
0xa: {  	[smem:$0x3FAE] =	sst s2  }
0xb: {  	[smem:$0x3FAF] =	sst s3  }
0xc: {  	[smem:$0x3FB0] =	sst s4  }
0xd: {  	[smem:$0x3FB1] =	sst s5  }
0xe: {  	[smem:$0x3FB2] =	sst s6  }
0xf: {  	[smem:$0x3FB3] =	sst s7  }
0x10: {  	[smem:$0x3FB4] =	sst s8  }
0x11: {  	[smem:$0x3FB5] =	sst s9;
	s0 =	simm.s32 @!p0 $0x0  }
0x12: {  	s1 =	sld [smem:$0x3F9B];
	s0 =	simm.s32 @p0 $0x1  }
0x13: {  	[smem:$0x3FB6] =	sst s0;
	s0 =	simm.s32 @!p1 $0x0  }
0x14: {  	s2 =	sld [smem:$0x3F9A];
	s0 =	simm.s32 @p1 $0x1  }
0x15: {  	[smem:$0x3FB7] =	sst s0;
	s0 =	simm.s32 @!p2 $0x0  }
0x16: {  	s3 =	sld [smem:$0x3FDB];
	s0 =	simm.s32 @p2 $0x1  }
0x17: {  	s4 =	simm.s32 $0x1BF5;
	[smem:$0x3FB9] =	sst s0  }
0x18: {  	s0 =	sld [smem:$0x3F9C];
	_ =	swait.ge [sflag:s4], $0x0  }
0x19: {  	s7 =	sld [smem:$0x3F9D]  }
0x1a: {  	s8 =	sadd.s32 $0xFFFFE003, lr  }
0x1b: {  	s9 =	sadd.s32 $0xFFFFFEF7, lr;
	s5 =	simm.s32 $0xFFFFFFFF;
	p2 =	slt.u32 s8, $0xFFFFF086  }
0x1c: {  	p1 =	slt.u32 s9, $0xF7A;
	s5 =	simm.s32 @!p2 $0x0  }
0x1d: {  	s5 =	simm.s32 @p1 $0x1;
	p0 =	seq.s32 s7, s2  }
0x1e: {  	s7 =	smul.u32 @!p0 $0xF7A, s2;
	p2 =	seq.s32 @!p0 s5, $0x0  }
0x1f: {  	s9 =	smul.u32 $0xF7A, s1;
	s8 =	simm.s32 @!p0 $0x1BF5;
	p2 =	por !p2, p0  }
0x20: {  	[sflag:s8] =	ssyncset.s32 @!p0 $0xFFFFF086;
	s6 =	sadd.s32 @!p0 s3, s7;
	s7 =	simm.s32 @!p0 $0x108  }
0x21: {  	s3 =	sadd.s32 s3, s9;
	s6 =	sadd.s32 @!p0 $0x88, s6;
	s7 =	simm.s32 @p2 $0x1082  }
0x22: {  	[simem:s7], [sflag:s8] =	dma.local @!p0 [hbm:s6], $0xF7A  }
0x23: {  	s9 =	sor.u32 $0xD0000000, s2;
	s6 =	simm.s32 $0x108;
	_ =	swait.ge @!p0 [sflag:s8], $0x0  }
0x24: {  	s3 =	sadd.s32 $0x88, s3;
	s6 =	simm.s32 @!p1 $0x1082;
	[sflag:s4] =	ssyncset.s32 $0xFFFFF086  }
0x25: {  	[simem:s6], [sflag:s4] =	dma.local [hbm:s3], $0xF7A  }
0x26: {  	[smem:$0x3F9D] =	sst s1;
	(tag) =	ssettag s2;
	_ =	strace s9  }
0x27: {  	s1 =	sld [smem:$0x3FAD]  }
0x28: {  	s2 =	sld [smem:$0x3FAE]  }
0x29: {  	s4 =	sld [smem:$0x3FB0]  }
0x2a: {  	p0 =	seq.s32 s5, $0x0;
	s5 =	sld [smem:$0x3FB1]  }
0x2b: {  	s6 =	sld [smem:$0x3FB2]  }
0x2c: {  	s7 =	sld [smem:$0x3FB3]  }
0x2d: {  	s3 =	simm.s32 $0x108;
	s8 =	sld [smem:$0x3FB4]  }
0x2e: {  	s3 =	simm.s32 @!p0 $0x1082;
	s9 =	sld [smem:$0x3FB5]  }
0x2f: {  	lr =	sadd.s32 s0, s3;
	s0 =	sld [smem:$0x3FAC]  }
0x30: {  	s3 =	sld [smem:$0x3FAF]  }
0x31: {  	[smem:$0x3FB8] =	sst s10  }
0x32: {  	s10 =	sld [smem:$0x3FB6];
	_ =	sdelay $0x3  }
0x33: {  	p0 =	seq.s32 s10, $0x1;
	s10 =	sld [smem:$0x3FB8];
	_ =	sdelay $0x3  }
0x34: {  	[smem:$0x3FB8] =	sst s10  }
0x35: {  	s10 =	sld [smem:$0x3FB7];
	_ =	sdelay $0x3  }
0x36: {  	p1 =	seq.s32 s10, $0x1;
	s10 =	sld [smem:$0x3FB8];
	_ =	sdelay $0x3  }
0x37: {  	[smem:$0x3FB8] =	sst s10  }
0x38: {  	s10 =	sld [smem:$0x3FB9]  }
0x39: {  	_ = 	snop;
	(pc) =	sbr.ind lr, $3  }
0x3a: {  	_ = 	snop  }
0x3b: {  	_ = 	snop  }
0x3c: {  	p2 =	seq.s32 s10, $0x1;
	s10 =	sld [smem:$0x3FB8]  }
0x3d: {  	_ =	shalt  }
0x3e: {  	_ =	shalt  }
0x3f: {  	_ =	shalt  }
0x40: {  	_ =	shalt  }
0x41: {  	_ =	shalt  }
0x42: {  	_ =	shalt  }
0x43: {  	_ =	shalt  }
0x44: {  	_ =	shalt  }
0x45: {  	_ =	shalt  }
0x46: {  	_ =	shalt  }
0x47: {  	_ =	shalt  }
0x48: {  	_ =	shalt  }
0x49: {  	_ =	shalt  }
0x4a: {  	_ =	shalt  }
0x4b: {  	_ =	shalt  }
0x4c: {  	_ =	shalt  }
0x4d: {  	_ =	shalt  }
0x4e: {  	_ =	shalt  }
0x4f: {  	_ =	shalt  }
0x50: {  	_ =	shalt  }
0x51: {  	_ =	shalt  }
0x52: {  	_ =	shalt  }
0x53: {  	_ =	shalt  }
0x54: {  	_ =	shalt  }
0x55: {  	_ =	shalt  }
0x56: {  	_ =	shalt  }
0x57: {  	_ =	shalt  }
0x58: {  	_ =	shalt  }
0x59: {  	_ =	shalt  }
0x5a: {  	_ =	shalt  }
0x5b: {  	_ =	shalt  }
0x5c: {  	_ =	shalt  }
0x5d: {  	_ =	shalt  }
0x5e: {  	_ =	shalt  }
0x5f: {  	_ =	shalt  }
0x60: {  	_ =	shalt  }
0x61: {  	_ =	shalt  }
0x62: {  	_ =	shalt  }
0x63: {  	_ =	shalt  }
0x64: {  	_ =	shalt  }
0x65: {  	_ =	shalt  }
0x66: {  	_ =	shalt  }
0x67: {  	_ =	shalt  }
0x68: {  	_ =	shalt  }
0x69: {  	_ =	shalt  }
0x6a: {  	_ =	shalt  }
0x6b: {  	_ =	shalt  }
0x6c: {  	_ =	shalt  }
0x6d: {  	_ =	shalt  }
0x6e: {  	_ =	shalt  }
0x6f: {  	_ =	shalt  }
0x70: {  	_ =	shalt  }
0x71: {  	_ =	shalt  }
0x72: {  	_ =	shalt  }
0x73: {  	_ =	shalt  }
0x74: {  	_ =	shalt  }
0x75: {  	_ =	shalt  }
0x76: {  	_ =	shalt  }
0x77: {  	_ =	shalt  }
0x78: {  	_ =	shalt  }
0x79: {  	_ =	shalt  }
0x7a: {  	_ =	shalt  }
0x7b: {  	_ =	shalt  }
0x7c: {  	_ =	shalt  }
0x7d: {  	_ =	shalt  }
0x7e: {  	_ =	shalt  }
0x7f: {  	_ =	shalt  }
0x80: {  	_ =	shalt  }
0x81: {  	_ =	shalt  }
0x82: {  	_ =	shalt  }
0x83: {  	_ =	shalt  }
0x84: {  	_ =	shalt  }
0x85: {  	_ =	shalt  }
0x86: {  	_ =	shalt  }
0x87: {  	_ =	shalt  }
.Lfunc_end0:
.L_simem_size_0:
called_computation_lowered:
.L_overlay_start_0:
0x88: {  	s2 =	sld [smem:$0x3FD9]  }
0x89: {  	s3 =	sld [smem:$0x3FFE];
	_ =	sdelay $0x1  }
0x8a: {  	s1 =	srdreg.scid  }
0x8b: {  	s0 =	sand.u32 $0x1, s1  }
0x8c: {  	s16 =	sshll.u32 s0, $0xA;
	s2 =	sadd.s32 s3, s2  }
0x8d: {  	s2 =	sadd.s32 s2, s16  }
0x8e: {  	[smem:$0x3FC4] =	sst s2  }
0x8f: {  	_ = 	snop  }
0x90: {  	(tm) =	ssettm $0x1  }
0x91: {  	s17 =	sld [smem:$0x3FFB];
	_ =	sdelay $0x3  }
0x92: {  	_ =	strace s17  }
0x93: {  	s2 =	sld [smem:$0x3FFC];
	_ =	sdelay $0x3  }
0x94: {  	_ =	strace s2  }
0x95: {  	s2 =	sld [smem:$0x3FFD];
	_ =	sdelay $0x3  }
0x96: {  	_ =	strace s2  }
0x97: {  	_ =	strace $0x8FFFFFFF  }
0x98: {  	s18 =	sld [smem:$0x3FDB];
	_ =	sdelay $0x1  }
0x99: {  	s19 =	simm.s32 $_scs_section_size  }
0x9a: {  	s4 =	simm.s32 $_size__tile_overlayer_lowered;
	s5 =	simm.s32 $_tile_overlayer_lowered  }
0x9b: {  	s22 =	simm.s32 $0x1BFF;
	s21 =	sshll.u32 s5, $0x1;
	s2 =	sadd.s32 s19, s18  }
0x9c: {  	s6 =	simm.s32 $0x0;
	s20 =	sshll.u32 s4, $0x1;
	s4 =	sadd.s32 s21, s2  }
0x9d: {  	[timem:s6], [sflag:s22] =	dma.local [hbm:s4], s20  }
0x9e: {  	_ =	swait.ge [sflag:s22], s20  }
0x9f: {  	s3 =	ssub.s32 $0x0, s20;
	[sflag:s22] =	ssyncset.done $0x0  }
0xa0: {  	[sflag:s22] =	ssyncadd.s32 s3;
	_ =	sdelay $0x1  }
0xa1: {  	s23 =	simm.s32 $0x1B8B  }
0xa2: {  	_ =	swait.ge [sflag:s23], $0x1  }
0xa3: {  	[sflag:s23] =	ssyncset.done $0x0  }
0xa4: {  	s25 =	simm.s32 $0x1B8E;
	s24 =	sld [smem:$0x3FFE];
	[sflag:s23] =	ssyncadd.s32 $0xFFFFFFFF  }
0xa5: {  	s26 =	simm.s32 $execute0_lowered;
	[smem:$0x3FD2] =	sst s25  }
0xa6: {  	s4 =	sshll.u32 s26, $0x1;
	_ =	strace $0x80000046;
	[dreg:$0x1] =	wrdreg $0xFFFFFFFF  }
0xa7: {  	s28 =	simm.s32 $_size_execute0_lowered;
	s2 =	sadd.s32 s2, s4;
	[dreg:$0x0] =	wrdreg $0x0  }
0xa8: {  	s4 =	sshll.u32 s28, $0x1;
	[dreg:$0x2] =	wrdreg s2  }
0xa9: {  	[dreg:$0x3] =	wrdreg s4  }
0xaa: {  	[dreg:$0x4] =	wrdreg $0xC0  }
0xab: {  	_ =	task [dreg:s6], $0x5FFFF  }
0xac: {  	[dreg:$0x1] =	wrdreg $0xFFFFFFFF  }
0xad: {  	[dreg:$0x0] =	wrdreg $0x60  }
0xae: {  	[dreg:$0x2] =	wrdreg s24  }
0xaf: {  	[dreg:$0x3] =	wrdreg $0x1A0400  }
0xb0: {  	[dreg:$0x4] =	wrdreg $0x9  }
0xb1: {  	_ =	task.clear_ibuf [dreg:s6], $0x5FFFF;
	_ =	strace $0x90000046  }
0xb2: {  	s29 =	simm.s32 $0x9;
	_ =	strace $0x80000048  }
0xb3: {  	_ =	swait.ge [sflag:s29], $0x1  }
0xb4: {  	[sflag:s29] =	ssyncadd.s32 $0xFFFFFFFF  }
0xb5: {  	_ =	strace $0x90000048  }
0xb6: {  	_ =	sfence  }
0xb7: {  	s30 =	sld [smem:$0x0];
	_ =	sdelay $0x2  }
0xb8: {  	s31 =	sshll.u32 s1, $0xD;
	s1 =	sshrl.u32 s1, $0x2  }
0xb9: {  	s3 =	sand.u32 $0x4000, s31;
	s1 =	sadd.s32 s1, s30  }
0xba: {  	s0 =	sor.u32 s3, s0;
	s1 =	sshll.u32 s1, $0x11  }
0xbb: {  	s0 =	sor.u32 s1, s0  }
0xbc: {  	s0 =	sadd.s32 $0x8F2B, s0  }
0xbd: {  	[sflag:s0] =	ssyncadd.remote.s32 $0x1  }
0xbe: {  	_ =	sfence.sel $0xFFFF  }
0xbf: {  	[dreg:$0x0] =	wrdreg $0xFFFFFFFF;
	(pc) =	sbr.abs _section_cstart, $3  }
0xc0: {  	[dreg:$0x1] =	wrdreg $0xFFFFFFFF  }
0xc1: {  	_ =	task.clear_ibuf [dreg:s6], $0x2FFFF;
	_ =	strace $0x9FFFFFFF  }
0xc2: {  	(tm) =	ssettm $0x7FFFFFFF  }
0xc3: {  	_ =	shalt  }
tec
execute0_lowered:
.L_overlay_start_1:
0x0: {  	(tag) =	ssettag $0x1  }
0x1: {  	s0 =	rddreg [dreg:$0x0]  }
0x2: {  	s1 =	rddreg [dreg:$0x1];
	s7 =	stileid.u32  }
0x3: {  	s3 =	srdreg.scid;
	s2 =	smul.u32 $0x9C4, s7  }
0x4: {  	s25 =	simm.s32 $0x0;
	s29 =	simm.s32 $0x3;
	s4 =	smul.u32 $0x500, s7  }
0x5: {  	s31 =	simm.s32 $0xEC40;
	s3 =	sand.u32 $0x1, s3;
	s7 =	smul.u32 $0x14000, s7  }
0x6: {  	[smem:$0x7FF] =	sst s25;
	s5 =	smul.u32 $0x5000, s3;
	s3 =	ssub.s32 $0x2, s3  }
0x7: {  	_ =	strace $0x80000047;
	s2 =	sadd.s32 s2, s0;
	s19 =	sshrl.u32 s3, $0x1  }
0x8: {  	s23 =	sshrl.u32 s7, $0x2;
	s7 =	sadd.s32 s4, s1;
	s6 =	sadd.s32 s4, s5  }
0x9: {  	s3 =	ssub.s32 s3, s19;
	s22 =	sadd.s32 $0xB800, s2;
	s2 =	sadd.s32 $0x1A00, s2  }
0xa: {  	s8 =	sadd.s32 $0x5000, s7;
	s9 =	sadd.s32 $0xA000, s7;
	s10 =	sadd.s32 $0xF000, s7  }
0xb: {  	s11 =	sadd.s32 $0x14000, s7;
	s12 =	sadd.s32 $0x19000, s7;
	s13 =	sadd.s32 $0x1E000, s7  }
0xc: {  	s14 =	sadd.s32 $0x23000, s7;
	s15 =	sadd.s32 $0x28000, s7;
	s16 =	sadd.s32 $0x2D000, s7  }
0xd: {  	s17 =	sadd.s32 $0x32000, s7;
	s18 =	sadd.s32 $0x37000, s7;
	s19 =	sadd.s32 $0x3C000, s7  }
0xe: {  	s26 =	sshrl.u32 s5, $0x3;
	s21 =	sshrl.u32 s6, $0x3;
	[dreg:$0x4] =	wrdreg s22  }
0xf: {  	[dreg:$0x5] =	wrdreg s2;
	s6 =	sadd.s32 s23, s1;
	s23 =	sadd.s32 $0x46000, s7  }
0x10: {  	s30 =	smax.u32 s3, $0x1;
	s1 =	simm.s32 $0x0;
	s24 =	sadd.s32 s21, s0  }
0x11: {  	s0 =	sadd.s32 $0x15600, s0;
	[dreg:$0x7] =	wrdreg s30;
	s20 =	sadd.s32 $0x600, s24  }
0x12: {  	s21 =	sadd.s32 s0, s21;
	s22 =	sadd.s32 s0, s26;
	s28 =	sadd.s32 $0x16A00, s24  }
0x13: {  	s26 =	sadd.s32 $0x4B000, s7;
	s24 =	simm.s32 $0x2;
	[dreg:$0x3] =	wrdreg s20  }
0x14: {  	v0 =	vimm.f32 $0.0e+00;
	v1 =	vimm.f32 $1.000000000e+00;
	s0 =	simm.s32 $0x9C40;
	s20 =	sadd.s32 $0x41000, s7;
	[dreg:$0x6] =	wrdreg s28  }
.LBB2_1:
0x15: {  	s2 =	rddreg [dreg:$0x3];
	s3 =	simm.s32 $0x13C40  }
0x16: {  	[tilespmem:s3], [sflag:$0x1] =	stream.linear.gather [hbm4b:s2+s25], $0x500, $0x38;
	[tilespmem:$0x1F040] =	vst v63  }
0x17: {  	s5 =	rddreg [dreg:$0x4]  }
0x18: {  	[tilespmem:s25], [sflag:$0x3] =	stream.linear.gather [hbm4b:s5+s25], $0x4E20, $0x38;
	[tilespmem:$0x1F040] =	vst v63  }
0x19: {  	_ =	swait.ge [sflag:s29], $0x4E20  }
0x1a: {  	[sflag:s29] =	ssyncset.done $0x0  }
0x1b: {  	s30 =	simm.s32 $0x4E20;
	s28 =	rddreg [dreg:$0x5];
	[sflag:s29] =	ssyncadd.s32 $0xFFFFB1E0  }
0x1c: {  	[tilespmem:s30], [sflag:$0x3] =	stream.linear.gather [hbm4b:s28+s25], $0x4E20, $0x38;
	[tilespmem:$0x1F040] =	vst v63  }
0x1d: {  	_ =	swait.ge [sflag:s29], $0x4E20  }
0x1e: {  	[sflag:s29] =	ssyncset.done $0x0  }
0x1f: {  	s3 =	simm.s32 $0x140;
	s2 =	simm.s32 $0x0;
	[sflag:s29] =	ssyncadd.s32 $0xFFFFB1E0  }
.LBB2_2:
0x20: {  	p0 =	sne.s32 s3, $0x13EC0;
	[tilespmem:s2+$0xEC80] =	vst v0;
	s4 =	smov.u32 s3;
	s3 =	sadd.s32 $0x140, s3  }
.Ltmp0:
0x21: {  	[tilespmem:s2+$0xEC70] =	vst v0;
	(pc) =	sbr.rel @p0 .LBB2_2-.Ltmp0, $4  }
0x22: {  	[tilespmem:s2+$0xEC60] =	vst v0  }
0x23: {  	[tilespmem:s2+$0xEC40] =	vst v0  }
0x24: {  	[tilespmem:s2+$0xEC50] =	vst v0  }
0x25: {  	s2 =	sshra.s32 s4, $0x2  }
0x26: {  	[tilespmem:s2+$0xEC80] =	vst v0  }
0x27: {  	[tilespmem:s2+$0xEC70] =	vst v0  }
0x28: {  	[tilespmem:s2+$0xEC60] =	vst v0  }
0x29: {  	[tilespmem:s2+$0xEC40] =	vst v0  }
0x2a: {  	[tilespmem:s2+$0xEC50] =	vst v0;
	s2 =	simm.s32 $0x0  }
.LBB2_4:
0x2b: {  	s3 =	sshra.s32 s2, $0x2  }
0x2c: {  	v2 =	vld [tilespmem:s3+$0x4E20];
	_ =	sdelay $0x4  }
0x2d: {  	v3 =	vadd.s32 $0x1, v2;
	_ =	sdelay $0x3  }
0x2e: {  	[tilespmem:v2+s31+$0x0] =	vst.idx.add.f32.msk $0xffff, v1  }
0x2f: {  	[tilespmem:v3+s31+$0x0] =	vst.idx.add.f32.msk $0xffff, v1  }
0x30: {  	v2 =	vld [tilespmem:s3+$0x4E30];
	_ =	sdelay $0x4  }
0x31: {  	v3 =	vadd.s32 $0x1, v2;
	_ =	sdelay $0x3  }
0x32: {  	[tilespmem:v2+s31+$0x0] =	vst.idx.add.f32.msk $0xffff, v1  }
0x33: {  	[tilespmem:v3+s31+$0x0] =	vst.idx.add.f32.msk $0xffff, v1  }
0x34: {  	v2 =	vld [tilespmem:s3+$0x4E40];
	_ =	sdelay $0x4  }
0x35: {  	v3 =	vadd.s32 $0x1, v2;
	_ =	sdelay $0x3  }
0x36: {  	[tilespmem:v2+s31+$0x0] =	vst.idx.add.f32.msk $0xffff, v1  }
0x37: {  	[tilespmem:v3+s31+$0x0] =	vst.idx.add.f32.msk $0xffff, v1  }
0x38: {  	v2 =	vld [tilespmem:s3+$0x4E50];
	_ =	sdelay $0x4  }
0x39: {  	v3 =	vadd.s32 $0x1, v2;
	_ =	sdelay $0x3  }
0x3a: {  	[tilespmem:v2+s31+$0x0] =	vst.idx.add.f32.msk $0xffff, v1  }
0x3b: {  	[tilespmem:v3+s31+$0x0] =	vst.idx.add.f32.msk $0xffff, v1  }
0x3c: {  	v2 =	vld [tilespmem:s3+$0x4E60];
	_ =	sdelay $0x4  }
0x3d: {  	p0 =	sne.s32 s2, $0x13740;
	v3 =	vadd.s32 $0x1, v2  }
.Ltmp1:
0x3e: {  	_ = 	snop;
	(pc) =	sbr.rel @p0 .LBB2_4-.Ltmp1, $3  }
0x3f: {  	_ =	sdelay $0x1  }
0x40: {  	[tilespmem:v2+s31+$0x0] =	vst.idx.add.f32.msk $0xffff, v1  }
0x41: {  	s2 =	sadd.s32 $0x140, s2;
	[tilespmem:v3+s31+$0x0] =	vst.idx.add.f32.msk $0xffff, v1  }
0x42: {  	[spmem:s6] =	stream.linear.scatter [tilespmem:s31], [sflag:$0x3], $0x5000, $0x38;
	[tilespmem:$0x1F040] =	vst v63  }
0x43: {  	_ =	swait.ge [sflag:s29], $0x5000  }
0x44: {  	[sflag:s29] =	ssyncset.done $0x0  }
0x45: {  	[sflag:s29] =	ssyncadd.s32 $0xFFFFB000  }
0x46: {  	s2 =	simm.s32 $0x15040;
	[bflag:$0x0] =	sbarrier.arrive $0xFFFF  }
0x47: {  	[tilespmem:s2], [sflag:$0x2] =	stream.linear.gather [spmem:s7], $0x500, $0x38;
	[tilespmem:$0x1F040] =	vst v63  }
0x48: {  	s3 =	simm.s32 $0x15540  }
0x49: {  	[tilespmem:s3], [sflag:$0x2] =	stream.linear.gather [spmem:s8], $0x500, $0x38;
	[tilespmem:$0x1F040] =	vst v63  }
0x4a: {  	s4 =	simm.s32 $0x15A40  }
0x4b: {  	[tilespmem:s4], [sflag:$0x2] =	stream.linear.gather [spmem:s9], $0x500, $0x38;
	[tilespmem:$0x1F040] =	vst v63  }
0x4c: {  	s5 =	simm.s32 $0x15F40  }
0x4d: {  	[tilespmem:s5], [sflag:$0x2] =	stream.linear.gather [spmem:s10], $0x500, $0x38;
	[tilespmem:$0x1F040] =	vst v63  }
0x4e: {  	s25 =	simm.s32 $0x16440  }
0x4f: {  	[tilespmem:s25], [sflag:$0x2] =	stream.linear.gather [spmem:s11], $0x500, $0x38;
	[tilespmem:$0x1F040] =	vst v63  }
0x50: {  	s3 =	simm.s32 $0x16940  }
0x51: {  	[tilespmem:s3], [sflag:$0x2] =	stream.linear.gather [spmem:s12], $0x500, $0x38;
	[tilespmem:$0x1F040] =	vst v63  }
0x52: {  	s4 =	simm.s32 $0x16E40  }
0x53: {  	[tilespmem:s4], [sflag:$0x2] =	stream.linear.gather [spmem:s13], $0x500, $0x38;
	[tilespmem:$0x1F040] =	vst v63  }
0x54: {  	s5 =	simm.s32 $0x17340  }
0x55: {  	[tilespmem:s5], [sflag:$0x2] =	stream.linear.gather [spmem:s14], $0x500, $0x38;
	[tilespmem:$0x1F040] =	vst v63  }
0x56: {  	s25 =	simm.s32 $0x17840  }
0x57: {  	[tilespmem:s25], [sflag:$0x2] =	stream.linear.gather [spmem:s15], $0x500, $0x38;
	[tilespmem:$0x1F040] =	vst v63  }
0x58: {  	s3 =	simm.s32 $0x17D40  }
0x59: {  	[tilespmem:s3], [sflag:$0x2] =	stream.linear.gather [spmem:s16], $0x500, $0x38;
	[tilespmem:$0x1F040] =	vst v63  }
0x5a: {  	s4 =	simm.s32 $0x18240  }
0x5b: {  	[tilespmem:s4], [sflag:$0x2] =	stream.linear.gather [spmem:s17], $0x500, $0x38;
	[tilespmem:$0x1F040] =	vst v63  }
0x5c: {  	s5 =	simm.s32 $0x18740  }
0x5d: {  	[tilespmem:s5], [sflag:$0x2] =	stream.linear.gather [spmem:s18], $0x500, $0x38;
	[tilespmem:$0x1F040] =	vst v63  }
0x5e: {  	s25 =	simm.s32 $0x18C40  }
0x5f: {  	[tilespmem:s25], [sflag:$0x2] =	stream.linear.gather [spmem:s19], $0x500, $0x38;
	[tilespmem:$0x1F040] =	vst v63  }
0x60: {  	s3 =	simm.s32 $0x19140  }
0x61: {  	[tilespmem:s3], [sflag:$0x2] =	stream.linear.gather [spmem:s20], $0x500, $0x38;
	[tilespmem:$0x1F040] =	vst v63  }
0x62: {  	s4 =	simm.s32 $0x19640  }
0x63: {  	[tilespmem:s4], [sflag:$0x2] =	stream.linear.gather [spmem:s23], $0x500, $0x38;
	[tilespmem:$0x1F040] =	vst v63  }
0x64: {  	s5 =	simm.s32 $0x19B40  }
0x65: {  	[tilespmem:s5], [sflag:$0x2] =	stream.linear.gather [spmem:s26], $0x500, $0x38;
	[tilespmem:$0x1F040] =	vst v63  }
0x66: {  	_ =	swait.ge [sflag:s24], $0x500  }
0x67: {  	[sflag:s24] =	ssyncset.done $0x0  }
0x68: {  	[sflag:s24] =	ssyncadd.s32 $0xFFFFFB00  }
0x69: {  	_ =	swait.ge [sflag:s24], $0x500  }
0x6a: {  	[sflag:s24] =	ssyncset.done $0x0  }
0x6b: {  	[sflag:s24] =	ssyncadd.s32 $0xFFFFFB00  }
0x6c: {  	_ =	swait.ge [sflag:s24], $0x500  }
0x6d: {  	[sflag:s24] =	ssyncset.done $0x0  }
0x6e: {  	[sflag:s24] =	ssyncadd.s32 $0xFFFFFB00  }
0x6f: {  	_ =	swait.ge [sflag:s24], $0x500  }
0x70: {  	[sflag:s24] =	ssyncset.done $0x0  }
0x71: {  	[sflag:s24] =	ssyncadd.s32 $0xFFFFFB00  }
0x72: {  	_ =	swait.ge [sflag:s24], $0x500  }
0x73: {  	[sflag:s24] =	ssyncset.done $0x0  }
0x74: {  	[sflag:s24] =	ssyncadd.s32 $0xFFFFFB00  }
0x75: {  	_ =	swait.ge [sflag:s24], $0x500  }
0x76: {  	[sflag:s24] =	ssyncset.done $0x0  }
0x77: {  	[sflag:s24] =	ssyncadd.s32 $0xFFFFFB00  }
0x78: {  	_ =	swait.ge [sflag:s24], $0x500  }
0x79: {  	[sflag:s24] =	ssyncset.done $0x0  }
0x7a: {  	[sflag:s24] =	ssyncadd.s32 $0xFFFFFB00  }
0x7b: {  	_ =	swait.ge [sflag:s24], $0x500  }
0x7c: {  	[sflag:s24] =	ssyncset.done $0x0  }
0x7d: {  	[sflag:s24] =	ssyncadd.s32 $0xFFFFFB00  }
0x7e: {  	_ =	swait.ge [sflag:s24], $0x500  }
0x7f: {  	[sflag:s24] =	ssyncset.done $0x0  }
0x80: {  	[sflag:s24] =	ssyncadd.s32 $0xFFFFFB00  }
0x81: {  	_ =	swait.ge [sflag:s24], $0x500  }
0x82: {  	[sflag:s24] =	ssyncset.done $0x0  }
0x83: {  	[sflag:s24] =	ssyncadd.s32 $0xFFFFFB00  }
0x84: {  	_ =	swait.ge [sflag:s24], $0x500  }
0x85: {  	[sflag:s24] =	ssyncset.done $0x0  }
0x86: {  	[sflag:s24] =	ssyncadd.s32 $0xFFFFFB00  }
0x87: {  	_ =	swait.ge [sflag:s24], $0x500  }
0x88: {  	[sflag:s24] =	ssyncset.done $0x0  }
0x89: {  	[sflag:s24] =	ssyncadd.s32 $0xFFFFFB00  }
0x8a: {  	_ =	swait.ge [sflag:s24], $0x500  }
0x8b: {  	[sflag:s24] =	ssyncset.done $0x0  }
0x8c: {  	[sflag:s24] =	ssyncadd.s32 $0xFFFFFB00  }
0x8d: {  	_ =	swait.ge [sflag:s24], $0x500  }
0x8e: {  	[sflag:s24] =	ssyncset.done $0x0  }
0x8f: {  	[sflag:s24] =	ssyncadd.s32 $0xFFFFFB00  }
0x90: {  	_ =	swait.ge [sflag:s24], $0x500  }
0x91: {  	[sflag:s24] =	ssyncset.done $0x0  }
0x92: {  	[sflag:s24] =	ssyncadd.s32 $0xFFFFFB00  }
0x93: {  	_ =	swait.ge [sflag:s24], $0x500  }
0x94: {  	[sflag:s24] =	ssyncset.done $0x0  }
0x95: {  	[sflag:s24] =	ssyncadd.s32 $0xFFFFFB00  }
0x96: {  	s25 =	simm.s32 $0x1;
	[bflag:$0x0] =	sbarrier.arrive $0xFFFF  }
0x97: {  	_ =	swait.ge [sflag:s25], $0x500  }
0x98: {  	[sflag:s25] =	ssyncset.done $0x0  }
0x99: {  	s4 =	simm.s32 $0x0;
	[sflag:s25] =	ssyncadd.s32 $0xFFFFFB00  }
0x9a: {  	v2 =	vld [tilespmem:s4+$0x15040];
	_ =	sdelay $0x1  }
0x9b: {  	v3 =	vld [tilespmem:s4+$0x15540];
	_ =	sdelay $0x1  }
0x9c: {  	v4 =	vld [tilespmem:s4+$0x15A40]  }
0x9d: {  	v2 =	vadd.f32 $1.000000000e+00, v2  }
0x9e: {  	v5 =	vld [tilespmem:s4+$0x15F40]  }
0x9f: {  	v2 =	vadd.f32 v3, v2  }
0xa0: {  	v3 =	vld [tilespmem:s4+$0x16440]  }
0xa1: {  	v2 =	vadd.f32 v4, v2  }
0xa2: {  	v4 =	vld [tilespmem:s4+$0x16940]  }
0xa3: {  	v2 =	vadd.f32 v5, v2  }
0xa4: {  	v5 =	vld [tilespmem:s4+$0x16E40]  }
0xa5: {  	v2 =	vadd.f32 v3, v2  }
0xa6: {  	v3 =	vld [tilespmem:s4+$0x17340]  }
0xa7: {  	v2 =	vadd.f32 v4, v2  }
0xa8: {  	s30 =	simm.s32 $0x10;
	v4 =	vld [tilespmem:s4+$0x17840]  }
0xa9: {  	v6 =	vld [tilespmem:s30+$0x15040];
	v2 =	vadd.f32 v5, v2  }
0xaa: {  	v5 =	vld [tilespmem:s4+$0x17D40]  }
0xab: {  	v7 =	vld [tilespmem:s30+$0x15540];
	v2 =	vadd.f32 v3, v2  }
0xac: {  	v3 =	vld [tilespmem:s4+$0x18240]  }
0xad: {  	v8 =	vld [tilespmem:s30+$0x15A40];
	v2 =	vadd.f32 v4, v2  }
0xae: {  	v4 =	vadd.f32 $1.000000000e+00, v6;
	v6 =	vld [tilespmem:s4+$0x18740]  }
0xaf: {  	v9 =	vld [tilespmem:s30+$0x15F40];
	v2 =	vadd.f32 v5, v2  }
0xb0: {  	v10 =	vld [tilespmem:s4+$0x18C40];
	v4 =	vadd.f32 v7, v4  }
0xb1: {  	v5 =	vld [tilespmem:s30+$0x16440];
	v2 =	vadd.f32 v3, v2  }
0xb2: {  	v3 =	vadd.f32 v8, v4;
	v4 =	vld [tilespmem:s4+$0x19140]  }
0xb3: {  	v7 =	vld [tilespmem:s30+$0x16940];
	v2 =	vadd.f32 v6, v2  }
0xb4: {  	v3 =	vadd.f32 v9, v3;
	v6 =	vld [tilespmem:s4+$0x19640]  }
0xb5: {  	v8 =	vld [tilespmem:s30+$0x16E40];
	v2 =	vadd.f32 v10, v2  }
0xb6: {  	v3 =	vadd.f32 v5, v3;
	v5 =	vld [tilespmem:s4+$0x19B40]  }
0xb7: {  	v9 =	vld [tilespmem:s30+$0x17340];
	v2 =	vadd.f32 v4, v2  }
0xb8: {  	v3 =	vadd.f32 v7, v3  }
0xb9: {  	s3 =	simm.s32 $0x20;
	v4 =	vld [tilespmem:s30+$0x17840];
	v2 =	vadd.f32 v6, v2  }
0xba: {  	v6 =	vld [tilespmem:s3+$0x15040];
	v3 =	vadd.f32 v8, v3  }
0xbb: {  	v7 =	vld [tilespmem:s30+$0x17D40];
	v2 =	vadd.f32 v5, v2  }
0xbc: {  	v5 =	vld [tilespmem:s3+$0x15540];
	v8 =	vadd.f32 v9, v3  }
0xbd: {  	v9 =	vld [tilespmem:s30+$0x18240];
	v3 =	vmul.f32 $5.000000000e-01, v2;
	v2 =	vshrl.u32 v2, $0x1  }
0xbe: {  	v10 =	vld [tilespmem:s3+$0x15A40];
	v4 =	vadd.f32 v4, v8;
	v2 =	vsub.s32 $0x5F3759DF, v2  }
0xbf: {  	v8 =	vld [tilespmem:s30+$0x18740];
	v6 =	vadd.f32 $1.000000000e+00, v6;
	v12 =	vmul.f32 v2, v3  }
0xc0: {  	v4 =	vadd.f32 v7, v4;
	v7 =	vld [tilespmem:s3+$0x15F40]  }
0xc1: {  	v11 =	vld [tilespmem:s30+$0x18C40];
	v5 =	vadd.f32 v5, v6;
	v6 =	vmul.f32 v2, v12  }
0xc2: {  	v62 =	vld [tilespmem:s3+$0x16440];
	v4 =	vadd.f32 v9, v4  }
0xc3: {  	v5 =	vadd.f32 v10, v5;
	v10 =	vld [tilespmem:s30+$0x19140];
	v6 =	vsub.f32 $1.500000000e+00, v6  }
0xc4: {  	v13 =	vld [tilespmem:s3+$0x16940];
	v8 =	vadd.f32 v8, v4  }
0xc5: {  	v14 =	vld [tilespmem:s30+$0x19640];
	v5 =	vadd.f32 v7, v5;
	v6 =	vmul.f32 v2, v6  }
0xc6: {  	v4 =	vld [tilespmem:s3+$0x16E40];
	v2 =	vadd.f32 v11, v8  }
0xc7: {  	v9 =	vld [tilespmem:s30+$0x19B40];
	v7 =	vadd.f32 v62, v5;
	v11 =	vmul.f32 v6, v3  }
0xc8: {  	v5 =	vld [tilespmem:s3+$0x17340];
	v63 =	vadd.f32 v10, v2  }
0xc9: {  	v2 =	vld [tilespmem:s3+$0x18C40];
	v8 =	vadd.f32 v13, v7;
	v10 =	vmul.f32 v11, v6  }
0xca: {  	s28 =	simm.s32 $0x100;
	s5 =	simm.s32 $0x30;
	v7 =	vld [tilespmem:s3+$0x17840];
	v11 =	vadd.f32 v14, v63  }
.LBB2_6:
0xcb: {  	p0 =	sne.s32 s28, $0x13C0;
	v12 =	vld [tilespmem:s5+$0x15040];
	v4 =	vadd.f32 v4, v8;
	v8 =	vsub.f32 $1.500000000e+00, v10  }
0xcc: {  	v10 =	vld [tilespmem:s3+$0x17D40];
	v9 =	vadd.f32 v9, v11  }
0xcd: {  	v11 =	vld [tilespmem:s5+$0x15540];
	v4 =	vadd.f32 v5, v4;
	v5 =	vmul.f32 v8, v6  }
0xce: {  	v6 =	vld [tilespmem:s3+$0x18240];
	v8 =	vmul.f32 $5.000000000e-01, v9;
	v9 =	vshrl.u32 v9, $0x1  }
0xcf: {  	v13 =	vld [tilespmem:s5+$0x15A40];
	v4 =	vadd.f32 v7, v4;
	v7 =	vsub.s32 $0x5F3759DF, v9;
	v9 =	vmul.f32 v5, v3  }
0xd0: {  	v12 =	vadd.f32 $1.000000000e+00, v12;
	v14 =	vld [tilespmem:s3+$0x18740];
	v15 =	vmul.f32 v7, v8;
	v3 =	vmov v8  }
0xd1: {  	v8 =	vld [tilespmem:s5+$0x15F40];
	v4 =	vadd.f32 v10, v4;
	v9 =	vmul.f32 v9, v5  }
0xd2: {  	v10 =	vadd.f32 v11, v12;
	v11 =	vmul.f32 v7, v15;
	v12 =	vld [tilespmem:s4+$0x13C40]  }
0xd3: {  	v15 =	vld [tilespmem:s5+$0x16440];
	v4 =	vadd.f32 v6, v4;
	v6 =	vsub.f32 $1.500000000e+00, v9  }
0xd4: {  	v9 =	vadd.f32 v13, v10;
	v10 =	vld [tilespmem:s3+$0x19140];
	v11 =	vsub.f32 $1.500000000e+00, v11  }
0xd5: {  	v13 =	vld [tilespmem:s5+$0x16940];
	v14 =	vadd.f32 v14, v4;
	v5 =	vmul.f32 v6, v5  }
0xd6: {  	v8 =	vadd.f32 v8, v9;
	v16 =	vld [tilespmem:s3+$0x19640];
	v6 =	vmul.f32 v7, v11  }
.Ltmp2:
0xd7: {  	v4 =	vld [tilespmem:s5+$0x16E40];
	v2 =	vadd.f32 v2, v14;
	[tilespmem:s4+$0x14140] =	vst v5;
	v7 =	vmul.f32 v5, v5;
	v11 =	vmul.f32 v5, v12;
	(pc) =	sbr.rel @p0 .LBB2_6-.Ltmp2, $4  }
0xd8: {  	v8 =	vadd.f32 v15, v8;
	v9 =	vld [tilespmem:s3+$0x19B40];
	v12 =	vmul.f32 v6, v3  }
0xd9: {  	v5 =	vld [tilespmem:s5+$0x17340];
	v14 =	vadd.f32 v10, v2;
	[tilespmem:s4+$0x13C40] =	vst v11  }
0xda: {  	v8 =	vadd.f32 v13, v8;
	v2 =	vld [tilespmem:s5+$0x18C40];
	v10 =	vmul.f32 v12, v6;
	[tilespmem:s4+$0x14640] =	vst v7;
	s4 =	smov.u32 s30;
	s30 =	smov.u32 s3;
	s3 =	smov.u32 s5  }
0xdb: {  	s5 =	sshra.s32 s28, $0x2;
	s28 =	sadd.s32 $0x40, s28;
	v7 =	vld [tilespmem:s3+$0x17840];
	v11 =	vadd.f32 v16, v14  }
0xdc: {  	v12 =	vld [tilespmem:s5+$0x15040];
	v10 =	vsub.f32 $1.500000000e+00, v10  }
0xdd: {  	v13 =	vld [tilespmem:s3+$0x17D40];
	v9 =	vadd.f32 v9, v11  }
0xde: {  	v14 =	vld [tilespmem:s5+$0x15540];
	v6 =	vmul.f32 v10, v6  }
0xdf: {  	v29 =	vld [tilespmem:s3+$0x18240];
	v16 =	vmul.f32 $5.000000000e-01, v9;
	v9 =	vshrl.u32 v9, $0x1  }
0xe0: {  	v30 =	vld [tilespmem:s5+$0x15A40];
	v3 =	vmul.f32 v6, v3;
	v9 =	vsub.s32 $0x5F3759DF, v9  }
0xe1: {  	v15 =	vld [tilespmem:s3+$0x18740];
	v12 =	vadd.f32 $1.000000000e+00, v12;
	v19 =	vmul.f32 v9, v16  }
0xe2: {  	v17 =	vld [tilespmem:s5+$0x15F40];
	v3 =	vmul.f32 v3, v6  }
0xe3: {  	v18 =	vld [tilespmem:s4+$0x13C40];
	v12 =	vadd.f32 v14, v12;
	v31 =	vmul.f32 v9, v19  }
0xe4: {  	v20 =	vld [tilespmem:s5+$0x16440];
	v4 =	vadd.f32 v4, v8;
	v3 =	vsub.f32 $1.500000000e+00, v3  }
0xe5: {  	v21 =	vld [tilespmem:s3+$0x19140];
	v34 =	vadd.f32 v30, v12;
	v35 =	vsub.f32 $1.500000000e+00, v31  }
0xe6: {  	v32 =	vld [tilespmem:s5+$0x16940];
	v4 =	vadd.f32 v5, v4;
	v3 =	vmul.f32 v3, v6  }
0xe7: {  	v33 =	vld [tilespmem:s3+$0x19640];
	v37 =	vadd.f32 v17, v34;
	v38 =	vmul.f32 v9, v35  }
0xe8: {  	v36 =	vld [tilespmem:s5+$0x16E40];
	v4 =	vadd.f32 v7, v4;
	[tilespmem:s4+$0x14140] =	vst v3;
	v39 =	vmul.f32 v3, v18  }
0xe9: {  	v3 =	vmul.f32 v3, v3;
	v40 =	vld [tilespmem:s3+$0x19B40];
	v5 =	vadd.f32 v20, v37;
	v42 =	vmul.f32 v38, v16  }
0xea: {  	v4 =	vadd.f32 v13, v4;
	v41 =	vld [tilespmem:s5+$0x17340];
	[tilespmem:s4+$0x13C40] =	vst v39  }
0xeb: {  	v43 =	vld [tilespmem:s5+$0x18C40];
	v5 =	vadd.f32 v32, v5;
	[tilespmem:s4+$0x14640] =	vst v3;
	v3 =	vmul.f32 v42, v38  }
0xec: {  	v4 =	vadd.f32 v29, v4;
	v44 =	vld [tilespmem:s5+$0x17840]  }
0xed: {  	v5 =	vadd.f32 v36, v5;
	v3 =	vsub.f32 $1.500000000e+00, v3  }
0xee: {  	v4 =	vadd.f32 v15, v4;
	v45 =	vld [tilespmem:s5+$0x17D40]  }
0xef: {  	v5 =	vadd.f32 v41, v5;
	v3 =	vmul.f32 v3, v38  }
0xf0: {  	v2 =	vadd.f32 v2, v4;
	v46 =	vld [tilespmem:s5+$0x18240]  }
0xf1: {  	v5 =	vadd.f32 v44, v5;
	v47 =	vmul.f32 v3, v16  }
0xf2: {  	v2 =	vadd.f32 v21, v2;
	v48 =	vld [tilespmem:s5+$0x18740]  }
0xf3: {  	v5 =	vadd.f32 v45, v5;
	v7 =	vmul.f32 v47, v3  }
0xf4: {  	v2 =	vadd.f32 v33, v2  }
0xf5: {  	v4 =	vadd.f32 v46, v5;
	v49 =	vsub.f32 $1.500000000e+00, v7  }
0xf6: {  	v50 =	vld [tilespmem:s5+$0x19140];
	v2 =	vadd.f32 v40, v2  }
0xf7: {  	v4 =	vadd.f32 v48, v4;
	v3 =	vmul.f32 v49, v3  }
0xf8: {  	v53 =	vld [tilespmem:s5+$0x19640];
	v52 =	vmul.f32 $5.000000000e-01, v2;
	v2 =	vshrl.u32 v2, $0x1  }
0xf9: {  	v2 =	vsub.s32 $0x5F3759DF, v2;
	v4 =	vadd.f32 v43, v4;
	[tilespmem:s30+$0x14140] =	vst v3  }
0xfa: {  	v54 =	vmul.f32 v2, v52;
	v55 =	vld [tilespmem:s5+$0x19B40]  }
0xfb: {  	v4 =	vadd.f32 v50, v4  }
0xfc: {  	v56 =	vmul.f32 v2, v54  }
0xfd: {  	v4 =	vadd.f32 v53, v4  }
0xfe: {  	v6 =	vsub.f32 $1.500000000e+00, v56  }
0xff: {  	v4 =	vadd.f32 v55, v4  }
0x100: {  	v2 =	vmul.f32 v2, v6  }
0x101: {  	v57 =	vmul.f32 $5.000000000e-01, v4;
	v4 =	vshrl.u32 v4, $0x1  }
0x102: {  	v58 =	vmul.f32 v2, v52;
	v4 =	vsub.s32 $0x5F3759DF, v4  }
0x103: {  	v59 =	vmul.f32 v4, v57  }
0x104: {  	v51 =	vld [tilespmem:s30+$0x13C40];
	v8 =	vmul.f32 v58, v2  }
0x105: {  	v9 =	vmul.f32 v4, v59  }
0x106: {  	v8 =	vsub.f32 $1.500000000e+00, v8  }
0x107: {  	v9 =	vsub.f32 $1.500000000e+00, v9  }
0x108: {  	v2 =	vmul.f32 v8, v2  }
0x109: {  	v7 =	vmul.f32 v3, v51;
	v4 =	vmul.f32 v4, v9  }
0x10a: {  	v3 =	vmul.f32 v3, v3;
	v5 =	vmul.f32 v2, v52  }
0x10b: {  	[tilespmem:s30+$0x13C40] =	vst v7;
	v60 =	vmul.f32 v4, v57  }
0x10c: {  	[tilespmem:s30+$0x14640] =	vst v3;
	v3 =	vmul.f32 v5, v2  }
0x10d: {  	v61 =	vld [tilespmem:s3+$0x13C40];
	v7 =	vmul.f32 v60, v4  }
0x10e: {  	v3 =	vsub.f32 $1.500000000e+00, v3  }
0x10f: {  	v7 =	vsub.f32 $1.500000000e+00, v7  }
0x110: {  	v2 =	vmul.f32 v3, v2  }
0x111: {  	v3 =	vmul.f32 v7, v4  }
0x112: {  	v62 =	vmul.f32 v2, v61  }
0x113: {  	[tilespmem:s3+$0x14140] =	vst v2;
	v2 =	vmul.f32 v2, v2;
	v63 =	vmul.f32 v3, v57  }
0x114: {  	[tilespmem:s3+$0x13C40] =	vst v62  }
0x115: {  	[tilespmem:s3+$0x14640] =	vst v2;
	v2 =	vmul.f32 v63, v3  }
0x116: {  	v4 =	vld [tilespmem:s5+$0x13C40]  }
0x117: {  	v2 =	vsub.f32 $1.500000000e+00, v2;
	_ =	sdelay $0x1  }
0x118: {  	v2 =	vmul.f32 v2, v3;
	_ =	sdelay $0x1  }
0x119: {  	v3 =	vmul.f32 v2, v4  }
0x11a: {  	[tilespmem:s5+$0x14140] =	vst v2;
	v2 =	vmul.f32 v2, v2  }
0x11b: {  	[tilespmem:s5+$0x13C40] =	vst v3  }
0x11c: {  	s2 =	simm.s32 $0x13C40;
	s3 =	simm.s32 $0x0;
	[tilespmem:s5+$0x14640] =	vst v2  }
0x11d: {  	[hbm4b:s21+s3] =	stream.linear.scatter [tilespmem:s2], [sflag:$0x3], $0x500, $0x38;
	[tilespmem:$0x1F040] =	vst v63  }
0x11e: {  	_ =	swait.ge [sflag:s29], $0x500  }
0x11f: {  	[sflag:s29] =	ssyncset.done $0x0  }
0x120: {  	[sflag:s29] =	ssyncadd.s32 $0xFFFFFB00  }
0x121: {  	[bflag:$0x0] =	sbarrier.arrive $0xFFFF  }
0x122: {  	[tilespmem:s0], [sflag:$0x3] =	stream.linear.gather [hbm4b:s22+s3], $0x5000, $0x38;
	[tilespmem:$0x1F040] =	vst v63  }
0x123: {  	_ =	swait.ge [sflag:s29], $0x5000  }
0x124: {  	[sflag:s29] =	ssyncset.done $0x0  }
0x125: {  	s4 =	simm.s32 $0x140;
	s2 =	simm.s32 $0x0;
	[sflag:s29] =	ssyncadd.s32 $0xFFFFB000  }
.LBB2_8:
0x126: {  	p0 =	sne.s32 s4, $0x13EC0;
	[tilespmem:s2+$0xEC80] =	vst v0;
	s5 =	smov.u32 s4;
	s4 =	sadd.s32 $0x140, s4  }
.Ltmp3:
0x127: {  	[tilespmem:s2+$0xEC70] =	vst v0;
	(pc) =	sbr.rel @p0 .LBB2_8-.Ltmp3, $4  }
0x128: {  	[tilespmem:s2+$0xEC60] =	vst v0  }
0x129: {  	[tilespmem:s2+$0xEC40] =	vst v0  }
0x12a: {  	[tilespmem:s2+$0xEC50] =	vst v0  }
0x12b: {  	s2 =	sshra.s32 s5, $0x2  }
0x12c: {  	[tilespmem:s2+$0xEC80] =	vst v0  }
0x12d: {  	[tilespmem:s2+$0xEC70] =	vst v0  }
0x12e: {  	[tilespmem:s2+$0xEC60] =	vst v0  }
0x12f: {  	[tilespmem:s2+$0xEC40] =	vst v0  }
0x130: {  	[tilespmem:s2+$0xEC50] =	vst v0  }
.LBB2_10:
0x131: {  	s2 =	sshra.s32 s3, $0x2  }
0x132: {  	v2 =	vld [tilespmem:s2+$0x0];
	_ =	sdelay $0x4  }
0x133: {  	v3 =	vld [tilespmem:s2+$0x4E20];
	_ =	sdelay $0x2  }
0x134: {  	v4 =	vld.idx.msk [tilespmem:v2+s0+$0x0], $0xffff  }
0x135: {  	v2 =	vadd.s32 $0x1, v2;
	_ =	sdelay $0x3  }
0x136: {  	[tilespmem:v3+s31+$0x0] =	vst.idx.add.f32.msk $0xffff, v4  }
0x137: {  	v3 =	vadd.s32 $0x1, v3;
	v2 =	vld.idx.msk [tilespmem:v2+s0+$0x0], $0xffff;
	_ =	sdelay $0x4  }
0x138: {  	[tilespmem:v3+s31+$0x0] =	vst.idx.add.f32.msk $0xffff, v2  }
0x139: {  	v2 =	vld [tilespmem:s2+$0x10];
	_ =	sdelay $0x4  }
0x13a: {  	v3 =	vld [tilespmem:s2+$0x4E30];
	_ =	sdelay $0x2  }
0x13b: {  	v4 =	vld.idx.msk [tilespmem:v2+s0+$0x0], $0xffff  }
0x13c: {  	v2 =	vadd.s32 $0x1, v2;
	_ =	sdelay $0x3  }
0x13d: {  	[tilespmem:v3+s31+$0x0] =	vst.idx.add.f32.msk $0xffff, v4  }
0x13e: {  	v3 =	vadd.s32 $0x1, v3;
	v2 =	vld.idx.msk [tilespmem:v2+s0+$0x0], $0xffff;
	_ =	sdelay $0x4  }
0x13f: {  	[tilespmem:v3+s31+$0x0] =	vst.idx.add.f32.msk $0xffff, v2  }
0x140: {  	v2 =	vld [tilespmem:s2+$0x20];
	_ =	sdelay $0x4  }
0x141: {  	v3 =	vld [tilespmem:s2+$0x4E40];
	_ =	sdelay $0x2  }
0x142: {  	v4 =	vld.idx.msk [tilespmem:v2+s0+$0x0], $0xffff  }
0x143: {  	v2 =	vadd.s32 $0x1, v2;
	_ =	sdelay $0x3  }
0x144: {  	[tilespmem:v3+s31+$0x0] =	vst.idx.add.f32.msk $0xffff, v4  }
0x145: {  	v3 =	vadd.s32 $0x1, v3;
	v2 =	vld.idx.msk [tilespmem:v2+s0+$0x0], $0xffff;
	_ =	sdelay $0x4  }
0x146: {  	[tilespmem:v3+s31+$0x0] =	vst.idx.add.f32.msk $0xffff, v2  }
0x147: {  	v2 =	vld [tilespmem:s2+$0x30];
	_ =	sdelay $0x4  }
0x148: {  	v3 =	vld [tilespmem:s2+$0x4E50];
	_ =	sdelay $0x2  }
0x149: {  	v4 =	vld.idx.msk [tilespmem:v2+s0+$0x0], $0xffff  }
0x14a: {  	v2 =	vadd.s32 $0x1, v2;
	_ =	sdelay $0x3  }
0x14b: {  	[tilespmem:v3+s31+$0x0] =	vst.idx.add.f32.msk $0xffff, v4  }
0x14c: {  	v3 =	vadd.s32 $0x1, v3;
	v2 =	vld.idx.msk [tilespmem:v2+s0+$0x0], $0xffff;
	_ =	sdelay $0x4  }
0x14d: {  	[tilespmem:v3+s31+$0x0] =	vst.idx.add.f32.msk $0xffff, v2  }
0x14e: {  	v2 =	vld [tilespmem:s2+$0x40];
	_ =	sdelay $0x4  }
0x14f: {  	v3 =	vld [tilespmem:s2+$0x4E60];
	_ =	sdelay $0x2  }
0x150: {  	v4 =	vld.idx.msk [tilespmem:v2+s0+$0x0], $0xffff  }
0x151: {  	v2 =	vadd.s32 $0x1, v2;
	_ =	sdelay $0x3  }
0x152: {  	[tilespmem:v3+s31+$0x0] =	vst.idx.add.f32.msk $0xffff, v4  }
0x153: {  	p0 =	sne.s32 s3, $0x13740;
	v3 =	vadd.s32 $0x1, v3;
	v2 =	vld.idx.msk [tilespmem:v2+s0+$0x0], $0xffff  }
.Ltmp4:
0x154: {  	_ = 	snop;
	(pc) =	sbr.rel @p0 .LBB2_10-.Ltmp4, $2  }
0x155: {  	_ =	sdelay $0x2  }
0x156: {  	s3 =	sadd.s32 $0x140, s3;
	[tilespmem:v3+s31+$0x0] =	vst.idx.add.f32.msk $0xffff, v2  }
0x157: {  	[spmem:s6] =	stream.linear.scatter [tilespmem:s31], [sflag:$0x3], $0x5000, $0x38;
	[tilespmem:$0x1F040] =	vst v63  }
0x158: {  	_ =	swait.ge [sflag:s29], $0x5000  }
0x159: {  	[sflag:s29] =	ssyncset.done $0x0  }
0x15a: {  	[sflag:s29] =	ssyncadd.s32 $0xFFFFB000  }
0x15b: {  	s2 =	simm.s32 $0x15040;
	[bflag:$0x0] =	sbarrier.arrive $0xFFFF  }
0x15c: {  	[tilespmem:s2], [sflag:$0x2] =	stream.linear.gather [spmem:s7], $0x500, $0x38;
	[tilespmem:$0x1F040] =	vst v63  }
0x15d: {  	s4 =	simm.s32 $0x15540  }
0x15e: {  	[tilespmem:s4], [sflag:$0x2] =	stream.linear.gather [spmem:s8], $0x500, $0x38;
	[tilespmem:$0x1F040] =	vst v63  }
0x15f: {  	s5 =	simm.s32 $0x15A40  }
0x160: {  	[tilespmem:s5], [sflag:$0x2] =	stream.linear.gather [spmem:s9], $0x500, $0x38;
	[tilespmem:$0x1F040] =	vst v63  }
0x161: {  	s25 =	simm.s32 $0x15F40  }
0x162: {  	[tilespmem:s25], [sflag:$0x2] =	stream.linear.gather [spmem:s10], $0x500, $0x38;
	[tilespmem:$0x1F040] =	vst v63  }
0x163: {  	s3 =	simm.s32 $0x16440  }
0x164: {  	[tilespmem:s3], [sflag:$0x2] =	stream.linear.gather [spmem:s11], $0x500, $0x38;
	[tilespmem:$0x1F040] =	vst v63  }
0x165: {  	s4 =	simm.s32 $0x16940  }
0x166: {  	[tilespmem:s4], [sflag:$0x2] =	stream.linear.gather [spmem:s12], $0x500, $0x38;
	[tilespmem:$0x1F040] =	vst v63  }
0x167: {  	s5 =	simm.s32 $0x16E40  }
0x168: {  	[tilespmem:s5], [sflag:$0x2] =	stream.linear.gather [spmem:s13], $0x500, $0x38;
	[tilespmem:$0x1F040] =	vst v63  }
0x169: {  	s25 =	simm.s32 $0x17340  }
0x16a: {  	[tilespmem:s25], [sflag:$0x2] =	stream.linear.gather [spmem:s14], $0x500, $0x38;
	[tilespmem:$0x1F040] =	vst v63  }
0x16b: {  	s3 =	simm.s32 $0x17840  }
0x16c: {  	[tilespmem:s3], [sflag:$0x2] =	stream.linear.gather [spmem:s15], $0x500, $0x38;
	[tilespmem:$0x1F040] =	vst v63  }
0x16d: {  	s4 =	simm.s32 $0x17D40  }
0x16e: {  	[tilespmem:s4], [sflag:$0x2] =	stream.linear.gather [spmem:s16], $0x500, $0x38;
	[tilespmem:$0x1F040] =	vst v63  }
0x16f: {  	s5 =	simm.s32 $0x18240  }
0x170: {  	[tilespmem:s5], [sflag:$0x2] =	stream.linear.gather [spmem:s17], $0x500, $0x38;
	[tilespmem:$0x1F040] =	vst v63  }
0x171: {  	s25 =	simm.s32 $0x18740  }
0x172: {  	[tilespmem:s25], [sflag:$0x2] =	stream.linear.gather [spmem:s18], $0x500, $0x38;
	[tilespmem:$0x1F040] =	vst v63  }
0x173: {  	s3 =	simm.s32 $0x18C40  }
0x174: {  	[tilespmem:s3], [sflag:$0x2] =	stream.linear.gather [spmem:s19], $0x500, $0x38;
	[tilespmem:$0x1F040] =	vst v63  }
0x175: {  	s4 =	simm.s32 $0x19140  }
0x176: {  	[tilespmem:s4], [sflag:$0x2] =	stream.linear.gather [spmem:s20], $0x500, $0x38;
	[tilespmem:$0x1F040] =	vst v63  }
0x177: {  	s5 =	simm.s32 $0x19640  }
0x178: {  	[tilespmem:s5], [sflag:$0x2] =	stream.linear.gather [spmem:s23], $0x500, $0x38;
	[tilespmem:$0x1F040] =	vst v63  }
0x179: {  	s25 =	simm.s32 $0x19B40  }
0x17a: {  	[tilespmem:s25], [sflag:$0x2] =	stream.linear.gather [spmem:s26], $0x500, $0x38;
	[tilespmem:$0x1F040] =	vst v63  }
0x17b: {  	_ =	swait.ge [sflag:s24], $0x500  }
0x17c: {  	[sflag:s24] =	ssyncset.done $0x0  }
0x17d: {  	[sflag:s24] =	ssyncadd.s32 $0xFFFFFB00  }
0x17e: {  	_ =	swait.ge [sflag:s24], $0x500  }
0x17f: {  	[sflag:s24] =	ssyncset.done $0x0  }
0x180: {  	[sflag:s24] =	ssyncadd.s32 $0xFFFFFB00  }
0x181: {  	_ =	swait.ge [sflag:s24], $0x500  }
0x182: {  	[sflag:s24] =	ssyncset.done $0x0  }
0x183: {  	[sflag:s24] =	ssyncadd.s32 $0xFFFFFB00  }
0x184: {  	_ =	swait.ge [sflag:s24], $0x500  }
0x185: {  	[sflag:s24] =	ssyncset.done $0x0  }
0x186: {  	[sflag:s24] =	ssyncadd.s32 $0xFFFFFB00  }
0x187: {  	_ =	swait.ge [sflag:s24], $0x500  }
0x188: {  	[sflag:s24] =	ssyncset.done $0x0  }
0x189: {  	[sflag:s24] =	ssyncadd.s32 $0xFFFFFB00  }
0x18a: {  	_ =	swait.ge [sflag:s24], $0x500  }
0x18b: {  	[sflag:s24] =	ssyncset.done $0x0  }
0x18c: {  	[sflag:s24] =	ssyncadd.s32 $0xFFFFFB00  }
0x18d: {  	_ =	swait.ge [sflag:s24], $0x500  }
0x18e: {  	[sflag:s24] =	ssyncset.done $0x0  }
0x18f: {  	[sflag:s24] =	ssyncadd.s32 $0xFFFFFB00  }
0x190: {  	_ =	swait.ge [sflag:s24], $0x500  }
0x191: {  	[sflag:s24] =	ssyncset.done $0x0  }
0x192: {  	[sflag:s24] =	ssyncadd.s32 $0xFFFFFB00  }
0x193: {  	_ =	swait.ge [sflag:s24], $0x500  }
0x194: {  	[sflag:s24] =	ssyncset.done $0x0  }
0x195: {  	[sflag:s24] =	ssyncadd.s32 $0xFFFFFB00  }
0x196: {  	_ =	swait.ge [sflag:s24], $0x500  }
0x197: {  	[sflag:s24] =	ssyncset.done $0x0  }
0x198: {  	[sflag:s24] =	ssyncadd.s32 $0xFFFFFB00  }
0x199: {  	_ =	swait.ge [sflag:s24], $0x500  }
0x19a: {  	[sflag:s24] =	ssyncset.done $0x0  }
0x19b: {  	[sflag:s24] =	ssyncadd.s32 $0xFFFFFB00  }
0x19c: {  	_ =	swait.ge [sflag:s24], $0x500  }
0x19d: {  	[sflag:s24] =	ssyncset.done $0x0  }
0x19e: {  	[sflag:s24] =	ssyncadd.s32 $0xFFFFFB00  }
0x19f: {  	_ =	swait.ge [sflag:s24], $0x500  }
0x1a0: {  	[sflag:s24] =	ssyncset.done $0x0  }
0x1a1: {  	[sflag:s24] =	ssyncadd.s32 $0xFFFFFB00  }
0x1a2: {  	_ =	swait.ge [sflag:s24], $0x500  }
0x1a3: {  	[sflag:s24] =	ssyncset.done $0x0  }
0x1a4: {  	[sflag:s24] =	ssyncadd.s32 $0xFFFFFB00  }
0x1a5: {  	_ =	swait.ge [sflag:s24], $0x500  }
0x1a6: {  	[sflag:s24] =	ssyncset.done $0x0  }
0x1a7: {  	[sflag:s24] =	ssyncadd.s32 $0xFFFFFB00  }
0x1a8: {  	_ =	swait.ge [sflag:s24], $0x500  }
0x1a9: {  	[sflag:s24] =	ssyncset.done $0x0  }
0x1aa: {  	[sflag:s24] =	ssyncadd.s32 $0xFFFFFB00  }
0x1ab: {  	s3 =	simm.s32 $0x0;
	[bflag:$0x0] =	sbarrier.arrive $0xFFFF  }
0x1ac: {  	v2 =	vld [tilespmem:s3+$0x13C40]  }
0x1ad: {  	v3 =	vld [tilespmem:s3+$0x15040];
	_ =	sdelay $0x1  }
0x1ae: {  	v4 =	vld [tilespmem:s3+$0x15540];
	_ =	sdelay $0x1  }
0x1af: {  	v5 =	vld [tilespmem:s3+$0x15A40]  }
0x1b0: {  	v2 =	vadd.f32 v3, v2  }
0x1b1: {  	v3 =	vld [tilespmem:s3+$0x15F40]  }
0x1b2: {  	v2 =	vadd.f32 v4, v2  }
0x1b3: {  	v4 =	vld [tilespmem:s3+$0x16440]  }
0x1b4: {  	v2 =	vadd.f32 v5, v2  }
0x1b5: {  	v5 =	vld [tilespmem:s3+$0x16940]  }
0x1b6: {  	v2 =	vadd.f32 v3, v2  }
0x1b7: {  	v3 =	vld [tilespmem:s3+$0x16E40]  }
0x1b8: {  	v2 =	vadd.f32 v4, v2  }
0x1b9: {  	s4 =	simm.s32 $0x10;
	v4 =	vld [tilespmem:s3+$0x17340]  }
0x1ba: {  	v6 =	vld [tilespmem:s4+$0x13C40];
	v2 =	vadd.f32 v5, v2  }
0x1bb: {  	v5 =	vld [tilespmem:s3+$0x17840]  }
0x1bc: {  	v7 =	vld [tilespmem:s4+$0x15040];
	v2 =	vadd.f32 v3, v2  }
0x1bd: {  	v3 =	vld [tilespmem:s3+$0x17D40]  }
0x1be: {  	v8 =	vld [tilespmem:s4+$0x15540];
	v2 =	vadd.f32 v4, v2  }
0x1bf: {  	v4 =	vld [tilespmem:s3+$0x18240]  }
0x1c0: {  	v9 =	vld [tilespmem:s4+$0x15A40];
	v2 =	vadd.f32 v5, v2  }
0x1c1: {  	v6 =	vadd.f32 v7, v6;
	v5 =	vld [tilespmem:s3+$0x18740]  }
0x1c2: {  	v7 =	vld [tilespmem:s4+$0x15F40];
	v2 =	vadd.f32 v3, v2  }
0x1c3: {  	v6 =	vadd.f32 v8, v6;
	v3 =	vld [tilespmem:s3+$0x18C40]  }
0x1c4: {  	v8 =	vld [tilespmem:s4+$0x16440];
	v2 =	vadd.f32 v4, v2  }
0x1c5: {  	v10 =	vld [tilespmem:s3+$0x19140];
	v4 =	vadd.f32 v9, v6  }
0x1c6: {  	v9 =	vld [tilespmem:s4+$0x16940];
	v2 =	vadd.f32 v5, v2  }
0x1c7: {  	v11 =	vld [tilespmem:s3+$0x19640];
	v5 =	vadd.f32 v7, v4  }
0x1c8: {  	v4 =	vld [tilespmem:s4+$0x16E40];
	v2 =	vadd.f32 v3, v2  }
0x1c9: {  	v6 =	vld [tilespmem:s3+$0x19B40];
	v3 =	vadd.f32 v8, v5  }
0x1ca: {  	v5 =	vld [tilespmem:s4+$0x17340];
	v8 =	vadd.f32 v10, v2  }
0x1cb: {  	s28 =	simm.s32 $0x20;
	s30 =	simm.s32 $0x10;
	v2 =	vld [tilespmem:s4+$0x17840];
	v7 =	vadd.f32 v9, v3  }
0x1cc: {  	s2 =	simm.s32 $0xC0;
	s5 =	simm.s32 $0x80;
	s25 =	simm.s32 $0x0;
	v3 =	vld [tilespmem:s28+$0x13C40];
	v8 =	vadd.f32 v11, v8  }
.LBB2_12:
0x1cd: {  	p0 =	sne.s32 s2, $0x13C0;
	v9 =	vld [tilespmem:s28+$0x15040];
	v4 =	vadd.f32 v4, v7  }
0x1ce: {  	v7 =	vld [tilespmem:s30+$0x17D40];
	v6 =	vadd.f32 v6, v8  }
0x1cf: {  	v8 =	vld [tilespmem:s28+$0x15540];
	v4 =	vadd.f32 v5, v4  }
0x1d0: {  	v5 =	vld [tilespmem:s30+$0x18240];
	[tilespmem:s25+$0x14B40] =	vst v6;
	s25 =	smov.u32 s30;
	s30 =	smov.u32 s28  }
0x1d1: {  	v6 =	vld [tilespmem:s30+$0x15A40];
	v2 =	vadd.f32 v2, v4  }
0x1d2: {  	v3 =	vadd.f32 v9, v3;
	v4 =	vld [tilespmem:s25+$0x18740]  }
0x1d3: {  	v9 =	vld [tilespmem:s30+$0x15F40];
	v2 =	vadd.f32 v7, v2  }
0x1d4: {  	v3 =	vadd.f32 v8, v3;
	v7 =	vld [tilespmem:s25+$0x18C40]  }
0x1d5: {  	v8 =	vld [tilespmem:s30+$0x16440];
	v2 =	vadd.f32 v5, v2  }
0x1d6: {  	v3 =	vadd.f32 v6, v3;
	v10 =	vld [tilespmem:s25+$0x19140]  }
0x1d7: {  	v11 =	vld [tilespmem:s30+$0x16940];
	v2 =	vadd.f32 v4, v2  }
0x1d8: {  	v3 =	vadd.f32 v9, v3;
	v9 =	vld [tilespmem:s25+$0x19640]  }
.Ltmp5:
0x1d9: {  	v4 =	vld [tilespmem:s30+$0x16E40];
	v2 =	vadd.f32 v7, v2;
	(pc) =	sbr.rel @p0 .LBB2_12-.Ltmp5, $4  }
0x1da: {  	v3 =	vadd.f32 v8, v3;
	v6 =	vld [tilespmem:s25+$0x19B40]  }
0x1db: {  	v5 =	vld [tilespmem:s30+$0x17340];
	v8 =	vadd.f32 v10, v2  }
0x1dc: {  	s28 =	sshra.s32 s2, $0x2;
	v7 =	vadd.f32 v11, v3;
	v2 =	vld [tilespmem:s30+$0x17840]  }
0x1dd: {  	s2 =	sadd.s32 $0x40, s2;
	v3 =	vld [tilespmem:s28+$0x13C40];
	v8 =	vadd.f32 v9, v8  }
0x1de: {  	v9 =	vld [tilespmem:s28+$0x15040]  }
0x1df: {  	v10 =	vld [tilespmem:s30+$0x17D40];
	v4 =	vadd.f32 v4, v7;
	v6 =	vadd.f32 v6, v8  }
0x1e0: {  	v55 =	vld [tilespmem:s28+$0x15540]  }
0x1e1: {  	v56 =	vld [tilespmem:s30+$0x18240];
	v4 =	vadd.f32 v5, v4;
	[tilespmem:s25+$0x14B40] =	vst v6  }
0x1e2: {  	v5 =	vld [tilespmem:s28+$0x15A40]  }
0x1e3: {  	v2 =	vadd.f32 v2, v4;
	v4 =	vld [tilespmem:s30+$0x18740];
	v3 =	vadd.f32 v9, v3  }
0x1e4: {  	v6 =	vld [tilespmem:s28+$0x15F40]  }
0x1e5: {  	v57 =	vld [tilespmem:s30+$0x18C40];
	v2 =	vadd.f32 v10, v2;
	v3 =	vadd.f32 v55, v3  }
0x1e6: {  	v58 =	vld [tilespmem:s28+$0x16440]  }
0x1e7: {  	v59 =	vld [tilespmem:s28+$0x16940];
	v2 =	vadd.f32 v56, v2;
	v3 =	vadd.f32 v5, v3  }
0x1e8: {  	v5 =	vld [tilespmem:s30+$0x19140]  }
0x1e9: {  	v60 =	vld [tilespmem:s28+$0x16E40];
	v2 =	vadd.f32 v4, v2;
	v3 =	vadd.f32 v6, v3  }
0x1ea: {  	v4 =	vld [tilespmem:s30+$0x19640]  }
0x1eb: {  	v61 =	vld [tilespmem:s30+$0x19B40];
	v2 =	vadd.f32 v57, v2;
	v3 =	vadd.f32 v58, v3  }
0x1ec: {  	v62 =	vld [tilespmem:s28+$0x17340]  }
0x1ed: {  	v2 =	vadd.f32 v5, v2;
	v3 =	vadd.f32 v59, v3  }
0x1ee: {  	v5 =	vld [tilespmem:s28+$0x17840]  }
0x1ef: {  	v2 =	vadd.f32 v4, v2;
	v3 =	vadd.f32 v60, v3  }
0x1f0: {  	v4 =	vld [tilespmem:s28+$0x17D40]  }
0x1f1: {  	v2 =	vadd.f32 v61, v2;
	v3 =	vadd.f32 v62, v3  }
0x1f2: {  	v63 =	vld [tilespmem:s28+$0x18240]  }
0x1f3: {  	[tilespmem:s30+$0x14B40] =	vst v2;
	v2 =	vadd.f32 v5, v3  }
0x1f4: {  	v3 =	vld [tilespmem:s28+$0x18740]  }
0x1f5: {  	v2 =	vadd.f32 v4, v2  }
0x1f6: {  	v4 =	vld [tilespmem:s28+$0x18C40]  }
0x1f7: {  	v2 =	vadd.f32 v63, v2  }
0x1f8: {  	v5 =	vld [tilespmem:s28+$0x19140]  }
0x1f9: {  	v2 =	vadd.f32 v3, v2  }
0x1fa: {  	v3 =	vld [tilespmem:s28+$0x19640]  }
0x1fb: {  	v2 =	vadd.f32 v4, v2  }
0x1fc: {  	v4 =	vld [tilespmem:s28+$0x19B40]  }
0x1fd: {  	v2 =	vadd.f32 v5, v2;
	_ =	sdelay $0x1  }
0x1fe: {  	v2 =	vadd.f32 v3, v2;
	_ =	sdelay $0x1  }
0x1ff: {  	v2 =	vadd.f32 v4, v2;
	_ =	sdelay $0x1  }
0x200: {  	[tilespmem:s28+$0x14B40] =	vst v2  }
0x201: {  	v2 =	vld [tilespmem:s3+$0x14640]  }
0x202: {  	v3 =	vld [tilespmem:s3+$0x14B40];
	_ =	sdelay $0x4  }
0x203: {  	v3 =	vmul.f32 v2, v3;
	_ =	sdelay $0x1  }
0x204: {  	v2 =	vld [tilespmem:s4+$0x14640];
	[tilespmem:s3+$0x14B40] =	vst v3  }
.LBB2_14:
0x205: {  	p0 =	sne.s32 s5, $0x13C0;
	v4 =	vld [tilespmem:s4+$0x14B40];
	[tilespmem:s3+$0x13C40] =	vst v3;
	s3 =	smov.u32 s4;
	_ =	sdelay $0x2  }
.Ltmp6:
0x206: {  	(pc) =	sbr.rel @p0 .LBB2_14-.Ltmp6, $4  }
0x207: {  	_ = 	snop  }
0x208: {  	v3 =	vmul.f32 v2, v4  }
0x209: {  	s4 =	sshra.s32 s5, $0x2  }
0x20a: {  	s5 =	sadd.s32 $0x40, s5;
	v2 =	vld [tilespmem:s4+$0x14640];
	[tilespmem:s3+$0x14B40] =	vst v3  }
0x20b: {  	v4 =	vld [tilespmem:s4+$0x14B40];
	_ =	sdelay $0x4  }
0x20c: {  	v2 =	vmul.f32 v2, v4  }
0x20d: {  	[tilespmem:s3+$0x13C40] =	vst v3  }
0x20e: {  	[tilespmem:s4+$0x14B40] =	vst v2  }
0x20f: {  	s3 =	simm.s32 $0x0;
	s30 =	simm.s32 $0x14B40;
	[tilespmem:s4+$0x13C40] =	vst v2  }
0x210: {  	[hbm4b:s21+s3] =	stream.linear.scatter [tilespmem:s30], [sflag:$0x3], $0x500, $0x38;
	[tilespmem:$0x1F040] =	vst v63  }
0x211: {  	_ =	swait.ge [sflag:s29], $0x500  }
0x212: {  	[sflag:s29] =	ssyncset.done $0x0  }
0x213: {  	[sflag:s29] =	ssyncadd.s32 $0xFFFFFB00  }
0x214: {  	[bflag:$0x0] =	sbarrier.arrive $0xFFFF  }
0x215: {  	[tilespmem:s0], [sflag:$0x3] =	stream.linear.gather [hbm4b:s22+s3], $0x5000, $0x38;
	[tilespmem:$0x1F040] =	vst v63  }
0x216: {  	_ =	swait.ge [sflag:s29], $0x5000  }
0x217: {  	[sflag:s29] =	ssyncset.done $0x0  }
0x218: {  	s2 =	simm.s32 $0x0;
	s4 =	simm.s32 $0x140;
	[sflag:s29] =	ssyncadd.s32 $0xFFFFB000  }
.LBB2_16:
0x219: {  	p0 =	sne.s32 s4, $0x13EC0;
	[tilespmem:s2+$0xEC80] =	vst v0;
	s5 =	smov.u32 s4;
	s4 =	sadd.s32 $0x140, s4  }
.Ltmp7:
0x21a: {  	[tilespmem:s2+$0xEC70] =	vst v0;
	(pc) =	sbr.rel @p0 .LBB2_16-.Ltmp7, $4  }
0x21b: {  	[tilespmem:s2+$0xEC60] =	vst v0  }
0x21c: {  	[tilespmem:s2+$0xEC40] =	vst v0  }
0x21d: {  	[tilespmem:s2+$0xEC50] =	vst v0  }
0x21e: {  	s2 =	sshra.s32 s5, $0x2  }
0x21f: {  	[tilespmem:s2+$0xEC80] =	vst v0  }
0x220: {  	[tilespmem:s2+$0xEC70] =	vst v0  }
0x221: {  	[tilespmem:s2+$0xEC60] =	vst v0  }
0x222: {  	[tilespmem:s2+$0xEC40] =	vst v0  }
0x223: {  	[tilespmem:s2+$0xEC50] =	vst v0  }
.LBB2_18:
0x224: {  	s2 =	sshra.s32 s3, $0x2  }
0x225: {  	v2 =	vld [tilespmem:s2+$0x0];
	_ =	sdelay $0x4  }
0x226: {  	v3 =	vld [tilespmem:s2+$0x4E20];
	_ =	sdelay $0x2  }
0x227: {  	v4 =	vld.idx.msk [tilespmem:v2+s0+$0x0], $0xffff  }
0x228: {  	v2 =	vadd.s32 $0x1, v2;
	_ =	sdelay $0x3  }
0x229: {  	[tilespmem:v3+s31+$0x0] =	vst.idx.add.f32.msk $0xffff, v4  }
0x22a: {  	v3 =	vadd.s32 $0x1, v3;
	v2 =	vld.idx.msk [tilespmem:v2+s0+$0x0], $0xffff;
	_ =	sdelay $0x4  }
0x22b: {  	[tilespmem:v3+s31+$0x0] =	vst.idx.add.f32.msk $0xffff, v2  }
0x22c: {  	v2 =	vld [tilespmem:s2+$0x10];
	_ =	sdelay $0x4  }
0x22d: {  	v3 =	vld [tilespmem:s2+$0x4E30];
	_ =	sdelay $0x2  }
0x22e: {  	v4 =	vld.idx.msk [tilespmem:v2+s0+$0x0], $0xffff  }
0x22f: {  	v2 =	vadd.s32 $0x1, v2;
	_ =	sdelay $0x3  }
0x230: {  	[tilespmem:v3+s31+$0x0] =	vst.idx.add.f32.msk $0xffff, v4  }
0x231: {  	v3 =	vadd.s32 $0x1, v3;
	v2 =	vld.idx.msk [tilespmem:v2+s0+$0x0], $0xffff;
	_ =	sdelay $0x4  }
0x232: {  	[tilespmem:v3+s31+$0x0] =	vst.idx.add.f32.msk $0xffff, v2  }
0x233: {  	v2 =	vld [tilespmem:s2+$0x20];
	_ =	sdelay $0x4  }
0x234: {  	v3 =	vld [tilespmem:s2+$0x4E40];
	_ =	sdelay $0x2  }
0x235: {  	v4 =	vld.idx.msk [tilespmem:v2+s0+$0x0], $0xffff  }
0x236: {  	v2 =	vadd.s32 $0x1, v2;
	_ =	sdelay $0x3  }
0x237: {  	[tilespmem:v3+s31+$0x0] =	vst.idx.add.f32.msk $0xffff, v4  }
0x238: {  	v3 =	vadd.s32 $0x1, v3;
	v2 =	vld.idx.msk [tilespmem:v2+s0+$0x0], $0xffff;
	_ =	sdelay $0x4  }
0x239: {  	[tilespmem:v3+s31+$0x0] =	vst.idx.add.f32.msk $0xffff, v2  }
0x23a: {  	v2 =	vld [tilespmem:s2+$0x30];
	_ =	sdelay $0x4  }
0x23b: {  	v3 =	vld [tilespmem:s2+$0x4E50];
	_ =	sdelay $0x2  }
0x23c: {  	v4 =	vld.idx.msk [tilespmem:v2+s0+$0x0], $0xffff  }
0x23d: {  	v2 =	vadd.s32 $0x1, v2;
	_ =	sdelay $0x3  }
0x23e: {  	[tilespmem:v3+s31+$0x0] =	vst.idx.add.f32.msk $0xffff, v4  }
0x23f: {  	v3 =	vadd.s32 $0x1, v3;
	v2 =	vld.idx.msk [tilespmem:v2+s0+$0x0], $0xffff;
	_ =	sdelay $0x4  }
0x240: {  	[tilespmem:v3+s31+$0x0] =	vst.idx.add.f32.msk $0xffff, v2  }
0x241: {  	v2 =	vld [tilespmem:s2+$0x40];
	_ =	sdelay $0x4  }
0x242: {  	v3 =	vld [tilespmem:s2+$0x4E60];
	_ =	sdelay $0x2  }
0x243: {  	v4 =	vld.idx.msk [tilespmem:v2+s0+$0x0], $0xffff  }
0x244: {  	v2 =	vadd.s32 $0x1, v2;
	_ =	sdelay $0x3  }
0x245: {  	[tilespmem:v3+s31+$0x0] =	vst.idx.add.f32.msk $0xffff, v4  }
0x246: {  	p0 =	sne.s32 s3, $0x13740;
	v3 =	vadd.s32 $0x1, v3;
	v2 =	vld.idx.msk [tilespmem:v2+s0+$0x0], $0xffff  }
.Ltmp8:
0x247: {  	_ = 	snop;
	(pc) =	sbr.rel @p0 .LBB2_18-.Ltmp8, $2  }
0x248: {  	_ =	sdelay $0x2  }
0x249: {  	s3 =	sadd.s32 $0x140, s3;
	[tilespmem:v3+s31+$0x0] =	vst.idx.add.f32.msk $0xffff, v2  }
0x24a: {  	[spmem:s6] =	stream.linear.scatter [tilespmem:s31], [sflag:$0x3], $0x5000, $0x38;
	[tilespmem:$0x1F040] =	vst v63  }
0x24b: {  	_ =	swait.ge [sflag:s29], $0x5000  }
0x24c: {  	[sflag:s29] =	ssyncset.done $0x0  }
0x24d: {  	[sflag:s29] =	ssyncadd.s32 $0xFFFFB000  }
0x24e: {  	s2 =	simm.s32 $0x15040;
	[bflag:$0x0] =	sbarrier.arrive $0xFFFF  }
0x24f: {  	[tilespmem:s2], [sflag:$0x2] =	stream.linear.gather [spmem:s7], $0x500, $0x38;
	[tilespmem:$0x1F040] =	vst v63  }
0x250: {  	s4 =	simm.s32 $0x15540  }
0x251: {  	[tilespmem:s4], [sflag:$0x2] =	stream.linear.gather [spmem:s8], $0x500, $0x38;
	[tilespmem:$0x1F040] =	vst v63  }
0x252: {  	s5 =	simm.s32 $0x15A40  }
0x253: {  	[tilespmem:s5], [sflag:$0x2] =	stream.linear.gather [spmem:s9], $0x500, $0x38;
	[tilespmem:$0x1F040] =	vst v63  }
0x254: {  	s25 =	simm.s32 $0x15F40  }
0x255: {  	[tilespmem:s25], [sflag:$0x2] =	stream.linear.gather [spmem:s10], $0x500, $0x38;
	[tilespmem:$0x1F040] =	vst v63  }
0x256: {  	s3 =	simm.s32 $0x16440  }
0x257: {  	[tilespmem:s3], [sflag:$0x2] =	stream.linear.gather [spmem:s11], $0x500, $0x38;
	[tilespmem:$0x1F040] =	vst v63  }
0x258: {  	s4 =	simm.s32 $0x16940  }
0x259: {  	[tilespmem:s4], [sflag:$0x2] =	stream.linear.gather [spmem:s12], $0x500, $0x38;
	[tilespmem:$0x1F040] =	vst v63  }
0x25a: {  	s5 =	simm.s32 $0x16E40  }
0x25b: {  	[tilespmem:s5], [sflag:$0x2] =	stream.linear.gather [spmem:s13], $0x500, $0x38;
	[tilespmem:$0x1F040] =	vst v63  }
0x25c: {  	s25 =	simm.s32 $0x17340  }
0x25d: {  	[tilespmem:s25], [sflag:$0x2] =	stream.linear.gather [spmem:s14], $0x500, $0x38;
	[tilespmem:$0x1F040] =	vst v63  }
0x25e: {  	s3 =	simm.s32 $0x17840  }
0x25f: {  	[tilespmem:s3], [sflag:$0x2] =	stream.linear.gather [spmem:s15], $0x500, $0x38;
	[tilespmem:$0x1F040] =	vst v63  }
0x260: {  	s4 =	simm.s32 $0x17D40  }
0x261: {  	[tilespmem:s4], [sflag:$0x2] =	stream.linear.gather [spmem:s16], $0x500, $0x38;
	[tilespmem:$0x1F040] =	vst v63  }
0x262: {  	s5 =	simm.s32 $0x18240  }
0x263: {  	[tilespmem:s5], [sflag:$0x2] =	stream.linear.gather [spmem:s17], $0x500, $0x38;
	[tilespmem:$0x1F040] =	vst v63  }
0x264: {  	s25 =	simm.s32 $0x18740  }
0x265: {  	[tilespmem:s25], [sflag:$0x2] =	stream.linear.gather [spmem:s18], $0x500, $0x38;
	[tilespmem:$0x1F040] =	vst v63  }
0x266: {  	s3 =	simm.s32 $0x18C40  }
0x267: {  	[tilespmem:s3], [sflag:$0x2] =	stream.linear.gather [spmem:s19], $0x500, $0x38;
	[tilespmem:$0x1F040] =	vst v63  }
0x268: {  	s4 =	simm.s32 $0x19140  }
0x269: {  	[tilespmem:s4], [sflag:$0x2] =	stream.linear.gather [spmem:s20], $0x500, $0x38;
	[tilespmem:$0x1F040] =	vst v63  }
0x26a: {  	s5 =	simm.s32 $0x19640  }
0x26b: {  	[tilespmem:s5], [sflag:$0x2] =	stream.linear.gather [spmem:s23], $0x500, $0x38;
	[tilespmem:$0x1F040] =	vst v63  }
0x26c: {  	s25 =	simm.s32 $0x19B40  }
0x26d: {  	[tilespmem:s25], [sflag:$0x2] =	stream.linear.gather [spmem:s26], $0x500, $0x38;
	[tilespmem:$0x1F040] =	vst v63  }
0x26e: {  	_ =	swait.ge [sflag:s24], $0x500  }
0x26f: {  	[sflag:s24] =	ssyncset.done $0x0  }
0x270: {  	[sflag:s24] =	ssyncadd.s32 $0xFFFFFB00  }
0x271: {  	_ =	swait.ge [sflag:s24], $0x500  }
0x272: {  	[sflag:s24] =	ssyncset.done $0x0  }
0x273: {  	[sflag:s24] =	ssyncadd.s32 $0xFFFFFB00  }
0x274: {  	_ =	swait.ge [sflag:s24], $0x500  }
0x275: {  	[sflag:s24] =	ssyncset.done $0x0  }
0x276: {  	[sflag:s24] =	ssyncadd.s32 $0xFFFFFB00  }
0x277: {  	_ =	swait.ge [sflag:s24], $0x500  }
0x278: {  	[sflag:s24] =	ssyncset.done $0x0  }
0x279: {  	[sflag:s24] =	ssyncadd.s32 $0xFFFFFB00  }
0x27a: {  	_ =	swait.ge [sflag:s24], $0x500  }
0x27b: {  	[sflag:s24] =	ssyncset.done $0x0  }
0x27c: {  	[sflag:s24] =	ssyncadd.s32 $0xFFFFFB00  }
0x27d: {  	_ =	swait.ge [sflag:s24], $0x500  }
0x27e: {  	[sflag:s24] =	ssyncset.done $0x0  }
0x27f: {  	[sflag:s24] =	ssyncadd.s32 $0xFFFFFB00  }
0x280: {  	_ =	swait.ge [sflag:s24], $0x500  }
0x281: {  	[sflag:s24] =	ssyncset.done $0x0  }
0x282: {  	[sflag:s24] =	ssyncadd.s32 $0xFFFFFB00  }
0x283: {  	_ =	swait.ge [sflag:s24], $0x500  }
0x284: {  	[sflag:s24] =	ssyncset.done $0x0  }
0x285: {  	[sflag:s24] =	ssyncadd.s32 $0xFFFFFB00  }
0x286: {  	_ =	swait.ge [sflag:s24], $0x500  }
0x287: {  	[sflag:s24] =	ssyncset.done $0x0  }
0x288: {  	[sflag:s24] =	ssyncadd.s32 $0xFFFFFB00  }
0x289: {  	_ =	swait.ge [sflag:s24], $0x500  }
0x28a: {  	[sflag:s24] =	ssyncset.done $0x0  }
0x28b: {  	[sflag:s24] =	ssyncadd.s32 $0xFFFFFB00  }
0x28c: {  	_ =	swait.ge [sflag:s24], $0x500  }
0x28d: {  	[sflag:s24] =	ssyncset.done $0x0  }
0x28e: {  	[sflag:s24] =	ssyncadd.s32 $0xFFFFFB00  }
0x28f: {  	_ =	swait.ge [sflag:s24], $0x500  }
0x290: {  	[sflag:s24] =	ssyncset.done $0x0  }
0x291: {  	[sflag:s24] =	ssyncadd.s32 $0xFFFFFB00  }
0x292: {  	_ =	swait.ge [sflag:s24], $0x500  }
0x293: {  	[sflag:s24] =	ssyncset.done $0x0  }
0x294: {  	[sflag:s24] =	ssyncadd.s32 $0xFFFFFB00  }
0x295: {  	_ =	swait.ge [sflag:s24], $0x500  }
0x296: {  	[sflag:s24] =	ssyncset.done $0x0  }
0x297: {  	[sflag:s24] =	ssyncadd.s32 $0xFFFFFB00  }
0x298: {  	_ =	swait.ge [sflag:s24], $0x500  }
0x299: {  	[sflag:s24] =	ssyncset.done $0x0  }
0x29a: {  	[sflag:s24] =	ssyncadd.s32 $0xFFFFFB00  }
0x29b: {  	_ =	swait.ge [sflag:s24], $0x500  }
0x29c: {  	[sflag:s24] =	ssyncset.done $0x0  }
0x29d: {  	[sflag:s24] =	ssyncadd.s32 $0xFFFFFB00  }
0x29e: {  	s3 =	simm.s32 $0x0;
	[bflag:$0x0] =	sbarrier.arrive $0xFFFF  }
0x29f: {  	v2 =	vld [tilespmem:s3+$0x13C40]  }
0x2a0: {  	v3 =	vld [tilespmem:s3+$0x15040];
	_ =	sdelay $0x1  }
0x2a1: {  	v4 =	vld [tilespmem:s3+$0x15540];
	_ =	sdelay $0x1  }
0x2a2: {  	v5 =	vld [tilespmem:s3+$0x15A40]  }
0x2a3: {  	v2 =	vadd.f32 v3, v2  }
0x2a4: {  	v3 =	vld [tilespmem:s3+$0x15F40]  }
0x2a5: {  	v2 =	vadd.f32 v4, v2  }
0x2a6: {  	v4 =	vld [tilespmem:s3+$0x16440]  }
0x2a7: {  	v2 =	vadd.f32 v5, v2  }
0x2a8: {  	v5 =	vld [tilespmem:s3+$0x16940]  }
0x2a9: {  	v2 =	vadd.f32 v3, v2  }
0x2aa: {  	v3 =	vld [tilespmem:s3+$0x16E40]  }
0x2ab: {  	v2 =	vadd.f32 v4, v2  }
0x2ac: {  	s5 =	simm.s32 $0x10;
	v4 =	vld [tilespmem:s3+$0x17340]  }
0x2ad: {  	v6 =	vld [tilespmem:s5+$0x13C40];
	v2 =	vadd.f32 v5, v2  }
0x2ae: {  	v5 =	vld [tilespmem:s3+$0x17840]  }
0x2af: {  	v7 =	vld [tilespmem:s5+$0x15040];
	v2 =	vadd.f32 v3, v2  }
0x2b0: {  	v3 =	vld [tilespmem:s3+$0x17D40]  }
0x2b1: {  	v8 =	vld [tilespmem:s5+$0x15540];
	v2 =	vadd.f32 v4, v2  }
0x2b2: {  	v4 =	vld [tilespmem:s3+$0x18240]  }
0x2b3: {  	v9 =	vld [tilespmem:s5+$0x15A40];
	v2 =	vadd.f32 v5, v2  }
0x2b4: {  	v6 =	vadd.f32 v7, v6;
	v5 =	vld [tilespmem:s3+$0x18740]  }
0x2b5: {  	v7 =	vld [tilespmem:s5+$0x15F40];
	v2 =	vadd.f32 v3, v2  }
0x2b6: {  	v6 =	vadd.f32 v8, v6;
	v3 =	vld [tilespmem:s3+$0x18C40]  }
0x2b7: {  	v8 =	vld [tilespmem:s5+$0x16440];
	v2 =	vadd.f32 v4, v2  }
0x2b8: {  	v10 =	vld [tilespmem:s3+$0x19140];
	v4 =	vadd.f32 v9, v6  }
0x2b9: {  	v9 =	vld [tilespmem:s5+$0x16940];
	v2 =	vadd.f32 v5, v2  }
0x2ba: {  	v11 =	vld [tilespmem:s3+$0x19640];
	v5 =	vadd.f32 v7, v4  }
0x2bb: {  	v4 =	vld [tilespmem:s5+$0x16E40];
	v2 =	vadd.f32 v3, v2  }
0x2bc: {  	v6 =	vld [tilespmem:s3+$0x19B40];
	v3 =	vadd.f32 v8, v5  }
0x2bd: {  	v5 =	vld [tilespmem:s5+$0x17340];
	v8 =	vadd.f32 v10, v2  }
0x2be: {  	s28 =	simm.s32 $0x20;
	v2 =	vld [tilespmem:s5+$0x17840];
	v7 =	vadd.f32 v9, v3  }
0x2bf: {  	s2 =	simm.s32 $0xC0;
	s4 =	simm.s32 $0x40;
	s25 =	simm.s32 $0x0;
	v3 =	vld [tilespmem:s28+$0x13C40];
	v8 =	vadd.f32 v11, v8  }
.LBB2_20:
0x2c0: {  	p0 =	sne.s32 s2, $0x13C0;
	v9 =	vld [tilespmem:s28+$0x15040];
	v4 =	vadd.f32 v4, v7  }
0x2c1: {  	v7 =	vld [tilespmem:s5+$0x17D40];
	v6 =	vadd.f32 v6, v8  }
0x2c2: {  	v8 =	vld [tilespmem:s28+$0x15540];
	v4 =	vadd.f32 v5, v4  }
0x2c3: {  	v5 =	vld [tilespmem:s5+$0x18240];
	[tilespmem:s25+$0x14B40] =	vst v6;
	s25 =	smov.u32 s5;
	s5 =	smov.u32 s28  }
0x2c4: {  	v6 =	vld [tilespmem:s5+$0x15A40];
	v2 =	vadd.f32 v2, v4  }
0x2c5: {  	v3 =	vadd.f32 v9, v3;
	v4 =	vld [tilespmem:s25+$0x18740]  }
0x2c6: {  	v9 =	vld [tilespmem:s5+$0x15F40];
	v2 =	vadd.f32 v7, v2  }
0x2c7: {  	v3 =	vadd.f32 v8, v3;
	v7 =	vld [tilespmem:s25+$0x18C40]  }
0x2c8: {  	v8 =	vld [tilespmem:s5+$0x16440];
	v2 =	vadd.f32 v5, v2  }
0x2c9: {  	v3 =	vadd.f32 v6, v3;
	v10 =	vld [tilespmem:s25+$0x19140]  }
0x2ca: {  	v11 =	vld [tilespmem:s5+$0x16940];
	v2 =	vadd.f32 v4, v2  }
0x2cb: {  	v3 =	vadd.f32 v9, v3;
	v9 =	vld [tilespmem:s25+$0x19640]  }
.Ltmp9:
0x2cc: {  	v4 =	vld [tilespmem:s5+$0x16E40];
	v2 =	vadd.f32 v7, v2;
	(pc) =	sbr.rel @p0 .LBB2_20-.Ltmp9, $4  }
0x2cd: {  	v3 =	vadd.f32 v8, v3;
	v6 =	vld [tilespmem:s25+$0x19B40]  }
0x2ce: {  	v5 =	vld [tilespmem:s5+$0x17340];
	v8 =	vadd.f32 v10, v2  }
0x2cf: {  	s28 =	sshra.s32 s2, $0x2;
	v7 =	vadd.f32 v11, v3;
	v2 =	vld [tilespmem:s5+$0x17840]  }
0x2d0: {  	s2 =	sadd.s32 $0x40, s2;
	v3 =	vld [tilespmem:s28+$0x13C40];
	v8 =	vadd.f32 v9, v8  }
0x2d1: {  	v9 =	vld [tilespmem:s28+$0x15040]  }
0x2d2: {  	v10 =	vld [tilespmem:s5+$0x17D40];
	v4 =	vadd.f32 v4, v7;
	v6 =	vadd.f32 v6, v8  }
0x2d3: {  	v46 =	vld [tilespmem:s28+$0x15540]  }
0x2d4: {  	v47 =	vld [tilespmem:s5+$0x18240];
	v4 =	vadd.f32 v5, v4;
	[tilespmem:s25+$0x14B40] =	vst v6  }
0x2d5: {  	v48 =	vld [tilespmem:s28+$0x15A40]  }
0x2d6: {  	v2 =	vadd.f32 v2, v4;
	v49 =	vld [tilespmem:s5+$0x18740];
	v3 =	vadd.f32 v9, v3  }
0x2d7: {  	v6 =	vld [tilespmem:s28+$0x15F40]  }
0x2d8: {  	v50 =	vld [tilespmem:s5+$0x18C40];
	v2 =	vadd.f32 v10, v2;
	v3 =	vadd.f32 v46, v3  }
0x2d9: {  	v51 =	vld [tilespmem:s28+$0x16440]  }
0x2da: {  	v52 =	vld [tilespmem:s5+$0x19140];
	v2 =	vadd.f32 v47, v2;
	v3 =	vadd.f32 v48, v3  }
0x2db: {  	v53 =	vld [tilespmem:s28+$0x16940]  }
0x2dc: {  	v54 =	vld [tilespmem:s5+$0x19640];
	v2 =	vadd.f32 v49, v2;
	v3 =	vadd.f32 v6, v3  }
0x2dd: {  	v55 =	vld [tilespmem:s28+$0x16E40]  }
0x2de: {  	v56 =	vld [tilespmem:s5+$0x19B40];
	v2 =	vadd.f32 v50, v2;
	v3 =	vadd.f32 v51, v3  }
0x2df: {  	v57 =	vld [tilespmem:s28+$0x17340]  }
0x2e0: {  	v2 =	vadd.f32 v52, v2;
	v3 =	vadd.f32 v53, v3  }
0x2e1: {  	v58 =	vld [tilespmem:s28+$0x17840]  }
0x2e2: {  	v2 =	vadd.f32 v54, v2;
	v3 =	vadd.f32 v55, v3  }
0x2e3: {  	v59 =	vld [tilespmem:s28+$0x17D40]  }
0x2e4: {  	v2 =	vadd.f32 v56, v2;
	v3 =	vadd.f32 v57, v3  }
0x2e5: {  	v60 =	vld [tilespmem:s28+$0x18240]  }
0x2e6: {  	[tilespmem:s5+$0x14B40] =	vst v2;
	v2 =	vadd.f32 v58, v3  }
0x2e7: {  	v3 =	vld [tilespmem:s28+$0x18740]  }
0x2e8: {  	v2 =	vadd.f32 v59, v2  }
0x2e9: {  	v61 =	vld [tilespmem:s28+$0x18C40]  }
0x2ea: {  	v2 =	vadd.f32 v60, v2  }
0x2eb: {  	v62 =	vld [tilespmem:s28+$0x19140]  }
0x2ec: {  	v2 =	vadd.f32 v3, v2  }
0x2ed: {  	v3 =	vld [tilespmem:s28+$0x19640]  }
0x2ee: {  	v2 =	vadd.f32 v61, v2  }
0x2ef: {  	v63 =	vld [tilespmem:s28+$0x19B40]  }
0x2f0: {  	v2 =	vadd.f32 v62, v2;
	_ =	sdelay $0x1  }
0x2f1: {  	v2 =	vadd.f32 v3, v2;
	_ =	sdelay $0x1  }
0x2f2: {  	v2 =	vadd.f32 v63, v2;
	_ =	sdelay $0x1  }
0x2f3: {  	[tilespmem:s28+$0x14B40] =	vst v2  }
0x2f4: {  	v2 =	vld [tilespmem:s3+$0x14140]  }
.LBB2_22:
0x2f5: {  	p0 =	sne.s32 s4, $0x13C0;
	v3 =	vld [tilespmem:s3+$0x14B40];
	_ =	sdelay $0x2  }
.Ltmp10:
0x2f6: {  	(pc) =	sbr.rel @p0 .LBB2_22-.Ltmp10, $4  }
0x2f7: {  	_ = 	snop  }
0x2f8: {  	v3 =	vmul.f32 v2, v3  }
0x2f9: {  	s2 =	sshra.s32 s4, $0x2  }
0x2fa: {  	s4 =	sadd.s32 $0x40, s4;
	v2 =	vld [tilespmem:s2+$0x14140];
	[tilespmem:s3+$0x14B40] =	vst v3;
	s3 =	smov.u32 s2  }
0x2fb: {  	v3 =	vld [tilespmem:s3+$0x14B40];
	_ =	sdelay $0x4  }
0x2fc: {  	v2 =	vmul.f32 v2, v3;
	_ =	sdelay $0x1  }
0x2fd: {  	s25 =	simm.s32 $0x0;
	s2 =	rddreg [dreg:$0x6];
	[tilespmem:s3+$0x14B40] =	vst v2  }
0x2fe: {  	[hbm4b:s2+s25] =	stream.linear.scatter [tilespmem:s30], [sflag:$0x3], $0x500, $0x38;
	[tilespmem:$0x1F040] =	vst v63  }
0x2ff: {  	_ =	swait.ge [sflag:s29], $0x500  }
0x300: {  	s1 =	sadd.s32 $0x1, s1;
	s30 =	rddreg [dreg:$0x7]  }
0x301: {  	p0 =	sne.s32 s1, s30  }
.Ltmp11:
0x302: {  	_ = 	snop;
	(pc) =	sbr.rel @p0 .LBB2_1-.Ltmp11, $3  }
0x303: {  	_ =	sdelay $0x1  }
0x304: {  	[sflag:s29] =	ssyncset.done $0x0  }
0x305: {  	[sflag:s29] =	ssyncadd.s32 $0xFFFFFB00  }
0x306: {  	_ =	sfence.sel $0x180000  }
0x307: {  	[bflag:$0x0] =	sbarrier.arrive $0xFFFF  }
0x308: {  	_ =	strace $0x90000047  }
0x309: {  	s0 =	stileid.u32;
	[bflag:$0x2] =	sbarrier.arrive $0xFFFF  }
0x30a: {  	p0 =	sne.s32 s0, $0x0;
	s0 =	rddreg [dreg:$0x2]  }
0x30b: {  	s0 =	sadd.s32 @!p0 $0x100000, s0  }
0x30c: {  	[sflag:s0] =	ssyncadd.tile.s32 @!p0 $0x1;
	_ =	shalt  }
.Lfunc_end2:
_tile_overlayer_lowered:
.L_overlay_start_2:
0x30d: {  	(tag) =	ssettag $0x2  }
0x30e: {  	s0 =	rddreg [dreg:$0x0];
	s2 =	stileid.u32  }
0x30f: {  	s1 =	rddreg [dreg:$0x1];
	p0 =	sne.s32 s2, $0x0  }
0x310: {  	s3 =	rddreg [dreg:$0x2];
	[bflag:$0x3] =	sbarrier.arrive $0xFFFF;
	s2 =	simm.s32 @!p0 $0x1C03  }
0x311: {  	[timem:s3], [sflag:s2] =	dma.local @!p0 [hbm:s0], s1  }
0x312: {  	s0 =	simm.s32 @!p0 $0x3  }
0x313: {  	_ =	swait.ge @!p0 [sflag:s0], s1  }
0x314: {  	s1 =	ssub.s32 @!p0 $0x0, s1;
	[sflag:s0] =	ssyncset.done @!p0 $0x0  }
0x315: {  	[sflag:s0] =	ssyncadd.s32 @!p0 s1  }
0x316: {  	[bflag:$0x3] =	sbarrier.arrive $0xFFFF  }
0x317: {  	_ =	shalt  }

</sc_bundles>
